<compile_context>
chip_gen: v7x
topology: tpu7x:2x2x1
jax: 0.10.2.dev20260603
libtpu: 0.0.44.dev20260713+nightly
codegen_flags: <defaults>
</compile_context>

<pallas_src>
import jax
import jax.numpy as jnp
from jax import lax
from jax.experimental import pallas as pl
from jax.experimental.pallas import tpu as pltpu
from jax.experimental.pallas import tpu_sc as plsc

NUM_FIELDS = 26
VOCAB = 100000
EMBED_DIM = 32
BATCH = 16384

NC, NS = 2, 16
NW = NC * NS
BBLK = 1024
CBLK = BATCH // BBLK
GROUPS = (2,) * 13

_MESH = plsc.VectorSubcoreMesh(core_axis_name="c", subcore_axis_name="s")


def _make_gather(g):
    ch_per_w = g * CBLK // NW

    def body(fT_hbm, t_hbm, o_hbm, idx_v, o_v, sem):
        wid = lax.axis_index("s") * NC + lax.axis_index("c")

        def chunk(c, carry):
            cid = wid * ch_per_w + c
            f = cid // CBLK
            cb = cid % CBLK
            pltpu.sync_copy(fT_hbm.at[f, pl.ds(cb * BBLK, BBLK)], idx_v)
            cp = pltpu.async_copy(t_hbm.at[f].at[idx_v], o_v, sem)
            cp.wait()
            pltpu.sync_copy(o_v, o_hbm.at[f, pl.ds(cb * BBLK, BBLK)])
            return carry

        lax.fori_loop(0, ch_per_w, chunk, 0)

    return pl.kernel(
        body,
        out_type=jax.ShapeDtypeStruct((g, BATCH, EMBED_DIM), jnp.float32),
        mesh=_MESH,
        compiler_params=pltpu.CompilerParams(use_tc_tiling_on_sc=False),
        scratch_types=[
            pltpu.VMEM((BBLK,), jnp.int32),
            pltpu.VMEM((BBLK, EMBED_DIM), jnp.float32),
            pltpu.SemaphoreType.DMA,
        ],
    )


_CALLS = {g: _make_gather(g) for g in set(GROUPS)}


def kernel(features, tables):
    fT = features.astype(jnp.int32).T
    outs = []
    off = 0
    for g in GROUPS:
        outs.append(_CALLS[g](fT[off:off + g], tables[off:off + g]))
        off += g
    o = jnp.concatenate(outs, axis=0)
    return o.transpose(1, 0, 2).reshape(BATCH, NUM_FIELDS * EMBED_DIM)

# --- scband reference (transcript-rebuilt; emitter-appended) ---
"""Pipeline reference for scband-feature-embedder-85555748536647 (READ-ONLY COPY).

The authoritative reference and input builder live on the scoring server;
editing this copy changes nothing except your own understanding.
"""

import jax, jax.numpy as jnp
import numpy as np

NUM_FIELDS = 26
VOCAB = 100000
EMBED_DIM = 32
BATCH = 16384


def setup_inputs(seed: int = 0) -> dict:
    key = jax.random.key(seed)
    k1, k2 = jax.random.split(key)
    features = jax.random.randint(k1, (BATCH, NUM_FIELDS), 0, VOCAB, dtype=jnp.int64 if jax.config.jax_enable_x64 else jnp.int32)
    # Stacked embedding tables: one [VOCAB, EMBED_DIM] table per sparse field.
    tables = jax.random.normal(k2, (NUM_FIELDS, VOCAB, EMBED_DIM), dtype=jnp.float32)
    return {"features": features, "tables": tables}


def reference(features, tables):
    # Faithful translation of FeatureEmbedder.forward:
    # chunk features along last dim into per-field index vectors,
    # gather from each per-field embedding table, concat along last dim.
    num_features = tables.shape[0]
    outs = []
    for i in range(num_features):
        idx = features[:, i]  # squeeze(-1) of the chunk
        outs.append(jnp.take(tables[i], idx, axis=0))
    return jnp.concatenate(outs, axis=-1)

if __name__ == "__main__":
    import jax
    _d = setup_inputs()
    print(jax.jit(kernel)(*tuple(_d.values())))

</pallas_src>

<mosaic_0001>
#map = affine_map<(d0, d1) -> (0, 0)>
#map1 = affine_map<(d0, d1) -> (0, 0, 0)>
module attributes {stable_mosaic.version = 14 : i64} {
  func.func @body(%arg0: i32, %arg1: i32, %arg2: memref<2x16384xi32, #tpu.memory_space<hbm>>, %arg3: memref<2x100000x32xf32, #tpu.memory_space<hbm>>, %arg4: memref<2x16384x32xf32, #tpu.memory_space<hbm>>, %arg5: memref<1024xi32, #tpu.memory_space<vmem>>, %arg6: memref<1024x32xf32, #tpu.memory_space<vmem>>, %arg7: memref<!tpu.dma_semaphore, #tpu.memory_space<semaphore_mem>>) attributes {dimension_semantics = [#tpu.dimension_semantics<core_parallel>, #tpu.dimension_semantics<subcore_parallel>], iteration_bounds = array<i64: 2, 16>, scalar_prefetch = 0 : i64, scratch_operands = 3 : i64, tpu.core_type = #tpu.core_type<sc_vector_subcore>, window_params = [{transform_indices = #map}, {transform_indices = #map1}, {transform_indices = #map1}]} {
    %mul3A = arith.constant 2 : i32
    %mul3A_0 = arith.muli %arg1, %mul3A : i32
    %add3A = arith.addi %mul3A_0, %arg0 : i32
    %scan3A = arith.constant 0 : i32
    %scan3A_1 = arith.constant 0 : i32
    %mul3A_2 = arith.constant 1 : i32
    %mul3A_3 = arith.muli %add3A, %mul3A_2 : i32
    %add3A_4 = arith.addi %mul3A_3, %scan3A_1 : i32
    %jit3A = arith.constant 16 : i32
    %div3A = arith.divsi %add3A_4, %jit3A : i32
    %sign3A = arith.constant 0 : i32
    %sign3A_5 = arith.cmpi sgt, %add3A_4, %sign3A : i32
    %sign3A_6 = arith.extui %sign3A_5 : i1 to i32
    %sign3A_7 = arith.constant 0 : i32
    %sign3A_8 = arith.cmpi slt, %add3A_4, %sign3A_7 : i32
    %sign3A_9 = arith.extui %sign3A_8 : i1 to i32
    %sign3A_10 = arith.subi %sign3A_6, %sign3A_9 : i32
    %sign3A_11 = arith.constant 0 : i32
    %sign3A_12 = arith.cmpi sgt, %jit3A, %sign3A_11 : i32
    %sign3A_13 = arith.extui %sign3A_12 : i1 to i32
    %sign3A_14 = arith.constant 0 : i32
    %sign3A_15 = arith.cmpi slt, %jit3A, %sign3A_14 : i32
    %sign3A_16 = arith.extui %sign3A_15 : i1 to i32
    %sign3A_17 = arith.subi %sign3A_13, %sign3A_16 : i32
    %ne3A = arith.cmpi ne, %sign3A_10, %sign3A_17 : i32
    %rem3A = arith.remsi %add3A_4, %jit3A : i32
    %ne3A_18 = arith.constant 0 : i32
    %ne3A_19 = arith.cmpi ne, %rem3A, %ne3A_18 : i32
    %and3A = arith.andi %ne3A, %ne3A_19 : i1
    %sub3A = arith.constant 1 : i32
    %sub3A_20 = arith.subi %div3A, %sub3A : i32
    %select_n3A = arith.select %and3A, %sub3A_20, %div3A : i32
    %jit3A_21 = arith.constant 16 : i32
    %eq3A = arith.constant 0 : i32
    %eq3A_22 = arith.cmpi eq, %jit3A_21, %eq3A : i32
    %jit3A_23 = arith.constant 1 : i32
    %select_n3A_24 = arith.select %eq3A_22, %jit3A_23, %jit3A_21 : i32
    %rem3A_25 = arith.remsi %add3A_4, %select_n3A_24 : i32
    %ne3A_26 = arith.constant 0 : i32
    %ne3A_27 = arith.cmpi ne, %rem3A_25, %ne3A_26 : i32
    %lt3A = arith.constant 0 : i32
    %lt3A_28 = arith.cmpi slt, %rem3A_25, %lt3A : i32
    %lt3A_29 = arith.constant 0 : i32
    %lt3A_30 = arith.cmpi slt, %select_n3A_24, %lt3A_29 : i32
    %ne3A_31 = arith.xori %lt3A_28, %lt3A_30 : i1
    %and3A_32 = arith.andi %ne3A_31, %ne3A_27 : i1
    %add3A_33 = arith.addi %rem3A_25, %select_n3A_24 : i32
    %select_n3A_34 = arith.select %and3A_32, %add3A_33, %rem3A_25 : i32
    %mul3A_35 = arith.constant 1024 : i32
    %mul3A_36 = arith.muli %select_n3A_34, %mul3A_35 : i32
    "tpu.region"() ({
      %run_scoped3A = tpu.sem_alloc : memref<!tpu.dma_semaphore, #tpu.memory_space<semaphore_mem>>
      %dma_start3A_52 = tpu.memref_slice %arg2[%select_n3A, %mul3A_36] : memref<2x16384xi32, #tpu.memory_space<hbm>> -> memref<1x1024xi32, #tpu.memory_space<hbm>>
      %dma_start3A_53 = tpu.memref_squeeze %dma_start3A_52 : memref<1x1024xi32, #tpu.memory_space<hbm>> -> memref<1024xi32, #tpu.memory_space<hbm>>
      %dma_start3A_54 = tpu.memref_slice %arg2[%select_n3A, %mul3A_36] : memref<2x16384xi32, #tpu.memory_space<hbm>> -> memref<1x1024xi32, #tpu.memory_space<hbm>>
      %dma_start3A_55 = tpu.memref_squeeze %dma_start3A_54 : memref<1x1024xi32, #tpu.memory_space<hbm>> -> memref<1024xi32, #tpu.memory_space<hbm>>
      tpu.enqueue_dma source(%dma_start3A_55 : memref<1024xi32, #tpu.memory_space<hbm>>) target(%arg5 : memref<1024xi32, #tpu.memory_space<vmem>>) target_semaphore(%run_scoped3A : memref<!tpu.dma_semaphore, #tpu.memory_space<semaphore_mem>>)
      %dma_wait3A_56 = tpu.memref_slice %arg2[%select_n3A, %mul3A_36] : memref<2x16384xi32, #tpu.memory_space<hbm>> -> memref<1x1024xi32, #tpu.memory_space<hbm>>
      %dma_wait3A_57 = tpu.memref_squeeze %dma_wait3A_56 : memref<1x1024xi32, #tpu.memory_space<hbm>> -> memref<1024xi32, #tpu.memory_space<hbm>>
      %dma_wait3A_58 = tpu.memref_slice %arg2[%select_n3A, %mul3A_36] : memref<2x16384xi32, #tpu.memory_space<hbm>> -> memref<1x1024xi32, #tpu.memory_space<hbm>>
      %dma_wait3A_59 = tpu.memref_squeeze %dma_wait3A_58 : memref<1x1024xi32, #tpu.memory_space<hbm>> -> memref<1024xi32, #tpu.memory_space<hbm>>
      tpu.wait_dma2 semaphore(%run_scoped3A : memref<!tpu.dma_semaphore, #tpu.memory_space<semaphore_mem>>) src(%dma_wait3A_59 : memref<1024xi32, #tpu.memory_space<hbm>>) dst(%arg5 : memref<1024xi32, #tpu.memory_space<vmem>>)
      tpu.yield
    }) : () -> ()
    %dma_start3A = arith.constant 0 : i32
    %dma_start3A_37 = arith.constant 0 : i32
    %dma_start3A_38 = tpu.memref_slice %arg3[%select_n3A, %dma_start3A, %dma_start3A_37] : memref<2x100000x32xf32, #tpu.memory_space<hbm>> -> memref<1x100000x32xf32, #tpu.memory_space<hbm>>
    %dma_start3A_39 = tpu.memref_squeeze %dma_start3A_38 : memref<1x100000x32xf32, #tpu.memory_space<hbm>> -> memref<100000x32xf32, #tpu.memory_space<hbm>>
    %dma_start3A_40 = arith.constant 0 : i32
    %dma_start3A_41 = arith.constant 0 : i32
    %dma_start3A_42 = tpu.memref_slice %dma_start3A_39[%dma_start3A_40, %dma_start3A_41] : memref<100000x32xf32, #tpu.memory_space<hbm>> -> memref<100000x32xf32, #tpu.memory_space<hbm>>
    tpu.enqueue_indirect_dma source(%dma_start3A_42 : memref<100000x32xf32, #tpu.memory_space<hbm>>) target(%arg6 : memref<1024x32xf32, #tpu.memory_space<vmem>>) offsets(%arg5 : memref<1024xi32, #tpu.memory_space<vmem>>) semaphore(%arg7 : memref<!tpu.dma_semaphore, #tpu.memory_space<semaphore_mem>>)
    %dma_wait3A = arith.constant 0 : i32
    %dma_wait3A_43 = arith.constant 0 : i32
    %dma_wait3A_44 = tpu.memref_slice %arg3[%select_n3A, %dma_wait3A, %dma_wait3A_43] : memref<2x100000x32xf32, #tpu.memory_space<hbm>> -> memref<1x100000x32xf32, #tpu.memory_space<hbm>>
    %dma_wait3A_45 = tpu.memref_squeeze %dma_wait3A_44 : memref<1x100000x32xf32, #tpu.memory_space<hbm>> -> memref<100000x32xf32, #tpu.memory_space<hbm>>
    %dma_wait3A_46 = arith.constant 0 : i32
    %dma_wait3A_47 = arith.constant 0 : i32
    %dma_wait3A_48 = tpu.memref_slice %dma_wait3A_45[%dma_wait3A_46, %dma_wait3A_47] : memref<100000x32xf32, #tpu.memory_space<hbm>> -> memref<100000x32xf32, #tpu.memory_space<hbm>>
    tpu.wait_indirect_dma semaphore(%arg7 : memref<!tpu.dma_semaphore, #tpu.memory_space<semaphore_mem>>) src(%dma_wait3A_48 : memref<100000x32xf32, #tpu.memory_space<hbm>>) dst(%arg6 : memref<1024x32xf32, #tpu.memory_space<vmem>>)
    %mul3A_49 = arith.constant 1024 : i32
    %mul3A_50 = arith.muli %select_n3A_34, %mul3A_49 : i32
    "tpu.region"() ({
      %run_scoped3A = tpu.sem_alloc : memref<!tpu.dma_semaphore, #tpu.memory_space<semaphore_mem>>
      %dma_start3A_52 = arith.constant 0 : i32
      %dma_start3A_53 = tpu.memref_slice %arg4[%select_n3A, %mul3A_50, %dma_start3A_52] : memref<2x16384x32xf32, #tpu.memory_space<hbm>> -> memref<1x1024x32xf32, #tpu.memory_space<hbm>>
      %dma_start3A_54 = tpu.memref_squeeze %dma_start3A_53 : memref<1x1024x32xf32, #tpu.memory_space<hbm>> -> memref<1024x32xf32, #tpu.memory_space<hbm>>
      %dma_start3A_55 = arith.constant 0 : i32
      %dma_start3A_56 = tpu.memref_slice %arg4[%select_n3A, %mul3A_50, %dma_start3A_55] : memref<2x16384x32xf32, #tpu.memory_space<hbm>> -> memref<1x1024x32xf32, #tpu.memory_space<hbm>>
      %dma_start3A_57 = tpu.memref_squeeze %dma_start3A_56 : memref<1x1024x32xf32, #tpu.memory_space<hbm>> -> memref<1024x32xf32, #tpu.memory_space<hbm>>
      tpu.enqueue_dma source(%arg6 : memref<1024x32xf32, #tpu.memory_space<vmem>>) target(%dma_start3A_57 : memref<1024x32xf32, #tpu.memory_space<hbm>>) target_semaphore(%run_scoped3A : memref<!tpu.dma_semaphore, #tpu.memory_space<semaphore_mem>>)
      %dma_wait3A_58 = arith.constant 0 : i32
      %dma_wait3A_59 = tpu.memref_slice %arg4[%select_n3A, %mul3A_50, %dma_wait3A_58] : memref<2x16384x32xf32, #tpu.memory_space<hbm>> -> memref<1x1024x32xf32, #tpu.memory_space<hbm>>
      %dma_wait3A_60 = tpu.memref_squeeze %dma_wait3A_59 : memref<1x1024x32xf32, #tpu.memory_space<hbm>> -> memref<1024x32xf32, #tpu.memory_space<hbm>>
      %dma_wait3A_61 = arith.constant 0 : i32
      %dma_wait3A_62 = tpu.memref_slice %arg4[%select_n3A, %mul3A_50, %dma_wait3A_61] : memref<2x16384x32xf32, #tpu.memory_space<hbm>> -> memref<1x1024x32xf32, #tpu.memory_space<hbm>>
      %dma_wait3A_63 = tpu.memref_squeeze %dma_wait3A_62 : memref<1x1024x32xf32, #tpu.memory_space<hbm>> -> memref<1024x32xf32, #tpu.memory_space<hbm>>
      tpu.wait_dma2 semaphore(%run_scoped3A : memref<!tpu.dma_semaphore, #tpu.memory_space<semaphore_mem>>) src(%arg6 : memref<1024x32xf32, #tpu.memory_space<vmem>>) dst(%dma_wait3A_63 : memref<1024x32xf32, #tpu.memory_space<hbm>>)
      tpu.yield
    }) : () -> ()
    %scan3A_51 = arith.constant 1 : i32
    return
  }
}

#map = affine_map<(d0, d1) -> (0, 0)>
#map1 = affine_map<(d0, d1) -> (0, 0, 0)>
module attributes {stable_mosaic.version = 14 : i64} {
  func.func @body(%arg0: i32, %arg1: i32, %arg2: memref<2x16384xi32, #tpu.memory_space<hbm>>, %arg3: memref<2x100000x32xf32, #tpu.memory_space<hbm>>, %arg4: memref<2x16384x32xf32, #tpu.memory_space<hbm>>, %arg5: memref<1024xi32, #tpu.memory_space<vmem>>, %arg6: memref<1024x32xf32, #tpu.memory_space<vmem>>, %arg7: memref<!tpu.dma_semaphore, #tpu.memory_space<semaphore_mem>>) attributes {dimension_semantics = [#tpu.dimension_semantics<core_parallel>, #tpu.dimension_semantics<subcore_parallel>], iteration_bounds = array<i64: 2, 16>, scalar_prefetch = 0 : i64, scratch_operands = 3 : i64, tpu.core_type = #tpu.core_type<sc_vector_subcore>, window_params = [{transform_indices = #map}, {transform_indices = #map1}, {transform_indices = #map1}]} {
    %mul3A = arith.constant 2 : i32
    %mul3A_0 = arith.muli %arg1, %mul3A : i32
    %add3A = arith.addi %mul3A_0, %arg0 : i32
    %scan3A = arith.constant 0 : i32
    %scan3A_1 = arith.constant 0 : i32
    %mul3A_2 = arith.constant 1 : i32
    %mul3A_3 = arith.muli %add3A, %mul3A_2 : i32
    %add3A_4 = arith.addi %mul3A_3, %scan3A_1 : i32
    %jit3A = arith.constant 16 : i32
    %div3A = arith.divsi %add3A_4, %jit3A : i32
    %sign3A = arith.constant 0 : i32
    %sign3A_5 = arith.cmpi sgt, %add3A_4, %sign3A : i32
    %sign3A_6 = arith.extui %sign3A_5 : i1 to i32
    %sign3A_7 = arith.constant 0 : i32
    %sign3A_8 = arith.cmpi slt, %add3A_4, %sign3A_7 : i32
    %sign3A_9 = arith.extui %sign3A_8 : i1 to i32
    %sign3A_10 = arith.subi %sign3A_6, %sign3A_9 : i32
    %sign3A_11 = arith.constant 0 : i32
    %sign3A_12 = arith.cmpi sgt, %jit3A, %sign3A_11 : i32
    %sign3A_13 = arith.extui %sign3A_12 : i1 to i32
    %sign3A_14 = arith.constant 0 : i32
    %sign3A_15 = arith.cmpi slt, %jit3A, %sign3A_14 : i32
    %sign3A_16 = arith.extui %sign3A_15 : i1 to i32
    %sign3A_17 = arith.subi %sign3A_13, %sign3A_16 : i32
    %ne3A = arith.cmpi ne, %sign3A_10, %sign3A_17 : i32
    %rem3A = arith.remsi %add3A_4, %jit3A : i32
    %ne3A_18 = arith.constant 0 : i32
    %ne3A_19 = arith.cmpi ne, %rem3A, %ne3A_18 : i32
    %and3A = arith.andi %ne3A, %ne3A_19 : i1
    %sub3A = arith.constant 1 : i32
    %sub3A_20 = arith.subi %div3A, %sub3A : i32
    %select_n3A = arith.select %and3A, %sub3A_20, %div3A : i32
    %jit3A_21 = arith.constant 16 : i32
    %eq3A = arith.constant 0 : i32
    %eq3A_22 = arith.cmpi eq, %jit3A_21, %eq3A : i32
    %jit3A_23 = arith.constant 1 : i32
    %select_n3A_24 = arith.select %eq3A_22, %jit3A_23, %jit3A_21 : i32
    %rem3A_25 = arith.remsi %add3A_4, %select_n3A_24 : i32
    %ne3A_26 = arith.constant 0 : i32
    %ne3A_27 = arith.cmpi ne, %rem3A_25, %ne3A_26 : i32
    %lt3A = arith.constant 0 : i32
    %lt3A_28 = arith.cmpi slt, %rem3A_25, %lt3A : i32
    %lt3A_29 = arith.constant 0 : i32
    %lt3A_30 = arith.cmpi slt, %select_n3A_24, %lt3A_29 : i32
    %ne3A_31 = arith.xori %lt3A_28, %lt3A_30 : i1
    %and3A_32 = arith.andi %ne3A_31, %ne3A_27 : i1
    %add3A_33 = arith.addi %rem3A_25, %select_n3A_24 : i32
    %select_n3A_34 = arith.select %and3A_32, %add3A_33, %rem3A_25 : i32
    %mul3A_35 = arith.constant 1024 : i32
    %mul3A_36 = arith.muli %select_n3A_34, %mul3A_35 : i32
    "tpu.region"() ({
      %run_scoped3A = tpu.sem_alloc : memref<!tpu.dma_semaphore, #tpu.memory_space<semaphore_mem>>
      %dma_start3A_52 = tpu.memref_slice %arg2[%select_n3A, %mul3A_36] : memref<2x16384xi32, #tpu.memory_space<hbm>> -> memref<1x1024xi32, #tpu.memory_space<hbm>>
      %dma_start3A_53 = tpu.memref_squeeze %dma_start3A_52 : memref<1x1024xi32, #tpu.memory_space<hbm>> -> memref<1024xi32, #tpu.memory_space<hbm>>
      %dma_start3A_54 = tpu.memref_slice %arg2[%select_n3A, %mul3A_36] : memref<2x16384xi32, #tpu.memory_space<hbm>> -> memref<1x1024xi32, #tpu.memory_space<hbm>>
      %dma_start3A_55 = tpu.memref_squeeze %dma_start3A_54 : memref<1x1024xi32, #tpu.memory_space<hbm>> -> memref<1024xi32, #tpu.memory_space<hbm>>
      tpu.enqueue_dma source(%dma_start3A_55 : memref<1024xi32, #tpu.memory_space<hbm>>) target(%arg5 : memref<1024xi32, #tpu.memory_space<vmem>>) target_semaphore(%run_scoped3A : memref<!tpu.dma_semaphore, #tpu.memory_space<semaphore_mem>>)
      %dma_wait3A_56 = tpu.memref_slice %arg2[%select_n3A, %mul3A_36] : memref<2x16384xi32, #tpu.memory_space<hbm>> -> memref<1x1024xi32, #tpu.memory_space<hbm>>
      %dma_wait3A_57 = tpu.memref_squeeze %dma_wait3A_56 : memref<1x1024xi32, #tpu.memory_space<hbm>> -> memref<1024xi32, #tpu.memory_space<hbm>>
      %dma_wait3A_58 = tpu.memref_slice %arg2[%select_n3A, %mul3A_36] : memref<2x16384xi32, #tpu.memory_space<hbm>> -> memref<1x1024xi32, #tpu.memory_space<hbm>>
      %dma_wait3A_59 = tpu.memref_squeeze %dma_wait3A_58 : memref<1x1024xi32, #tpu.memory_space<hbm>> -> memref<1024xi32, #tpu.memory_space<hbm>>
      tpu.wait_dma2 semaphore(%run_scoped3A : memref<!tpu.dma_semaphore, #tpu.memory_space<semaphore_mem>>) src(%dma_wait3A_59 : memref<1024xi32, #tpu.memory_space<hbm>>) dst(%arg5 : memref<1024xi32, #tpu.memory_space<vmem>>)
      tpu.yield
    }) : () -> ()
    %dma_start3A = arith.constant 0 : i32
    %dma_start3A_37 = arith.constant 0 : i32
    %dma_start3A_38 = tpu.memref_slice %arg3[%select_n3A, %dma_start3A, %dma_start3A_37] : memref<2x100000x32xf32, #tpu.memory_space<hbm>> -> memref<1x100000x32xf32, #tpu.memory_space<hbm>>
    %dma_start3A_39 = tpu.memref_squeeze %dma_start3A_38 : memref<1x100000x32xf32, #tpu.memory_space<hbm>> -> memref<100000x32xf32, #tpu.memory_space<hbm>>
    %dma_start3A_40 = arith.constant 0 : i32
    %dma_start3A_41 = arith.constant 0 : i32
    %dma_start3A_42 = tpu.memref_slice %dma_start3A_39[%dma_start3A_40, %dma_start3A_41] : memref<100000x32xf32, #tpu.memory_space<hbm>> -> memref<100000x32xf32, #tpu.memory_space<hbm>>
    tpu.enqueue_indirect_dma source(%dma_start3A_42 : memref<100000x32xf32, #tpu.memory_space<hbm>>) target(%arg6 : memref<1024x32xf32, #tpu.memory_space<vmem>>) offsets(%arg5 : memref<1024xi32, #tpu.memory_space<vmem>>) semaphore(%arg7 : memref<!tpu.dma_semaphore, #tpu.memory_space<semaphore_mem>>)
    %dma_wait3A = arith.constant 0 : i32
    %dma_wait3A_43 = arith.constant 0 : i32
    %dma_wait3A_44 = tpu.memref_slice %arg3[%select_n3A, %dma_wait3A, %dma_wait3A_43] : memref<2x100000x32xf32, #tpu.memory_space<hbm>> -> memref<1x100000x32xf32, #tpu.memory_space<hbm>>
    %dma_wait3A_45 = tpu.memref_squeeze %dma_wait3A_44 : memref<1x100000x32xf32, #tpu.memory_space<hbm>> -> memref<100000x32xf32, #tpu.memory_space<hbm>>
    %dma_wait3A_46 = arith.constant 0 : i32
    %dma_wait3A_47 = arith.constant 0 : i32
    %dma_wait3A_48 = tpu.memref_slice %dma_wait3A_45[%dma_wait3A_46, %dma_wait3A_47] : memref<100000x32xf32, #tpu.memory_space<hbm>> -> memref<100000x32xf32, #tpu.memory_space<hbm>>
    tpu.wait_indirect_dma semaphore(%arg7 : memref<!tpu.dma_semaphore, #tpu.memory_space<semaphore_mem>>) src(%dma_wait3A_48 : memref<100000x32xf32, #tpu.memory_space<hbm>>) dst(%arg6 : memref<1024x32xf32, #tpu.memory_space<vmem>>)
    %mul3A_49 = arith.constant 1024 : i32
    %mul3A_50 = arith.muli %select_n3A_34, %mul3A_49 : i32
    "tpu.region"() ({
      %run_scoped3A = tpu.sem_alloc : memref<!tpu.dma_semaphore, #tpu.memory_space<semaphore_mem>>
      %dma_start3A_52 = arith.constant 0 : i32
      %dma_start3A_53 = tpu.memref_slice %arg4[%select_n3A, %mul3A_50, %dma_start3A_52] : memref<2x16384x32xf32, #tpu.memory_space<hbm>> -> memref<1x1024x32xf32, #tpu.memory_space<hbm>>
      %dma_start3A_54 = tpu.memref_squeeze %dma_start3A_53 : memref<1x1024x32xf32, #tpu.memory_space<hbm>> -> memref<1024x32xf32, #tpu.memory_space<hbm>>
      %dma_start3A_55 = arith.constant 0 : i32
      %dma_start3A_56 = tpu.memref_slice %arg4[%select_n3A, %mul3A_50, %dma_start3A_55] : memref<2x16384x32xf32, #tpu.memory_space<hbm>> -> memref<1x1024x32xf32, #tpu.memory_space<hbm>>
      %dma_start3A_57 = tpu.memref_squeeze %dma_start3A_56 : memref<1x1024x32xf32, #tpu.memory_space<hbm>> -> memref<1024x32xf32, #tpu.memory_space<hbm>>
      tpu.enqueue_dma source(%arg6 : memref<1024x32xf32, #tpu.memory_space<vmem>>) target(%dma_start3A_57 : memref<1024x32xf32, #tpu.memory_space<hbm>>) target_semaphore(%run_scoped3A : memref<!tpu.dma_semaphore, #tpu.memory_space<semaphore_mem>>)
      %dma_wait3A_58 = arith.constant 0 : i32
      %dma_wait3A_59 = tpu.memref_slice %arg4[%select_n3A, %mul3A_50, %dma_wait3A_58] : memref<2x16384x32xf32, #tpu.memory_space<hbm>> -> memref<1x1024x32xf32, #tpu.memory_space<hbm>>
      %dma_wait3A_60 = tpu.memref_squeeze %dma_wait3A_59 : memref<1x1024x32xf32, #tpu.memory_space<hbm>> -> memref<1024x32xf32, #tpu.memory_space<hbm>>
      %dma_wait3A_61 = arith.constant 0 : i32
      %dma_wait3A_62 = tpu.memref_slice %arg4[%select_n3A, %mul3A_50, %dma_wait3A_61] : memref<2x16384x32xf32, #tpu.memory_space<hbm>> -> memref<1x1024x32xf32, #tpu.memory_space<hbm>>
      %dma_wait3A_63 = tpu.memref_squeeze %dma_wait3A_62 : memref<1x1024x32xf32, #tpu.memory_space<hbm>> -> memref<1024x32xf32, #tpu.memory_space<hbm>>
      tpu.wait_dma2 semaphore(%run_scoped3A : memref<!tpu.dma_semaphore, #tpu.memory_space<semaphore_mem>>) src(%arg6 : memref<1024x32xf32, #tpu.memory_space<vmem>>) dst(%dma_wait3A_63 : memref<1024x32xf32, #tpu.memory_space<hbm>>)
      tpu.yield
    }) : () -> ()
    %scan3A_51 = arith.constant 1 : i32
    return
  }
}

#map = affine_map<(d0, d1) -> (0, 0)>
#map1 = affine_map<(d0, d1) -> (0, 0, 0)>
module attributes {stable_mosaic.version = 14 : i64} {
  func.func @body(%arg0: i32, %arg1: i32, %arg2: memref<2x16384xi32, #tpu.memory_space<hbm>>, %arg3: memref<2x100000x32xf32, #tpu.memory_space<hbm>>, %arg4: memref<2x16384x32xf32, #tpu.memory_space<hbm>>, %arg5: memref<1024xi32, #tpu.memory_space<vmem>>, %arg6: memref<1024x32xf32, #tpu.memory_space<vmem>>, %arg7: memref<!tpu.dma_semaphore, #tpu.memory_space<semaphore_mem>>) attributes {dimension_semantics = [#tpu.dimension_semantics<core_parallel>, #tpu.dimension_semantics<subcore_parallel>], iteration_bounds = array<i64: 2, 16>, scalar_prefetch = 0 : i64, scratch_operands = 3 : i64, tpu.core_type = #tpu.core_type<sc_vector_subcore>, window_params = [{transform_indices = #map}, {transform_indices = #map1}, {transform_indices = #map1}]} {
    %mul3A = arith.constant 2 : i32
    %mul3A_0 = arith.muli %arg1, %mul3A : i32
    %add3A = arith.addi %mul3A_0, %arg0 : i32
    %scan3A = arith.constant 0 : i32
    %scan3A_1 = arith.constant 0 : i32
    %mul3A_2 = arith.constant 1 : i32
    %mul3A_3 = arith.muli %add3A, %mul3A_2 : i32
    %add3A_4 = arith.addi %mul3A_3, %scan3A_1 : i32
    %jit3A = arith.constant 16 : i32
    %div3A = arith.divsi %add3A_4, %jit3A : i32
    %sign3A = arith.constant 0 : i32
    %sign3A_5 = arith.cmpi sgt, %add3A_4, %sign3A : i32
    %sign3A_6 = arith.extui %sign3A_5 : i1 to i32
    %sign3A_7 = arith.constant 0 : i32
    %sign3A_8 = arith.cmpi slt, %add3A_4, %sign3A_7 : i32
    %sign3A_9 = arith.extui %sign3A_8 : i1 to i32
    %sign3A_10 = arith.subi %sign3A_6, %sign3A_9 : i32
    %sign3A_11 = arith.constant 0 : i32
    %sign3A_12 = arith.cmpi sgt, %jit3A, %sign3A_11 : i32
    %sign3A_13 = arith.extui %sign3A_12 : i1 to i32
    %sign3A_14 = arith.constant 0 : i32
    %sign3A_15 = arith.cmpi slt, %jit3A, %sign3A_14 : i32
    %sign3A_16 = arith.extui %sign3A_15 : i1 to i32
    %sign3A_17 = arith.subi %sign3A_13, %sign3A_16 : i32
    %ne3A = arith.cmpi ne, %sign3A_10, %sign3A_17 : i32
    %rem3A = arith.remsi %add3A_4, %jit3A : i32
    %ne3A_18 = arith.constant 0 : i32
    %ne3A_19 = arith.cmpi ne, %rem3A, %ne3A_18 : i32
    %and3A = arith.andi %ne3A, %ne3A_19 : i1
    %sub3A = arith.constant 1 : i32
    %sub3A_20 = arith.subi %div3A, %sub3A : i32
    %select_n3A = arith.select %and3A, %sub3A_20, %div3A : i32
    %jit3A_21 = arith.constant 16 : i32
    %eq3A = arith.constant 0 : i32
    %eq3A_22 = arith.cmpi eq, %jit3A_21, %eq3A : i32
    %jit3A_23 = arith.constant 1 : i32
    %select_n3A_24 = arith.select %eq3A_22, %jit3A_23, %jit3A_21 : i32
    %rem3A_25 = arith.remsi %add3A_4, %select_n3A_24 : i32
    %ne3A_26 = arith.constant 0 : i32
    %ne3A_27 = arith.cmpi ne, %rem3A_25, %ne3A_26 : i32
    %lt3A = arith.constant 0 : i32
    %lt3A_28 = arith.cmpi slt, %rem3A_25, %lt3A : i32
    %lt3A_29 = arith.constant 0 : i32
    %lt3A_30 = arith.cmpi slt, %select_n3A_24, %lt3A_29 : i32
    %ne3A_31 = arith.xori %lt3A_28, %lt3A_30 : i1
    %and3A_32 = arith.andi %ne3A_31, %ne3A_27 : i1
    %add3A_33 = arith.addi %rem3A_25, %select_n3A_24 : i32
    %select_n3A_34 = arith.select %and3A_32, %add3A_33, %rem3A_25 : i32
    %mul3A_35 = arith.constant 1024 : i32
    %mul3A_36 = arith.muli %select_n3A_34, %mul3A_35 : i32
    "tpu.region"() ({
      %run_scoped3A = tpu.sem_alloc : memref<!tpu.dma_semaphore, #tpu.memory_space<semaphore_mem>>
      %dma_start3A_52 = tpu.memref_slice %arg2[%select_n3A, %mul3A_36] : memref<2x16384xi32, #tpu.memory_space<hbm>> -> memref<1x1024xi32, #tpu.memory_space<hbm>>
      %dma_start3A_53 = tpu.memref_squeeze %dma_start3A_52 : memref<1x1024xi32, #tpu.memory_space<hbm>> -> memref<1024xi32, #tpu.memory_space<hbm>>
      %dma_start3A_54 = tpu.memref_slice %arg2[%select_n3A, %mul3A_36] : memref<2x16384xi32, #tpu.memory_space<hbm>> -> memref<1x1024xi32, #tpu.memory_space<hbm>>
      %dma_start3A_55 = tpu.memref_squeeze %dma_start3A_54 : memref<1x1024xi32, #tpu.memory_space<hbm>> -> memref<1024xi32, #tpu.memory_space<hbm>>
      tpu.enqueue_dma source(%dma_start3A_55 : memref<1024xi32, #tpu.memory_space<hbm>>) target(%arg5 : memref<1024xi32, #tpu.memory_space<vmem>>) target_semaphore(%run_scoped3A : memref<!tpu.dma_semaphore, #tpu.memory_space<semaphore_mem>>)
      %dma_wait3A_56 = tpu.memref_slice %arg2[%select_n3A, %mul3A_36] : memref<2x16384xi32, #tpu.memory_space<hbm>> -> memref<1x1024xi32, #tpu.memory_space<hbm>>
      %dma_wait3A_57 = tpu.memref_squeeze %dma_wait3A_56 : memref<1x1024xi32, #tpu.memory_space<hbm>> -> memref<1024xi32, #tpu.memory_space<hbm>>
      %dma_wait3A_58 = tpu.memref_slice %arg2[%select_n3A, %mul3A_36] : memref<2x16384xi32, #tpu.memory_space<hbm>> -> memref<1x1024xi32, #tpu.memory_space<hbm>>
      %dma_wait3A_59 = tpu.memref_squeeze %dma_wait3A_58 : memref<1x1024xi32, #tpu.memory_space<hbm>> -> memref<1024xi32, #tpu.memory_space<hbm>>
      tpu.wait_dma2 semaphore(%run_scoped3A : memref<!tpu.dma_semaphore, #tpu.memory_space<semaphore_mem>>) src(%dma_wait3A_59 : memref<1024xi32, #tpu.memory_space<hbm>>) dst(%arg5 : memref<1024xi32, #tpu.memory_space<vmem>>)
      tpu.yield
    }) : () -> ()
    %dma_start3A = arith.constant 0 : i32
    %dma_start3A_37 = arith.constant 0 : i32
    %dma_start3A_38 = tpu.memref_slice %arg3[%select_n3A, %dma_start3A, %dma_start3A_37] : memref<2x100000x32xf32, #tpu.memory_space<hbm>> -> memref<1x100000x32xf32, #tpu.memory_space<hbm>>
    %dma_start3A_39 = tpu.memref_squeeze %dma_start3A_38 : memref<1x100000x32xf32, #tpu.memory_space<hbm>> -> memref<100000x32xf32, #tpu.memory_space<hbm>>
    %dma_start3A_40 = arith.constant 0 : i32
    %dma_start3A_41 = arith.constant 0 : i32
    %dma_start3A_42 = tpu.memref_slice %dma_start3A_39[%dma_start3A_40, %dma_start3A_41] : memref<100000x32xf32, #tpu.memory_space<hbm>> -> memref<100000x32xf32, #tpu.memory_space<hbm>>
    tpu.enqueue_indirect_dma source(%dma_start3A_42 : memref<100000x32xf32, #tpu.memory_space<hbm>>) target(%arg6 : memref<1024x32xf32, #tpu.memory_space<vmem>>) offsets(%arg5 : memref<1024xi32, #tpu.memory_space<vmem>>) semaphore(%arg7 : memref<!tpu.dma_semaphore, #tpu.memory_space<semaphore_mem>>)
    %dma_wait3A = arith.constant 0 : i32
    %dma_wait3A_43 = arith.constant 0 : i32
    %dma_wait3A_44 = tpu.memref_slice %arg3[%select_n3A, %dma_wait3A, %dma_wait3A_43] : memref<2x100000x32xf32, #tpu.memory_space<hbm>> -> memref<1x100000x32xf32, #tpu.memory_space<hbm>>
    %dma_wait3A_45 = tpu.memref_squeeze %dma_wait3A_44 : memref<1x100000x32xf32, #tpu.memory_space<hbm>> -> memref<100000x32xf32, #tpu.memory_space<hbm>>
    %dma_wait3A_46 = arith.constant 0 : i32
    %dma_wait3A_47 = arith.constant 0 : i32
    %dma_wait3A_48 = tpu.memref_slice %dma_wait3A_45[%dma_wait3A_46, %dma_wait3A_47] : memref<100000x32xf32, #tpu.memory_space<hbm>> -> memref<100000x32xf32, #tpu.memory_space<hbm>>
    tpu.wait_indirect_dma semaphore(%arg7 : memref<!tpu.dma_semaphore, #tpu.memory_space<semaphore_mem>>) src(%dma_wait3A_48 : memref<100000x32xf32, #tpu.memory_space<hbm>>) dst(%arg6 : memref<1024x32xf32, #tpu.memory_space<vmem>>)
    %mul3A_49 = arith.constant 1024 : i32
    %mul3A_50 = arith.muli %select_n3A_34, %mul3A_49 : i32
    "tpu.region"() ({
      %run_scoped3A = tpu.sem_alloc : memref<!tpu.dma_semaphore, #tpu.memory_space<semaphore_mem>>
      %dma_start3A_52 = arith.constant 0 : i32
      %dma_start3A_53 = tpu.memref_slice %arg4[%select_n3A, %mul3A_50, %dma_start3A_52] : memref<2x16384x32xf32, #tpu.memory_space<hbm>> -> memref<1x1024x32xf32, #tpu.memory_space<hbm>>
      %dma_start3A_54 = tpu.memref_squeeze %dma_start3A_53 : memref<1x1024x32xf32, #tpu.memory_space<hbm>> -> memref<1024x32xf32, #tpu.memory_space<hbm>>
      %dma_start3A_55 = arith.constant 0 : i32
      %dma_start3A_56 = tpu.memref_slice %arg4[%select_n3A, %mul3A_50, %dma_start3A_55] : memref<2x16384x32xf32, #tpu.memory_space<hbm>> -> memref<1x1024x32xf32, #tpu.memory_space<hbm>>
      %dma_start3A_57 = tpu.memref_squeeze %dma_start3A_56 : memref<1x1024x32xf32, #tpu.memory_space<hbm>> -> memref<1024x32xf32, #tpu.memory_space<hbm>>
      tpu.enqueue_dma source(%arg6 : memref<1024x32xf32, #tpu.memory_space<vmem>>) target(%dma_start3A_57 : memref<1024x32xf32, #tpu.memory_space<hbm>>) target_semaphore(%run_scoped3A : memref<!tpu.dma_semaphore, #tpu.memory_space<semaphore_mem>>)
      %dma_wait3A_58 = arith.constant 0 : i32
      %dma_wait3A_59 = tpu.memref_slice %arg4[%select_n3A, %mul3A_50, %dma_wait3A_58] : memref<2x16384x32xf32, #tpu.memory_space<hbm>> -> memref<1x1024x32xf32, #tpu.memory_space<hbm>>
      %dma_wait3A_60 = tpu.memref_squeeze %dma_wait3A_59 : memref<1x1024x32xf32, #tpu.memory_space<hbm>> -> memref<1024x32xf32, #tpu.memory_space<hbm>>
      %dma_wait3A_61 = arith.constant 0 : i32
      %dma_wait3A_62 = tpu.memref_slice %arg4[%select_n3A, %mul3A_50, %dma_wait3A_61] : memref<2x16384x32xf32, #tpu.memory_space<hbm>> -> memref<1x1024x32xf32, #tpu.memory_space<hbm>>
      %dma_wait3A_63 = tpu.memref_squeeze %dma_wait3A_62 : memref<1x1024x32xf32, #tpu.memory_space<hbm>> -> memref<1024x32xf32, #tpu.memory_space<hbm>>
      tpu.wait_dma2 semaphore(%run_scoped3A : memref<!tpu.dma_semaphore, #tpu.memory_space<semaphore_mem>>) src(%arg6 : memref<1024x32xf32, #tpu.memory_space<vmem>>) dst(%dma_wait3A_63 : memref<1024x32xf32, #tpu.memory_space<hbm>>)
      tpu.yield
    }) : () -> ()
    %scan3A_51 = arith.constant 1 : i32
    return
  }
}

#map = affine_map<(d0, d1) -> (0, 0)>
#map1 = affine_map<(d0, d1) -> (0, 0, 0)>
module attributes {stable_mosaic.version = 14 : i64} {
  func.func @body(%arg0: i32, %arg1: i32, %arg2: memref<2x16384xi32, #tpu.memory_space<hbm>>, %arg3: memref<2x100000x32xf32, #tpu.memory_space<hbm>>, %arg4: memref<2x16384x32xf32, #tpu.memory_space<hbm>>, %arg5: memref<1024xi32, #tpu.memory_space<vmem>>, %arg6: memref<1024x32xf32, #tpu.memory_space<vmem>>, %arg7: memref<!tpu.dma_semaphore, #tpu.memory_space<semaphore_mem>>) attributes {dimension_semantics = [#tpu.dimension_semantics<core_parallel>, #tpu.dimension_semantics<subcore_parallel>], iteration_bounds = array<i64: 2, 16>, scalar_prefetch = 0 : i64, scratch_operands = 3 : i64, tpu.core_type = #tpu.core_type<sc_vector_subcore>, window_params = [{transform_indices = #map}, {transform_indices = #map1}, {transform_indices = #map1}]} {
    %mul3A = arith.constant 2 : i32
    %mul3A_0 = arith.muli %arg1, %mul3A : i32
    %add3A = arith.addi %mul3A_0, %arg0 : i32
    %scan3A = arith.constant 0 : i32
    %scan3A_1 = arith.constant 0 : i32
    %mul3A_2 = arith.constant 1 : i32
    %mul3A_3 = arith.muli %add3A, %mul3A_2 : i32
    %add3A_4 = arith.addi %mul3A_3, %scan3A_1 : i32
    %jit3A = arith.constant 16 : i32
    %div3A = arith.divsi %add3A_4, %jit3A : i32
    %sign3A = arith.constant 0 : i32
    %sign3A_5 = arith.cmpi sgt, %add3A_4, %sign3A : i32
    %sign3A_6 = arith.extui %sign3A_5 : i1 to i32
    %sign3A_7 = arith.constant 0 : i32
    %sign3A_8 = arith.cmpi slt, %add3A_4, %sign3A_7 : i32
    %sign3A_9 = arith.extui %sign3A_8 : i1 to i32
    %sign3A_10 = arith.subi %sign3A_6, %sign3A_9 : i32
    %sign3A_11 = arith.constant 0 : i32
    %sign3A_12 = arith.cmpi sgt, %jit3A, %sign3A_11 : i32
    %sign3A_13 = arith.extui %sign3A_12 : i1 to i32
    %sign3A_14 = arith.constant 0 : i32
    %sign3A_15 = arith.cmpi slt, %jit3A, %sign3A_14 : i32
    %sign3A_16 = arith.extui %sign3A_15 : i1 to i32
    %sign3A_17 = arith.subi %sign3A_13, %sign3A_16 : i32
    %ne3A = arith.cmpi ne, %sign3A_10, %sign3A_17 : i32
    %rem3A = arith.remsi %add3A_4, %jit3A : i32
    %ne3A_18 = arith.constant 0 : i32
    %ne3A_19 = arith.cmpi ne, %rem3A, %ne3A_18 : i32
    %and3A = arith.andi %ne3A, %ne3A_19 : i1
    %sub3A = arith.constant 1 : i32
    %sub3A_20 = arith.subi %div3A, %sub3A : i32
    %select_n3A = arith.select %and3A, %sub3A_20, %div3A : i32
    %jit3A_21 = arith.constant 16 : i32
    %eq3A = arith.constant 0 : i32
    %eq3A_22 = arith.cmpi eq, %jit3A_21, %eq3A : i32
    %jit3A_23 = arith.constant 1 : i32
    %select_n3A_24 = arith.select %eq3A_22, %jit3A_23, %jit3A_21 : i32
    %rem3A_25 = arith.remsi %add3A_4, %select_n3A_24 : i32
    %ne3A_26 = arith.constant 0 : i32
    %ne3A_27 = arith.cmpi ne, %rem3A_25, %ne3A_26 : i32
    %lt3A = arith.constant 0 : i32
    %lt3A_28 = arith.cmpi slt, %rem3A_25, %lt3A : i32
    %lt3A_29 = arith.constant 0 : i32
    %lt3A_30 = arith.cmpi slt, %select_n3A_24, %lt3A_29 : i32
    %ne3A_31 = arith.xori %lt3A_28, %lt3A_30 : i1
    %and3A_32 = arith.andi %ne3A_31, %ne3A_27 : i1
    %add3A_33 = arith.addi %rem3A_25, %select_n3A_24 : i32
    %select_n3A_34 = arith.select %and3A_32, %add3A_33, %rem3A_25 : i32
    %mul3A_35 = arith.constant 1024 : i32
    %mul3A_36 = arith.muli %select_n3A_34, %mul3A_35 : i32
    "tpu.region"() ({
      %run_scoped3A = tpu.sem_alloc : memref<!tpu.dma_semaphore, #tpu.memory_space<semaphore_mem>>
      %dma_start3A_52 = tpu.memref_slice %arg2[%select_n3A, %mul3A_36] : memref<2x16384xi32, #tpu.memory_space<hbm>> -> memref<1x1024xi32, #tpu.memory_space<hbm>>
      %dma_start3A_53 = tpu.memref_squeeze %dma_start3A_52 : memref<1x1024xi32, #tpu.memory_space<hbm>> -> memref<1024xi32, #tpu.memory_space<hbm>>
      %dma_start3A_54 = tpu.memref_slice %arg2[%select_n3A, %mul3A_36] : memref<2x16384xi32, #tpu.memory_space<hbm>> -> memref<1x1024xi32, #tpu.memory_space<hbm>>
      %dma_start3A_55 = tpu.memref_squeeze %dma_start3A_54 : memref<1x1024xi32, #tpu.memory_space<hbm>> -> memref<1024xi32, #tpu.memory_space<hbm>>
      tpu.enqueue_dma source(%dma_start3A_55 : memref<1024xi32, #tpu.memory_space<hbm>>) target(%arg5 : memref<1024xi32, #tpu.memory_space<vmem>>) target_semaphore(%run_scoped3A : memref<!tpu.dma_semaphore, #tpu.memory_space<semaphore_mem>>)
      %dma_wait3A_56 = tpu.memref_slice %arg2[%select_n3A, %mul3A_36] : memref<2x16384xi32, #tpu.memory_space<hbm>> -> memref<1x1024xi32, #tpu.memory_space<hbm>>
      %dma_wait3A_57 = tpu.memref_squeeze %dma_wait3A_56 : memref<1x1024xi32, #tpu.memory_space<hbm>> -> memref<1024xi32, #tpu.memory_space<hbm>>
      %dma_wait3A_58 = tpu.memref_slice %arg2[%select_n3A, %mul3A_36] : memref<2x16384xi32, #tpu.memory_space<hbm>> -> memref<1x1024xi32, #tpu.memory_space<hbm>>
      %dma_wait3A_59 = tpu.memref_squeeze %dma_wait3A_58 : memref<1x1024xi32, #tpu.memory_space<hbm>> -> memref<1024xi32, #tpu.memory_space<hbm>>
      tpu.wait_dma2 semaphore(%run_scoped3A : memref<!tpu.dma_semaphore, #tpu.memory_space<semaphore_mem>>) src(%dma_wait3A_59 : memref<1024xi32, #tpu.memory_space<hbm>>) dst(%arg5 : memref<1024xi32, #tpu.memory_space<vmem>>)
      tpu.yield
    }) : () -> ()
    %dma_start3A = arith.constant 0 : i32
    %dma_start3A_37 = arith.constant 0 : i32
    %dma_start3A_38 = tpu.memref_slice %arg3[%select_n3A, %dma_start3A, %dma_start3A_37] : memref<2x100000x32xf32, #tpu.memory_space<hbm>> -> memref<1x100000x32xf32, #tpu.memory_space<hbm>>
    %dma_start3A_39 = tpu.memref_squeeze %dma_start3A_38 : memref<1x100000x32xf32, #tpu.memory_space<hbm>> -> memref<100000x32xf32, #tpu.memory_space<hbm>>
    %dma_start3A_40 = arith.constant 0 : i32
    %dma_start3A_41 = arith.constant 0 : i32
    %dma_start3A_42 = tpu.memref_slice %dma_start3A_39[%dma_start3A_40, %dma_start3A_41] : memref<100000x32xf32, #tpu.memory_space<hbm>> -> memref<100000x32xf32, #tpu.memory_space<hbm>>
    tpu.enqueue_indirect_dma source(%dma_start3A_42 : memref<100000x32xf32, #tpu.memory_space<hbm>>) target(%arg6 : memref<1024x32xf32, #tpu.memory_space<vmem>>) offsets(%arg5 : memref<1024xi32, #tpu.memory_space<vmem>>) semaphore(%arg7 : memref<!tpu.dma_semaphore, #tpu.memory_space<semaphore_mem>>)
    %dma_wait3A = arith.constant 0 : i32
    %dma_wait3A_43 = arith.constant 0 : i32
    %dma_wait3A_44 = tpu.memref_slice %arg3[%select_n3A, %dma_wait3A, %dma_wait3A_43] : memref<2x100000x32xf32, #tpu.memory_space<hbm>> -> memref<1x100000x32xf32, #tpu.memory_space<hbm>>
    %dma_wait3A_45 = tpu.memref_squeeze %dma_wait3A_44 : memref<1x100000x32xf32, #tpu.memory_space<hbm>> -> memref<100000x32xf32, #tpu.memory_space<hbm>>
    %dma_wait3A_46 = arith.constant 0 : i32
    %dma_wait3A_47 = arith.constant 0 : i32
    %dma_wait3A_48 = tpu.memref_slice %dma_wait3A_45[%dma_wait3A_46, %dma_wait3A_47] : memref<100000x32xf32, #tpu.memory_space<hbm>> -> memref<100000x32xf32, #tpu.memory_space<hbm>>
    tpu.wait_indirect_dma semaphore(%arg7 : memref<!tpu.dma_semaphore, #tpu.memory_space<semaphore_mem>>) src(%dma_wait3A_48 : memref<100000x32xf32, #tpu.memory_space<hbm>>) dst(%arg6 : memref<1024x32xf32, #tpu.memory_space<vmem>>)
    %mul3A_49 = arith.constant 1024 : i32
    %mul3A_50 = arith.muli %select_n3A_34, %mul3A_49 : i32
    "tpu.region"() ({
      %run_scoped3A = tpu.sem_alloc : memref<!tpu.dma_semaphore, #tpu.memory_space<semaphore_mem>>
      %dma_start3A_52 = arith.constant 0 : i32
      %dma_start3A_53 = tpu.memref_slice %arg4[%select_n3A, %mul3A_50, %dma_start3A_52] : memref<2x16384x32xf32, #tpu.memory_space<hbm>> -> memref<1x1024x32xf32, #tpu.memory_space<hbm>>
      %dma_start3A_54 = tpu.memref_squeeze %dma_start3A_53 : memref<1x1024x32xf32, #tpu.memory_space<hbm>> -> memref<1024x32xf32, #tpu.memory_space<hbm>>
      %dma_start3A_55 = arith.constant 0 : i32
      %dma_start3A_56 = tpu.memref_slice %arg4[%select_n3A, %mul3A_50, %dma_start3A_55] : memref<2x16384x32xf32, #tpu.memory_space<hbm>> -> memref<1x1024x32xf32, #tpu.memory_space<hbm>>
      %dma_start3A_57 = tpu.memref_squeeze %dma_start3A_56 : memref<1x1024x32xf32, #tpu.memory_space<hbm>> -> memref<1024x32xf32, #tpu.memory_space<hbm>>
      tpu.enqueue_dma source(%arg6 : memref<1024x32xf32, #tpu.memory_space<vmem>>) target(%dma_start3A_57 : memref<1024x32xf32, #tpu.memory_space<hbm>>) target_semaphore(%run_scoped3A : memref<!tpu.dma_semaphore, #tpu.memory_space<semaphore_mem>>)
      %dma_wait3A_58 = arith.constant 0 : i32
      %dma_wait3A_59 = tpu.memref_slice %arg4[%select_n3A, %mul3A_50, %dma_wait3A_58] : memref<2x16384x32xf32, #tpu.memory_space<hbm>> -> memref<1x1024x32xf32, #tpu.memory_space<hbm>>
      %dma_wait3A_60 = tpu.memref_squeeze %dma_wait3A_59 : memref<1x1024x32xf32, #tpu.memory_space<hbm>> -> memref<1024x32xf32, #tpu.memory_space<hbm>>
      %dma_wait3A_61 = arith.constant 0 : i32
      %dma_wait3A_62 = tpu.memref_slice %arg4[%select_n3A, %mul3A_50, %dma_wait3A_61] : memref<2x16384x32xf32, #tpu.memory_space<hbm>> -> memref<1x1024x32xf32, #tpu.memory_space<hbm>>
      %dma_wait3A_63 = tpu.memref_squeeze %dma_wait3A_62 : memref<1x1024x32xf32, #tpu.memory_space<hbm>> -> memref<1024x32xf32, #tpu.memory_space<hbm>>
      tpu.wait_dma2 semaphore(%run_scoped3A : memref<!tpu.dma_semaphore, #tpu.memory_space<semaphore_mem>>) src(%arg6 : memref<1024x32xf32, #tpu.memory_space<vmem>>) dst(%dma_wait3A_63 : memref<1024x32xf32, #tpu.memory_space<hbm>>)
      tpu.yield
    }) : () -> ()
    %scan3A_51 = arith.constant 1 : i32
    return
  }
}

#map = affine_map<(d0, d1) -> (0, 0)>
#map1 = affine_map<(d0, d1) -> (0, 0, 0)>
module attributes {stable_mosaic.version = 14 : i64} {
  func.func @body(%arg0: i32, %arg1: i32, %arg2: memref<2x16384xi32, #tpu.memory_space<hbm>>, %arg3: memref<2x100000x32xf32, #tpu.memory_space<hbm>>, %arg4: memref<2x16384x32xf32, #tpu.memory_space<hbm>>, %arg5: memref<1024xi32, #tpu.memory_space<vmem>>, %arg6: memref<1024x32xf32, #tpu.memory_space<vmem>>, %arg7: memref<!tpu.dma_semaphore, #tpu.memory_space<semaphore_mem>>) attributes {dimension_semantics = [#tpu.dimension_semantics<core_parallel>, #tpu.dimension_semantics<subcore_parallel>], iteration_bounds = array<i64: 2, 16>, scalar_prefetch = 0 : i64, scratch_operands = 3 : i64, tpu.core_type = #tpu.core_type<sc_vector_subcore>, window_params = [{transform_indices = #map}, {transform_indices = #map1}, {transform_indices = #map1}]} {
    %mul3A = arith.constant 2 : i32
    %mul3A_0 = arith.muli %arg1, %mul3A : i32
    %add3A = arith.addi %mul3A_0, %arg0 : i32
    %scan3A = arith.constant 0 : i32
    %scan3A_1 = arith.constant 0 : i32
    %mul3A_2 = arith.constant 1 : i32
    %mul3A_3 = arith.muli %add3A, %mul3A_2 : i32
    %add3A_4 = arith.addi %mul3A_3, %scan3A_1 : i32
    %jit3A = arith.constant 16 : i32
    %div3A = arith.divsi %add3A_4, %jit3A : i32
    %sign3A = arith.constant 0 : i32
    %sign3A_5 = arith.cmpi sgt, %add3A_4, %sign3A : i32
    %sign3A_6 = arith.extui %sign3A_5 : i1 to i32
    %sign3A_7 = arith.constant 0 : i32
    %sign3A_8 = arith.cmpi slt, %add3A_4, %sign3A_7 : i32
    %sign3A_9 = arith.extui %sign3A_8 : i1 to i32
    %sign3A_10 = arith.subi %sign3A_6, %sign3A_9 : i32
    %sign3A_11 = arith.constant 0 : i32
    %sign3A_12 = arith.cmpi sgt, %jit3A, %sign3A_11 : i32
    %sign3A_13 = arith.extui %sign3A_12 : i1 to i32
    %sign3A_14 = arith.constant 0 : i32
    %sign3A_15 = arith.cmpi slt, %jit3A, %sign3A_14 : i32
    %sign3A_16 = arith.extui %sign3A_15 : i1 to i32
    %sign3A_17 = arith.subi %sign3A_13, %sign3A_16 : i32
    %ne3A = arith.cmpi ne, %sign3A_10, %sign3A_17 : i32
    %rem3A = arith.remsi %add3A_4, %jit3A : i32
    %ne3A_18 = arith.constant 0 : i32
    %ne3A_19 = arith.cmpi ne, %rem3A, %ne3A_18 : i32
    %and3A = arith.andi %ne3A, %ne3A_19 : i1
    %sub3A = arith.constant 1 : i32
    %sub3A_20 = arith.subi %div3A, %sub3A : i32
    %select_n3A = arith.select %and3A, %sub3A_20, %div3A : i32
    %jit3A_21 = arith.constant 16 : i32
    %eq3A = arith.constant 0 : i32
    %eq3A_22 = arith.cmpi eq, %jit3A_21, %eq3A : i32
    %jit3A_23 = arith.constant 1 : i32
    %select_n3A_24 = arith.select %eq3A_22, %jit3A_23, %jit3A_21 : i32
    %rem3A_25 = arith.remsi %add3A_4, %select_n3A_24 : i32
    %ne3A_26 = arith.constant 0 : i32
    %ne3A_27 = arith.cmpi ne, %rem3A_25, %ne3A_26 : i32
    %lt3A = arith.constant 0 : i32
    %lt3A_28 = arith.cmpi slt, %rem3A_25, %lt3A : i32
    %lt3A_29 = arith.constant 0 : i32
    %lt3A_30 = arith.cmpi slt, %select_n3A_24, %lt3A_29 : i32
    %ne3A_31 = arith.xori %lt3A_28, %lt3A_30 : i1
    %and3A_32 = arith.andi %ne3A_31, %ne3A_27 : i1
    %add3A_33 = arith.addi %rem3A_25, %select_n3A_24 : i32
    %select_n3A_34 = arith.select %and3A_32, %add3A_33, %rem3A_25 : i32
    %mul3A_35 = arith.constant 1024 : i32
    %mul3A_36 = arith.muli %select_n3A_34, %mul3A_35 : i32
    "tpu.region"() ({
      %run_scoped3A = tpu.sem_alloc : memref<!tpu.dma_semaphore, #tpu.memory_space<semaphore_mem>>
      %dma_start3A_52 = tpu.memref_slice %arg2[%select_n3A, %mul3A_36] : memref<2x16384xi32, #tpu.memory_space<hbm>> -> memref<1x1024xi32, #tpu.memory_space<hbm>>
      %dma_start3A_53 = tpu.memref_squeeze %dma_start3A_52 : memref<1x1024xi32, #tpu.memory_space<hbm>> -> memref<1024xi32, #tpu.memory_space<hbm>>
      %dma_start3A_54 = tpu.memref_slice %arg2[%select_n3A, %mul3A_36] : memref<2x16384xi32, #tpu.memory_space<hbm>> -> memref<1x1024xi32, #tpu.memory_space<hbm>>
      %dma_start3A_55 = tpu.memref_squeeze %dma_start3A_54 : memref<1x1024xi32, #tpu.memory_space<hbm>> -> memref<1024xi32, #tpu.memory_space<hbm>>
      tpu.enqueue_dma source(%dma_start3A_55 : memref<1024xi32, #tpu.memory_space<hbm>>) target(%arg5 : memref<1024xi32, #tpu.memory_space<vmem>>) target_semaphore(%run_scoped3A : memref<!tpu.dma_semaphore, #tpu.memory_space<semaphore_mem>>)
      %dma_wait3A_56 = tpu.memref_slice %arg2[%select_n3A, %mul3A_36] : memref<2x16384xi32, #tpu.memory_space<hbm>> -> memref<1x1024xi32, #tpu.memory_space<hbm>>
      %dma_wait3A_57 = tpu.memref_squeeze %dma_wait3A_56 : memref<1x1024xi32, #tpu.memory_space<hbm>> -> memref<1024xi32, #tpu.memory_space<hbm>>
      %dma_wait3A_58 = tpu.memref_slice %arg2[%select_n3A, %mul3A_36] : memref<2x16384xi32, #tpu.memory_space<hbm>> -> memref<1x1024xi32, #tpu.memory_space<hbm>>
      %dma_wait3A_59 = tpu.memref_squeeze %dma_wait3A_58 : memref<1x1024xi32, #tpu.memory_space<hbm>> -> memref<1024xi32, #tpu.memory_space<hbm>>
      tpu.wait_dma2 semaphore(%run_scoped3A : memref<!tpu.dma_semaphore, #tpu.memory_space<semaphore_mem>>) src(%dma_wait3A_59 : memref<1024xi32, #tpu.memory_space<hbm>>) dst(%arg5 : memref<1024xi32, #tpu.memory_space<vmem>>)
      tpu.yield
    }) : () -> ()
    %dma_start3A = arith.constant 0 : i32
    %dma_start3A_37 = arith.constant 0 : i32
    %dma_start3A_38 = tpu.memref_slice %arg3[%select_n3A, %dma_start3A, %dma_start3A_37] : memref<2x100000x32xf32, #tpu.memory_space<hbm>> -> memref<1x100000x32xf32, #tpu.memory_space<hbm>>
    %dma_start3A_39 = tpu.memref_squeeze %dma_start3A_38 : memref<1x100000x32xf32, #tpu.memory_space<hbm>> -> memref<100000x32xf32, #tpu.memory_space<hbm>>
    %dma_start3A_40 = arith.constant 0 : i32
    %dma_start3A_41 = arith.constant 0 : i32
    %dma_start3A_42 = tpu.memref_slice %dma_start3A_39[%dma_start3A_40, %dma_start3A_41] : memref<100000x32xf32, #tpu.memory_space<hbm>> -> memref<100000x32xf32, #tpu.memory_space<hbm>>
    tpu.enqueue_indirect_dma source(%dma_start3A_42 : memref<100000x32xf32, #tpu.memory_space<hbm>>) target(%arg6 : memref<1024x32xf32, #tpu.memory_space<vmem>>) offsets(%arg5 : memref<1024xi32, #tpu.memory_space<vmem>>) semaphore(%arg7 : memref<!tpu.dma_semaphore, #tpu.memory_space<semaphore_mem>>)
    %dma_wait3A = arith.constant 0 : i32
    %dma_wait3A_43 = arith.constant 0 : i32
    %dma_wait3A_44 = tpu.memref_slice %arg3[%select_n3A, %dma_wait3A, %dma_wait3A_43] : memref<2x100000x32xf32, #tpu.memory_space<hbm>> -> memref<1x100000x32xf32, #tpu.memory_space<hbm>>
    %dma_wait3A_45 = tpu.memref_squeeze %dma_wait3A_44 : memref<1x100000x32xf32, #tpu.memory_space<hbm>> -> memref<100000x32xf32, #tpu.memory_space<hbm>>
    %dma_wait3A_46 = arith.constant 0 : i32
    %dma_wait3A_47 = arith.constant 0 : i32
    %dma_wait3A_48 = tpu.memref_slice %dma_wait3A_45[%dma_wait3A_46, %dma_wait3A_47] : memref<100000x32xf32, #tpu.memory_space<hbm>> -> memref<100000x32xf32, #tpu.memory_space<hbm>>
    tpu.wait_indirect_dma semaphore(%arg7 : memref<!tpu.dma_semaphore, #tpu.memory_space<semaphore_mem>>) src(%dma_wait3A_48 : memref<100000x32xf32, #tpu.memory_space<hbm>>) dst(%arg6 : memref<1024x32xf32, #tpu.memory_space<vmem>>)
    %mul3A_49 = arith.constant 1024 : i32
    %mul3A_50 = arith.muli %select_n3A_34, %mul3A_49 : i32
    "tpu.region"() ({
      %run_scoped3A = tpu.sem_alloc : memref<!tpu.dma_semaphore, #tpu.memory_space<semaphore_mem>>
      %dma_start3A_52 = arith.constant 0 : i32
      %dma_start3A_53 = tpu.memref_slice %arg4[%select_n3A, %mul3A_50, %dma_start3A_52] : memref<2x16384x32xf32, #tpu.memory_space<hbm>> -> memref<1x1024x32xf32, #tpu.memory_space<hbm>>
      %dma_start3A_54 = tpu.memref_squeeze %dma_start3A_53 : memref<1x1024x32xf32, #tpu.memory_space<hbm>> -> memref<1024x32xf32, #tpu.memory_space<hbm>>
      %dma_start3A_55 = arith.constant 0 : i32
      %dma_start3A_56 = tpu.memref_slice %arg4[%select_n3A, %mul3A_50, %dma_start3A_55] : memref<2x16384x32xf32, #tpu.memory_space<hbm>> -> memref<1x1024x32xf32, #tpu.memory_space<hbm>>
      %dma_start3A_57 = tpu.memref_squeeze %dma_start3A_56 : memref<1x1024x32xf32, #tpu.memory_space<hbm>> -> memref<1024x32xf32, #tpu.memory_space<hbm>>
      tpu.enqueue_dma source(%arg6 : memref<1024x32xf32, #tpu.memory_space<vmem>>) target(%dma_start3A_57 : memref<1024x32xf32, #tpu.memory_space<hbm>>) target_semaphore(%run_scoped3A : memref<!tpu.dma_semaphore, #tpu.memory_space<semaphore_mem>>)
      %dma_wait3A_58 = arith.constant 0 : i32
      %dma_wait3A_59 = tpu.memref_slice %arg4[%select_n3A, %mul3A_50, %dma_wait3A_58] : memref<2x16384x32xf32, #tpu.memory_space<hbm>> -> memref<1x1024x32xf32, #tpu.memory_space<hbm>>
      %dma_wait3A_60 = tpu.memref_squeeze %dma_wait3A_59 : memref<1x1024x32xf32, #tpu.memory_space<hbm>> -> memref<1024x32xf32, #tpu.memory_space<hbm>>
      %dma_wait3A_61 = arith.constant 0 : i32
      %dma_wait3A_62 = tpu.memref_slice %arg4[%select_n3A, %mul3A_50, %dma_wait3A_61] : memref<2x16384x32xf32, #tpu.memory_space<hbm>> -> memref<1x1024x32xf32, #tpu.memory_space<hbm>>
      %dma_wait3A_63 = tpu.memref_squeeze %dma_wait3A_62 : memref<1x1024x32xf32, #tpu.memory_space<hbm>> -> memref<1024x32xf32, #tpu.memory_space<hbm>>
      tpu.wait_dma2 semaphore(%run_scoped3A : memref<!tpu.dma_semaphore, #tpu.memory_space<semaphore_mem>>) src(%arg6 : memref<1024x32xf32, #tpu.memory_space<vmem>>) dst(%dma_wait3A_63 : memref<1024x32xf32, #tpu.memory_space<hbm>>)
      tpu.yield
    }) : () -> ()
    %scan3A_51 = arith.constant 1 : i32
    return
  }
}

#map = affine_map<(d0, d1) -> (0, 0)>
#map1 = affine_map<(d0, d1) -> (0, 0, 0)>
module attributes {stable_mosaic.version = 14 : i64} {
  func.func @body(%arg0: i32, %arg1: i32, %arg2: memref<2x16384xi32, #tpu.memory_space<hbm>>, %arg3: memref<2x100000x32xf32, #tpu.memory_space<hbm>>, %arg4: memref<2x16384x32xf32, #tpu.memory_space<hbm>>, %arg5: memref<1024xi32, #tpu.memory_space<vmem>>, %arg6: memref<1024x32xf32, #tpu.memory_space<vmem>>, %arg7: memref<!tpu.dma_semaphore, #tpu.memory_space<semaphore_mem>>) attributes {dimension_semantics = [#tpu.dimension_semantics<core_parallel>, #tpu.dimension_semantics<subcore_parallel>], iteration_bounds = array<i64: 2, 16>, scalar_prefetch = 0 : i64, scratch_operands = 3 : i64, tpu.core_type = #tpu.core_type<sc_vector_subcore>, window_params = [{transform_indices = #map}, {transform_indices = #map1}, {transform_indices = #map1}]} {
    %mul3A = arith.constant 2 : i32
    %mul3A_0 = arith.muli %arg1, %mul3A : i32
    %add3A = arith.addi %mul3A_0, %arg0 : i32
    %scan3A = arith.constant 0 : i32
    %scan3A_1 = arith.constant 0 : i32
    %mul3A_2 = arith.constant 1 : i32
    %mul3A_3 = arith.muli %add3A, %mul3A_2 : i32
    %add3A_4 = arith.addi %mul3A_3, %scan3A_1 : i32
    %jit3A = arith.constant 16 : i32
    %div3A = arith.divsi %add3A_4, %jit3A : i32
    %sign3A = arith.constant 0 : i32
    %sign3A_5 = arith.cmpi sgt, %add3A_4, %sign3A : i32
    %sign3A_6 = arith.extui %sign3A_5 : i1 to i32
    %sign3A_7 = arith.constant 0 : i32
    %sign3A_8 = arith.cmpi slt, %add3A_4, %sign3A_7 : i32
    %sign3A_9 = arith.extui %sign3A_8 : i1 to i32
    %sign3A_10 = arith.subi %sign3A_6, %sign3A_9 : i32
    %sign3A_11 = arith.constant 0 : i32
    %sign3A_12 = arith.cmpi sgt, %jit3A, %sign3A_11 : i32
    %sign3A_13 = arith.extui %sign3A_12 : i1 to i32
    %sign3A_14 = arith.constant 0 : i32
    %sign3A_15 = arith.cmpi slt, %jit3A, %sign3A_14 : i32
    %sign3A_16 = arith.extui %sign3A_15 : i1 to i32
    %sign3A_17 = arith.subi %sign3A_13, %sign3A_16 : i32
    %ne3A = arith.cmpi ne, %sign3A_10, %sign3A_17 : i32
    %rem3A = arith.remsi %add3A_4, %jit3A : i32
    %ne3A_18 = arith.constant 0 : i32
    %ne3A_19 = arith.cmpi ne, %rem3A, %ne3A_18 : i32
    %and3A = arith.andi %ne3A, %ne3A_19 : i1
    %sub3A = arith.constant 1 : i32
    %sub3A_20 = arith.subi %div3A, %sub3A : i32
    %select_n3A = arith.select %and3A, %sub3A_20, %div3A : i32
    %jit3A_21 = arith.constant 16 : i32
    %eq3A = arith.constant 0 : i32
    %eq3A_22 = arith.cmpi eq, %jit3A_21, %eq3A : i32
    %jit3A_23 = arith.constant 1 : i32
    %select_n3A_24 = arith.select %eq3A_22, %jit3A_23, %jit3A_21 : i32
    %rem3A_25 = arith.remsi %add3A_4, %select_n3A_24 : i32
    %ne3A_26 = arith.constant 0 : i32
    %ne3A_27 = arith.cmpi ne, %rem3A_25, %ne3A_26 : i32
    %lt3A = arith.constant 0 : i32
    %lt3A_28 = arith.cmpi slt, %rem3A_25, %lt3A : i32
    %lt3A_29 = arith.constant 0 : i32
    %lt3A_30 = arith.cmpi slt, %select_n3A_24, %lt3A_29 : i32
    %ne3A_31 = arith.xori %lt3A_28, %lt3A_30 : i1
    %and3A_32 = arith.andi %ne3A_31, %ne3A_27 : i1
    %add3A_33 = arith.addi %rem3A_25, %select_n3A_24 : i32
    %select_n3A_34 = arith.select %and3A_32, %add3A_33, %rem3A_25 : i32
    %mul3A_35 = arith.constant 1024 : i32
    %mul3A_36 = arith.muli %select_n3A_34, %mul3A_35 : i32
    "tpu.region"() ({
      %run_scoped3A = tpu.sem_alloc : memref<!tpu.dma_semaphore, #tpu.memory_space<semaphore_mem>>
      %dma_start3A_52 = tpu.memref_slice %arg2[%select_n3A, %mul3A_36] : memref<2x16384xi32, #tpu.memory_space<hbm>> -> memref<1x1024xi32, #tpu.memory_space<hbm>>
      %dma_start3A_53 = tpu.memref_squeeze %dma_start3A_52 : memref<1x1024xi32, #tpu.memory_space<hbm>> -> memref<1024xi32, #tpu.memory_space<hbm>>
      %dma_start3A_54 = tpu.memref_slice %arg2[%select_n3A, %mul3A_36] : memref<2x16384xi32, #tpu.memory_space<hbm>> -> memref<1x1024xi32, #tpu.memory_space<hbm>>
      %dma_start3A_55 = tpu.memref_squeeze %dma_start3A_54 : memref<1x1024xi32, #tpu.memory_space<hbm>> -> memref<1024xi32, #tpu.memory_space<hbm>>
      tpu.enqueue_dma source(%dma_start3A_55 : memref<1024xi32, #tpu.memory_space<hbm>>) target(%arg5 : memref<1024xi32, #tpu.memory_space<vmem>>) target_semaphore(%run_scoped3A : memref<!tpu.dma_semaphore, #tpu.memory_space<semaphore_mem>>)
      %dma_wait3A_56 = tpu.memref_slice %arg2[%select_n3A, %mul3A_36] : memref<2x16384xi32, #tpu.memory_space<hbm>> -> memref<1x1024xi32, #tpu.memory_space<hbm>>
      %dma_wait3A_57 = tpu.memref_squeeze %dma_wait3A_56 : memref<1x1024xi32, #tpu.memory_space<hbm>> -> memref<1024xi32, #tpu.memory_space<hbm>>
      %dma_wait3A_58 = tpu.memref_slice %arg2[%select_n3A, %mul3A_36] : memref<2x16384xi32, #tpu.memory_space<hbm>> -> memref<1x1024xi32, #tpu.memory_space<hbm>>
      %dma_wait3A_59 = tpu.memref_squeeze %dma_wait3A_58 : memref<1x1024xi32, #tpu.memory_space<hbm>> -> memref<1024xi32, #tpu.memory_space<hbm>>
      tpu.wait_dma2 semaphore(%run_scoped3A : memref<!tpu.dma_semaphore, #tpu.memory_space<semaphore_mem>>) src(%dma_wait3A_59 : memref<1024xi32, #tpu.memory_space<hbm>>) dst(%arg5 : memref<1024xi32, #tpu.memory_space<vmem>>)
      tpu.yield
    }) : () -> ()
    %dma_start3A = arith.constant 0 : i32
    %dma_start3A_37 = arith.constant 0 : i32
    %dma_start3A_38 = tpu.memref_slice %arg3[%select_n3A, %dma_start3A, %dma_start3A_37] : memref<2x100000x32xf32, #tpu.memory_space<hbm>> -> memref<1x100000x32xf32, #tpu.memory_space<hbm>>
    %dma_start3A_39 = tpu.memref_squeeze %dma_start3A_38 : memref<1x100000x32xf32, #tpu.memory_space<hbm>> -> memref<100000x32xf32, #tpu.memory_space<hbm>>
    %dma_start3A_40 = arith.constant 0 : i32
    %dma_start3A_41 = arith.constant 0 : i32
    %dma_start3A_42 = tpu.memref_slice %dma_start3A_39[%dma_start3A_40, %dma_start3A_41] : memref<100000x32xf32, #tpu.memory_space<hbm>> -> memref<100000x32xf32, #tpu.memory_space<hbm>>
    tpu.enqueue_indirect_dma source(%dma_start3A_42 : memref<100000x32xf32, #tpu.memory_space<hbm>>) target(%arg6 : memref<1024x32xf32, #tpu.memory_space<vmem>>) offsets(%arg5 : memref<1024xi32, #tpu.memory_space<vmem>>) semaphore(%arg7 : memref<!tpu.dma_semaphore, #tpu.memory_space<semaphore_mem>>)
    %dma_wait3A = arith.constant 0 : i32
    %dma_wait3A_43 = arith.constant 0 : i32
    %dma_wait3A_44 = tpu.memref_slice %arg3[%select_n3A, %dma_wait3A, %dma_wait3A_43] : memref<2x100000x32xf32, #tpu.memory_space<hbm>> -> memref<1x100000x32xf32, #tpu.memory_space<hbm>>
    %dma_wait3A_45 = tpu.memref_squeeze %dma_wait3A_44 : memref<1x100000x32xf32, #tpu.memory_space<hbm>> -> memref<100000x32xf32, #tpu.memory_space<hbm>>
    %dma_wait3A_46 = arith.constant 0 : i32
    %dma_wait3A_47 = arith.constant 0 : i32
    %dma_wait3A_48 = tpu.memref_slice %dma_wait3A_45[%dma_wait3A_46, %dma_wait3A_47] : memref<100000x32xf32, #tpu.memory_space<hbm>> -> memref<100000x32xf32, #tpu.memory_space<hbm>>
    tpu.wait_indirect_dma semaphore(%arg7 : memref<!tpu.dma_semaphore, #tpu.memory_space<semaphore_mem>>) src(%dma_wait3A_48 : memref<100000x32xf32, #tpu.memory_space<hbm>>) dst(%arg6 : memref<1024x32xf32, #tpu.memory_space<vmem>>)
    %mul3A_49 = arith.constant 1024 : i32
    %mul3A_50 = arith.muli %select_n3A_34, %mul3A_49 : i32
    "tpu.region"() ({
      %run_scoped3A = tpu.sem_alloc : memref<!tpu.dma_semaphore, #tpu.memory_space<semaphore_mem>>
      %dma_start3A_52 = arith.constant 0 : i32
      %dma_start3A_53 = tpu.memref_slice %arg4[%select_n3A, %mul3A_50, %dma_start3A_52] : memref<2x16384x32xf32, #tpu.memory_space<hbm>> -> memref<1x1024x32xf32, #tpu.memory_space<hbm>>
      %dma_start3A_54 = tpu.memref_squeeze %dma_start3A_53 : memref<1x1024x32xf32, #tpu.memory_space<hbm>> -> memref<1024x32xf32, #tpu.memory_space<hbm>>
      %dma_start3A_55 = arith.constant 0 : i32
      %dma_start3A_56 = tpu.memref_slice %arg4[%select_n3A, %mul3A_50, %dma_start3A_55] : memref<2x16384x32xf32, #tpu.memory_space<hbm>> -> memref<1x1024x32xf32, #tpu.memory_space<hbm>>
      %dma_start3A_57 = tpu.memref_squeeze %dma_start3A_56 : memref<1x1024x32xf32, #tpu.memory_space<hbm>> -> memref<1024x32xf32, #tpu.memory_space<hbm>>
      tpu.enqueue_dma source(%arg6 : memref<1024x32xf32, #tpu.memory_space<vmem>>) target(%dma_start3A_57 : memref<1024x32xf32, #tpu.memory_space<hbm>>) target_semaphore(%run_scoped3A : memref<!tpu.dma_semaphore, #tpu.memory_space<semaphore_mem>>)
      %dma_wait3A_58 = arith.constant 0 : i32
      %dma_wait3A_59 = tpu.memref_slice %arg4[%select_n3A, %mul3A_50, %dma_wait3A_58] : memref<2x16384x32xf32, #tpu.memory_space<hbm>> -> memref<1x1024x32xf32, #tpu.memory_space<hbm>>
      %dma_wait3A_60 = tpu.memref_squeeze %dma_wait3A_59 : memref<1x1024x32xf32, #tpu.memory_space<hbm>> -> memref<1024x32xf32, #tpu.memory_space<hbm>>
      %dma_wait3A_61 = arith.constant 0 : i32
      %dma_wait3A_62 = tpu.memref_slice %arg4[%select_n3A, %mul3A_50, %dma_wait3A_61] : memref<2x16384x32xf32, #tpu.memory_space<hbm>> -> memref<1x1024x32xf32, #tpu.memory_space<hbm>>
      %dma_wait3A_63 = tpu.memref_squeeze %dma_wait3A_62 : memref<1x1024x32xf32, #tpu.memory_space<hbm>> -> memref<1024x32xf32, #tpu.memory_space<hbm>>
      tpu.wait_dma2 semaphore(%run_scoped3A : memref<!tpu.dma_semaphore, #tpu.memory_space<semaphore_mem>>) src(%arg6 : memref<1024x32xf32, #tpu.memory_space<vmem>>) dst(%dma_wait3A_63 : memref<1024x32xf32, #tpu.memory_space<hbm>>)
      tpu.yield
    }) : () -> ()
    %scan3A_51 = arith.constant 1 : i32
    return
  }
}

#map = affine_map<(d0, d1) -> (0, 0)>
#map1 = affine_map<(d0, d1) -> (0, 0, 0)>
module attributes {stable_mosaic.version = 14 : i64} {
  func.func @body(%arg0: i32, %arg1: i32, %arg2: memref<2x16384xi32, #tpu.memory_space<hbm>>, %arg3: memref<2x100000x32xf32, #tpu.memory_space<hbm>>, %arg4: memref<2x16384x32xf32, #tpu.memory_space<hbm>>, %arg5: memref<1024xi32, #tpu.memory_space<vmem>>, %arg6: memref<1024x32xf32, #tpu.memory_space<vmem>>, %arg7: memref<!tpu.dma_semaphore, #tpu.memory_space<semaphore_mem>>) attributes {dimension_semantics = [#tpu.dimension_semantics<core_parallel>, #tpu.dimension_semantics<subcore_parallel>], iteration_bounds = array<i64: 2, 16>, scalar_prefetch = 0 : i64, scratch_operands = 3 : i64, tpu.core_type = #tpu.core_type<sc_vector_subcore>, window_params = [{transform_indices = #map}, {transform_indices = #map1}, {transform_indices = #map1}]} {
    %mul3A = arith.constant 2 : i32
    %mul3A_0 = arith.muli %arg1, %mul3A : i32
    %add3A = arith.addi %mul3A_0, %arg0 : i32
    %scan3A = arith.constant 0 : i32
    %scan3A_1 = arith.constant 0 : i32
    %mul3A_2 = arith.constant 1 : i32
    %mul3A_3 = arith.muli %add3A, %mul3A_2 : i32
    %add3A_4 = arith.addi %mul3A_3, %scan3A_1 : i32
    %jit3A = arith.constant 16 : i32
    %div3A = arith.divsi %add3A_4, %jit3A : i32
    %sign3A = arith.constant 0 : i32
    %sign3A_5 = arith.cmpi sgt, %add3A_4, %sign3A : i32
    %sign3A_6 = arith.extui %sign3A_5 : i1 to i32
    %sign3A_7 = arith.constant 0 : i32
    %sign3A_8 = arith.cmpi slt, %add3A_4, %sign3A_7 : i32
    %sign3A_9 = arith.extui %sign3A_8 : i1 to i32
    %sign3A_10 = arith.subi %sign3A_6, %sign3A_9 : i32
    %sign3A_11 = arith.constant 0 : i32
    %sign3A_12 = arith.cmpi sgt, %jit3A, %sign3A_11 : i32
    %sign3A_13 = arith.extui %sign3A_12 : i1 to i32
    %sign3A_14 = arith.constant 0 : i32
    %sign3A_15 = arith.cmpi slt, %jit3A, %sign3A_14 : i32
    %sign3A_16 = arith.extui %sign3A_15 : i1 to i32
    %sign3A_17 = arith.subi %sign3A_13, %sign3A_16 : i32
    %ne3A = arith.cmpi ne, %sign3A_10, %sign3A_17 : i32
    %rem3A = arith.remsi %add3A_4, %jit3A : i32
    %ne3A_18 = arith.constant 0 : i32
    %ne3A_19 = arith.cmpi ne, %rem3A, %ne3A_18 : i32
    %and3A = arith.andi %ne3A, %ne3A_19 : i1
    %sub3A = arith.constant 1 : i32
    %sub3A_20 = arith.subi %div3A, %sub3A : i32
    %select_n3A = arith.select %and3A, %sub3A_20, %div3A : i32
    %jit3A_21 = arith.constant 16 : i32
    %eq3A = arith.constant 0 : i32
    %eq3A_22 = arith.cmpi eq, %jit3A_21, %eq3A : i32
    %jit3A_23 = arith.constant 1 : i32
    %select_n3A_24 = arith.select %eq3A_22, %jit3A_23, %jit3A_21 : i32
    %rem3A_25 = arith.remsi %add3A_4, %select_n3A_24 : i32
    %ne3A_26 = arith.constant 0 : i32
    %ne3A_27 = arith.cmpi ne, %rem3A_25, %ne3A_26 : i32
    %lt3A = arith.constant 0 : i32
    %lt3A_28 = arith.cmpi slt, %rem3A_25, %lt3A : i32
    %lt3A_29 = arith.constant 0 : i32
    %lt3A_30 = arith.cmpi slt, %select_n3A_24, %lt3A_29 : i32
    %ne3A_31 = arith.xori %lt3A_28, %lt3A_30 : i1
    %and3A_32 = arith.andi %ne3A_31, %ne3A_27 : i1
    %add3A_33 = arith.addi %rem3A_25, %select_n3A_24 : i32
    %select_n3A_34 = arith.select %and3A_32, %add3A_33, %rem3A_25 : i32
    %mul3A_35 = arith.constant 1024 : i32
    %mul3A_36 = arith.muli %select_n3A_34, %mul3A_35 : i32
    "tpu.region"() ({
      %run_scoped3A = tpu.sem_alloc : memref<!tpu.dma_semaphore, #tpu.memory_space<semaphore_mem>>
      %dma_start3A_52 = tpu.memref_slice %arg2[%select_n3A, %mul3A_36] : memref<2x16384xi32, #tpu.memory_space<hbm>> -> memref<1x1024xi32, #tpu.memory_space<hbm>>
      %dma_start3A_53 = tpu.memref_squeeze %dma_start3A_52 : memref<1x1024xi32, #tpu.memory_space<hbm>> -> memref<1024xi32, #tpu.memory_space<hbm>>
      %dma_start3A_54 = tpu.memref_slice %arg2[%select_n3A, %mul3A_36] : memref<2x16384xi32, #tpu.memory_space<hbm>> -> memref<1x1024xi32, #tpu.memory_space<hbm>>
      %dma_start3A_55 = tpu.memref_squeeze %dma_start3A_54 : memref<1x1024xi32, #tpu.memory_space<hbm>> -> memref<1024xi32, #tpu.memory_space<hbm>>
      tpu.enqueue_dma source(%dma_start3A_55 : memref<1024xi32, #tpu.memory_space<hbm>>) target(%arg5 : memref<1024xi32, #tpu.memory_space<vmem>>) target_semaphore(%run_scoped3A : memref<!tpu.dma_semaphore, #tpu.memory_space<semaphore_mem>>)
      %dma_wait3A_56 = tpu.memref_slice %arg2[%select_n3A, %mul3A_36] : memref<2x16384xi32, #tpu.memory_space<hbm>> -> memref<1x1024xi32, #tpu.memory_space<hbm>>
      %dma_wait3A_57 = tpu.memref_squeeze %dma_wait3A_56 : memref<1x1024xi32, #tpu.memory_space<hbm>> -> memref<1024xi32, #tpu.memory_space<hbm>>
      %dma_wait3A_58 = tpu.memref_slice %arg2[%select_n3A, %mul3A_36] : memref<2x16384xi32, #tpu.memory_space<hbm>> -> memref<1x1024xi32, #tpu.memory_space<hbm>>
      %dma_wait3A_59 = tpu.memref_squeeze %dma_wait3A_58 : memref<1x1024xi32, #tpu.memory_space<hbm>> -> memref<1024xi32, #tpu.memory_space<hbm>>
      tpu.wait_dma2 semaphore(%run_scoped3A : memref<!tpu.dma_semaphore, #tpu.memory_space<semaphore_mem>>) src(%dma_wait3A_59 : memref<1024xi32, #tpu.memory_space<hbm>>) dst(%arg5 : memref<1024xi32, #tpu.memory_space<vmem>>)
      tpu.yield
    }) : () -> ()
    %dma_start3A = arith.constant 0 : i32
    %dma_start3A_37 = arith.constant 0 : i32
    %dma_start3A_38 = tpu.memref_slice %arg3[%select_n3A, %dma_start3A, %dma_start3A_37] : memref<2x100000x32xf32, #tpu.memory_space<hbm>> -> memref<1x100000x32xf32, #tpu.memory_space<hbm>>
    %dma_start3A_39 = tpu.memref_squeeze %dma_start3A_38 : memref<1x100000x32xf32, #tpu.memory_space<hbm>> -> memref<100000x32xf32, #tpu.memory_space<hbm>>
    %dma_start3A_40 = arith.constant 0 : i32
    %dma_start3A_41 = arith.constant 0 : i32
    %dma_start3A_42 = tpu.memref_slice %dma_start3A_39[%dma_start3A_40, %dma_start3A_41] : memref<100000x32xf32, #tpu.memory_space<hbm>> -> memref<100000x32xf32, #tpu.memory_space<hbm>>
    tpu.enqueue_indirect_dma source(%dma_start3A_42 : memref<100000x32xf32, #tpu.memory_space<hbm>>) target(%arg6 : memref<1024x32xf32, #tpu.memory_space<vmem>>) offsets(%arg5 : memref<1024xi32, #tpu.memory_space<vmem>>) semaphore(%arg7 : memref<!tpu.dma_semaphore, #tpu.memory_space<semaphore_mem>>)
    %dma_wait3A = arith.constant 0 : i32
    %dma_wait3A_43 = arith.constant 0 : i32
    %dma_wait3A_44 = tpu.memref_slice %arg3[%select_n3A, %dma_wait3A, %dma_wait3A_43] : memref<2x100000x32xf32, #tpu.memory_space<hbm>> -> memref<1x100000x32xf32, #tpu.memory_space<hbm>>
    %dma_wait3A_45 = tpu.memref_squeeze %dma_wait3A_44 : memref<1x100000x32xf32, #tpu.memory_space<hbm>> -> memref<100000x32xf32, #tpu.memory_space<hbm>>
    %dma_wait3A_46 = arith.constant 0 : i32
    %dma_wait3A_47 = arith.constant 0 : i32
    %dma_wait3A_48 = tpu.memref_slice %dma_wait3A_45[%dma_wait3A_46, %dma_wait3A_47] : memref<100000x32xf32, #tpu.memory_space<hbm>> -> memref<100000x32xf32, #tpu.memory_space<hbm>>
    tpu.wait_indirect_dma semaphore(%arg7 : memref<!tpu.dma_semaphore, #tpu.memory_space<semaphore_mem>>) src(%dma_wait3A_48 : memref<100000x32xf32, #tpu.memory_space<hbm>>) dst(%arg6 : memref<1024x32xf32, #tpu.memory_space<vmem>>)
    %mul3A_49 = arith.constant 1024 : i32
    %mul3A_50 = arith.muli %select_n3A_34, %mul3A_49 : i32
    "tpu.region"() ({
      %run_scoped3A = tpu.sem_alloc : memref<!tpu.dma_semaphore, #tpu.memory_space<semaphore_mem>>
      %dma_start3A_52 = arith.constant 0 : i32
      %dma_start3A_53 = tpu.memref_slice %arg4[%select_n3A, %mul3A_50, %dma_start3A_52] : memref<2x16384x32xf32, #tpu.memory_space<hbm>> -> memref<1x1024x32xf32, #tpu.memory_space<hbm>>
      %dma_start3A_54 = tpu.memref_squeeze %dma_start3A_53 : memref<1x1024x32xf32, #tpu.memory_space<hbm>> -> memref<1024x32xf32, #tpu.memory_space<hbm>>
      %dma_start3A_55 = arith.constant 0 : i32
      %dma_start3A_56 = tpu.memref_slice %arg4[%select_n3A, %mul3A_50, %dma_start3A_55] : memref<2x16384x32xf32, #tpu.memory_space<hbm>> -> memref<1x1024x32xf32, #tpu.memory_space<hbm>>
      %dma_start3A_57 = tpu.memref_squeeze %dma_start3A_56 : memref<1x1024x32xf32, #tpu.memory_space<hbm>> -> memref<1024x32xf32, #tpu.memory_space<hbm>>
      tpu.enqueue_dma source(%arg6 : memref<1024x32xf32, #tpu.memory_space<vmem>>) target(%dma_start3A_57 : memref<1024x32xf32, #tpu.memory_space<hbm>>) target_semaphore(%run_scoped3A : memref<!tpu.dma_semaphore, #tpu.memory_space<semaphore_mem>>)
      %dma_wait3A_58 = arith.constant 0 : i32
      %dma_wait3A_59 = tpu.memref_slice %arg4[%select_n3A, %mul3A_50, %dma_wait3A_58] : memref<2x16384x32xf32, #tpu.memory_space<hbm>> -> memref<1x1024x32xf32, #tpu.memory_space<hbm>>
      %dma_wait3A_60 = tpu.memref_squeeze %dma_wait3A_59 : memref<1x1024x32xf32, #tpu.memory_space<hbm>> -> memref<1024x32xf32, #tpu.memory_space<hbm>>
      %dma_wait3A_61 = arith.constant 0 : i32
      %dma_wait3A_62 = tpu.memref_slice %arg4[%select_n3A, %mul3A_50, %dma_wait3A_61] : memref<2x16384x32xf32, #tpu.memory_space<hbm>> -> memref<1x1024x32xf32, #tpu.memory_space<hbm>>
      %dma_wait3A_63 = tpu.memref_squeeze %dma_wait3A_62 : memref<1x1024x32xf32, #tpu.memory_space<hbm>> -> memref<1024x32xf32, #tpu.memory_space<hbm>>
      tpu.wait_dma2 semaphore(%run_scoped3A : memref<!tpu.dma_semaphore, #tpu.memory_space<semaphore_mem>>) src(%arg6 : memref<1024x32xf32, #tpu.memory_space<vmem>>) dst(%dma_wait3A_63 : memref<1024x32xf32, #tpu.memory_space<hbm>>)
      tpu.yield
    }) : () -> ()
    %scan3A_51 = arith.constant 1 : i32
    return
  }
}

#map = affine_map<(d0, d1) -> (0, 0)>
#map1 = affine_map<(d0, d1) -> (0, 0, 0)>
module attributes {stable_mosaic.version = 14 : i64} {
  func.func @body(%arg0: i32, %arg1: i32, %arg2: memref<2x16384xi32, #tpu.memory_space<hbm>>, %arg3: memref<2x100000x32xf32, #tpu.memory_space<hbm>>, %arg4: memref<2x16384x32xf32, #tpu.memory_space<hbm>>, %arg5: memref<1024xi32, #tpu.memory_space<vmem>>, %arg6: memref<1024x32xf32, #tpu.memory_space<vmem>>, %arg7: memref<!tpu.dma_semaphore, #tpu.memory_space<semaphore_mem>>) attributes {dimension_semantics = [#tpu.dimension_semantics<core_parallel>, #tpu.dimension_semantics<subcore_parallel>], iteration_bounds = array<i64: 2, 16>, scalar_prefetch = 0 : i64, scratch_operands = 3 : i64, tpu.core_type = #tpu.core_type<sc_vector_subcore>, window_params = [{transform_indices = #map}, {transform_indices = #map1}, {transform_indices = #map1}]} {
    %mul3A = arith.constant 2 : i32
    %mul3A_0 = arith.muli %arg1, %mul3A : i32
    %add3A = arith.addi %mul3A_0, %arg0 : i32
    %scan3A = arith.constant 0 : i32
    %scan3A_1 = arith.constant 0 : i32
    %mul3A_2 = arith.constant 1 : i32
    %mul3A_3 = arith.muli %add3A, %mul3A_2 : i32
    %add3A_4 = arith.addi %mul3A_3, %scan3A_1 : i32
    %jit3A = arith.constant 16 : i32
    %div3A = arith.divsi %add3A_4, %jit3A : i32
    %sign3A = arith.constant 0 : i32
    %sign3A_5 = arith.cmpi sgt, %add3A_4, %sign3A : i32
    %sign3A_6 = arith.extui %sign3A_5 : i1 to i32
    %sign3A_7 = arith.constant 0 : i32
    %sign3A_8 = arith.cmpi slt, %add3A_4, %sign3A_7 : i32
    %sign3A_9 = arith.extui %sign3A_8 : i1 to i32
    %sign3A_10 = arith.subi %sign3A_6, %sign3A_9 : i32
    %sign3A_11 = arith.constant 0 : i32
    %sign3A_12 = arith.cmpi sgt, %jit3A, %sign3A_11 : i32
    %sign3A_13 = arith.extui %sign3A_12 : i1 to i32
    %sign3A_14 = arith.constant 0 : i32
    %sign3A_15 = arith.cmpi slt, %jit3A, %sign3A_14 : i32
    %sign3A_16 = arith.extui %sign3A_15 : i1 to i32
    %sign3A_17 = arith.subi %sign3A_13, %sign3A_16 : i32
    %ne3A = arith.cmpi ne, %sign3A_10, %sign3A_17 : i32
    %rem3A = arith.remsi %add3A_4, %jit3A : i32
    %ne3A_18 = arith.constant 0 : i32
    %ne3A_19 = arith.cmpi ne, %rem3A, %ne3A_18 : i32
    %and3A = arith.andi %ne3A, %ne3A_19 : i1
    %sub3A = arith.constant 1 : i32
    %sub3A_20 = arith.subi %div3A, %sub3A : i32
    %select_n3A = arith.select %and3A, %sub3A_20, %div3A : i32
    %jit3A_21 = arith.constant 16 : i32
    %eq3A = arith.constant 0 : i32
    %eq3A_22 = arith.cmpi eq, %jit3A_21, %eq3A : i32
    %jit3A_23 = arith.constant 1 : i32
    %select_n3A_24 = arith.select %eq3A_22, %jit3A_23, %jit3A_21 : i32
    %rem3A_25 = arith.remsi %add3A_4, %select_n3A_24 : i32
    %ne3A_26 = arith.constant 0 : i32
    %ne3A_27 = arith.cmpi ne, %rem3A_25, %ne3A_26 : i32
    %lt3A = arith.constant 0 : i32
    %lt3A_28 = arith.cmpi slt, %rem3A_25, %lt3A : i32
    %lt3A_29 = arith.constant 0 : i32
    %lt3A_30 = arith.cmpi slt, %select_n3A_24, %lt3A_29 : i32
    %ne3A_31 = arith.xori %lt3A_28, %lt3A_30 : i1
    %and3A_32 = arith.andi %ne3A_31, %ne3A_27 : i1
    %add3A_33 = arith.addi %rem3A_25, %select_n3A_24 : i32
    %select_n3A_34 = arith.select %and3A_32, %add3A_33, %rem3A_25 : i32
    %mul3A_35 = arith.constant 1024 : i32
    %mul3A_36 = arith.muli %select_n3A_34, %mul3A_35 : i32
    "tpu.region"() ({
      %run_scoped3A = tpu.sem_alloc : memref<!tpu.dma_semaphore, #tpu.memory_space<semaphore_mem>>
      %dma_start3A_52 = tpu.memref_slice %arg2[%select_n3A, %mul3A_36] : memref<2x16384xi32, #tpu.memory_space<hbm>> -> memref<1x1024xi32, #tpu.memory_space<hbm>>
      %dma_start3A_53 = tpu.memref_squeeze %dma_start3A_52 : memref<1x1024xi32, #tpu.memory_space<hbm>> -> memref<1024xi32, #tpu.memory_space<hbm>>
      %dma_start3A_54 = tpu.memref_slice %arg2[%select_n3A, %mul3A_36] : memref<2x16384xi32, #tpu.memory_space<hbm>> -> memref<1x1024xi32, #tpu.memory_space<hbm>>
      %dma_start3A_55 = tpu.memref_squeeze %dma_start3A_54 : memref<1x1024xi32, #tpu.memory_space<hbm>> -> memref<1024xi32, #tpu.memory_space<hbm>>
      tpu.enqueue_dma source(%dma_start3A_55 : memref<1024xi32, #tpu.memory_space<hbm>>) target(%arg5 : memref<1024xi32, #tpu.memory_space<vmem>>) target_semaphore(%run_scoped3A : memref<!tpu.dma_semaphore, #tpu.memory_space<semaphore_mem>>)
      %dma_wait3A_56 = tpu.memref_slice %arg2[%select_n3A, %mul3A_36] : memref<2x16384xi32, #tpu.memory_space<hbm>> -> memref<1x1024xi32, #tpu.memory_space<hbm>>
      %dma_wait3A_57 = tpu.memref_squeeze %dma_wait3A_56 : memref<1x1024xi32, #tpu.memory_space<hbm>> -> memref<1024xi32, #tpu.memory_space<hbm>>
      %dma_wait3A_58 = tpu.memref_slice %arg2[%select_n3A, %mul3A_36] : memref<2x16384xi32, #tpu.memory_space<hbm>> -> memref<1x1024xi32, #tpu.memory_space<hbm>>
      %dma_wait3A_59 = tpu.memref_squeeze %dma_wait3A_58 : memref<1x1024xi32, #tpu.memory_space<hbm>> -> memref<1024xi32, #tpu.memory_space<hbm>>
      tpu.wait_dma2 semaphore(%run_scoped3A : memref<!tpu.dma_semaphore, #tpu.memory_space<semaphore_mem>>) src(%dma_wait3A_59 : memref<1024xi32, #tpu.memory_space<hbm>>) dst(%arg5 : memref<1024xi32, #tpu.memory_space<vmem>>)
      tpu.yield
    }) : () -> ()
    %dma_start3A = arith.constant 0 : i32
    %dma_start3A_37 = arith.constant 0 : i32
    %dma_start3A_38 = tpu.memref_slice %arg3[%select_n3A, %dma_start3A, %dma_start3A_37] : memref<2x100000x32xf32, #tpu.memory_space<hbm>> -> memref<1x100000x32xf32, #tpu.memory_space<hbm>>
    %dma_start3A_39 = tpu.memref_squeeze %dma_start3A_38 : memref<1x100000x32xf32, #tpu.memory_space<hbm>> -> memref<100000x32xf32, #tpu.memory_space<hbm>>
    %dma_start3A_40 = arith.constant 0 : i32
    %dma_start3A_41 = arith.constant 0 : i32
    %dma_start3A_42 = tpu.memref_slice %dma_start3A_39[%dma_start3A_40, %dma_start3A_41] : memref<100000x32xf32, #tpu.memory_space<hbm>> -> memref<100000x32xf32, #tpu.memory_space<hbm>>
    tpu.enqueue_indirect_dma source(%dma_start3A_42 : memref<100000x32xf32, #tpu.memory_space<hbm>>) target(%arg6 : memref<1024x32xf32, #tpu.memory_space<vmem>>) offsets(%arg5 : memref<1024xi32, #tpu.memory_space<vmem>>) semaphore(%arg7 : memref<!tpu.dma_semaphore, #tpu.memory_space<semaphore_mem>>)
    %dma_wait3A = arith.constant 0 : i32
    %dma_wait3A_43 = arith.constant 0 : i32
    %dma_wait3A_44 = tpu.memref_slice %arg3[%select_n3A, %dma_wait3A, %dma_wait3A_43] : memref<2x100000x32xf32, #tpu.memory_space<hbm>> -> memref<1x100000x32xf32, #tpu.memory_space<hbm>>
    %dma_wait3A_45 = tpu.memref_squeeze %dma_wait3A_44 : memref<1x100000x32xf32, #tpu.memory_space<hbm>> -> memref<100000x32xf32, #tpu.memory_space<hbm>>
    %dma_wait3A_46 = arith.constant 0 : i32
    %dma_wait3A_47 = arith.constant 0 : i32
    %dma_wait3A_48 = tpu.memref_slice %dma_wait3A_45[%dma_wait3A_46, %dma_wait3A_47] : memref<100000x32xf32, #tpu.memory_space<hbm>> -> memref<100000x32xf32, #tpu.memory_space<hbm>>
    tpu.wait_indirect_dma semaphore(%arg7 : memref<!tpu.dma_semaphore, #tpu.memory_space<semaphore_mem>>) src(%dma_wait3A_48 : memref<100000x32xf32, #tpu.memory_space<hbm>>) dst(%arg6 : memref<1024x32xf32, #tpu.memory_space<vmem>>)
    %mul3A_49 = arith.constant 1024 : i32
    %mul3A_50 = arith.muli %select_n3A_34, %mul3A_49 : i32
    "tpu.region"() ({
      %run_scoped3A = tpu.sem_alloc : memref<!tpu.dma_semaphore, #tpu.memory_space<semaphore_mem>>
      %dma_start3A_52 = arith.constant 0 : i32
      %dma_start3A_53 = tpu.memref_slice %arg4[%select_n3A, %mul3A_50, %dma_start3A_52] : memref<2x16384x32xf32, #tpu.memory_space<hbm>> -> memref<1x1024x32xf32, #tpu.memory_space<hbm>>
      %dma_start3A_54 = tpu.memref_squeeze %dma_start3A_53 : memref<1x1024x32xf32, #tpu.memory_space<hbm>> -> memref<1024x32xf32, #tpu.memory_space<hbm>>
      %dma_start3A_55 = arith.constant 0 : i32
      %dma_start3A_56 = tpu.memref_slice %arg4[%select_n3A, %mul3A_50, %dma_start3A_55] : memref<2x16384x32xf32, #tpu.memory_space<hbm>> -> memref<1x1024x32xf32, #tpu.memory_space<hbm>>
      %dma_start3A_57 = tpu.memref_squeeze %dma_start3A_56 : memref<1x1024x32xf32, #tpu.memory_space<hbm>> -> memref<1024x32xf32, #tpu.memory_space<hbm>>
      tpu.enqueue_dma source(%arg6 : memref<1024x32xf32, #tpu.memory_space<vmem>>) target(%dma_start3A_57 : memref<1024x32xf32, #tpu.memory_space<hbm>>) target_semaphore(%run_scoped3A : memref<!tpu.dma_semaphore, #tpu.memory_space<semaphore_mem>>)
      %dma_wait3A_58 = arith.constant 0 : i32
      %dma_wait3A_59 = tpu.memref_slice %arg4[%select_n3A, %mul3A_50, %dma_wait3A_58] : memref<2x16384x32xf32, #tpu.memory_space<hbm>> -> memref<1x1024x32xf32, #tpu.memory_space<hbm>>
      %dma_wait3A_60 = tpu.memref_squeeze %dma_wait3A_59 : memref<1x1024x32xf32, #tpu.memory_space<hbm>> -> memref<1024x32xf32, #tpu.memory_space<hbm>>
      %dma_wait3A_61 = arith.constant 0 : i32
      %dma_wait3A_62 = tpu.memref_slice %arg4[%select_n3A, %mul3A_50, %dma_wait3A_61] : memref<2x16384x32xf32, #tpu.memory_space<hbm>> -> memref<1x1024x32xf32, #tpu.memory_space<hbm>>
      %dma_wait3A_63 = tpu.memref_squeeze %dma_wait3A_62 : memref<1x1024x32xf32, #tpu.memory_space<hbm>> -> memref<1024x32xf32, #tpu.memory_space<hbm>>
      tpu.wait_dma2 semaphore(%run_scoped3A : memref<!tpu.dma_semaphore, #tpu.memory_space<semaphore_mem>>) src(%arg6 : memref<1024x32xf32, #tpu.memory_space<vmem>>) dst(%dma_wait3A_63 : memref<1024x32xf32, #tpu.memory_space<hbm>>)
      tpu.yield
    }) : () -> ()
    %scan3A_51 = arith.constant 1 : i32
    return
  }
}

#map = affine_map<(d0, d1) -> (0, 0)>
#map1 = affine_map<(d0, d1) -> (0, 0, 0)>
module attributes {stable_mosaic.version = 14 : i64} {
  func.func @body(%arg0: i32, %arg1: i32, %arg2: memref<2x16384xi32, #tpu.memory_space<hbm>>, %arg3: memref<2x100000x32xf32, #tpu.memory_space<hbm>>, %arg4: memref<2x16384x32xf32, #tpu.memory_space<hbm>>, %arg5: memref<1024xi32, #tpu.memory_space<vmem>>, %arg6: memref<1024x32xf32, #tpu.memory_space<vmem>>, %arg7: memref<!tpu.dma_semaphore, #tpu.memory_space<semaphore_mem>>) attributes {dimension_semantics = [#tpu.dimension_semantics<core_parallel>, #tpu.dimension_semantics<subcore_parallel>], iteration_bounds = array<i64: 2, 16>, scalar_prefetch = 0 : i64, scratch_operands = 3 : i64, tpu.core_type = #tpu.core_type<sc_vector_subcore>, window_params = [{transform_indices = #map}, {transform_indices = #map1}, {transform_indices = #map1}]} {
    %mul3A = arith.constant 2 : i32
    %mul3A_0 = arith.muli %arg1, %mul3A : i32
    %add3A = arith.addi %mul3A_0, %arg0 : i32
    %scan3A = arith.constant 0 : i32
    %scan3A_1 = arith.constant 0 : i32
    %mul3A_2 = arith.constant 1 : i32
    %mul3A_3 = arith.muli %add3A, %mul3A_2 : i32
    %add3A_4 = arith.addi %mul3A_3, %scan3A_1 : i32
    %jit3A = arith.constant 16 : i32
    %div3A = arith.divsi %add3A_4, %jit3A : i32
    %sign3A = arith.constant 0 : i32
    %sign3A_5 = arith.cmpi sgt, %add3A_4, %sign3A : i32
    %sign3A_6 = arith.extui %sign3A_5 : i1 to i32
    %sign3A_7 = arith.constant 0 : i32
    %sign3A_8 = arith.cmpi slt, %add3A_4, %sign3A_7 : i32
    %sign3A_9 = arith.extui %sign3A_8 : i1 to i32
    %sign3A_10 = arith.subi %sign3A_6, %sign3A_9 : i32
    %sign3A_11 = arith.constant 0 : i32
    %sign3A_12 = arith.cmpi sgt, %jit3A, %sign3A_11 : i32
    %sign3A_13 = arith.extui %sign3A_12 : i1 to i32
    %sign3A_14 = arith.constant 0 : i32
    %sign3A_15 = arith.cmpi slt, %jit3A, %sign3A_14 : i32
    %sign3A_16 = arith.extui %sign3A_15 : i1 to i32
    %sign3A_17 = arith.subi %sign3A_13, %sign3A_16 : i32
    %ne3A = arith.cmpi ne, %sign3A_10, %sign3A_17 : i32
    %rem3A = arith.remsi %add3A_4, %jit3A : i32
    %ne3A_18 = arith.constant 0 : i32
    %ne3A_19 = arith.cmpi ne, %rem3A, %ne3A_18 : i32
    %and3A = arith.andi %ne3A, %ne3A_19 : i1
    %sub3A = arith.constant 1 : i32
    %sub3A_20 = arith.subi %div3A, %sub3A : i32
    %select_n3A = arith.select %and3A, %sub3A_20, %div3A : i32
    %jit3A_21 = arith.constant 16 : i32
    %eq3A = arith.constant 0 : i32
    %eq3A_22 = arith.cmpi eq, %jit3A_21, %eq3A : i32
    %jit3A_23 = arith.constant 1 : i32
    %select_n3A_24 = arith.select %eq3A_22, %jit3A_23, %jit3A_21 : i32
    %rem3A_25 = arith.remsi %add3A_4, %select_n3A_24 : i32
    %ne3A_26 = arith.constant 0 : i32
    %ne3A_27 = arith.cmpi ne, %rem3A_25, %ne3A_26 : i32
    %lt3A = arith.constant 0 : i32
    %lt3A_28 = arith.cmpi slt, %rem3A_25, %lt3A : i32
    %lt3A_29 = arith.constant 0 : i32
    %lt3A_30 = arith.cmpi slt, %select_n3A_24, %lt3A_29 : i32
    %ne3A_31 = arith.xori %lt3A_28, %lt3A_30 : i1
    %and3A_32 = arith.andi %ne3A_31, %ne3A_27 : i1
    %add3A_33 = arith.addi %rem3A_25, %select_n3A_24 : i32
    %select_n3A_34 = arith.select %and3A_32, %add3A_33, %rem3A_25 : i32
    %mul3A_35 = arith.constant 1024 : i32
    %mul3A_36 = arith.muli %select_n3A_34, %mul3A_35 : i32
    "tpu.region"() ({
      %run_scoped3A = tpu.sem_alloc : memref<!tpu.dma_semaphore, #tpu.memory_space<semaphore_mem>>
      %dma_start3A_52 = tpu.memref_slice %arg2[%select_n3A, %mul3A_36] : memref<2x16384xi32, #tpu.memory_space<hbm>> -> memref<1x1024xi32, #tpu.memory_space<hbm>>
      %dma_start3A_53 = tpu.memref_squeeze %dma_start3A_52 : memref<1x1024xi32, #tpu.memory_space<hbm>> -> memref<1024xi32, #tpu.memory_space<hbm>>
      %dma_start3A_54 = tpu.memref_slice %arg2[%select_n3A, %mul3A_36] : memref<2x16384xi32, #tpu.memory_space<hbm>> -> memref<1x1024xi32, #tpu.memory_space<hbm>>
      %dma_start3A_55 = tpu.memref_squeeze %dma_start3A_54 : memref<1x1024xi32, #tpu.memory_space<hbm>> -> memref<1024xi32, #tpu.memory_space<hbm>>
      tpu.enqueue_dma source(%dma_start3A_55 : memref<1024xi32, #tpu.memory_space<hbm>>) target(%arg5 : memref<1024xi32, #tpu.memory_space<vmem>>) target_semaphore(%run_scoped3A : memref<!tpu.dma_semaphore, #tpu.memory_space<semaphore_mem>>)
      %dma_wait3A_56 = tpu.memref_slice %arg2[%select_n3A, %mul3A_36] : memref<2x16384xi32, #tpu.memory_space<hbm>> -> memref<1x1024xi32, #tpu.memory_space<hbm>>
      %dma_wait3A_57 = tpu.memref_squeeze %dma_wait3A_56 : memref<1x1024xi32, #tpu.memory_space<hbm>> -> memref<1024xi32, #tpu.memory_space<hbm>>
      %dma_wait3A_58 = tpu.memref_slice %arg2[%select_n3A, %mul3A_36] : memref<2x16384xi32, #tpu.memory_space<hbm>> -> memref<1x1024xi32, #tpu.memory_space<hbm>>
      %dma_wait3A_59 = tpu.memref_squeeze %dma_wait3A_58 : memref<1x1024xi32, #tpu.memory_space<hbm>> -> memref<1024xi32, #tpu.memory_space<hbm>>
      tpu.wait_dma2 semaphore(%run_scoped3A : memref<!tpu.dma_semaphore, #tpu.memory_space<semaphore_mem>>) src(%dma_wait3A_59 : memref<1024xi32, #tpu.memory_space<hbm>>) dst(%arg5 : memref<1024xi32, #tpu.memory_space<vmem>>)
      tpu.yield
    }) : () -> ()
    %dma_start3A = arith.constant 0 : i32
    %dma_start3A_37 = arith.constant 0 : i32
    %dma_start3A_38 = tpu.memref_slice %arg3[%select_n3A, %dma_start3A, %dma_start3A_37] : memref<2x100000x32xf32, #tpu.memory_space<hbm>> -> memref<1x100000x32xf32, #tpu.memory_space<hbm>>
    %dma_start3A_39 = tpu.memref_squeeze %dma_start3A_38 : memref<1x100000x32xf32, #tpu.memory_space<hbm>> -> memref<100000x32xf32, #tpu.memory_space<hbm>>
    %dma_start3A_40 = arith.constant 0 : i32
    %dma_start3A_41 = arith.constant 0 : i32
    %dma_start3A_42 = tpu.memref_slice %dma_start3A_39[%dma_start3A_40, %dma_start3A_41] : memref<100000x32xf32, #tpu.memory_space<hbm>> -> memref<100000x32xf32, #tpu.memory_space<hbm>>
    tpu.enqueue_indirect_dma source(%dma_start3A_42 : memref<100000x32xf32, #tpu.memory_space<hbm>>) target(%arg6 : memref<1024x32xf32, #tpu.memory_space<vmem>>) offsets(%arg5 : memref<1024xi32, #tpu.memory_space<vmem>>) semaphore(%arg7 : memref<!tpu.dma_semaphore, #tpu.memory_space<semaphore_mem>>)
    %dma_wait3A = arith.constant 0 : i32
    %dma_wait3A_43 = arith.constant 0 : i32
    %dma_wait3A_44 = tpu.memref_slice %arg3[%select_n3A, %dma_wait3A, %dma_wait3A_43] : memref<2x100000x32xf32, #tpu.memory_space<hbm>> -> memref<1x100000x32xf32, #tpu.memory_space<hbm>>
    %dma_wait3A_45 = tpu.memref_squeeze %dma_wait3A_44 : memref<1x100000x32xf32, #tpu.memory_space<hbm>> -> memref<100000x32xf32, #tpu.memory_space<hbm>>
    %dma_wait3A_46 = arith.constant 0 : i32
    %dma_wait3A_47 = arith.constant 0 : i32
    %dma_wait3A_48 = tpu.memref_slice %dma_wait3A_45[%dma_wait3A_46, %dma_wait3A_47] : memref<100000x32xf32, #tpu.memory_space<hbm>> -> memref<100000x32xf32, #tpu.memory_space<hbm>>
    tpu.wait_indirect_dma semaphore(%arg7 : memref<!tpu.dma_semaphore, #tpu.memory_space<semaphore_mem>>) src(%dma_wait3A_48 : memref<100000x32xf32, #tpu.memory_space<hbm>>) dst(%arg6 : memref<1024x32xf32, #tpu.memory_space<vmem>>)
    %mul3A_49 = arith.constant 1024 : i32
    %mul3A_50 = arith.muli %select_n3A_34, %mul3A_49 : i32
    "tpu.region"() ({
      %run_scoped3A = tpu.sem_alloc : memref<!tpu.dma_semaphore, #tpu.memory_space<semaphore_mem>>
      %dma_start3A_52 = arith.constant 0 : i32
      %dma_start3A_53 = tpu.memref_slice %arg4[%select_n3A, %mul3A_50, %dma_start3A_52] : memref<2x16384x32xf32, #tpu.memory_space<hbm>> -> memref<1x1024x32xf32, #tpu.memory_space<hbm>>
      %dma_start3A_54 = tpu.memref_squeeze %dma_start3A_53 : memref<1x1024x32xf32, #tpu.memory_space<hbm>> -> memref<1024x32xf32, #tpu.memory_space<hbm>>
      %dma_start3A_55 = arith.constant 0 : i32
      %dma_start3A_56 = tpu.memref_slice %arg4[%select_n3A, %mul3A_50, %dma_start3A_55] : memref<2x16384x32xf32, #tpu.memory_space<hbm>> -> memref<1x1024x32xf32, #tpu.memory_space<hbm>>
      %dma_start3A_57 = tpu.memref_squeeze %dma_start3A_56 : memref<1x1024x32xf32, #tpu.memory_space<hbm>> -> memref<1024x32xf32, #tpu.memory_space<hbm>>
      tpu.enqueue_dma source(%arg6 : memref<1024x32xf32, #tpu.memory_space<vmem>>) target(%dma_start3A_57 : memref<1024x32xf32, #tpu.memory_space<hbm>>) target_semaphore(%run_scoped3A : memref<!tpu.dma_semaphore, #tpu.memory_space<semaphore_mem>>)
      %dma_wait3A_58 = arith.constant 0 : i32
      %dma_wait3A_59 = tpu.memref_slice %arg4[%select_n3A, %mul3A_50, %dma_wait3A_58] : memref<2x16384x32xf32, #tpu.memory_space<hbm>> -> memref<1x1024x32xf32, #tpu.memory_space<hbm>>
      %dma_wait3A_60 = tpu.memref_squeeze %dma_wait3A_59 : memref<1x1024x32xf32, #tpu.memory_space<hbm>> -> memref<1024x32xf32, #tpu.memory_space<hbm>>
      %dma_wait3A_61 = arith.constant 0 : i32
      %dma_wait3A_62 = tpu.memref_slice %arg4[%select_n3A, %mul3A_50, %dma_wait3A_61] : memref<2x16384x32xf32, #tpu.memory_space<hbm>> -> memref<1x1024x32xf32, #tpu.memory_space<hbm>>
      %dma_wait3A_63 = tpu.memref_squeeze %dma_wait3A_62 : memref<1x1024x32xf32, #tpu.memory_space<hbm>> -> memref<1024x32xf32, #tpu.memory_space<hbm>>
      tpu.wait_dma2 semaphore(%run_scoped3A : memref<!tpu.dma_semaphore, #tpu.memory_space<semaphore_mem>>) src(%arg6 : memref<1024x32xf32, #tpu.memory_space<vmem>>) dst(%dma_wait3A_63 : memref<1024x32xf32, #tpu.memory_space<hbm>>)
      tpu.yield
    }) : () -> ()
    %scan3A_51 = arith.constant 1 : i32
    return
  }
}

#map = affine_map<(d0, d1) -> (0, 0)>
#map1 = affine_map<(d0, d1) -> (0, 0, 0)>
module attributes {stable_mosaic.version = 14 : i64} {
  func.func @body(%arg0: i32, %arg1: i32, %arg2: memref<2x16384xi32, #tpu.memory_space<hbm>>, %arg3: memref<2x100000x32xf32, #tpu.memory_space<hbm>>, %arg4: memref<2x16384x32xf32, #tpu.memory_space<hbm>>, %arg5: memref<1024xi32, #tpu.memory_space<vmem>>, %arg6: memref<1024x32xf32, #tpu.memory_space<vmem>>, %arg7: memref<!tpu.dma_semaphore, #tpu.memory_space<semaphore_mem>>) attributes {dimension_semantics = [#tpu.dimension_semantics<core_parallel>, #tpu.dimension_semantics<subcore_parallel>], iteration_bounds = array<i64: 2, 16>, scalar_prefetch = 0 : i64, scratch_operands = 3 : i64, tpu.core_type = #tpu.core_type<sc_vector_subcore>, window_params = [{transform_indices = #map}, {transform_indices = #map1}, {transform_indices = #map1}]} {
    %mul3A = arith.constant 2 : i32
    %mul3A_0 = arith.muli %arg1, %mul3A : i32
    %add3A = arith.addi %mul3A_0, %arg0 : i32
    %scan3A = arith.constant 0 : i32
    %scan3A_1 = arith.constant 0 : i32
    %mul3A_2 = arith.constant 1 : i32
    %mul3A_3 = arith.muli %add3A, %mul3A_2 : i32
    %add3A_4 = arith.addi %mul3A_3, %scan3A_1 : i32
    %jit3A = arith.constant 16 : i32
    %div3A = arith.divsi %add3A_4, %jit3A : i32
    %sign3A = arith.constant 0 : i32
    %sign3A_5 = arith.cmpi sgt, %add3A_4, %sign3A : i32
    %sign3A_6 = arith.extui %sign3A_5 : i1 to i32
    %sign3A_7 = arith.constant 0 : i32
    %sign3A_8 = arith.cmpi slt, %add3A_4, %sign3A_7 : i32
    %sign3A_9 = arith.extui %sign3A_8 : i1 to i32
    %sign3A_10 = arith.subi %sign3A_6, %sign3A_9 : i32
    %sign3A_11 = arith.constant 0 : i32
    %sign3A_12 = arith.cmpi sgt, %jit3A, %sign3A_11 : i32
    %sign3A_13 = arith.extui %sign3A_12 : i1 to i32
    %sign3A_14 = arith.constant 0 : i32
    %sign3A_15 = arith.cmpi slt, %jit3A, %sign3A_14 : i32
    %sign3A_16 = arith.extui %sign3A_15 : i1 to i32
    %sign3A_17 = arith.subi %sign3A_13, %sign3A_16 : i32
    %ne3A = arith.cmpi ne, %sign3A_10, %sign3A_17 : i32
    %rem3A = arith.remsi %add3A_4, %jit3A : i32
    %ne3A_18 = arith.constant 0 : i32
    %ne3A_19 = arith.cmpi ne, %rem3A, %ne3A_18 : i32
    %and3A = arith.andi %ne3A, %ne3A_19 : i1
    %sub3A = arith.constant 1 : i32
    %sub3A_20 = arith.subi %div3A, %sub3A : i32
    %select_n3A = arith.select %and3A, %sub3A_20, %div3A : i32
    %jit3A_21 = arith.constant 16 : i32
    %eq3A = arith.constant 0 : i32
    %eq3A_22 = arith.cmpi eq, %jit3A_21, %eq3A : i32
    %jit3A_23 = arith.constant 1 : i32
    %select_n3A_24 = arith.select %eq3A_22, %jit3A_23, %jit3A_21 : i32
    %rem3A_25 = arith.remsi %add3A_4, %select_n3A_24 : i32
    %ne3A_26 = arith.constant 0 : i32
    %ne3A_27 = arith.cmpi ne, %rem3A_25, %ne3A_26 : i32
    %lt3A = arith.constant 0 : i32
    %lt3A_28 = arith.cmpi slt, %rem3A_25, %lt3A : i32
    %lt3A_29 = arith.constant 0 : i32
    %lt3A_30 = arith.cmpi slt, %select_n3A_24, %lt3A_29 : i32
    %ne3A_31 = arith.xori %lt3A_28, %lt3A_30 : i1
    %and3A_32 = arith.andi %ne3A_31, %ne3A_27 : i1
    %add3A_33 = arith.addi %rem3A_25, %select_n3A_24 : i32
    %select_n3A_34 = arith.select %and3A_32, %add3A_33, %rem3A_25 : i32
    %mul3A_35 = arith.constant 1024 : i32
    %mul3A_36 = arith.muli %select_n3A_34, %mul3A_35 : i32
    "tpu.region"() ({
      %run_scoped3A = tpu.sem_alloc : memref<!tpu.dma_semaphore, #tpu.memory_space<semaphore_mem>>
      %dma_start3A_52 = tpu.memref_slice %arg2[%select_n3A, %mul3A_36] : memref<2x16384xi32, #tpu.memory_space<hbm>> -> memref<1x1024xi32, #tpu.memory_space<hbm>>
      %dma_start3A_53 = tpu.memref_squeeze %dma_start3A_52 : memref<1x1024xi32, #tpu.memory_space<hbm>> -> memref<1024xi32, #tpu.memory_space<hbm>>
      %dma_start3A_54 = tpu.memref_slice %arg2[%select_n3A, %mul3A_36] : memref<2x16384xi32, #tpu.memory_space<hbm>> -> memref<1x1024xi32, #tpu.memory_space<hbm>>
      %dma_start3A_55 = tpu.memref_squeeze %dma_start3A_54 : memref<1x1024xi32, #tpu.memory_space<hbm>> -> memref<1024xi32, #tpu.memory_space<hbm>>
      tpu.enqueue_dma source(%dma_start3A_55 : memref<1024xi32, #tpu.memory_space<hbm>>) target(%arg5 : memref<1024xi32, #tpu.memory_space<vmem>>) target_semaphore(%run_scoped3A : memref<!tpu.dma_semaphore, #tpu.memory_space<semaphore_mem>>)
      %dma_wait3A_56 = tpu.memref_slice %arg2[%select_n3A, %mul3A_36] : memref<2x16384xi32, #tpu.memory_space<hbm>> -> memref<1x1024xi32, #tpu.memory_space<hbm>>
      %dma_wait3A_57 = tpu.memref_squeeze %dma_wait3A_56 : memref<1x1024xi32, #tpu.memory_space<hbm>> -> memref<1024xi32, #tpu.memory_space<hbm>>
      %dma_wait3A_58 = tpu.memref_slice %arg2[%select_n3A, %mul3A_36] : memref<2x16384xi32, #tpu.memory_space<hbm>> -> memref<1x1024xi32, #tpu.memory_space<hbm>>
      %dma_wait3A_59 = tpu.memref_squeeze %dma_wait3A_58 : memref<1x1024xi32, #tpu.memory_space<hbm>> -> memref<1024xi32, #tpu.memory_space<hbm>>
      tpu.wait_dma2 semaphore(%run_scoped3A : memref<!tpu.dma_semaphore, #tpu.memory_space<semaphore_mem>>) src(%dma_wait3A_59 : memref<1024xi32, #tpu.memory_space<hbm>>) dst(%arg5 : memref<1024xi32, #tpu.memory_space<vmem>>)
      tpu.yield
    }) : () -> ()
    %dma_start3A = arith.constant 0 : i32
    %dma_start3A_37 = arith.constant 0 : i32
    %dma_start3A_38 = tpu.memref_slice %arg3[%select_n3A, %dma_start3A, %dma_start3A_37] : memref<2x100000x32xf32, #tpu.memory_space<hbm>> -> memref<1x100000x32xf32, #tpu.memory_space<hbm>>
    %dma_start3A_39 = tpu.memref_squeeze %dma_start3A_38 : memref<1x100000x32xf32, #tpu.memory_space<hbm>> -> memref<100000x32xf32, #tpu.memory_space<hbm>>
    %dma_start3A_40 = arith.constant 0 : i32
    %dma_start3A_41 = arith.constant 0 : i32
    %dma_start3A_42 = tpu.memref_slice %dma_start3A_39[%dma_start3A_40, %dma_start3A_41] : memref<100000x32xf32, #tpu.memory_space<hbm>> -> memref<100000x32xf32, #tpu.memory_space<hbm>>
    tpu.enqueue_indirect_dma source(%dma_start3A_42 : memref<100000x32xf32, #tpu.memory_space<hbm>>) target(%arg6 : memref<1024x32xf32, #tpu.memory_space<vmem>>) offsets(%arg5 : memref<1024xi32, #tpu.memory_space<vmem>>) semaphore(%arg7 : memref<!tpu.dma_semaphore, #tpu.memory_space<semaphore_mem>>)
    %dma_wait3A = arith.constant 0 : i32
    %dma_wait3A_43 = arith.constant 0 : i32
    %dma_wait3A_44 = tpu.memref_slice %arg3[%select_n3A, %dma_wait3A, %dma_wait3A_43] : memref<2x100000x32xf32, #tpu.memory_space<hbm>> -> memref<1x100000x32xf32, #tpu.memory_space<hbm>>
    %dma_wait3A_45 = tpu.memref_squeeze %dma_wait3A_44 : memref<1x100000x32xf32, #tpu.memory_space<hbm>> -> memref<100000x32xf32, #tpu.memory_space<hbm>>
    %dma_wait3A_46 = arith.constant 0 : i32
    %dma_wait3A_47 = arith.constant 0 : i32
    %dma_wait3A_48 = tpu.memref_slice %dma_wait3A_45[%dma_wait3A_46, %dma_wait3A_47] : memref<100000x32xf32, #tpu.memory_space<hbm>> -> memref<100000x32xf32, #tpu.memory_space<hbm>>
    tpu.wait_indirect_dma semaphore(%arg7 : memref<!tpu.dma_semaphore, #tpu.memory_space<semaphore_mem>>) src(%dma_wait3A_48 : memref<100000x32xf32, #tpu.memory_space<hbm>>) dst(%arg6 : memref<1024x32xf32, #tpu.memory_space<vmem>>)
    %mul3A_49 = arith.constant 1024 : i32
    %mul3A_50 = arith.muli %select_n3A_34, %mul3A_49 : i32
    "tpu.region"() ({
      %run_scoped3A = tpu.sem_alloc : memref<!tpu.dma_semaphore, #tpu.memory_space<semaphore_mem>>
      %dma_start3A_52 = arith.constant 0 : i32
      %dma_start3A_53 = tpu.memref_slice %arg4[%select_n3A, %mul3A_50, %dma_start3A_52] : memref<2x16384x32xf32, #tpu.memory_space<hbm>> -> memref<1x1024x32xf32, #tpu.memory_space<hbm>>
      %dma_start3A_54 = tpu.memref_squeeze %dma_start3A_53 : memref<1x1024x32xf32, #tpu.memory_space<hbm>> -> memref<1024x32xf32, #tpu.memory_space<hbm>>
      %dma_start3A_55 = arith.constant 0 : i32
      %dma_start3A_56 = tpu.memref_slice %arg4[%select_n3A, %mul3A_50, %dma_start3A_55] : memref<2x16384x32xf32, #tpu.memory_space<hbm>> -> memref<1x1024x32xf32, #tpu.memory_space<hbm>>
      %dma_start3A_57 = tpu.memref_squeeze %dma_start3A_56 : memref<1x1024x32xf32, #tpu.memory_space<hbm>> -> memref<1024x32xf32, #tpu.memory_space<hbm>>
      tpu.enqueue_dma source(%arg6 : memref<1024x32xf32, #tpu.memory_space<vmem>>) target(%dma_start3A_57 : memref<1024x32xf32, #tpu.memory_space<hbm>>) target_semaphore(%run_scoped3A : memref<!tpu.dma_semaphore, #tpu.memory_space<semaphore_mem>>)
      %dma_wait3A_58 = arith.constant 0 : i32
      %dma_wait3A_59 = tpu.memref_slice %arg4[%select_n3A, %mul3A_50, %dma_wait3A_58] : memref<2x16384x32xf32, #tpu.memory_space<hbm>> -> memref<1x1024x32xf32, #tpu.memory_space<hbm>>
      %dma_wait3A_60 = tpu.memref_squeeze %dma_wait3A_59 : memref<1x1024x32xf32, #tpu.memory_space<hbm>> -> memref<1024x32xf32, #tpu.memory_space<hbm>>
      %dma_wait3A_61 = arith.constant 0 : i32
      %dma_wait3A_62 = tpu.memref_slice %arg4[%select_n3A, %mul3A_50, %dma_wait3A_61] : memref<2x16384x32xf32, #tpu.memory_space<hbm>> -> memref<1x1024x32xf32, #tpu.memory_space<hbm>>
      %dma_wait3A_63 = tpu.memref_squeeze %dma_wait3A_62 : memref<1x1024x32xf32, #tpu.memory_space<hbm>> -> memref<1024x32xf32, #tpu.memory_space<hbm>>
      tpu.wait_dma2 semaphore(%run_scoped3A : memref<!tpu.dma_semaphore, #tpu.memory_space<semaphore_mem>>) src(%arg6 : memref<1024x32xf32, #tpu.memory_space<vmem>>) dst(%dma_wait3A_63 : memref<1024x32xf32, #tpu.memory_space<hbm>>)
      tpu.yield
    }) : () -> ()
    %scan3A_51 = arith.constant 1 : i32
    return
  }
}

#map = affine_map<(d0, d1) -> (0, 0)>
#map1 = affine_map<(d0, d1) -> (0, 0, 0)>
module attributes {stable_mosaic.version = 14 : i64} {
  func.func @body(%arg0: i32, %arg1: i32, %arg2: memref<2x16384xi32, #tpu.memory_space<hbm>>, %arg3: memref<2x100000x32xf32, #tpu.memory_space<hbm>>, %arg4: memref<2x16384x32xf32, #tpu.memory_space<hbm>>, %arg5: memref<1024xi32, #tpu.memory_space<vmem>>, %arg6: memref<1024x32xf32, #tpu.memory_space<vmem>>, %arg7: memref<!tpu.dma_semaphore, #tpu.memory_space<semaphore_mem>>) attributes {dimension_semantics = [#tpu.dimension_semantics<core_parallel>, #tpu.dimension_semantics<subcore_parallel>], iteration_bounds = array<i64: 2, 16>, scalar_prefetch = 0 : i64, scratch_operands = 3 : i64, tpu.core_type = #tpu.core_type<sc_vector_subcore>, window_params = [{transform_indices = #map}, {transform_indices = #map1}, {transform_indices = #map1}]} {
    %mul3A = arith.constant 2 : i32
    %mul3A_0 = arith.muli %arg1, %mul3A : i32
    %add3A = arith.addi %mul3A_0, %arg0 : i32
    %scan3A = arith.constant 0 : i32
    %scan3A_1 = arith.constant 0 : i32
    %mul3A_2 = arith.constant 1 : i32
    %mul3A_3 = arith.muli %add3A, %mul3A_2 : i32
    %add3A_4 = arith.addi %mul3A_3, %scan3A_1 : i32
    %jit3A = arith.constant 16 : i32
    %div3A = arith.divsi %add3A_4, %jit3A : i32
    %sign3A = arith.constant 0 : i32
    %sign3A_5 = arith.cmpi sgt, %add3A_4, %sign3A : i32
    %sign3A_6 = arith.extui %sign3A_5 : i1 to i32
    %sign3A_7 = arith.constant 0 : i32
    %sign3A_8 = arith.cmpi slt, %add3A_4, %sign3A_7 : i32
    %sign3A_9 = arith.extui %sign3A_8 : i1 to i32
    %sign3A_10 = arith.subi %sign3A_6, %sign3A_9 : i32
    %sign3A_11 = arith.constant 0 : i32
    %sign3A_12 = arith.cmpi sgt, %jit3A, %sign3A_11 : i32
    %sign3A_13 = arith.extui %sign3A_12 : i1 to i32
    %sign3A_14 = arith.constant 0 : i32
    %sign3A_15 = arith.cmpi slt, %jit3A, %sign3A_14 : i32
    %sign3A_16 = arith.extui %sign3A_15 : i1 to i32
    %sign3A_17 = arith.subi %sign3A_13, %sign3A_16 : i32
    %ne3A = arith.cmpi ne, %sign3A_10, %sign3A_17 : i32
    %rem3A = arith.remsi %add3A_4, %jit3A : i32
    %ne3A_18 = arith.constant 0 : i32
    %ne3A_19 = arith.cmpi ne, %rem3A, %ne3A_18 : i32
    %and3A = arith.andi %ne3A, %ne3A_19 : i1
    %sub3A = arith.constant 1 : i32
    %sub3A_20 = arith.subi %div3A, %sub3A : i32
    %select_n3A = arith.select %and3A, %sub3A_20, %div3A : i32
    %jit3A_21 = arith.constant 16 : i32
    %eq3A = arith.constant 0 : i32
    %eq3A_22 = arith.cmpi eq, %jit3A_21, %eq3A : i32
    %jit3A_23 = arith.constant 1 : i32
    %select_n3A_24 = arith.select %eq3A_22, %jit3A_23, %jit3A_21 : i32
    %rem3A_25 = arith.remsi %add3A_4, %select_n3A_24 : i32
    %ne3A_26 = arith.constant 0 : i32
    %ne3A_27 = arith.cmpi ne, %rem3A_25, %ne3A_26 : i32
    %lt3A = arith.constant 0 : i32
    %lt3A_28 = arith.cmpi slt, %rem3A_25, %lt3A : i32
    %lt3A_29 = arith.constant 0 : i32
    %lt3A_30 = arith.cmpi slt, %select_n3A_24, %lt3A_29 : i32
    %ne3A_31 = arith.xori %lt3A_28, %lt3A_30 : i1
    %and3A_32 = arith.andi %ne3A_31, %ne3A_27 : i1
    %add3A_33 = arith.addi %rem3A_25, %select_n3A_24 : i32
    %select_n3A_34 = arith.select %and3A_32, %add3A_33, %rem3A_25 : i32
    %mul3A_35 = arith.constant 1024 : i32
    %mul3A_36 = arith.muli %select_n3A_34, %mul3A_35 : i32
    "tpu.region"() ({
      %run_scoped3A = tpu.sem_alloc : memref<!tpu.dma_semaphore, #tpu.memory_space<semaphore_mem>>
      %dma_start3A_52 = tpu.memref_slice %arg2[%select_n3A, %mul3A_36] : memref<2x16384xi32, #tpu.memory_space<hbm>> -> memref<1x1024xi32, #tpu.memory_space<hbm>>
      %dma_start3A_53 = tpu.memref_squeeze %dma_start3A_52 : memref<1x1024xi32, #tpu.memory_space<hbm>> -> memref<1024xi32, #tpu.memory_space<hbm>>
      %dma_start3A_54 = tpu.memref_slice %arg2[%select_n3A, %mul3A_36] : memref<2x16384xi32, #tpu.memory_space<hbm>> -> memref<1x1024xi32, #tpu.memory_space<hbm>>
      %dma_start3A_55 = tpu.memref_squeeze %dma_start3A_54 : memref<1x1024xi32, #tpu.memory_space<hbm>> -> memref<1024xi32, #tpu.memory_space<hbm>>
      tpu.enqueue_dma source(%dma_start3A_55 : memref<1024xi32, #tpu.memory_space<hbm>>) target(%arg5 : memref<1024xi32, #tpu.memory_space<vmem>>) target_semaphore(%run_scoped3A : memref<!tpu.dma_semaphore, #tpu.memory_space<semaphore_mem>>)
      %dma_wait3A_56 = tpu.memref_slice %arg2[%select_n3A, %mul3A_36] : memref<2x16384xi32, #tpu.memory_space<hbm>> -> memref<1x1024xi32, #tpu.memory_space<hbm>>
      %dma_wait3A_57 = tpu.memref_squeeze %dma_wait3A_56 : memref<1x1024xi32, #tpu.memory_space<hbm>> -> memref<1024xi32, #tpu.memory_space<hbm>>
      %dma_wait3A_58 = tpu.memref_slice %arg2[%select_n3A, %mul3A_36] : memref<2x16384xi32, #tpu.memory_space<hbm>> -> memref<1x1024xi32, #tpu.memory_space<hbm>>
      %dma_wait3A_59 = tpu.memref_squeeze %dma_wait3A_58 : memref<1x1024xi32, #tpu.memory_space<hbm>> -> memref<1024xi32, #tpu.memory_space<hbm>>
      tpu.wait_dma2 semaphore(%run_scoped3A : memref<!tpu.dma_semaphore, #tpu.memory_space<semaphore_mem>>) src(%dma_wait3A_59 : memref<1024xi32, #tpu.memory_space<hbm>>) dst(%arg5 : memref<1024xi32, #tpu.memory_space<vmem>>)
      tpu.yield
    }) : () -> ()
    %dma_start3A = arith.constant 0 : i32
    %dma_start3A_37 = arith.constant 0 : i32
    %dma_start3A_38 = tpu.memref_slice %arg3[%select_n3A, %dma_start3A, %dma_start3A_37] : memref<2x100000x32xf32, #tpu.memory_space<hbm>> -> memref<1x100000x32xf32, #tpu.memory_space<hbm>>
    %dma_start3A_39 = tpu.memref_squeeze %dma_start3A_38 : memref<1x100000x32xf32, #tpu.memory_space<hbm>> -> memref<100000x32xf32, #tpu.memory_space<hbm>>
    %dma_start3A_40 = arith.constant 0 : i32
    %dma_start3A_41 = arith.constant 0 : i32
    %dma_start3A_42 = tpu.memref_slice %dma_start3A_39[%dma_start3A_40, %dma_start3A_41] : memref<100000x32xf32, #tpu.memory_space<hbm>> -> memref<100000x32xf32, #tpu.memory_space<hbm>>
    tpu.enqueue_indirect_dma source(%dma_start3A_42 : memref<100000x32xf32, #tpu.memory_space<hbm>>) target(%arg6 : memref<1024x32xf32, #tpu.memory_space<vmem>>) offsets(%arg5 : memref<1024xi32, #tpu.memory_space<vmem>>) semaphore(%arg7 : memref<!tpu.dma_semaphore, #tpu.memory_space<semaphore_mem>>)
    %dma_wait3A = arith.constant 0 : i32
    %dma_wait3A_43 = arith.constant 0 : i32
    %dma_wait3A_44 = tpu.memref_slice %arg3[%select_n3A, %dma_wait3A, %dma_wait3A_43] : memref<2x100000x32xf32, #tpu.memory_space<hbm>> -> memref<1x100000x32xf32, #tpu.memory_space<hbm>>
    %dma_wait3A_45 = tpu.memref_squeeze %dma_wait3A_44 : memref<1x100000x32xf32, #tpu.memory_space<hbm>> -> memref<100000x32xf32, #tpu.memory_space<hbm>>
    %dma_wait3A_46 = arith.constant 0 : i32
    %dma_wait3A_47 = arith.constant 0 : i32
    %dma_wait3A_48 = tpu.memref_slice %dma_wait3A_45[%dma_wait3A_46, %dma_wait3A_47] : memref<100000x32xf32, #tpu.memory_space<hbm>> -> memref<100000x32xf32, #tpu.memory_space<hbm>>
    tpu.wait_indirect_dma semaphore(%arg7 : memref<!tpu.dma_semaphore, #tpu.memory_space<semaphore_mem>>) src(%dma_wait3A_48 : memref<100000x32xf32, #tpu.memory_space<hbm>>) dst(%arg6 : memref<1024x32xf32, #tpu.memory_space<vmem>>)
    %mul3A_49 = arith.constant 1024 : i32
    %mul3A_50 = arith.muli %select_n3A_34, %mul3A_49 : i32
    "tpu.region"() ({
      %run_scoped3A = tpu.sem_alloc : memref<!tpu.dma_semaphore, #tpu.memory_space<semaphore_mem>>
      %dma_start3A_52 = arith.constant 0 : i32
      %dma_start3A_53 = tpu.memref_slice %arg4[%select_n3A, %mul3A_50, %dma_start3A_52] : memref<2x16384x32xf32, #tpu.memory_space<hbm>> -> memref<1x1024x32xf32, #tpu.memory_space<hbm>>
      %dma_start3A_54 = tpu.memref_squeeze %dma_start3A_53 : memref<1x1024x32xf32, #tpu.memory_space<hbm>> -> memref<1024x32xf32, #tpu.memory_space<hbm>>
      %dma_start3A_55 = arith.constant 0 : i32
      %dma_start3A_56 = tpu.memref_slice %arg4[%select_n3A, %mul3A_50, %dma_start3A_55] : memref<2x16384x32xf32, #tpu.memory_space<hbm>> -> memref<1x1024x32xf32, #tpu.memory_space<hbm>>
      %dma_start3A_57 = tpu.memref_squeeze %dma_start3A_56 : memref<1x1024x32xf32, #tpu.memory_space<hbm>> -> memref<1024x32xf32, #tpu.memory_space<hbm>>
      tpu.enqueue_dma source(%arg6 : memref<1024x32xf32, #tpu.memory_space<vmem>>) target(%dma_start3A_57 : memref<1024x32xf32, #tpu.memory_space<hbm>>) target_semaphore(%run_scoped3A : memref<!tpu.dma_semaphore, #tpu.memory_space<semaphore_mem>>)
      %dma_wait3A_58 = arith.constant 0 : i32
      %dma_wait3A_59 = tpu.memref_slice %arg4[%select_n3A, %mul3A_50, %dma_wait3A_58] : memref<2x16384x32xf32, #tpu.memory_space<hbm>> -> memref<1x1024x32xf32, #tpu.memory_space<hbm>>
      %dma_wait3A_60 = tpu.memref_squeeze %dma_wait3A_59 : memref<1x1024x32xf32, #tpu.memory_space<hbm>> -> memref<1024x32xf32, #tpu.memory_space<hbm>>
      %dma_wait3A_61 = arith.constant 0 : i32
      %dma_wait3A_62 = tpu.memref_slice %arg4[%select_n3A, %mul3A_50, %dma_wait3A_61] : memref<2x16384x32xf32, #tpu.memory_space<hbm>> -> memref<1x1024x32xf32, #tpu.memory_space<hbm>>
      %dma_wait3A_63 = tpu.memref_squeeze %dma_wait3A_62 : memref<1x1024x32xf32, #tpu.memory_space<hbm>> -> memref<1024x32xf32, #tpu.memory_space<hbm>>
      tpu.wait_dma2 semaphore(%run_scoped3A : memref<!tpu.dma_semaphore, #tpu.memory_space<semaphore_mem>>) src(%arg6 : memref<1024x32xf32, #tpu.memory_space<vmem>>) dst(%dma_wait3A_63 : memref<1024x32xf32, #tpu.memory_space<hbm>>)
      tpu.yield
    }) : () -> ()
    %scan3A_51 = arith.constant 1 : i32
    return
  }
}

#map = affine_map<(d0, d1) -> (0, 0)>
#map1 = affine_map<(d0, d1) -> (0, 0, 0)>
module attributes {stable_mosaic.version = 14 : i64} {
  func.func @body(%arg0: i32, %arg1: i32, %arg2: memref<2x16384xi32, #tpu.memory_space<hbm>>, %arg3: memref<2x100000x32xf32, #tpu.memory_space<hbm>>, %arg4: memref<2x16384x32xf32, #tpu.memory_space<hbm>>, %arg5: memref<1024xi32, #tpu.memory_space<vmem>>, %arg6: memref<1024x32xf32, #tpu.memory_space<vmem>>, %arg7: memref<!tpu.dma_semaphore, #tpu.memory_space<semaphore_mem>>) attributes {dimension_semantics = [#tpu.dimension_semantics<core_parallel>, #tpu.dimension_semantics<subcore_parallel>], iteration_bounds = array<i64: 2, 16>, scalar_prefetch = 0 : i64, scratch_operands = 3 : i64, tpu.core_type = #tpu.core_type<sc_vector_subcore>, window_params = [{transform_indices = #map}, {transform_indices = #map1}, {transform_indices = #map1}]} {
    %mul3A = arith.constant 2 : i32
    %mul3A_0 = arith.muli %arg1, %mul3A : i32
    %add3A = arith.addi %mul3A_0, %arg0 : i32
    %scan3A = arith.constant 0 : i32
    %scan3A_1 = arith.constant 0 : i32
    %mul3A_2 = arith.constant 1 : i32
    %mul3A_3 = arith.muli %add3A, %mul3A_2 : i32
    %add3A_4 = arith.addi %mul3A_3, %scan3A_1 : i32
    %jit3A = arith.constant 16 : i32
    %div3A = arith.divsi %add3A_4, %jit3A : i32
    %sign3A = arith.constant 0 : i32
    %sign3A_5 = arith.cmpi sgt, %add3A_4, %sign3A : i32
    %sign3A_6 = arith.extui %sign3A_5 : i1 to i32
    %sign3A_7 = arith.constant 0 : i32
    %sign3A_8 = arith.cmpi slt, %add3A_4, %sign3A_7 : i32
    %sign3A_9 = arith.extui %sign3A_8 : i1 to i32
    %sign3A_10 = arith.subi %sign3A_6, %sign3A_9 : i32
    %sign3A_11 = arith.constant 0 : i32
    %sign3A_12 = arith.cmpi sgt, %jit3A, %sign3A_11 : i32
    %sign3A_13 = arith.extui %sign3A_12 : i1 to i32
    %sign3A_14 = arith.constant 0 : i32
    %sign3A_15 = arith.cmpi slt, %jit3A, %sign3A_14 : i32
    %sign3A_16 = arith.extui %sign3A_15 : i1 to i32
    %sign3A_17 = arith.subi %sign3A_13, %sign3A_16 : i32
    %ne3A = arith.cmpi ne, %sign3A_10, %sign3A_17 : i32
    %rem3A = arith.remsi %add3A_4, %jit3A : i32
    %ne3A_18 = arith.constant 0 : i32
    %ne3A_19 = arith.cmpi ne, %rem3A, %ne3A_18 : i32
    %and3A = arith.andi %ne3A, %ne3A_19 : i1
    %sub3A = arith.constant 1 : i32
    %sub3A_20 = arith.subi %div3A, %sub3A : i32
    %select_n3A = arith.select %and3A, %sub3A_20, %div3A : i32
    %jit3A_21 = arith.constant 16 : i32
    %eq3A = arith.constant 0 : i32
    %eq3A_22 = arith.cmpi eq, %jit3A_21, %eq3A : i32
    %jit3A_23 = arith.constant 1 : i32
    %select_n3A_24 = arith.select %eq3A_22, %jit3A_23, %jit3A_21 : i32
    %rem3A_25 = arith.remsi %add3A_4, %select_n3A_24 : i32
    %ne3A_26 = arith.constant 0 : i32
    %ne3A_27 = arith.cmpi ne, %rem3A_25, %ne3A_26 : i32
    %lt3A = arith.constant 0 : i32
    %lt3A_28 = arith.cmpi slt, %rem3A_25, %lt3A : i32
    %lt3A_29 = arith.constant 0 : i32
    %lt3A_30 = arith.cmpi slt, %select_n3A_24, %lt3A_29 : i32
    %ne3A_31 = arith.xori %lt3A_28, %lt3A_30 : i1
    %and3A_32 = arith.andi %ne3A_31, %ne3A_27 : i1
    %add3A_33 = arith.addi %rem3A_25, %select_n3A_24 : i32
    %select_n3A_34 = arith.select %and3A_32, %add3A_33, %rem3A_25 : i32
    %mul3A_35 = arith.constant 1024 : i32
    %mul3A_36 = arith.muli %select_n3A_34, %mul3A_35 : i32
    "tpu.region"() ({
      %run_scoped3A = tpu.sem_alloc : memref<!tpu.dma_semaphore, #tpu.memory_space<semaphore_mem>>
      %dma_start3A_52 = tpu.memref_slice %arg2[%select_n3A, %mul3A_36] : memref<2x16384xi32, #tpu.memory_space<hbm>> -> memref<1x1024xi32, #tpu.memory_space<hbm>>
      %dma_start3A_53 = tpu.memref_squeeze %dma_start3A_52 : memref<1x1024xi32, #tpu.memory_space<hbm>> -> memref<1024xi32, #tpu.memory_space<hbm>>
      %dma_start3A_54 = tpu.memref_slice %arg2[%select_n3A, %mul3A_36] : memref<2x16384xi32, #tpu.memory_space<hbm>> -> memref<1x1024xi32, #tpu.memory_space<hbm>>
      %dma_start3A_55 = tpu.memref_squeeze %dma_start3A_54 : memref<1x1024xi32, #tpu.memory_space<hbm>> -> memref<1024xi32, #tpu.memory_space<hbm>>
      tpu.enqueue_dma source(%dma_start3A_55 : memref<1024xi32, #tpu.memory_space<hbm>>) target(%arg5 : memref<1024xi32, #tpu.memory_space<vmem>>) target_semaphore(%run_scoped3A : memref<!tpu.dma_semaphore, #tpu.memory_space<semaphore_mem>>)
      %dma_wait3A_56 = tpu.memref_slice %arg2[%select_n3A, %mul3A_36] : memref<2x16384xi32, #tpu.memory_space<hbm>> -> memref<1x1024xi32, #tpu.memory_space<hbm>>
      %dma_wait3A_57 = tpu.memref_squeeze %dma_wait3A_56 : memref<1x1024xi32, #tpu.memory_space<hbm>> -> memref<1024xi32, #tpu.memory_space<hbm>>
      %dma_wait3A_58 = tpu.memref_slice %arg2[%select_n3A, %mul3A_36] : memref<2x16384xi32, #tpu.memory_space<hbm>> -> memref<1x1024xi32, #tpu.memory_space<hbm>>
      %dma_wait3A_59 = tpu.memref_squeeze %dma_wait3A_58 : memref<1x1024xi32, #tpu.memory_space<hbm>> -> memref<1024xi32, #tpu.memory_space<hbm>>
      tpu.wait_dma2 semaphore(%run_scoped3A : memref<!tpu.dma_semaphore, #tpu.memory_space<semaphore_mem>>) src(%dma_wait3A_59 : memref<1024xi32, #tpu.memory_space<hbm>>) dst(%arg5 : memref<1024xi32, #tpu.memory_space<vmem>>)
      tpu.yield
    }) : () -> ()
    %dma_start3A = arith.constant 0 : i32
    %dma_start3A_37 = arith.constant 0 : i32
    %dma_start3A_38 = tpu.memref_slice %arg3[%select_n3A, %dma_start3A, %dma_start3A_37] : memref<2x100000x32xf32, #tpu.memory_space<hbm>> -> memref<1x100000x32xf32, #tpu.memory_space<hbm>>
    %dma_start3A_39 = tpu.memref_squeeze %dma_start3A_38 : memref<1x100000x32xf32, #tpu.memory_space<hbm>> -> memref<100000x32xf32, #tpu.memory_space<hbm>>
    %dma_start3A_40 = arith.constant 0 : i32
    %dma_start3A_41 = arith.constant 0 : i32
    %dma_start3A_42 = tpu.memref_slice %dma_start3A_39[%dma_start3A_40, %dma_start3A_41] : memref<100000x32xf32, #tpu.memory_space<hbm>> -> memref<100000x32xf32, #tpu.memory_space<hbm>>
    tpu.enqueue_indirect_dma source(%dma_start3A_42 : memref<100000x32xf32, #tpu.memory_space<hbm>>) target(%arg6 : memref<1024x32xf32, #tpu.memory_space<vmem>>) offsets(%arg5 : memref<1024xi32, #tpu.memory_space<vmem>>) semaphore(%arg7 : memref<!tpu.dma_semaphore, #tpu.memory_space<semaphore_mem>>)
    %dma_wait3A = arith.constant 0 : i32
    %dma_wait3A_43 = arith.constant 0 : i32
    %dma_wait3A_44 = tpu.memref_slice %arg3[%select_n3A, %dma_wait3A, %dma_wait3A_43] : memref<2x100000x32xf32, #tpu.memory_space<hbm>> -> memref<1x100000x32xf32, #tpu.memory_space<hbm>>
    %dma_wait3A_45 = tpu.memref_squeeze %dma_wait3A_44 : memref<1x100000x32xf32, #tpu.memory_space<hbm>> -> memref<100000x32xf32, #tpu.memory_space<hbm>>
    %dma_wait3A_46 = arith.constant 0 : i32
    %dma_wait3A_47 = arith.constant 0 : i32
    %dma_wait3A_48 = tpu.memref_slice %dma_wait3A_45[%dma_wait3A_46, %dma_wait3A_47] : memref<100000x32xf32, #tpu.memory_space<hbm>> -> memref<100000x32xf32, #tpu.memory_space<hbm>>
    tpu.wait_indirect_dma semaphore(%arg7 : memref<!tpu.dma_semaphore, #tpu.memory_space<semaphore_mem>>) src(%dma_wait3A_48 : memref<100000x32xf32, #tpu.memory_space<hbm>>) dst(%arg6 : memref<1024x32xf32, #tpu.memory_space<vmem>>)
    %mul3A_49 = arith.constant 1024 : i32
    %mul3A_50 = arith.muli %select_n3A_34, %mul3A_49 : i32
    "tpu.region"() ({
      %run_scoped3A = tpu.sem_alloc : memref<!tpu.dma_semaphore, #tpu.memory_space<semaphore_mem>>
      %dma_start3A_52 = arith.constant 0 : i32
      %dma_start3A_53 = tpu.memref_slice %arg4[%select_n3A, %mul3A_50, %dma_start3A_52] : memref<2x16384x32xf32, #tpu.memory_space<hbm>> -> memref<1x1024x32xf32, #tpu.memory_space<hbm>>
      %dma_start3A_54 = tpu.memref_squeeze %dma_start3A_53 : memref<1x1024x32xf32, #tpu.memory_space<hbm>> -> memref<1024x32xf32, #tpu.memory_space<hbm>>
      %dma_start3A_55 = arith.constant 0 : i32
      %dma_start3A_56 = tpu.memref_slice %arg4[%select_n3A, %mul3A_50, %dma_start3A_55] : memref<2x16384x32xf32, #tpu.memory_space<hbm>> -> memref<1x1024x32xf32, #tpu.memory_space<hbm>>
      %dma_start3A_57 = tpu.memref_squeeze %dma_start3A_56 : memref<1x1024x32xf32, #tpu.memory_space<hbm>> -> memref<1024x32xf32, #tpu.memory_space<hbm>>
      tpu.enqueue_dma source(%arg6 : memref<1024x32xf32, #tpu.memory_space<vmem>>) target(%dma_start3A_57 : memref<1024x32xf32, #tpu.memory_space<hbm>>) target_semaphore(%run_scoped3A : memref<!tpu.dma_semaphore, #tpu.memory_space<semaphore_mem>>)
      %dma_wait3A_58 = arith.constant 0 : i32
      %dma_wait3A_59 = tpu.memref_slice %arg4[%select_n3A, %mul3A_50, %dma_wait3A_58] : memref<2x16384x32xf32, #tpu.memory_space<hbm>> -> memref<1x1024x32xf32, #tpu.memory_space<hbm>>
      %dma_wait3A_60 = tpu.memref_squeeze %dma_wait3A_59 : memref<1x1024x32xf32, #tpu.memory_space<hbm>> -> memref<1024x32xf32, #tpu.memory_space<hbm>>
      %dma_wait3A_61 = arith.constant 0 : i32
      %dma_wait3A_62 = tpu.memref_slice %arg4[%select_n3A, %mul3A_50, %dma_wait3A_61] : memref<2x16384x32xf32, #tpu.memory_space<hbm>> -> memref<1x1024x32xf32, #tpu.memory_space<hbm>>
      %dma_wait3A_63 = tpu.memref_squeeze %dma_wait3A_62 : memref<1x1024x32xf32, #tpu.memory_space<hbm>> -> memref<1024x32xf32, #tpu.memory_space<hbm>>
      tpu.wait_dma2 semaphore(%run_scoped3A : memref<!tpu.dma_semaphore, #tpu.memory_space<semaphore_mem>>) src(%arg6 : memref<1024x32xf32, #tpu.memory_space<vmem>>) dst(%dma_wait3A_63 : memref<1024x32xf32, #tpu.memory_space<hbm>>)
      tpu.yield
    }) : () -> ()
    %scan3A_51 = arith.constant 1 : i32
    return
  }
}

#map = affine_map<(d0, d1) -> (0, 0)>
#map1 = affine_map<(d0, d1) -> (0, 0, 0)>
module attributes {stable_mosaic.version = 14 : i64} {
  func.func @body(%arg0: i32, %arg1: i32, %arg2: memref<2x16384xi32, #tpu.memory_space<hbm>>, %arg3: memref<2x100000x32xf32, #tpu.memory_space<hbm>>, %arg4: memref<2x16384x32xf32, #tpu.memory_space<hbm>>, %arg5: memref<1024xi32, #tpu.memory_space<vmem>>, %arg6: memref<1024x32xf32, #tpu.memory_space<vmem>>, %arg7: memref<!tpu.dma_semaphore, #tpu.memory_space<semaphore_mem>>) attributes {dimension_semantics = [#tpu.dimension_semantics<core_parallel>, #tpu.dimension_semantics<subcore_parallel>], iteration_bounds = array<i64: 2, 16>, scalar_prefetch = 0 : i64, scratch_operands = 3 : i64, tpu.core_type = #tpu.core_type<sc_vector_subcore>, window_params = [{transform_indices = #map}, {transform_indices = #map1}, {transform_indices = #map1}]} {
    %mul3A = arith.constant 2 : i32
    %mul3A_0 = arith.muli %arg1, %mul3A : i32
    %add3A = arith.addi %mul3A_0, %arg0 : i32
    %scan3A = arith.constant 0 : i32
    %scan3A_1 = arith.constant 0 : i32
    %mul3A_2 = arith.constant 1 : i32
    %mul3A_3 = arith.muli %add3A, %mul3A_2 : i32
    %add3A_4 = arith.addi %mul3A_3, %scan3A_1 : i32
    %jit3A = arith.constant 16 : i32
    %div3A = arith.divsi %add3A_4, %jit3A : i32
    %sign3A = arith.constant 0 : i32
    %sign3A_5 = arith.cmpi sgt, %add3A_4, %sign3A : i32
    %sign3A_6 = arith.extui %sign3A_5 : i1 to i32
    %sign3A_7 = arith.constant 0 : i32
    %sign3A_8 = arith.cmpi slt, %add3A_4, %sign3A_7 : i32
    %sign3A_9 = arith.extui %sign3A_8 : i1 to i32
    %sign3A_10 = arith.subi %sign3A_6, %sign3A_9 : i32
    %sign3A_11 = arith.constant 0 : i32
    %sign3A_12 = arith.cmpi sgt, %jit3A, %sign3A_11 : i32
    %sign3A_13 = arith.extui %sign3A_12 : i1 to i32
    %sign3A_14 = arith.constant 0 : i32
    %sign3A_15 = arith.cmpi slt, %jit3A, %sign3A_14 : i32
    %sign3A_16 = arith.extui %sign3A_15 : i1 to i32
    %sign3A_17 = arith.subi %sign3A_13, %sign3A_16 : i32
    %ne3A = arith.cmpi ne, %sign3A_10, %sign3A_17 : i32
    %rem3A = arith.remsi %add3A_4, %jit3A : i32
    %ne3A_18 = arith.constant 0 : i32
    %ne3A_19 = arith.cmpi ne, %rem3A, %ne3A_18 : i32
    %and3A = arith.andi %ne3A, %ne3A_19 : i1
    %sub3A = arith.constant 1 : i32
    %sub3A_20 = arith.subi %div3A, %sub3A : i32
    %select_n3A = arith.select %and3A, %sub3A_20, %div3A : i32
    %jit3A_21 = arith.constant 16 : i32
    %eq3A = arith.constant 0 : i32
    %eq3A_22 = arith.cmpi eq, %jit3A_21, %eq3A : i32
    %jit3A_23 = arith.constant 1 : i32
    %select_n3A_24 = arith.select %eq3A_22, %jit3A_23, %jit3A_21 : i32
    %rem3A_25 = arith.remsi %add3A_4, %select_n3A_24 : i32
    %ne3A_26 = arith.constant 0 : i32
    %ne3A_27 = arith.cmpi ne, %rem3A_25, %ne3A_26 : i32
    %lt3A = arith.constant 0 : i32
    %lt3A_28 = arith.cmpi slt, %rem3A_25, %lt3A : i32
    %lt3A_29 = arith.constant 0 : i32
    %lt3A_30 = arith.cmpi slt, %select_n3A_24, %lt3A_29 : i32
    %ne3A_31 = arith.xori %lt3A_28, %lt3A_30 : i1
    %and3A_32 = arith.andi %ne3A_31, %ne3A_27 : i1
    %add3A_33 = arith.addi %rem3A_25, %select_n3A_24 : i32
    %select_n3A_34 = arith.select %and3A_32, %add3A_33, %rem3A_25 : i32
    %mul3A_35 = arith.constant 1024 : i32
    %mul3A_36 = arith.muli %select_n3A_34, %mul3A_35 : i32
    "tpu.region"() ({
      %run_scoped3A = tpu.sem_alloc : memref<!tpu.dma_semaphore, #tpu.memory_space<semaphore_mem>>
      %dma_start3A_52 = tpu.memref_slice %arg2[%select_n3A, %mul3A_36] : memref<2x16384xi32, #tpu.memory_space<hbm>> -> memref<1x1024xi32, #tpu.memory_space<hbm>>
      %dma_start3A_53 = tpu.memref_squeeze %dma_start3A_52 : memref<1x1024xi32, #tpu.memory_space<hbm>> -> memref<1024xi32, #tpu.memory_space<hbm>>
      %dma_start3A_54 = tpu.memref_slice %arg2[%select_n3A, %mul3A_36] : memref<2x16384xi32, #tpu.memory_space<hbm>> -> memref<1x1024xi32, #tpu.memory_space<hbm>>
      %dma_start3A_55 = tpu.memref_squeeze %dma_start3A_54 : memref<1x1024xi32, #tpu.memory_space<hbm>> -> memref<1024xi32, #tpu.memory_space<hbm>>
      tpu.enqueue_dma source(%dma_start3A_55 : memref<1024xi32, #tpu.memory_space<hbm>>) target(%arg5 : memref<1024xi32, #tpu.memory_space<vmem>>) target_semaphore(%run_scoped3A : memref<!tpu.dma_semaphore, #tpu.memory_space<semaphore_mem>>)
      %dma_wait3A_56 = tpu.memref_slice %arg2[%select_n3A, %mul3A_36] : memref<2x16384xi32, #tpu.memory_space<hbm>> -> memref<1x1024xi32, #tpu.memory_space<hbm>>
      %dma_wait3A_57 = tpu.memref_squeeze %dma_wait3A_56 : memref<1x1024xi32, #tpu.memory_space<hbm>> -> memref<1024xi32, #tpu.memory_space<hbm>>
      %dma_wait3A_58 = tpu.memref_slice %arg2[%select_n3A, %mul3A_36] : memref<2x16384xi32, #tpu.memory_space<hbm>> -> memref<1x1024xi32, #tpu.memory_space<hbm>>
      %dma_wait3A_59 = tpu.memref_squeeze %dma_wait3A_58 : memref<1x1024xi32, #tpu.memory_space<hbm>> -> memref<1024xi32, #tpu.memory_space<hbm>>
      tpu.wait_dma2 semaphore(%run_scoped3A : memref<!tpu.dma_semaphore, #tpu.memory_space<semaphore_mem>>) src(%dma_wait3A_59 : memref<1024xi32, #tpu.memory_space<hbm>>) dst(%arg5 : memref<1024xi32, #tpu.memory_space<vmem>>)
      tpu.yield
    }) : () -> ()
    %dma_start3A = arith.constant 0 : i32
    %dma_start3A_37 = arith.constant 0 : i32
    %dma_start3A_38 = tpu.memref_slice %arg3[%select_n3A, %dma_start3A, %dma_start3A_37] : memref<2x100000x32xf32, #tpu.memory_space<hbm>> -> memref<1x100000x32xf32, #tpu.memory_space<hbm>>
    %dma_start3A_39 = tpu.memref_squeeze %dma_start3A_38 : memref<1x100000x32xf32, #tpu.memory_space<hbm>> -> memref<100000x32xf32, #tpu.memory_space<hbm>>
    %dma_start3A_40 = arith.constant 0 : i32
    %dma_start3A_41 = arith.constant 0 : i32
    %dma_start3A_42 = tpu.memref_slice %dma_start3A_39[%dma_start3A_40, %dma_start3A_41] : memref<100000x32xf32, #tpu.memory_space<hbm>> -> memref<100000x32xf32, #tpu.memory_space<hbm>>
    tpu.enqueue_indirect_dma source(%dma_start3A_42 : memref<100000x32xf32, #tpu.memory_space<hbm>>) target(%arg6 : memref<1024x32xf32, #tpu.memory_space<vmem>>) offsets(%arg5 : memref<1024xi32, #tpu.memory_space<vmem>>) semaphore(%arg7 : memref<!tpu.dma_semaphore, #tpu.memory_space<semaphore_mem>>)
    %dma_wait3A = arith.constant 0 : i32
    %dma_wait3A_43 = arith.constant 0 : i32
    %dma_wait3A_44 = tpu.memref_slice %arg3[%select_n3A, %dma_wait3A, %dma_wait3A_43] : memref<2x100000x32xf32, #tpu.memory_space<hbm>> -> memref<1x100000x32xf32, #tpu.memory_space<hbm>>
    %dma_wait3A_45 = tpu.memref_squeeze %dma_wait3A_44 : memref<1x100000x32xf32, #tpu.memory_space<hbm>> -> memref<100000x32xf32, #tpu.memory_space<hbm>>
    %dma_wait3A_46 = arith.constant 0 : i32
    %dma_wait3A_47 = arith.constant 0 : i32
    %dma_wait3A_48 = tpu.memref_slice %dma_wait3A_45[%dma_wait3A_46, %dma_wait3A_47] : memref<100000x32xf32, #tpu.memory_space<hbm>> -> memref<100000x32xf32, #tpu.memory_space<hbm>>
    tpu.wait_indirect_dma semaphore(%arg7 : memref<!tpu.dma_semaphore, #tpu.memory_space<semaphore_mem>>) src(%dma_wait3A_48 : memref<100000x32xf32, #tpu.memory_space<hbm>>) dst(%arg6 : memref<1024x32xf32, #tpu.memory_space<vmem>>)
    %mul3A_49 = arith.constant 1024 : i32
    %mul3A_50 = arith.muli %select_n3A_34, %mul3A_49 : i32
    "tpu.region"() ({
      %run_scoped3A = tpu.sem_alloc : memref<!tpu.dma_semaphore, #tpu.memory_space<semaphore_mem>>
      %dma_start3A_52 = arith.constant 0 : i32
      %dma_start3A_53 = tpu.memref_slice %arg4[%select_n3A, %mul3A_50, %dma_start3A_52] : memref<2x16384x32xf32, #tpu.memory_space<hbm>> -> memref<1x1024x32xf32, #tpu.memory_space<hbm>>
      %dma_start3A_54 = tpu.memref_squeeze %dma_start3A_53 : memref<1x1024x32xf32, #tpu.memory_space<hbm>> -> memref<1024x32xf32, #tpu.memory_space<hbm>>
      %dma_start3A_55 = arith.constant 0 : i32
      %dma_start3A_56 = tpu.memref_slice %arg4[%select_n3A, %mul3A_50, %dma_start3A_55] : memref<2x16384x32xf32, #tpu.memory_space<hbm>> -> memref<1x1024x32xf32, #tpu.memory_space<hbm>>
      %dma_start3A_57 = tpu.memref_squeeze %dma_start3A_56 : memref<1x1024x32xf32, #tpu.memory_space<hbm>> -> memref<1024x32xf32, #tpu.memory_space<hbm>>
      tpu.enqueue_dma source(%arg6 : memref<1024x32xf32, #tpu.memory_space<vmem>>) target(%dma_start3A_57 : memref<1024x32xf32, #tpu.memory_space<hbm>>) target_semaphore(%run_scoped3A : memref<!tpu.dma_semaphore, #tpu.memory_space<semaphore_mem>>)
      %dma_wait3A_58 = arith.constant 0 : i32
      %dma_wait3A_59 = tpu.memref_slice %arg4[%select_n3A, %mul3A_50, %dma_wait3A_58] : memref<2x16384x32xf32, #tpu.memory_space<hbm>> -> memref<1x1024x32xf32, #tpu.memory_space<hbm>>
      %dma_wait3A_60 = tpu.memref_squeeze %dma_wait3A_59 : memref<1x1024x32xf32, #tpu.memory_space<hbm>> -> memref<1024x32xf32, #tpu.memory_space<hbm>>
      %dma_wait3A_61 = arith.constant 0 : i32
      %dma_wait3A_62 = tpu.memref_slice %arg4[%select_n3A, %mul3A_50, %dma_wait3A_61] : memref<2x16384x32xf32, #tpu.memory_space<hbm>> -> memref<1x1024x32xf32, #tpu.memory_space<hbm>>
      %dma_wait3A_63 = tpu.memref_squeeze %dma_wait3A_62 : memref<1x1024x32xf32, #tpu.memory_space<hbm>> -> memref<1024x32xf32, #tpu.memory_space<hbm>>
      tpu.wait_dma2 semaphore(%run_scoped3A : memref<!tpu.dma_semaphore, #tpu.memory_space<semaphore_mem>>) src(%arg6 : memref<1024x32xf32, #tpu.memory_space<vmem>>) dst(%dma_wait3A_63 : memref<1024x32xf32, #tpu.memory_space<hbm>>)
      tpu.yield
    }) : () -> ()
    %scan3A_51 = arith.constant 1 : i32
    return
  }
}

</mosaic_0001>

<sc_bundles>
// kernel: kernel.15.cloned.1.call-start
scs
__scs_entry_jumppad:
0x0: {  	(pc) =	sbr.rel $0x88, $3  }
0x1: {  	(tag) =	ssettag $0x0;
	lr =	simm.s32 $0x1  }
0x2: {  	[smem:$0x3F9F] =	sst lr;
	_ =	strace $0xD0000000  }
0x3: {  	_ = 	snop  }
0x4: {  	_ = 	snop  }
0x5: {  	_ = 	snop  }
0x6: {  	_ = 	snop  }
0x7: {  	_ = 	snop  }
__scs_overlays_trampoline_lowered:
0x8: {  	[smem:$0x3FAE] =	sst s0  }
0x9: {  	[smem:$0x3FAF] =	sst s1  }
0xa: {  	[smem:$0x3FB0] =	sst s2  }
0xb: {  	[smem:$0x3FB1] =	sst s3  }
0xc: {  	[smem:$0x3FB2] =	sst s4  }
0xd: {  	[smem:$0x3FB3] =	sst s5  }
0xe: {  	[smem:$0x3FB4] =	sst s6  }
0xf: {  	[smem:$0x3FB5] =	sst s7  }
0x10: {  	[smem:$0x3FB6] =	sst s8  }
0x11: {  	[smem:$0x3FB7] =	sst s9;
	s0 =	simm.s32 @!p0 $0x0  }
0x12: {  	s1 =	sld [smem:$0x3F9D];
	s0 =	simm.s32 @p0 $0x1  }
0x13: {  	[smem:$0x3FB8] =	sst s0;
	s0 =	simm.s32 @!p1 $0x0  }
0x14: {  	s2 =	sld [smem:$0x3F9C];
	s0 =	simm.s32 @p1 $0x1  }
0x15: {  	[smem:$0x3FB9] =	sst s0;
	s0 =	simm.s32 @!p2 $0x0  }
0x16: {  	s3 =	sld [smem:$0x3FDB];
	s0 =	simm.s32 @p2 $0x1  }
0x17: {  	s4 =	simm.s32 $0x1BF5;
	[smem:$0x3FBB] =	sst s0  }
0x18: {  	s0 =	sld [smem:$0x3F9E];
	_ =	swait.ge [sflag:s4], $0x0  }
0x19: {  	s7 =	sld [smem:$0x3F9F]  }
0x1a: {  	s8 =	sadd.s32 $0xFFFFE003, lr  }
0x1b: {  	s9 =	sadd.s32 $0xFFFFFEF7, lr;
	s5 =	simm.s32 $0xFFFFFFFF;
	p2 =	slt.u32 s8, $0xFFFFF086  }
0x1c: {  	p1 =	slt.u32 s9, $0xF7A;
	s5 =	simm.s32 @!p2 $0x0  }
0x1d: {  	s5 =	simm.s32 @p1 $0x1;
	p0 =	seq.s32 s7, s2  }
0x1e: {  	s7 =	smul.u32 @!p0 $0xF7A, s2;
	p2 =	seq.s32 @!p0 s5, $0x0  }
0x1f: {  	s9 =	smul.u32 $0xF7A, s1;
	s8 =	simm.s32 @!p0 $0x1BF5;
	p2 =	por !p2, p0  }
0x20: {  	[sflag:s8] =	ssyncset.s32 @!p0 $0xFFFFF086;
	s6 =	sadd.s32 @!p0 s3, s7;
	s7 =	simm.s32 @!p0 $0x108  }
0x21: {  	s3 =	sadd.s32 s3, s9;
	s6 =	sadd.s32 @!p0 $0x88, s6;
	s7 =	simm.s32 @p2 $0x1082  }
0x22: {  	[simem:s7], [sflag:s8] =	dma.local @!p0 [hbm:s6], $0xF7A  }
0x23: {  	s9 =	sor.u32 $0xD0000000, s2;
	s6 =	simm.s32 $0x108;
	_ =	swait.ge @!p0 [sflag:s8], $0x0  }
0x24: {  	s3 =	sadd.s32 $0x88, s3;
	s6 =	simm.s32 @!p1 $0x1082;
	[sflag:s4] =	ssyncset.s32 $0xFFFFF086  }
0x25: {  	[simem:s6], [sflag:s4] =	dma.local [hbm:s3], $0xF7A  }
0x26: {  	[smem:$0x3F9F] =	sst s1;
	(tag) =	ssettag s2;
	_ =	strace s9  }
0x27: {  	s1 =	sld [smem:$0x3FAF]  }
0x28: {  	s2 =	sld [smem:$0x3FB0]  }
0x29: {  	s4 =	sld [smem:$0x3FB2]  }
0x2a: {  	p0 =	seq.s32 s5, $0x0;
	s5 =	sld [smem:$0x3FB3]  }
0x2b: {  	s6 =	sld [smem:$0x3FB4]  }
0x2c: {  	s7 =	sld [smem:$0x3FB5]  }
0x2d: {  	s3 =	simm.s32 $0x108;
	s8 =	sld [smem:$0x3FB6]  }
0x2e: {  	s3 =	simm.s32 @!p0 $0x1082;
	s9 =	sld [smem:$0x3FB7]  }
0x2f: {  	lr =	sadd.s32 s0, s3;
	s0 =	sld [smem:$0x3FAE]  }
0x30: {  	s3 =	sld [smem:$0x3FB1]  }
0x31: {  	[smem:$0x3FBA] =	sst s10  }
0x32: {  	s10 =	sld [smem:$0x3FB8];
	_ =	sdelay $0x3  }
0x33: {  	p0 =	seq.s32 s10, $0x1;
	s10 =	sld [smem:$0x3FBA];
	_ =	sdelay $0x3  }
0x34: {  	[smem:$0x3FBA] =	sst s10  }
0x35: {  	s10 =	sld [smem:$0x3FB9];
	_ =	sdelay $0x3  }
0x36: {  	p1 =	seq.s32 s10, $0x1;
	s10 =	sld [smem:$0x3FBA];
	_ =	sdelay $0x3  }
0x37: {  	[smem:$0x3FBA] =	sst s10  }
0x38: {  	s10 =	sld [smem:$0x3FBB]  }
0x39: {  	_ = 	snop;
	(pc) =	sbr.ind lr, $3  }
0x3a: {  	_ = 	snop  }
0x3b: {  	_ = 	snop  }
0x3c: {  	p2 =	seq.s32 s10, $0x1;
	s10 =	sld [smem:$0x3FBA]  }
0x3d: {  	_ =	shalt  }
0x3e: {  	_ =	shalt  }
0x3f: {  	_ =	shalt  }
0x40: {  	_ =	shalt  }
0x41: {  	_ =	shalt  }
0x42: {  	_ =	shalt  }
0x43: {  	_ =	shalt  }
0x44: {  	_ =	shalt  }
0x45: {  	_ =	shalt  }
0x46: {  	_ =	shalt  }
0x47: {  	_ =	shalt  }
0x48: {  	_ =	shalt  }
0x49: {  	_ =	shalt  }
0x4a: {  	_ =	shalt  }
0x4b: {  	_ =	shalt  }
0x4c: {  	_ =	shalt  }
0x4d: {  	_ =	shalt  }
0x4e: {  	_ =	shalt  }
0x4f: {  	_ =	shalt  }
0x50: {  	_ =	shalt  }
0x51: {  	_ =	shalt  }
0x52: {  	_ =	shalt  }
0x53: {  	_ =	shalt  }
0x54: {  	_ =	shalt  }
0x55: {  	_ =	shalt  }
0x56: {  	_ =	shalt  }
0x57: {  	_ =	shalt  }
0x58: {  	_ =	shalt  }
0x59: {  	_ =	shalt  }
0x5a: {  	_ =	shalt  }
0x5b: {  	_ =	shalt  }
0x5c: {  	_ =	shalt  }
0x5d: {  	_ =	shalt  }
0x5e: {  	_ =	shalt  }
0x5f: {  	_ =	shalt  }
0x60: {  	_ =	shalt  }
0x61: {  	_ =	shalt  }
0x62: {  	_ =	shalt  }
0x63: {  	_ =	shalt  }
0x64: {  	_ =	shalt  }
0x65: {  	_ =	shalt  }
0x66: {  	_ =	shalt  }
0x67: {  	_ =	shalt  }
0x68: {  	_ =	shalt  }
0x69: {  	_ =	shalt  }
0x6a: {  	_ =	shalt  }
0x6b: {  	_ =	shalt  }
0x6c: {  	_ =	shalt  }
0x6d: {  	_ =	shalt  }
0x6e: {  	_ =	shalt  }
0x6f: {  	_ =	shalt  }
0x70: {  	_ =	shalt  }
0x71: {  	_ =	shalt  }
0x72: {  	_ =	shalt  }
0x73: {  	_ =	shalt  }
0x74: {  	_ =	shalt  }
0x75: {  	_ =	shalt  }
0x76: {  	_ =	shalt  }
0x77: {  	_ =	shalt  }
0x78: {  	_ =	shalt  }
0x79: {  	_ =	shalt  }
0x7a: {  	_ =	shalt  }
0x7b: {  	_ =	shalt  }
0x7c: {  	_ =	shalt  }
0x7d: {  	_ =	shalt  }
0x7e: {  	_ =	shalt  }
0x7f: {  	_ =	shalt  }
0x80: {  	_ =	shalt  }
0x81: {  	_ =	shalt  }
0x82: {  	_ =	shalt  }
0x83: {  	_ =	shalt  }
0x84: {  	_ =	shalt  }
0x85: {  	_ =	shalt  }
0x86: {  	_ =	shalt  }
0x87: {  	_ =	shalt  }
.Lfunc_end0:
.L_simem_size_0:
called_computation_lowered:
.L_overlay_start_0:
0x88: {  	s2 =	sld [smem:$0x3FD9]  }
0x89: {  	s3 =	sld [smem:$0x3FFE];
	_ =	sdelay $0x1  }
0x8a: {  	s1 =	srdreg.scid  }
0x8b: {  	s0 =	sand.u32 $0x1, s1  }
0x8c: {  	s17 =	sshll.u32 s0, $0xA;
	s2 =	sadd.s32 s3, s2  }
0x8d: {  	s2 =	sadd.s32 s2, s17  }
0x8e: {  	[smem:$0x3FC6] =	sst s2  }
0x8f: {  	_ = 	snop  }
0x90: {  	s18 =	sld [smem:$0x3FD0];
	(tm) =	ssettm $0x1  }
0x91: {  	s19 =	sld [smem:$0x3FFB];
	_ =	sdelay $0x3  }
0x92: {  	_ =	strace s19  }
0x93: {  	s2 =	sld [smem:$0x3FFC];
	_ =	sdelay $0x3  }
0x94: {  	_ =	strace s2  }
0x95: {  	s2 =	sld [smem:$0x3FFD];
	_ =	sdelay $0x3  }
0x96: {  	_ =	strace s2  }
0x97: {  	_ =	strace $0x8FFFFFFF  }
0x98: {  	s20 =	sld [smem:$0x3FDB];
	_ =	sdelay $0x1  }
0x99: {  	s4 =	simm.s32 $_scs_section_size  }
0x9a: {  	s5 =	simm.s32 $_size__tile_overlayer_lowered;
	s6 =	simm.s32 $_tile_overlayer_lowered  }
0x9b: {  	s7 =	simm.s32 $0x1BFF;
	s21 =	sshll.u32 s6, $0x1;
	s4 =	sadd.s32 s4, s20  }
0x9c: {  	s22 =	simm.s32 $0x0;
	s5 =	sshll.u32 s5, $0x1;
	s6 =	sadd.s32 s21, s4  }
0x9d: {  	[timem:s22], [sflag:s7] =	dma.local [hbm:s6], s5  }
0x9e: {  	_ =	swait.ge [sflag:s7], s5  }
0x9f: {  	s5 =	ssub.s32 $0x0, s5;
	[sflag:s7] =	ssyncset.done $0x0  }
0xa0: {  	[sflag:s7] =	ssyncadd.s32 s5;
	_ =	sdelay $0x1  }
0xa1: {  	s23 =	simm.s32 $0x1B8B  }
0xa2: {  	_ =	swait.ge [sflag:s23], $0x1  }
0xa3: {  	[sflag:s23] =	ssyncset.done $0x0  }
0xa4: {  	[sflag:s23] =	ssyncadd.s32 $0xFFFFFFFF  }
0xa5: {  	s5 =	sld [smem:$0x0]  }
0xa6: {  	s6 =	sand.u32 $0xFFFFFFFE, s1  }
0xa7: {  	p0 =	sne.s32 s1, s6  }
0xa8: {  	s6 =	sshll.u32 @p0 s6, $0xE  }
0xa9: {  	s6 =	sadd.s32 @p0 $0x11B8D, s6;
	s7 =	sshll.u32 @p0 s5, $0x11  }
0xaa: {  	s6 =	sor.u32 @p0 s7, s6  }
0xab: {  	[sflag:s6] =	ssyncadd.remote.s32 @p0 $0x1;
	_ =	sdelay $0x1  }
0xac: {  	s6 =	simm.s32 @p0 $0x1B8D  }
0xad: {  	_ =	swait.eq @p0 [sflag:s6], $0x1  }
0xae: {  	[sflag:s6] =	ssyncadd.s32 @p0 $0xFFFFFFFF  }
0xaf: {  	s7 =	sshll.u32 @!p0 s1, $0xE  }
0xb0: {  	s7 =	sor.u32 @!p0 $0x4000, s7;
	s6 =	simm.s32 @!p0 $0x1B8D  }
0xb1: {  	s5 =	sshll.u32 @!p0 s5, $0x11;
	s7 =	sadd.s32 @!p0 $0x11B8D, s7;
	_ =	swait.eq @!p0 [sflag:s6], $0x1  }
0xb2: {  	s5 =	sor.u32 @!p0 s5, s7;
	[sflag:s6] =	ssyncadd.s32 @!p0 $0xFFFFFFFF  }
0xb3: {  	s25 =	simm.s32 $0x1B8E;
	s24 =	sld [smem:$0x3FFE];
	[sflag:s5] =	ssyncadd.remote.s32 @!p0 $0x1  }
0xb4: {  	s26 =	simm.s32 $execute0_lowered;
	[smem:$0x3FD2] =	sst s25  }
0xb5: {  	s6 =	sshll.u32 s26, $0x1;
	_ =	strace $0x8000006A;
	[dreg:$0x1] =	wrdreg $0xFFFFFFFF  }
0xb6: {  	s28 =	simm.s32 $_size_execute0_lowered;
	s4 =	sadd.s32 s4, s6;
	[dreg:$0x0] =	wrdreg $0x0  }
0xb7: {  	s6 =	sshll.u32 s28, $0x1;
	[dreg:$0x2] =	wrdreg s4  }
0xb8: {  	[dreg:$0x3] =	wrdreg s6  }
0xb9: {  	[dreg:$0x4] =	wrdreg $0xC0  }
0xba: {  	_ =	task [dreg:s22], $0x5FFFF  }
0xbb: {  	[dreg:$0x1] =	wrdreg $0xFFFFFFFF  }
0xbc: {  	[dreg:$0x0] =	wrdreg $0x60  }
0xbd: {  	[dreg:$0x2] =	wrdreg s24  }
0xbe: {  	[dreg:$0x3] =	wrdreg s18  }
0xbf: {  	[dreg:$0x4] =	wrdreg $0x9  }
0xc0: {  	_ =	task.clear_ibuf [dreg:s22], $0x5FFFF;
	_ =	strace $0x9000006A  }
0xc1: {  	s29 =	simm.s32 $0x9;
	_ =	strace $0x8000006C  }
0xc2: {  	_ =	swait.ge [sflag:s29], $0x1  }
0xc3: {  	[sflag:s29] =	ssyncadd.s32 $0xFFFFFFFF  }
0xc4: {  	_ =	strace $0x9000006C  }
0xc5: {  	_ =	sfence  }
0xc6: {  	s30 =	sld [smem:$0x0];
	_ =	sdelay $0x2  }
0xc7: {  	s31 =	sshll.u32 s1, $0xD;
	s1 =	sshrl.u32 s1, $0x2  }
0xc8: {  	s4 =	sand.u32 $0x4000, s31;
	s1 =	sadd.s32 s1, s30  }
0xc9: {  	s0 =	sor.u32 s4, s0;
	s1 =	sshll.u32 s1, $0x11  }
0xca: {  	s0 =	sor.u32 s1, s0  }
0xcb: {  	s0 =	sadd.s32 $0x8F2B, s0  }
0xcc: {  	[sflag:s0] =	ssyncadd.remote.s32 $0x1  }
0xcd: {  	_ =	sfence.sel $0xFFFF  }
0xce: {  	[dreg:$0x0] =	wrdreg $0xFFFFFFFF;
	(pc) =	sbr.abs _section_cstart, $3  }
0xcf: {  	[dreg:$0x1] =	wrdreg $0xFFFFFFFF  }
0xd0: {  	_ =	task.clear_ibuf [dreg:s22], $0x2FFFF;
	_ =	strace $0x9FFFFFFF  }
0xd1: {  	(tm) =	ssettm $0x7FFFFFFF  }
tec
execute0_lowered:
.L_overlay_start_1:
0x0: {  	(tag) =	ssettag $0x1  }
0x1: {  	s5 =	rddreg [dreg:$0x0]  }
0x2: {  	s6 =	rddreg [dreg:$0x1];
	s1 =	stileid.u32  }
0x3: {  	s0 =	rddreg [dreg:$0x2];
	s2 =	srdreg.scid  }
0x4: {  	s3 =	sshll.u32 s1, $0x1;
	s4 =	sshrl.u32 s1, $0x3;
	s7 =	sand.u32 $0x1, s2  }
0x5: {  	s2 =	simm.s32 $0x0;
	s3 =	sand.u32 $0xE, s3;
	s8 =	sshll.u32 s4, $0xB  }
0x6: {  	[smem:$0x7FF] =	sst s2;
	s10 =	sshll.u32 s4, $0x10;
	s9 =	sor.u32 s7, s3  }
0x7: {  	s28 =	smul.u32 $0x61A80, s4;
	s25 =	sadd.s32 s8, s5;
	s26 =	sshll.u32 s9, $0x7  }
0x8: {  	s4 =	simm.s32 $0x2;
	s11 =	ssub.s32 $0x2, s7;
	s3 =	sadd.s32 s26, s25  }
0x9: {  	_ =	strace $0x8000006B;
	s10 =	sadd.s32 s10, s5;
	s3 =	sadd.s32 $0x24200, s3  }
0xa: {  	[tilespmem:s2], [sflag:$0x2] =	stream.linear.gather [hbm4b:s3+s2], $0x400, $0x38;
	[tilespmem:$0x8400] =	vst v63  }
0xb: {  	s7 =	simm.s32 $0x1;
	s29 =	sshrl.u32 s11, $0x1;
	_ =	swait.ge [sflag:s4], $0x400  }
0xc: {  	s5 =	sadd.s32 s6, s28;
	s11 =	ssub.s32 s11, s29;
	[sflag:s4] =	ssyncset.done $0x0  }
0xd: {  	s6 =	simm.s32 $0x400;
	s31 =	smax.u32 s11, $0x1;
	[sflag:s4] =	ssyncadd.s32 $0xFFFFFC00  }
0xe: {  	[tilespmem:s6], [sflag:$0x1] =	stream.indirect.gather [hbm4b:s5+s6], $0x20, s2, s6, $0xb8;
	[tilespmem:$0x8400] =	vst v63  }
0xf: {  	s9 =	sshll.u32 s9, $0xC;
	p0 =	sne.s32 s31, $0x1;
	_ =	swait.ge [sflag:s7], $0x8000  }
.Ltmp0:
0x10: {  	s30 =	sadd.s32 s9, s10;
	[sflag:s7] =	ssyncset.done $0x0;
	(pc) =	sbr.rel @!p0 .LBB2_2-.Ltmp0, $4  }
0x11: {  	s8 =	sadd.s32 $0x7C7E00, s30;
	[sflag:s7] =	ssyncadd.s32 $0xFFFF8000  }
0x12: {  	[hbm4b:s8+s2] =	stream.linear.scatter [tilespmem:s6], [sflag:$0x2], $0x8000, $0x38;
	[tilespmem:$0x8400] =	vst v63  }
0x13: {  	_ =	swait.ge [sflag:s4], $0x8000  }
0x14: {  	s9 =	sadd.s32 $0xFFFFFFFF, s31;
	[sflag:s4] =	ssyncset.done $0x0  }
.LBB2_1:
0x15: {  	p0 =	sne.s32 s9, $0x1;
	s9 =	sadd.s32 $0xFFFFFFFF, s9;
	[sflag:s4] =	ssyncadd.s32 $0xFFFF8000  }
0x16: {  	[tilespmem:s2], [sflag:$0x2] =	stream.linear.gather [hbm4b:s3+s2], $0x400, $0x38;
	[tilespmem:$0x8400] =	vst v63  }
0x17: {  	_ =	swait.ge [sflag:s4], $0x400  }
0x18: {  	[sflag:s4] =	ssyncset.done $0x0  }
0x19: {  	[sflag:s4] =	ssyncadd.s32 $0xFFFFFC00  }
0x1a: {  	[tilespmem:s6], [sflag:$0x1] =	stream.indirect.gather [hbm4b:s5+s6], $0x20, s2, s6, $0xb8;
	[tilespmem:$0x8400] =	vst v63  }
0x1b: {  	_ =	swait.ge [sflag:s7], $0x8000  }
.Ltmp1:
0x1c: {  	[sflag:s7] =	ssyncset.done $0x0;
	(pc) =	sbr.rel @p0 .LBB2_1-.Ltmp1, $4  }
0x1d: {  	[sflag:s7] =	ssyncadd.s32 $0xFFFF8000  }
0x1e: {  	[hbm4b:s8+s2] =	stream.linear.scatter [tilespmem:s6], [sflag:$0x2], $0x8000, $0x38;
	[tilespmem:$0x8400] =	vst v63  }
0x1f: {  	_ =	swait.ge [sflag:s4], $0x8000  }
0x20: {  	[sflag:s4] =	ssyncset.done $0x0  }
.LBB2_2:
0x21: {  	[sflag:s4] =	ssyncadd.s32 $0xFFFF8000  }
0x22: {  	_ =	sfence.sel $0x180000  }
0x23: {  	[bflag:$0x0] =	sbarrier.arrive $0xFFFF  }
0x24: {  	p0 =	sne.s32 s1, $0x0;
	_ =	strace $0x9000006B  }
0x25: {  	s0 =	sadd.s32 @!p0 $0x100000, s0;
	[bflag:$0x2] =	sbarrier.arrive $0xFFFF  }
0x26: {  	[sflag:s0] =	ssyncadd.tile.s32 @!p0 $0x1;
	_ =	shalt  }
.Lfunc_end2:
_tile_overlayer_lowered:
.L_overlay_start_2:
0x27: {  	(tag) =	ssettag $0x2  }
0x28: {  	s0 =	rddreg [dreg:$0x0];
	s2 =	stileid.u32  }
0x29: {  	s1 =	rddreg [dreg:$0x1];
	p0 =	sne.s32 s2, $0x0  }
0x2a: {  	s3 =	rddreg [dreg:$0x2];
	[bflag:$0x3] =	sbarrier.arrive $0xFFFF;
	s2 =	simm.s32 @!p0 $0x1C02  }
0x2b: {  	[timem:s3], [sflag:s2] =	dma.local @!p0 [hbm:s0], s1  }
0x2c: {  	s0 =	simm.s32 @!p0 $0x2  }
0x2d: {  	_ =	swait.ge @!p0 [sflag:s0], s1  }
0x2e: {  	s1 =	ssub.s32 @!p0 $0x0, s1;
	[sflag:s0] =	ssyncset.done @!p0 $0x0  }
0x2f: {  	[sflag:s0] =	ssyncadd.s32 @!p0 s1  }
0x30: {  	[bflag:$0x3] =	sbarrier.arrive $0xFFFF  }
0x31: {  	_ =	shalt  }

// kernel: kernel.18.cloned.1.call-start
scs
__scs_entry_jumppad:
0x0: {  	(pc) =	sbr.rel $0x88, $3  }
0x1: {  	(tag) =	ssettag $0x0;
	lr =	simm.s32 $0x1  }
0x2: {  	[smem:$0x3F9F] =	sst lr;
	_ =	strace $0xD0000000  }
0x3: {  	_ = 	snop  }
0x4: {  	_ = 	snop  }
0x5: {  	_ = 	snop  }
0x6: {  	_ = 	snop  }
0x7: {  	_ = 	snop  }
__scs_overlays_trampoline_lowered:
0x8: {  	[smem:$0x3FAE] =	sst s0  }
0x9: {  	[smem:$0x3FAF] =	sst s1  }
0xa: {  	[smem:$0x3FB0] =	sst s2  }
0xb: {  	[smem:$0x3FB1] =	sst s3  }
0xc: {  	[smem:$0x3FB2] =	sst s4  }
0xd: {  	[smem:$0x3FB3] =	sst s5  }
0xe: {  	[smem:$0x3FB4] =	sst s6  }
0xf: {  	[smem:$0x3FB5] =	sst s7  }
0x10: {  	[smem:$0x3FB6] =	sst s8  }
0x11: {  	[smem:$0x3FB7] =	sst s9;
	s0 =	simm.s32 @!p0 $0x0  }
0x12: {  	s1 =	sld [smem:$0x3F9D];
	s0 =	simm.s32 @p0 $0x1  }
0x13: {  	[smem:$0x3FB8] =	sst s0;
	s0 =	simm.s32 @!p1 $0x0  }
0x14: {  	s2 =	sld [smem:$0x3F9C];
	s0 =	simm.s32 @p1 $0x1  }
0x15: {  	[smem:$0x3FB9] =	sst s0;
	s0 =	simm.s32 @!p2 $0x0  }
0x16: {  	s3 =	sld [smem:$0x3FDB];
	s0 =	simm.s32 @p2 $0x1  }
0x17: {  	s4 =	simm.s32 $0x1BF5;
	[smem:$0x3FBB] =	sst s0  }
0x18: {  	s0 =	sld [smem:$0x3F9E];
	_ =	swait.ge [sflag:s4], $0x0  }
0x19: {  	s7 =	sld [smem:$0x3F9F]  }
0x1a: {  	s8 =	sadd.s32 $0xFFFFE003, lr  }
0x1b: {  	s9 =	sadd.s32 $0xFFFFFEF7, lr;
	s5 =	simm.s32 $0xFFFFFFFF;
	p2 =	slt.u32 s8, $0xFFFFF086  }
0x1c: {  	p1 =	slt.u32 s9, $0xF7A;
	s5 =	simm.s32 @!p2 $0x0  }
0x1d: {  	s5 =	simm.s32 @p1 $0x1;
	p0 =	seq.s32 s7, s2  }
0x1e: {  	s7 =	smul.u32 @!p0 $0xF7A, s2;
	p2 =	seq.s32 @!p0 s5, $0x0  }
0x1f: {  	s9 =	smul.u32 $0xF7A, s1;
	s8 =	simm.s32 @!p0 $0x1BF5;
	p2 =	por !p2, p0  }
0x20: {  	[sflag:s8] =	ssyncset.s32 @!p0 $0xFFFFF086;
	s6 =	sadd.s32 @!p0 s3, s7;
	s7 =	simm.s32 @!p0 $0x108  }
0x21: {  	s3 =	sadd.s32 s3, s9;
	s6 =	sadd.s32 @!p0 $0x88, s6;
	s7 =	simm.s32 @p2 $0x1082  }
0x22: {  	[simem:s7], [sflag:s8] =	dma.local @!p0 [hbm:s6], $0xF7A  }
0x23: {  	s9 =	sor.u32 $0xD0000000, s2;
	s6 =	simm.s32 $0x108;
	_ =	swait.ge @!p0 [sflag:s8], $0x0  }
0x24: {  	s3 =	sadd.s32 $0x88, s3;
	s6 =	simm.s32 @!p1 $0x1082;
	[sflag:s4] =	ssyncset.s32 $0xFFFFF086  }
0x25: {  	[simem:s6], [sflag:s4] =	dma.local [hbm:s3], $0xF7A  }
0x26: {  	[smem:$0x3F9F] =	sst s1;
	(tag) =	ssettag s2;
	_ =	strace s9  }
0x27: {  	s1 =	sld [smem:$0x3FAF]  }
0x28: {  	s2 =	sld [smem:$0x3FB0]  }
0x29: {  	s4 =	sld [smem:$0x3FB2]  }
0x2a: {  	p0 =	seq.s32 s5, $0x0;
	s5 =	sld [smem:$0x3FB3]  }
0x2b: {  	s6 =	sld [smem:$0x3FB4]  }
0x2c: {  	s7 =	sld [smem:$0x3FB5]  }
0x2d: {  	s3 =	simm.s32 $0x108;
	s8 =	sld [smem:$0x3FB6]  }
0x2e: {  	s3 =	simm.s32 @!p0 $0x1082;
	s9 =	sld [smem:$0x3FB7]  }
0x2f: {  	lr =	sadd.s32 s0, s3;
	s0 =	sld [smem:$0x3FAE]  }
0x30: {  	s3 =	sld [smem:$0x3FB1]  }
0x31: {  	[smem:$0x3FBA] =	sst s10  }
0x32: {  	s10 =	sld [smem:$0x3FB8];
	_ =	sdelay $0x3  }
0x33: {  	p0 =	seq.s32 s10, $0x1;
	s10 =	sld [smem:$0x3FBA];
	_ =	sdelay $0x3  }
0x34: {  	[smem:$0x3FBA] =	sst s10  }
0x35: {  	s10 =	sld [smem:$0x3FB9];
	_ =	sdelay $0x3  }
0x36: {  	p1 =	seq.s32 s10, $0x1;
	s10 =	sld [smem:$0x3FBA];
	_ =	sdelay $0x3  }
0x37: {  	[smem:$0x3FBA] =	sst s10  }
0x38: {  	s10 =	sld [smem:$0x3FBB]  }
0x39: {  	_ = 	snop;
	(pc) =	sbr.ind lr, $3  }
0x3a: {  	_ = 	snop  }
0x3b: {  	_ = 	snop  }
0x3c: {  	p2 =	seq.s32 s10, $0x1;
	s10 =	sld [smem:$0x3FBA]  }
0x3d: {  	_ =	shalt  }
0x3e: {  	_ =	shalt  }
0x3f: {  	_ =	shalt  }
0x40: {  	_ =	shalt  }
0x41: {  	_ =	shalt  }
0x42: {  	_ =	shalt  }
0x43: {  	_ =	shalt  }
0x44: {  	_ =	shalt  }
0x45: {  	_ =	shalt  }
0x46: {  	_ =	shalt  }
0x47: {  	_ =	shalt  }
0x48: {  	_ =	shalt  }
0x49: {  	_ =	shalt  }
0x4a: {  	_ =	shalt  }
0x4b: {  	_ =	shalt  }
0x4c: {  	_ =	shalt  }
0x4d: {  	_ =	shalt  }
0x4e: {  	_ =	shalt  }
0x4f: {  	_ =	shalt  }
0x50: {  	_ =	shalt  }
0x51: {  	_ =	shalt  }
0x52: {  	_ =	shalt  }
0x53: {  	_ =	shalt  }
0x54: {  	_ =	shalt  }
0x55: {  	_ =	shalt  }
0x56: {  	_ =	shalt  }
0x57: {  	_ =	shalt  }
0x58: {  	_ =	shalt  }
0x59: {  	_ =	shalt  }
0x5a: {  	_ =	shalt  }
0x5b: {  	_ =	shalt  }
0x5c: {  	_ =	shalt  }
0x5d: {  	_ =	shalt  }
0x5e: {  	_ =	shalt  }
0x5f: {  	_ =	shalt  }
0x60: {  	_ =	shalt  }
0x61: {  	_ =	shalt  }
0x62: {  	_ =	shalt  }
0x63: {  	_ =	shalt  }
0x64: {  	_ =	shalt  }
0x65: {  	_ =	shalt  }
0x66: {  	_ =	shalt  }
0x67: {  	_ =	shalt  }
0x68: {  	_ =	shalt  }
0x69: {  	_ =	shalt  }
0x6a: {  	_ =	shalt  }
0x6b: {  	_ =	shalt  }
0x6c: {  	_ =	shalt  }
0x6d: {  	_ =	shalt  }
0x6e: {  	_ =	shalt  }
0x6f: {  	_ =	shalt  }
0x70: {  	_ =	shalt  }
0x71: {  	_ =	shalt  }
0x72: {  	_ =	shalt  }
0x73: {  	_ =	shalt  }
0x74: {  	_ =	shalt  }
0x75: {  	_ =	shalt  }
0x76: {  	_ =	shalt  }
0x77: {  	_ =	shalt  }
0x78: {  	_ =	shalt  }
0x79: {  	_ =	shalt  }
0x7a: {  	_ =	shalt  }
0x7b: {  	_ =	shalt  }
0x7c: {  	_ =	shalt  }
0x7d: {  	_ =	shalt  }
0x7e: {  	_ =	shalt  }
0x7f: {  	_ =	shalt  }
0x80: {  	_ =	shalt  }
0x81: {  	_ =	shalt  }
0x82: {  	_ =	shalt  }
0x83: {  	_ =	shalt  }
0x84: {  	_ =	shalt  }
0x85: {  	_ =	shalt  }
0x86: {  	_ =	shalt  }
0x87: {  	_ =	shalt  }
.Lfunc_end0:
.L_simem_size_0:
called_computation.1_lowered:
.L_overlay_start_0:
0x88: {  	s2 =	sld [smem:$0x3FD9]  }
0x89: {  	s3 =	sld [smem:$0x3FFE];
	_ =	sdelay $0x1  }
0x8a: {  	s1 =	srdreg.scid  }
0x8b: {  	s0 =	sand.u32 $0x1, s1  }
0x8c: {  	s17 =	sshll.u32 s0, $0xA;
	s2 =	sadd.s32 s3, s2  }
0x8d: {  	s2 =	sadd.s32 s2, s17  }
0x8e: {  	[smem:$0x3FC6] =	sst s2  }
0x8f: {  	_ = 	snop  }
0x90: {  	(tm) =	ssettm $0x1  }
0x91: {  	s18 =	sld [smem:$0x3FFB];
	_ =	sdelay $0x3  }
0x92: {  	_ =	strace s18  }
0x93: {  	s2 =	sld [smem:$0x3FFC];
	_ =	sdelay $0x3  }
0x94: {  	_ =	strace s2  }
0x95: {  	s2 =	sld [smem:$0x3FFD];
	_ =	sdelay $0x3  }
0x96: {  	_ =	strace s2  }
0x97: {  	_ =	strace $0x8FFFFFFF  }
0x98: {  	s19 =	sld [smem:$0x3FDB];
	_ =	sdelay $0x1  }
0x99: {  	s20 =	simm.s32 $_scs_section_size  }
0x9a: {  	s4 =	simm.s32 $_size__tile_overlayer_lowered;
	s5 =	simm.s32 $_tile_overlayer_lowered  }
0x9b: {  	s6 =	simm.s32 $0x1BFF;
	s21 =	sshll.u32 s5, $0x1;
	s3 =	sadd.s32 s20, s19  }
0x9c: {  	s22 =	simm.s32 $0x0;
	s4 =	sshll.u32 s4, $0x1;
	s5 =	sadd.s32 s21, s3  }
0x9d: {  	[timem:s22], [sflag:s6] =	dma.local [hbm:s5], s4  }
0x9e: {  	_ =	swait.ge [sflag:s6], s4  }
0x9f: {  	s4 =	ssub.s32 $0x0, s4;
	[sflag:s6] =	ssyncset.done $0x0  }
0xa0: {  	[sflag:s6] =	ssyncadd.s32 s4;
	_ =	sdelay $0x1  }
0xa1: {  	s23 =	simm.s32 $0x1B8B  }
0xa2: {  	_ =	swait.ge [sflag:s23], $0x1  }
0xa3: {  	[sflag:s23] =	ssyncset.done $0x0  }
0xa4: {  	[sflag:s23] =	ssyncadd.s32 $0xFFFFFFFF  }
0xa5: {  	s4 =	sld [smem:$0x0]  }
0xa6: {  	s5 =	sand.u32 $0xFFFFFFFE, s1  }
0xa7: {  	p0 =	sne.s32 s1, s5  }
0xa8: {  	s5 =	sshll.u32 @p0 s5, $0xE  }
0xa9: {  	s5 =	sadd.s32 @p0 $0x11B8D, s5;
	s6 =	sshll.u32 @p0 s4, $0x11  }
0xaa: {  	s5 =	sor.u32 @p0 s6, s5  }
0xab: {  	[sflag:s5] =	ssyncadd.remote.s32 @p0 $0x1;
	_ =	sdelay $0x1  }
0xac: {  	s5 =	simm.s32 @p0 $0x1B8D  }
0xad: {  	_ =	swait.eq @p0 [sflag:s5], $0x1  }
0xae: {  	[sflag:s5] =	ssyncadd.s32 @p0 $0xFFFFFFFF  }
0xaf: {  	s6 =	sshll.u32 @!p0 s1, $0xE  }
0xb0: {  	s6 =	sor.u32 @!p0 $0x4000, s6;
	s5 =	simm.s32 @!p0 $0x1B8D  }
0xb1: {  	s4 =	sshll.u32 @!p0 s4, $0x11;
	s6 =	sadd.s32 @!p0 $0x11B8D, s6;
	_ =	swait.eq @!p0 [sflag:s5], $0x1  }
0xb2: {  	s4 =	sor.u32 @!p0 s4, s6;
	[sflag:s5] =	ssyncadd.s32 @!p0 $0xFFFFFFFF  }
0xb3: {  	s25 =	simm.s32 $0x1B8E;
	s24 =	sld [smem:$0x3FFE];
	[sflag:s4] =	ssyncadd.remote.s32 @!p0 $0x1  }
0xb4: {  	s26 =	simm.s32 $execute0_lowered;
	[smem:$0x3FD2] =	sst s25  }
0xb5: {  	s5 =	sshll.u32 s26, $0x1;
	_ =	strace $0x80000067;
	[dreg:$0x1] =	wrdreg $0xFFFFFFFF  }
0xb6: {  	s28 =	simm.s32 $_size_execute0_lowered;
	s3 =	sadd.s32 s3, s5;
	[dreg:$0x0] =	wrdreg $0x0  }
0xb7: {  	s5 =	sshll.u32 s28, $0x1;
	[dreg:$0x2] =	wrdreg s3  }
0xb8: {  	[dreg:$0x3] =	wrdreg s5  }
0xb9: {  	[dreg:$0x4] =	wrdreg $0xC0  }
0xba: {  	_ =	task [dreg:s22], $0x5FFFF  }
0xbb: {  	[dreg:$0x1] =	wrdreg $0xFFFFFFFF  }
0xbc: {  	[dreg:$0x0] =	wrdreg $0x60  }
0xbd: {  	[dreg:$0x2] =	wrdreg s24  }
0xbe: {  	[dreg:$0x3] =	wrdreg $0xA  }
0xbf: {  	_ =	task.clear_ibuf [dreg:s22], $0x4FFFF;
	_ =	strace $0x90000067  }
0xc0: {  	s29 =	simm.s32 $0xA;
	_ =	strace $0x80000069  }
0xc1: {  	_ =	swait.ge [sflag:s29], $0x1  }
0xc2: {  	[sflag:s29] =	ssyncadd.s32 $0xFFFFFFFF  }
0xc3: {  	_ =	strace $0x90000069  }
0xc4: {  	_ =	sfence  }
0xc5: {  	s30 =	sld [smem:$0x0];
	_ =	sdelay $0x2  }
0xc6: {  	s31 =	sshll.u32 s1, $0xD;
	s1 =	sshrl.u32 s1, $0x2  }
0xc7: {  	s4 =	sand.u32 $0x4000, s31;
	s1 =	sadd.s32 s1, s30  }
0xc8: {  	s0 =	sor.u32 s4, s0;
	s1 =	sshll.u32 s1, $0x11  }
0xc9: {  	s0 =	sor.u32 s1, s0  }
0xca: {  	s0 =	sadd.s32 $0x8F2B, s0  }
0xcb: {  	[sflag:s0] =	ssyncadd.remote.s32 $0x1  }
0xcc: {  	_ =	sfence.sel $0xFFFF  }
0xcd: {  	[dreg:$0x0] =	wrdreg $0xFFFFFFFF;
	(pc) =	sbr.abs _section_cstart, $3  }
0xce: {  	[dreg:$0x1] =	wrdreg $0xFFFFFFFF  }
0xcf: {  	_ =	task.clear_ibuf [dreg:s22], $0x2FFFF;
	_ =	strace $0x9FFFFFFF  }
0xd0: {  	(tm) =	ssettm $0x7FFFFFFF  }
0xd1: {  	_ =	shalt  }
tec
execute0_lowered:
.L_overlay_start_1:
0x0: {  	(tag) =	ssettag $0x1  }
0x1: {  	s5 =	rddreg [dreg:$0x0];
	s1 =	stileid.u32  }
0x2: {  	s0 =	rddreg [dreg:$0x1];
	s2 =	srdreg.scid;
	s3 =	sshll.u32 s1, $0x1  }
0x3: {  	s4 =	sshrl.u32 s1, $0x3;
	s6 =	sand.u32 $0x1, s2;
	s2 =	simm.s32 $0x0  }
0x4: {  	s3 =	sand.u32 $0xE, s3;
	s7 =	sshll.u32 s4, $0xB;
	[smem:$0x7FF] =	sst s2  }
0x5: {  	s9 =	smul.u32 $0x61A80, s4;
	s30 =	sshll.u32 s4, $0x10;
	s8 =	sor.u32 s6, s3  }
0x6: {  	s11 =	ssub.s32 $0x2, s6;
	s28 =	sadd.s32 s7, s5;
	s29 =	sshll.u32 s8, $0x7  }
0x7: {  	_ =	strace $0x80000068;
	s10 =	sadd.s32 s30, s5;
	s3 =	sadd.s32 s29, s28  }
0x8: {  	s6 =	simm.s32 $0x400;
	s4 =	sadd.s32 $0x23200, s3;
	s3 =	simm.s32 $0x2  }
0x9: {  	[tilespmem:s2], [sflag:$0x2] =	stream.linear.gather [hbm4b:s4+s2], $0x400, $0x38;
	[tilespmem:$0x8400] =	vst v63  }
0xa: {  	s31 =	sshrl.u32 s11, $0x1;
	s9 =	sadd.s32 s9, s5;
	_ =	swait.ge [sflag:s3], $0x400  }
0xb: {  	s5 =	sadd.s32 $0x704800, s9;
	s9 =	ssub.s32 s11, s31;
	[sflag:s3] =	ssyncset.done $0x0  }
0xc: {  	s7 =	simm.s32 $0x1;
	s9 =	smax.u32 s9, $0x1;
	[sflag:s3] =	ssyncadd.s32 $0xFFFFFC00  }
0xd: {  	[tilespmem:s6], [sflag:$0x1] =	stream.indirect.gather [hbm4b:s5+s6], $0x20, s2, s6, $0xb8;
	[tilespmem:$0x8400] =	vst v63  }
0xe: {  	s8 =	sshll.u32 s8, $0xC;
	p0 =	sne.s32 s9, $0x1;
	_ =	swait.ge [sflag:s7], $0x8000  }
.Ltmp0:
0xf: {  	s8 =	sadd.s32 s8, s10;
	[sflag:s7] =	ssyncset.done $0x0;
	(pc) =	sbr.rel @!p0 .LBB2_2-.Ltmp0, $4  }
0x10: {  	s8 =	sadd.s32 $0xAB0000, s8;
	[sflag:s7] =	ssyncadd.s32 $0xFFFF8000  }
0x11: {  	[hbm4b:s8+s2] =	stream.linear.scatter [tilespmem:s6], [sflag:$0x2], $0x8000, $0x38;
	[tilespmem:$0x8400] =	vst v63  }
0x12: {  	_ =	swait.ge [sflag:s3], $0x8000  }
0x13: {  	s9 =	sadd.s32 $0xFFFFFFFF, s9;
	[sflag:s3] =	ssyncset.done $0x0  }
.LBB2_1:
0x14: {  	p0 =	sne.s32 s9, $0x1;
	s9 =	sadd.s32 $0xFFFFFFFF, s9;
	[sflag:s3] =	ssyncadd.s32 $0xFFFF8000  }
0x15: {  	[tilespmem:s2], [sflag:$0x2] =	stream.linear.gather [hbm4b:s4+s2], $0x400, $0x38;
	[tilespmem:$0x8400] =	vst v63  }
0x16: {  	_ =	swait.ge [sflag:s3], $0x400  }
0x17: {  	[sflag:s3] =	ssyncset.done $0x0  }
0x18: {  	[sflag:s3] =	ssyncadd.s32 $0xFFFFFC00  }
0x19: {  	[tilespmem:s6], [sflag:$0x1] =	stream.indirect.gather [hbm4b:s5+s6], $0x20, s2, s6, $0xb8;
	[tilespmem:$0x8400] =	vst v63  }
0x1a: {  	_ =	swait.ge [sflag:s7], $0x8000  }
.Ltmp1:
0x1b: {  	[sflag:s7] =	ssyncset.done $0x0;
	(pc) =	sbr.rel @p0 .LBB2_1-.Ltmp1, $4  }
0x1c: {  	[sflag:s7] =	ssyncadd.s32 $0xFFFF8000  }
0x1d: {  	[hbm4b:s8+s2] =	stream.linear.scatter [tilespmem:s6], [sflag:$0x2], $0x8000, $0x38;
	[tilespmem:$0x8400] =	vst v63  }
0x1e: {  	_ =	swait.ge [sflag:s3], $0x8000  }
0x1f: {  	[sflag:s3] =	ssyncset.done $0x0  }
.LBB2_2:
0x20: {  	[sflag:s3] =	ssyncadd.s32 $0xFFFF8000  }
0x21: {  	_ =	sfence.sel $0x180000  }
0x22: {  	[bflag:$0x0] =	sbarrier.arrive $0xFFFF  }
0x23: {  	p0 =	sne.s32 s1, $0x0;
	_ =	strace $0x90000068  }
0x24: {  	s0 =	sadd.s32 @!p0 $0x100000, s0;
	[bflag:$0x2] =	sbarrier.arrive $0xFFFF  }
0x25: {  	[sflag:s0] =	ssyncadd.tile.s32 @!p0 $0x1;
	_ =	shalt  }
.Lfunc_end2:
_tile_overlayer_lowered:
.L_overlay_start_2:
0x26: {  	(tag) =	ssettag $0x2  }
0x27: {  	s0 =	rddreg [dreg:$0x0];
	s2 =	stileid.u32  }
0x28: {  	s1 =	rddreg [dreg:$0x1];
	p0 =	sne.s32 s2, $0x0  }
0x29: {  	s3 =	rddreg [dreg:$0x2];
	[bflag:$0x3] =	sbarrier.arrive $0xFFFF;
	s2 =	simm.s32 @!p0 $0x1C02  }
0x2a: {  	[timem:s3], [sflag:s2] =	dma.local @!p0 [hbm:s0], s1  }
0x2b: {  	s0 =	simm.s32 @!p0 $0x2  }
0x2c: {  	_ =	swait.ge @!p0 [sflag:s0], s1  }
0x2d: {  	s1 =	ssub.s32 @!p0 $0x0, s1;
	[sflag:s0] =	ssyncset.done @!p0 $0x0  }
0x2e: {  	[sflag:s0] =	ssyncadd.s32 @!p0 s1  }
0x2f: {  	[bflag:$0x3] =	sbarrier.arrive $0xFFFF  }
0x30: {  	_ =	shalt  }

// kernel: kernel.21.cloned.1.call-start
scs
__scs_entry_jumppad:
0x0: {  	(pc) =	sbr.rel $0x88, $3  }
0x1: {  	(tag) =	ssettag $0x0;
	lr =	simm.s32 $0x1  }
0x2: {  	[smem:$0x3F9F] =	sst lr;
	_ =	strace $0xD0000000  }
0x3: {  	_ = 	snop  }
0x4: {  	_ = 	snop  }
0x5: {  	_ = 	snop  }
0x6: {  	_ = 	snop  }
0x7: {  	_ = 	snop  }
__scs_overlays_trampoline_lowered:
0x8: {  	[smem:$0x3FAE] =	sst s0  }
0x9: {  	[smem:$0x3FAF] =	sst s1  }
0xa: {  	[smem:$0x3FB0] =	sst s2  }
0xb: {  	[smem:$0x3FB1] =	sst s3  }
0xc: {  	[smem:$0x3FB2] =	sst s4  }
0xd: {  	[smem:$0x3FB3] =	sst s5  }
0xe: {  	[smem:$0x3FB4] =	sst s6  }
0xf: {  	[smem:$0x3FB5] =	sst s7  }
0x10: {  	[smem:$0x3FB6] =	sst s8  }
0x11: {  	[smem:$0x3FB7] =	sst s9;
	s0 =	simm.s32 @!p0 $0x0  }
0x12: {  	s1 =	sld [smem:$0x3F9D];
	s0 =	simm.s32 @p0 $0x1  }
0x13: {  	[smem:$0x3FB8] =	sst s0;
	s0 =	simm.s32 @!p1 $0x0  }
0x14: {  	s2 =	sld [smem:$0x3F9C];
	s0 =	simm.s32 @p1 $0x1  }
0x15: {  	[smem:$0x3FB9] =	sst s0;
	s0 =	simm.s32 @!p2 $0x0  }
0x16: {  	s3 =	sld [smem:$0x3FDB];
	s0 =	simm.s32 @p2 $0x1  }
0x17: {  	s4 =	simm.s32 $0x1BF5;
	[smem:$0x3FBB] =	sst s0  }
0x18: {  	s0 =	sld [smem:$0x3F9E];
	_ =	swait.ge [sflag:s4], $0x0  }
0x19: {  	s7 =	sld [smem:$0x3F9F]  }
0x1a: {  	s8 =	sadd.s32 $0xFFFFE003, lr  }
0x1b: {  	s9 =	sadd.s32 $0xFFFFFEF7, lr;
	s5 =	simm.s32 $0xFFFFFFFF;
	p2 =	slt.u32 s8, $0xFFFFF086  }
0x1c: {  	p1 =	slt.u32 s9, $0xF7A;
	s5 =	simm.s32 @!p2 $0x0  }
0x1d: {  	s5 =	simm.s32 @p1 $0x1;
	p0 =	seq.s32 s7, s2  }
0x1e: {  	s7 =	smul.u32 @!p0 $0xF7A, s2;
	p2 =	seq.s32 @!p0 s5, $0x0  }
0x1f: {  	s9 =	smul.u32 $0xF7A, s1;
	s8 =	simm.s32 @!p0 $0x1BF5;
	p2 =	por !p2, p0  }
0x20: {  	[sflag:s8] =	ssyncset.s32 @!p0 $0xFFFFF086;
	s6 =	sadd.s32 @!p0 s3, s7;
	s7 =	simm.s32 @!p0 $0x108  }
0x21: {  	s3 =	sadd.s32 s3, s9;
	s6 =	sadd.s32 @!p0 $0x88, s6;
	s7 =	simm.s32 @p2 $0x1082  }
0x22: {  	[simem:s7], [sflag:s8] =	dma.local @!p0 [hbm:s6], $0xF7A  }
0x23: {  	s9 =	sor.u32 $0xD0000000, s2;
	s6 =	simm.s32 $0x108;
	_ =	swait.ge @!p0 [sflag:s8], $0x0  }
0x24: {  	s3 =	sadd.s32 $0x88, s3;
	s6 =	simm.s32 @!p1 $0x1082;
	[sflag:s4] =	ssyncset.s32 $0xFFFFF086  }
0x25: {  	[simem:s6], [sflag:s4] =	dma.local [hbm:s3], $0xF7A  }
0x26: {  	[smem:$0x3F9F] =	sst s1;
	(tag) =	ssettag s2;
	_ =	strace s9  }
0x27: {  	s1 =	sld [smem:$0x3FAF]  }
0x28: {  	s2 =	sld [smem:$0x3FB0]  }
0x29: {  	s4 =	sld [smem:$0x3FB2]  }
0x2a: {  	p0 =	seq.s32 s5, $0x0;
	s5 =	sld [smem:$0x3FB3]  }
0x2b: {  	s6 =	sld [smem:$0x3FB4]  }
0x2c: {  	s7 =	sld [smem:$0x3FB5]  }
0x2d: {  	s3 =	simm.s32 $0x108;
	s8 =	sld [smem:$0x3FB6]  }
0x2e: {  	s3 =	simm.s32 @!p0 $0x1082;
	s9 =	sld [smem:$0x3FB7]  }
0x2f: {  	lr =	sadd.s32 s0, s3;
	s0 =	sld [smem:$0x3FAE]  }
0x30: {  	s3 =	sld [smem:$0x3FB1]  }
0x31: {  	[smem:$0x3FBA] =	sst s10  }
0x32: {  	s10 =	sld [smem:$0x3FB8];
	_ =	sdelay $0x3  }
0x33: {  	p0 =	seq.s32 s10, $0x1;
	s10 =	sld [smem:$0x3FBA];
	_ =	sdelay $0x3  }
0x34: {  	[smem:$0x3FBA] =	sst s10  }
0x35: {  	s10 =	sld [smem:$0x3FB9];
	_ =	sdelay $0x3  }
0x36: {  	p1 =	seq.s32 s10, $0x1;
	s10 =	sld [smem:$0x3FBA];
	_ =	sdelay $0x3  }
0x37: {  	[smem:$0x3FBA] =	sst s10  }
0x38: {  	s10 =	sld [smem:$0x3FBB]  }
0x39: {  	_ = 	snop;
	(pc) =	sbr.ind lr, $3  }
0x3a: {  	_ = 	snop  }
0x3b: {  	_ = 	snop  }
0x3c: {  	p2 =	seq.s32 s10, $0x1;
	s10 =	sld [smem:$0x3FBA]  }
0x3d: {  	_ =	shalt  }
0x3e: {  	_ =	shalt  }
0x3f: {  	_ =	shalt  }
0x40: {  	_ =	shalt  }
0x41: {  	_ =	shalt  }
0x42: {  	_ =	shalt  }
0x43: {  	_ =	shalt  }
0x44: {  	_ =	shalt  }
0x45: {  	_ =	shalt  }
0x46: {  	_ =	shalt  }
0x47: {  	_ =	shalt  }
0x48: {  	_ =	shalt  }
0x49: {  	_ =	shalt  }
0x4a: {  	_ =	shalt  }
0x4b: {  	_ =	shalt  }
0x4c: {  	_ =	shalt  }
0x4d: {  	_ =	shalt  }
0x4e: {  	_ =	shalt  }
0x4f: {  	_ =	shalt  }
0x50: {  	_ =	shalt  }
0x51: {  	_ =	shalt  }
0x52: {  	_ =	shalt  }
0x53: {  	_ =	shalt  }
0x54: {  	_ =	shalt  }
0x55: {  	_ =	shalt  }
0x56: {  	_ =	shalt  }
0x57: {  	_ =	shalt  }
0x58: {  	_ =	shalt  }
0x59: {  	_ =	shalt  }
0x5a: {  	_ =	shalt  }
0x5b: {  	_ =	shalt  }
0x5c: {  	_ =	shalt  }
0x5d: {  	_ =	shalt  }
0x5e: {  	_ =	shalt  }
0x5f: {  	_ =	shalt  }
0x60: {  	_ =	shalt  }
0x61: {  	_ =	shalt  }
0x62: {  	_ =	shalt  }
0x63: {  	_ =	shalt  }
0x64: {  	_ =	shalt  }
0x65: {  	_ =	shalt  }
0x66: {  	_ =	shalt  }
0x67: {  	_ =	shalt  }
0x68: {  	_ =	shalt  }
0x69: {  	_ =	shalt  }
0x6a: {  	_ =	shalt  }
0x6b: {  	_ =	shalt  }
0x6c: {  	_ =	shalt  }
0x6d: {  	_ =	shalt  }
0x6e: {  	_ =	shalt  }
0x6f: {  	_ =	shalt  }
0x70: {  	_ =	shalt  }
0x71: {  	_ =	shalt  }
0x72: {  	_ =	shalt  }
0x73: {  	_ =	shalt  }
0x74: {  	_ =	shalt  }
0x75: {  	_ =	shalt  }
0x76: {  	_ =	shalt  }
0x77: {  	_ =	shalt  }
0x78: {  	_ =	shalt  }
0x79: {  	_ =	shalt  }
0x7a: {  	_ =	shalt  }
0x7b: {  	_ =	shalt  }
0x7c: {  	_ =	shalt  }
0x7d: {  	_ =	shalt  }
0x7e: {  	_ =	shalt  }
0x7f: {  	_ =	shalt  }
0x80: {  	_ =	shalt  }
0x81: {  	_ =	shalt  }
0x82: {  	_ =	shalt  }
0x83: {  	_ =	shalt  }
0x84: {  	_ =	shalt  }
0x85: {  	_ =	shalt  }
0x86: {  	_ =	shalt  }
0x87: {  	_ =	shalt  }
.Lfunc_end0:
.L_simem_size_0:
called_computation.2_lowered:
.L_overlay_start_0:
0x88: {  	s2 =	sld [smem:$0x3FD9]  }
0x89: {  	s3 =	sld [smem:$0x3FFE];
	_ =	sdelay $0x1  }
0x8a: {  	s1 =	srdreg.scid  }
0x8b: {  	s0 =	sand.u32 $0x1, s1  }
0x8c: {  	s17 =	sshll.u32 s0, $0xA;
	s2 =	sadd.s32 s3, s2  }
0x8d: {  	s2 =	sadd.s32 s2, s17  }
0x8e: {  	[smem:$0x3FC6] =	sst s2  }
0x8f: {  	_ = 	snop  }
0x90: {  	(tm) =	ssettm $0x1  }
0x91: {  	s18 =	sld [smem:$0x3FFB];
	_ =	sdelay $0x3  }
0x92: {  	_ =	strace s18  }
0x93: {  	s2 =	sld [smem:$0x3FFC];
	_ =	sdelay $0x3  }
0x94: {  	_ =	strace s2  }
0x95: {  	s2 =	sld [smem:$0x3FFD];
	_ =	sdelay $0x3  }
0x96: {  	_ =	strace s2  }
0x97: {  	_ =	strace $0x8FFFFFFF  }
0x98: {  	s19 =	sld [smem:$0x3FDB];
	_ =	sdelay $0x1  }
0x99: {  	s20 =	simm.s32 $_scs_section_size  }
0x9a: {  	s4 =	simm.s32 $_size__tile_overlayer_lowered;
	s5 =	simm.s32 $_tile_overlayer_lowered  }
0x9b: {  	s6 =	simm.s32 $0x1BFF;
	s21 =	sshll.u32 s5, $0x1;
	s3 =	sadd.s32 s20, s19  }
0x9c: {  	s22 =	simm.s32 $0x0;
	s4 =	sshll.u32 s4, $0x1;
	s5 =	sadd.s32 s21, s3  }
0x9d: {  	[timem:s22], [sflag:s6] =	dma.local [hbm:s5], s4  }
0x9e: {  	_ =	swait.ge [sflag:s6], s4  }
0x9f: {  	s4 =	ssub.s32 $0x0, s4;
	[sflag:s6] =	ssyncset.done $0x0  }
0xa0: {  	[sflag:s6] =	ssyncadd.s32 s4;
	_ =	sdelay $0x1  }
0xa1: {  	s23 =	simm.s32 $0x1B8B  }
0xa2: {  	_ =	swait.ge [sflag:s23], $0x1  }
0xa3: {  	[sflag:s23] =	ssyncset.done $0x0  }
0xa4: {  	[sflag:s23] =	ssyncadd.s32 $0xFFFFFFFF  }
0xa5: {  	s4 =	sld [smem:$0x0]  }
0xa6: {  	s5 =	sand.u32 $0xFFFFFFFE, s1  }
0xa7: {  	p0 =	sne.s32 s1, s5  }
0xa8: {  	s5 =	sshll.u32 @p0 s5, $0xE  }
0xa9: {  	s5 =	sadd.s32 @p0 $0x11B8D, s5;
	s6 =	sshll.u32 @p0 s4, $0x11  }
0xaa: {  	s5 =	sor.u32 @p0 s6, s5  }
0xab: {  	[sflag:s5] =	ssyncadd.remote.s32 @p0 $0x1;
	_ =	sdelay $0x1  }
0xac: {  	s5 =	simm.s32 @p0 $0x1B8D  }
0xad: {  	_ =	swait.eq @p0 [sflag:s5], $0x1  }
0xae: {  	[sflag:s5] =	ssyncadd.s32 @p0 $0xFFFFFFFF  }
0xaf: {  	s6 =	sshll.u32 @!p0 s1, $0xE  }
0xb0: {  	s6 =	sor.u32 @!p0 $0x4000, s6;
	s5 =	simm.s32 @!p0 $0x1B8D  }
0xb1: {  	s4 =	sshll.u32 @!p0 s4, $0x11;
	s6 =	sadd.s32 @!p0 $0x11B8D, s6;
	_ =	swait.eq @!p0 [sflag:s5], $0x1  }
0xb2: {  	s4 =	sor.u32 @!p0 s4, s6;
	[sflag:s5] =	ssyncadd.s32 @!p0 $0xFFFFFFFF  }
0xb3: {  	s25 =	simm.s32 $0x1B8E;
	s24 =	sld [smem:$0x3FFE];
	[sflag:s4] =	ssyncadd.remote.s32 @!p0 $0x1  }
0xb4: {  	s26 =	simm.s32 $execute0_lowered;
	[smem:$0x3FD2] =	sst s25  }
0xb5: {  	s5 =	sshll.u32 s26, $0x1;
	_ =	strace $0x80000064;
	[dreg:$0x1] =	wrdreg $0xFFFFFFFF  }
0xb6: {  	s28 =	simm.s32 $_size_execute0_lowered;
	s3 =	sadd.s32 s3, s5;
	[dreg:$0x0] =	wrdreg $0x0  }
0xb7: {  	s5 =	sshll.u32 s28, $0x1;
	[dreg:$0x2] =	wrdreg s3  }
0xb8: {  	[dreg:$0x3] =	wrdreg s5  }
0xb9: {  	[dreg:$0x4] =	wrdreg $0xC0  }
0xba: {  	_ =	task [dreg:s22], $0x5FFFF  }
0xbb: {  	[dreg:$0x1] =	wrdreg $0xFFFFFFFF  }
0xbc: {  	[dreg:$0x0] =	wrdreg $0x60  }
0xbd: {  	[dreg:$0x2] =	wrdreg s24  }
0xbe: {  	[dreg:$0x3] =	wrdreg $0xB  }
0xbf: {  	_ =	task.clear_ibuf [dreg:s22], $0x4FFFF;
	_ =	strace $0x90000064  }
0xc0: {  	s29 =	simm.s32 $0xB;
	_ =	strace $0x80000066  }
0xc1: {  	_ =	swait.ge [sflag:s29], $0x1  }
0xc2: {  	[sflag:s29] =	ssyncadd.s32 $0xFFFFFFFF  }
0xc3: {  	_ =	strace $0x90000066  }
0xc4: {  	_ =	sfence  }
0xc5: {  	s30 =	sld [smem:$0x0];
	_ =	sdelay $0x2  }
0xc6: {  	s31 =	sshll.u32 s1, $0xD;
	s1 =	sshrl.u32 s1, $0x2  }
0xc7: {  	s4 =	sand.u32 $0x4000, s31;
	s1 =	sadd.s32 s1, s30  }
0xc8: {  	s0 =	sor.u32 s4, s0;
	s1 =	sshll.u32 s1, $0x11  }
0xc9: {  	s0 =	sor.u32 s1, s0  }
0xca: {  	s0 =	sadd.s32 $0x8F2B, s0  }
0xcb: {  	[sflag:s0] =	ssyncadd.remote.s32 $0x1  }
0xcc: {  	_ =	sfence.sel $0xFFFF  }
0xcd: {  	[dreg:$0x0] =	wrdreg $0xFFFFFFFF;
	(pc) =	sbr.abs _section_cstart, $3  }
0xce: {  	[dreg:$0x1] =	wrdreg $0xFFFFFFFF  }
0xcf: {  	_ =	task.clear_ibuf [dreg:s22], $0x2FFFF;
	_ =	strace $0x9FFFFFFF  }
0xd0: {  	(tm) =	ssettm $0x7FFFFFFF  }
0xd1: {  	_ =	shalt  }
tec
execute0_lowered:
.L_overlay_start_1:
0x0: {  	(tag) =	ssettag $0x1  }
0x1: {  	s5 =	rddreg [dreg:$0x0];
	s1 =	stileid.u32  }
0x2: {  	s0 =	rddreg [dreg:$0x1];
	s2 =	srdreg.scid;
	s3 =	sshll.u32 s1, $0x1  }
0x3: {  	s4 =	sshrl.u32 s1, $0x3;
	s6 =	sand.u32 $0x1, s2;
	s2 =	simm.s32 $0x0  }
0x4: {  	s3 =	sand.u32 $0xE, s3;
	s7 =	sshll.u32 s4, $0xB;
	[smem:$0x7FF] =	sst s2  }
0x5: {  	s9 =	smul.u32 $0x61A80, s4;
	s30 =	sshll.u32 s4, $0x10;
	s8 =	sor.u32 s6, s3  }
0x6: {  	s11 =	ssub.s32 $0x2, s6;
	s28 =	sadd.s32 s7, s5;
	s29 =	sshll.u32 s8, $0x7  }
0x7: {  	_ =	strace $0x80000065;
	s10 =	sadd.s32 s30, s5;
	s3 =	sadd.s32 s29, s28  }
0x8: {  	s6 =	simm.s32 $0x400;
	s4 =	sadd.s32 $0x22200, s3;
	s3 =	simm.s32 $0x2  }
0x9: {  	[tilespmem:s2], [sflag:$0x2] =	stream.linear.gather [hbm4b:s4+s2], $0x400, $0x38;
	[tilespmem:$0x8400] =	vst v63  }
0xa: {  	s31 =	sshrl.u32 s11, $0x1;
	s9 =	sadd.s32 s9, s5;
	_ =	swait.ge [sflag:s3], $0x400  }
0xb: {  	s5 =	sadd.s32 $0x641200, s9;
	s9 =	ssub.s32 s11, s31;
	[sflag:s3] =	ssyncset.done $0x0  }
0xc: {  	s7 =	simm.s32 $0x1;
	s9 =	smax.u32 s9, $0x1;
	[sflag:s3] =	ssyncadd.s32 $0xFFFFFC00  }
0xd: {  	[tilespmem:s6], [sflag:$0x1] =	stream.indirect.gather [hbm4b:s5+s6], $0x20, s2, s6, $0xb8;
	[tilespmem:$0x8400] =	vst v63  }
0xe: {  	s8 =	sshll.u32 s8, $0xC;
	p0 =	sne.s32 s9, $0x1;
	_ =	swait.ge [sflag:s7], $0x8000  }
.Ltmp0:
0xf: {  	s8 =	sadd.s32 s8, s10;
	[sflag:s7] =	ssyncset.done $0x0;
	(pc) =	sbr.rel @!p0 .LBB2_2-.Ltmp0, $4  }
0x10: {  	s8 =	sadd.s32 $0xA90000, s8;
	[sflag:s7] =	ssyncadd.s32 $0xFFFF8000  }
0x11: {  	[hbm4b:s8+s2] =	stream.linear.scatter [tilespmem:s6], [sflag:$0x2], $0x8000, $0x38;
	[tilespmem:$0x8400] =	vst v63  }
0x12: {  	_ =	swait.ge [sflag:s3], $0x8000  }
0x13: {  	s9 =	sadd.s32 $0xFFFFFFFF, s9;
	[sflag:s3] =	ssyncset.done $0x0  }
.LBB2_1:
0x14: {  	p0 =	sne.s32 s9, $0x1;
	s9 =	sadd.s32 $0xFFFFFFFF, s9;
	[sflag:s3] =	ssyncadd.s32 $0xFFFF8000  }
0x15: {  	[tilespmem:s2], [sflag:$0x2] =	stream.linear.gather [hbm4b:s4+s2], $0x400, $0x38;
	[tilespmem:$0x8400] =	vst v63  }
0x16: {  	_ =	swait.ge [sflag:s3], $0x400  }
0x17: {  	[sflag:s3] =	ssyncset.done $0x0  }
0x18: {  	[sflag:s3] =	ssyncadd.s32 $0xFFFFFC00  }
0x19: {  	[tilespmem:s6], [sflag:$0x1] =	stream.indirect.gather [hbm4b:s5+s6], $0x20, s2, s6, $0xb8;
	[tilespmem:$0x8400] =	vst v63  }
0x1a: {  	_ =	swait.ge [sflag:s7], $0x8000  }
.Ltmp1:
0x1b: {  	[sflag:s7] =	ssyncset.done $0x0;
	(pc) =	sbr.rel @p0 .LBB2_1-.Ltmp1, $4  }
0x1c: {  	[sflag:s7] =	ssyncadd.s32 $0xFFFF8000  }
0x1d: {  	[hbm4b:s8+s2] =	stream.linear.scatter [tilespmem:s6], [sflag:$0x2], $0x8000, $0x38;
	[tilespmem:$0x8400] =	vst v63  }
0x1e: {  	_ =	swait.ge [sflag:s3], $0x8000  }
0x1f: {  	[sflag:s3] =	ssyncset.done $0x0  }
.LBB2_2:
0x20: {  	[sflag:s3] =	ssyncadd.s32 $0xFFFF8000  }
0x21: {  	_ =	sfence.sel $0x180000  }
0x22: {  	[bflag:$0x0] =	sbarrier.arrive $0xFFFF  }
0x23: {  	p0 =	sne.s32 s1, $0x0;
	_ =	strace $0x90000065  }
0x24: {  	s0 =	sadd.s32 @!p0 $0x100000, s0;
	[bflag:$0x2] =	sbarrier.arrive $0xFFFF  }
0x25: {  	[sflag:s0] =	ssyncadd.tile.s32 @!p0 $0x1;
	_ =	shalt  }
.Lfunc_end2:
_tile_overlayer_lowered:
.L_overlay_start_2:
0x26: {  	(tag) =	ssettag $0x2  }
0x27: {  	s0 =	rddreg [dreg:$0x0];
	s2 =	stileid.u32  }
0x28: {  	s1 =	rddreg [dreg:$0x1];
	p0 =	sne.s32 s2, $0x0  }
0x29: {  	s3 =	rddreg [dreg:$0x2];
	[bflag:$0x3] =	sbarrier.arrive $0xFFFF;
	s2 =	simm.s32 @!p0 $0x1C02  }
0x2a: {  	[timem:s3], [sflag:s2] =	dma.local @!p0 [hbm:s0], s1  }
0x2b: {  	s0 =	simm.s32 @!p0 $0x2  }
0x2c: {  	_ =	swait.ge @!p0 [sflag:s0], s1  }
0x2d: {  	s1 =	ssub.s32 @!p0 $0x0, s1;
	[sflag:s0] =	ssyncset.done @!p0 $0x0  }
0x2e: {  	[sflag:s0] =	ssyncadd.s32 @!p0 s1  }
0x2f: {  	[bflag:$0x3] =	sbarrier.arrive $0xFFFF  }
0x30: {  	_ =	shalt  }

// kernel: kernel.24.cloned.1.call-start
scs
__scs_entry_jumppad:
0x0: {  	(pc) =	sbr.rel $0x88, $3  }
0x1: {  	(tag) =	ssettag $0x0;
	lr =	simm.s32 $0x1  }
0x2: {  	[smem:$0x3F9F] =	sst lr;
	_ =	strace $0xD0000000  }
0x3: {  	_ = 	snop  }
0x4: {  	_ = 	snop  }
0x5: {  	_ = 	snop  }
0x6: {  	_ = 	snop  }
0x7: {  	_ = 	snop  }
__scs_overlays_trampoline_lowered:
0x8: {  	[smem:$0x3FAE] =	sst s0  }
0x9: {  	[smem:$0x3FAF] =	sst s1  }
0xa: {  	[smem:$0x3FB0] =	sst s2  }
0xb: {  	[smem:$0x3FB1] =	sst s3  }
0xc: {  	[smem:$0x3FB2] =	sst s4  }
0xd: {  	[smem:$0x3FB3] =	sst s5  }
0xe: {  	[smem:$0x3FB4] =	sst s6  }
0xf: {  	[smem:$0x3FB5] =	sst s7  }
0x10: {  	[smem:$0x3FB6] =	sst s8  }
0x11: {  	[smem:$0x3FB7] =	sst s9;
	s0 =	simm.s32 @!p0 $0x0  }
0x12: {  	s1 =	sld [smem:$0x3F9D];
	s0 =	simm.s32 @p0 $0x1  }
0x13: {  	[smem:$0x3FB8] =	sst s0;
	s0 =	simm.s32 @!p1 $0x0  }
0x14: {  	s2 =	sld [smem:$0x3F9C];
	s0 =	simm.s32 @p1 $0x1  }
0x15: {  	[smem:$0x3FB9] =	sst s0;
	s0 =	simm.s32 @!p2 $0x0  }
0x16: {  	s3 =	sld [smem:$0x3FDB];
	s0 =	simm.s32 @p2 $0x1  }
0x17: {  	s4 =	simm.s32 $0x1BF5;
	[smem:$0x3FBB] =	sst s0  }
0x18: {  	s0 =	sld [smem:$0x3F9E];
	_ =	swait.ge [sflag:s4], $0x0  }
0x19: {  	s7 =	sld [smem:$0x3F9F]  }
0x1a: {  	s8 =	sadd.s32 $0xFFFFE003, lr  }
0x1b: {  	s9 =	sadd.s32 $0xFFFFFEF7, lr;
	s5 =	simm.s32 $0xFFFFFFFF;
	p2 =	slt.u32 s8, $0xFFFFF086  }
0x1c: {  	p1 =	slt.u32 s9, $0xF7A;
	s5 =	simm.s32 @!p2 $0x0  }
0x1d: {  	s5 =	simm.s32 @p1 $0x1;
	p0 =	seq.s32 s7, s2  }
0x1e: {  	s7 =	smul.u32 @!p0 $0xF7A, s2;
	p2 =	seq.s32 @!p0 s5, $0x0  }
0x1f: {  	s9 =	smul.u32 $0xF7A, s1;
	s8 =	simm.s32 @!p0 $0x1BF5;
	p2 =	por !p2, p0  }
0x20: {  	[sflag:s8] =	ssyncset.s32 @!p0 $0xFFFFF086;
	s6 =	sadd.s32 @!p0 s3, s7;
	s7 =	simm.s32 @!p0 $0x108  }
0x21: {  	s3 =	sadd.s32 s3, s9;
	s6 =	sadd.s32 @!p0 $0x88, s6;
	s7 =	simm.s32 @p2 $0x1082  }
0x22: {  	[simem:s7], [sflag:s8] =	dma.local @!p0 [hbm:s6], $0xF7A  }
0x23: {  	s9 =	sor.u32 $0xD0000000, s2;
	s6 =	simm.s32 $0x108;
	_ =	swait.ge @!p0 [sflag:s8], $0x0  }
0x24: {  	s3 =	sadd.s32 $0x88, s3;
	s6 =	simm.s32 @!p1 $0x1082;
	[sflag:s4] =	ssyncset.s32 $0xFFFFF086  }
0x25: {  	[simem:s6], [sflag:s4] =	dma.local [hbm:s3], $0xF7A  }
0x26: {  	[smem:$0x3F9F] =	sst s1;
	(tag) =	ssettag s2;
	_ =	strace s9  }
0x27: {  	s1 =	sld [smem:$0x3FAF]  }
0x28: {  	s2 =	sld [smem:$0x3FB0]  }
0x29: {  	s4 =	sld [smem:$0x3FB2]  }
0x2a: {  	p0 =	seq.s32 s5, $0x0;
	s5 =	sld [smem:$0x3FB3]  }
0x2b: {  	s6 =	sld [smem:$0x3FB4]  }
0x2c: {  	s7 =	sld [smem:$0x3FB5]  }
0x2d: {  	s3 =	simm.s32 $0x108;
	s8 =	sld [smem:$0x3FB6]  }
0x2e: {  	s3 =	simm.s32 @!p0 $0x1082;
	s9 =	sld [smem:$0x3FB7]  }
0x2f: {  	lr =	sadd.s32 s0, s3;
	s0 =	sld [smem:$0x3FAE]  }
0x30: {  	s3 =	sld [smem:$0x3FB1]  }
0x31: {  	[smem:$0x3FBA] =	sst s10  }
0x32: {  	s10 =	sld [smem:$0x3FB8];
	_ =	sdelay $0x3  }
0x33: {  	p0 =	seq.s32 s10, $0x1;
	s10 =	sld [smem:$0x3FBA];
	_ =	sdelay $0x3  }
0x34: {  	[smem:$0x3FBA] =	sst s10  }
0x35: {  	s10 =	sld [smem:$0x3FB9];
	_ =	sdelay $0x3  }
0x36: {  	p1 =	seq.s32 s10, $0x1;
	s10 =	sld [smem:$0x3FBA];
	_ =	sdelay $0x3  }
0x37: {  	[smem:$0x3FBA] =	sst s10  }
0x38: {  	s10 =	sld [smem:$0x3FBB]  }
0x39: {  	_ = 	snop;
	(pc) =	sbr.ind lr, $3  }
0x3a: {  	_ = 	snop  }
0x3b: {  	_ = 	snop  }
0x3c: {  	p2 =	seq.s32 s10, $0x1;
	s10 =	sld [smem:$0x3FBA]  }
0x3d: {  	_ =	shalt  }
0x3e: {  	_ =	shalt  }
0x3f: {  	_ =	shalt  }
0x40: {  	_ =	shalt  }
0x41: {  	_ =	shalt  }
0x42: {  	_ =	shalt  }
0x43: {  	_ =	shalt  }
0x44: {  	_ =	shalt  }
0x45: {  	_ =	shalt  }
0x46: {  	_ =	shalt  }
0x47: {  	_ =	shalt  }
0x48: {  	_ =	shalt  }
0x49: {  	_ =	shalt  }
0x4a: {  	_ =	shalt  }
0x4b: {  	_ =	shalt  }
0x4c: {  	_ =	shalt  }
0x4d: {  	_ =	shalt  }
0x4e: {  	_ =	shalt  }
0x4f: {  	_ =	shalt  }
0x50: {  	_ =	shalt  }
0x51: {  	_ =	shalt  }
0x52: {  	_ =	shalt  }
0x53: {  	_ =	shalt  }
0x54: {  	_ =	shalt  }
0x55: {  	_ =	shalt  }
0x56: {  	_ =	shalt  }
0x57: {  	_ =	shalt  }
0x58: {  	_ =	shalt  }
0x59: {  	_ =	shalt  }
0x5a: {  	_ =	shalt  }
0x5b: {  	_ =	shalt  }
0x5c: {  	_ =	shalt  }
0x5d: {  	_ =	shalt  }
0x5e: {  	_ =	shalt  }
0x5f: {  	_ =	shalt  }
0x60: {  	_ =	shalt  }
0x61: {  	_ =	shalt  }
0x62: {  	_ =	shalt  }
0x63: {  	_ =	shalt  }
0x64: {  	_ =	shalt  }
0x65: {  	_ =	shalt  }
0x66: {  	_ =	shalt  }
0x67: {  	_ =	shalt  }
0x68: {  	_ =	shalt  }
0x69: {  	_ =	shalt  }
0x6a: {  	_ =	shalt  }
0x6b: {  	_ =	shalt  }
0x6c: {  	_ =	shalt  }
0x6d: {  	_ =	shalt  }
0x6e: {  	_ =	shalt  }
0x6f: {  	_ =	shalt  }
0x70: {  	_ =	shalt  }
0x71: {  	_ =	shalt  }
0x72: {  	_ =	shalt  }
0x73: {  	_ =	shalt  }
0x74: {  	_ =	shalt  }
0x75: {  	_ =	shalt  }
0x76: {  	_ =	shalt  }
0x77: {  	_ =	shalt  }
0x78: {  	_ =	shalt  }
0x79: {  	_ =	shalt  }
0x7a: {  	_ =	shalt  }
0x7b: {  	_ =	shalt  }
0x7c: {  	_ =	shalt  }
0x7d: {  	_ =	shalt  }
0x7e: {  	_ =	shalt  }
0x7f: {  	_ =	shalt  }
0x80: {  	_ =	shalt  }
0x81: {  	_ =	shalt  }
0x82: {  	_ =	shalt  }
0x83: {  	_ =	shalt  }
0x84: {  	_ =	shalt  }
0x85: {  	_ =	shalt  }
0x86: {  	_ =	shalt  }
0x87: {  	_ =	shalt  }
.Lfunc_end0:
.L_simem_size_0:
called_computation.3_lowered:
.L_overlay_start_0:
0x88: {  	s2 =	sld [smem:$0x3FD9]  }
0x89: {  	s3 =	sld [smem:$0x3FFE];
	_ =	sdelay $0x1  }
0x8a: {  	s1 =	srdreg.scid  }
0x8b: {  	s0 =	sand.u32 $0x1, s1  }
0x8c: {  	s17 =	sshll.u32 s0, $0xA;
	s2 =	sadd.s32 s3, s2  }
0x8d: {  	s2 =	sadd.s32 s2, s17  }
0x8e: {  	[smem:$0x3FC6] =	sst s2  }
0x8f: {  	_ = 	snop  }
0x90: {  	(tm) =	ssettm $0x1  }
0x91: {  	s18 =	sld [smem:$0x3FFB];
	_ =	sdelay $0x3  }
0x92: {  	_ =	strace s18  }
0x93: {  	s2 =	sld [smem:$0x3FFC];
	_ =	sdelay $0x3  }
0x94: {  	_ =	strace s2  }
0x95: {  	s2 =	sld [smem:$0x3FFD];
	_ =	sdelay $0x3  }
0x96: {  	_ =	strace s2  }
0x97: {  	_ =	strace $0x8FFFFFFF  }
0x98: {  	s19 =	sld [smem:$0x3FDB];
	_ =	sdelay $0x1  }
0x99: {  	s20 =	simm.s32 $_scs_section_size  }
0x9a: {  	s4 =	simm.s32 $_size__tile_overlayer_lowered;
	s5 =	simm.s32 $_tile_overlayer_lowered  }
0x9b: {  	s6 =	simm.s32 $0x1BFF;
	s21 =	sshll.u32 s5, $0x1;
	s3 =	sadd.s32 s20, s19  }
0x9c: {  	s22 =	simm.s32 $0x0;
	s4 =	sshll.u32 s4, $0x1;
	s5 =	sadd.s32 s21, s3  }
0x9d: {  	[timem:s22], [sflag:s6] =	dma.local [hbm:s5], s4  }
0x9e: {  	_ =	swait.ge [sflag:s6], s4  }
0x9f: {  	s4 =	ssub.s32 $0x0, s4;
	[sflag:s6] =	ssyncset.done $0x0  }
0xa0: {  	[sflag:s6] =	ssyncadd.s32 s4;
	_ =	sdelay $0x1  }
0xa1: {  	s23 =	simm.s32 $0x1B8B  }
0xa2: {  	_ =	swait.ge [sflag:s23], $0x1  }
0xa3: {  	[sflag:s23] =	ssyncset.done $0x0  }
0xa4: {  	[sflag:s23] =	ssyncadd.s32 $0xFFFFFFFF  }
0xa5: {  	s4 =	sld [smem:$0x0]  }
0xa6: {  	s5 =	sand.u32 $0xFFFFFFFE, s1  }
0xa7: {  	p0 =	sne.s32 s1, s5  }
0xa8: {  	s5 =	sshll.u32 @p0 s5, $0xE  }
0xa9: {  	s5 =	sadd.s32 @p0 $0x11B8D, s5;
	s6 =	sshll.u32 @p0 s4, $0x11  }
0xaa: {  	s5 =	sor.u32 @p0 s6, s5  }
0xab: {  	[sflag:s5] =	ssyncadd.remote.s32 @p0 $0x1;
	_ =	sdelay $0x1  }
0xac: {  	s5 =	simm.s32 @p0 $0x1B8D  }
0xad: {  	_ =	swait.eq @p0 [sflag:s5], $0x1  }
0xae: {  	[sflag:s5] =	ssyncadd.s32 @p0 $0xFFFFFFFF  }
0xaf: {  	s6 =	sshll.u32 @!p0 s1, $0xE  }
0xb0: {  	s6 =	sor.u32 @!p0 $0x4000, s6;
	s5 =	simm.s32 @!p0 $0x1B8D  }
0xb1: {  	s4 =	sshll.u32 @!p0 s4, $0x11;
	s6 =	sadd.s32 @!p0 $0x11B8D, s6;
	_ =	swait.eq @!p0 [sflag:s5], $0x1  }
0xb2: {  	s4 =	sor.u32 @!p0 s4, s6;
	[sflag:s5] =	ssyncadd.s32 @!p0 $0xFFFFFFFF  }
0xb3: {  	s25 =	simm.s32 $0x1B8E;
	s24 =	sld [smem:$0x3FFE];
	[sflag:s4] =	ssyncadd.remote.s32 @!p0 $0x1  }
0xb4: {  	s26 =	simm.s32 $execute0_lowered;
	[smem:$0x3FD2] =	sst s25  }
0xb5: {  	s5 =	sshll.u32 s26, $0x1;
	_ =	strace $0x80000061;
	[dreg:$0x1] =	wrdreg $0xFFFFFFFF  }
0xb6: {  	s28 =	simm.s32 $_size_execute0_lowered;
	s3 =	sadd.s32 s3, s5;
	[dreg:$0x0] =	wrdreg $0x0  }
0xb7: {  	s5 =	sshll.u32 s28, $0x1;
	[dreg:$0x2] =	wrdreg s3  }
0xb8: {  	[dreg:$0x3] =	wrdreg s5  }
0xb9: {  	[dreg:$0x4] =	wrdreg $0xC0  }
0xba: {  	_ =	task [dreg:s22], $0x5FFFF  }
0xbb: {  	[dreg:$0x1] =	wrdreg $0xFFFFFFFF  }
0xbc: {  	[dreg:$0x0] =	wrdreg $0x60  }
0xbd: {  	[dreg:$0x2] =	wrdreg s24  }
0xbe: {  	[dreg:$0x3] =	wrdreg $0xC  }
0xbf: {  	_ =	task.clear_ibuf [dreg:s22], $0x4FFFF;
	_ =	strace $0x90000061  }
0xc0: {  	s29 =	simm.s32 $0xC;
	_ =	strace $0x80000063  }
0xc1: {  	_ =	swait.ge [sflag:s29], $0x1  }
0xc2: {  	[sflag:s29] =	ssyncadd.s32 $0xFFFFFFFF  }
0xc3: {  	_ =	strace $0x90000063  }
0xc4: {  	_ =	sfence  }
0xc5: {  	s30 =	sld [smem:$0x0];
	_ =	sdelay $0x2  }
0xc6: {  	s31 =	sshll.u32 s1, $0xD;
	s1 =	sshrl.u32 s1, $0x2  }
0xc7: {  	s4 =	sand.u32 $0x4000, s31;
	s1 =	sadd.s32 s1, s30  }
0xc8: {  	s0 =	sor.u32 s4, s0;
	s1 =	sshll.u32 s1, $0x11  }
0xc9: {  	s0 =	sor.u32 s1, s0  }
0xca: {  	s0 =	sadd.s32 $0x8F2B, s0  }
0xcb: {  	[sflag:s0] =	ssyncadd.remote.s32 $0x1  }
0xcc: {  	_ =	sfence.sel $0xFFFF  }
0xcd: {  	[dreg:$0x0] =	wrdreg $0xFFFFFFFF;
	(pc) =	sbr.abs _section_cstart, $3  }
0xce: {  	[dreg:$0x1] =	wrdreg $0xFFFFFFFF  }
0xcf: {  	_ =	task.clear_ibuf [dreg:s22], $0x2FFFF;
	_ =	strace $0x9FFFFFFF  }
0xd0: {  	(tm) =	ssettm $0x7FFFFFFF  }
0xd1: {  	_ =	shalt  }
tec
execute0_lowered:
.L_overlay_start_1:
0x0: {  	(tag) =	ssettag $0x1  }
0x1: {  	s5 =	rddreg [dreg:$0x0];
	s1 =	stileid.u32  }
0x2: {  	s0 =	rddreg [dreg:$0x1];
	s2 =	srdreg.scid;
	s3 =	sshll.u32 s1, $0x1  }
0x3: {  	s4 =	sshrl.u32 s1, $0x3;
	s6 =	sand.u32 $0x1, s2;
	s2 =	simm.s32 $0x0  }
0x4: {  	s3 =	sand.u32 $0xE, s3;
	s7 =	sshll.u32 s4, $0xB;
	[smem:$0x7FF] =	sst s2  }
0x5: {  	s9 =	smul.u32 $0x61A80, s4;
	s30 =	sshll.u32 s4, $0x10;
	s8 =	sor.u32 s6, s3  }
0x6: {  	s11 =	ssub.s32 $0x2, s6;
	s28 =	sadd.s32 s7, s5;
	s29 =	sshll.u32 s8, $0x7  }
0x7: {  	_ =	strace $0x80000062;
	s10 =	sadd.s32 s30, s5;
	s3 =	sadd.s32 s29, s28  }
0x8: {  	s6 =	simm.s32 $0x400;
	s4 =	sadd.s32 $0x21200, s3;
	s3 =	simm.s32 $0x2  }
0x9: {  	[tilespmem:s2], [sflag:$0x2] =	stream.linear.gather [hbm4b:s4+s2], $0x400, $0x38;
	[tilespmem:$0x8400] =	vst v63  }
0xa: {  	s31 =	sshrl.u32 s11, $0x1;
	s9 =	sadd.s32 s9, s5;
	_ =	swait.ge [sflag:s3], $0x400  }
0xb: {  	s5 =	sadd.s32 $0x57DC00, s9;
	s9 =	ssub.s32 s11, s31;
	[sflag:s3] =	ssyncset.done $0x0  }
0xc: {  	s7 =	simm.s32 $0x1;
	s9 =	smax.u32 s9, $0x1;
	[sflag:s3] =	ssyncadd.s32 $0xFFFFFC00  }
0xd: {  	[tilespmem:s6], [sflag:$0x1] =	stream.indirect.gather [hbm4b:s5+s6], $0x20, s2, s6, $0xb8;
	[tilespmem:$0x8400] =	vst v63  }
0xe: {  	s8 =	sshll.u32 s8, $0xC;
	p0 =	sne.s32 s9, $0x1;
	_ =	swait.ge [sflag:s7], $0x8000  }
.Ltmp0:
0xf: {  	s8 =	sadd.s32 s8, s10;
	[sflag:s7] =	ssyncset.done $0x0;
	(pc) =	sbr.rel @!p0 .LBB2_2-.Ltmp0, $4  }
0x10: {  	s8 =	sadd.s32 $0xA70000, s8;
	[sflag:s7] =	ssyncadd.s32 $0xFFFF8000  }
0x11: {  	[hbm4b:s8+s2] =	stream.linear.scatter [tilespmem:s6], [sflag:$0x2], $0x8000, $0x38;
	[tilespmem:$0x8400] =	vst v63  }
0x12: {  	_ =	swait.ge [sflag:s3], $0x8000  }
0x13: {  	s9 =	sadd.s32 $0xFFFFFFFF, s9;
	[sflag:s3] =	ssyncset.done $0x0  }
.LBB2_1:
0x14: {  	p0 =	sne.s32 s9, $0x1;
	s9 =	sadd.s32 $0xFFFFFFFF, s9;
	[sflag:s3] =	ssyncadd.s32 $0xFFFF8000  }
0x15: {  	[tilespmem:s2], [sflag:$0x2] =	stream.linear.gather [hbm4b:s4+s2], $0x400, $0x38;
	[tilespmem:$0x8400] =	vst v63  }
0x16: {  	_ =	swait.ge [sflag:s3], $0x400  }
0x17: {  	[sflag:s3] =	ssyncset.done $0x0  }
0x18: {  	[sflag:s3] =	ssyncadd.s32 $0xFFFFFC00  }
0x19: {  	[tilespmem:s6], [sflag:$0x1] =	stream.indirect.gather [hbm4b:s5+s6], $0x20, s2, s6, $0xb8;
	[tilespmem:$0x8400] =	vst v63  }
0x1a: {  	_ =	swait.ge [sflag:s7], $0x8000  }
.Ltmp1:
0x1b: {  	[sflag:s7] =	ssyncset.done $0x0;
	(pc) =	sbr.rel @p0 .LBB2_1-.Ltmp1, $4  }
0x1c: {  	[sflag:s7] =	ssyncadd.s32 $0xFFFF8000  }
0x1d: {  	[hbm4b:s8+s2] =	stream.linear.scatter [tilespmem:s6], [sflag:$0x2], $0x8000, $0x38;
	[tilespmem:$0x8400] =	vst v63  }
0x1e: {  	_ =	swait.ge [sflag:s3], $0x8000  }
0x1f: {  	[sflag:s3] =	ssyncset.done $0x0  }
.LBB2_2:
0x20: {  	[sflag:s3] =	ssyncadd.s32 $0xFFFF8000  }
0x21: {  	_ =	sfence.sel $0x180000  }
0x22: {  	[bflag:$0x0] =	sbarrier.arrive $0xFFFF  }
0x23: {  	p0 =	sne.s32 s1, $0x0;
	_ =	strace $0x90000062  }
0x24: {  	s0 =	sadd.s32 @!p0 $0x100000, s0;
	[bflag:$0x2] =	sbarrier.arrive $0xFFFF  }
0x25: {  	[sflag:s0] =	ssyncadd.tile.s32 @!p0 $0x1;
	_ =	shalt  }
.Lfunc_end2:
_tile_overlayer_lowered:
.L_overlay_start_2:
0x26: {  	(tag) =	ssettag $0x2  }
0x27: {  	s0 =	rddreg [dreg:$0x0];
	s2 =	stileid.u32  }
0x28: {  	s1 =	rddreg [dreg:$0x1];
	p0 =	sne.s32 s2, $0x0  }
0x29: {  	s3 =	rddreg [dreg:$0x2];
	[bflag:$0x3] =	sbarrier.arrive $0xFFFF;
	s2 =	simm.s32 @!p0 $0x1C02  }
0x2a: {  	[timem:s3], [sflag:s2] =	dma.local @!p0 [hbm:s0], s1  }
0x2b: {  	s0 =	simm.s32 @!p0 $0x2  }
0x2c: {  	_ =	swait.ge @!p0 [sflag:s0], s1  }
0x2d: {  	s1 =	ssub.s32 @!p0 $0x0, s1;
	[sflag:s0] =	ssyncset.done @!p0 $0x0  }
0x2e: {  	[sflag:s0] =	ssyncadd.s32 @!p0 s1  }
0x2f: {  	[bflag:$0x3] =	sbarrier.arrive $0xFFFF  }
0x30: {  	_ =	shalt  }

// kernel: kernel.27.cloned.1.call-start
scs
__scs_entry_jumppad:
0x0: {  	(pc) =	sbr.rel $0x88, $3  }
0x1: {  	(tag) =	ssettag $0x0;
	lr =	simm.s32 $0x1  }
0x2: {  	[smem:$0x3F9F] =	sst lr;
	_ =	strace $0xD0000000  }
0x3: {  	_ = 	snop  }
0x4: {  	_ = 	snop  }
0x5: {  	_ = 	snop  }
0x6: {  	_ = 	snop  }
0x7: {  	_ = 	snop  }
__scs_overlays_trampoline_lowered:
0x8: {  	[smem:$0x3FAE] =	sst s0  }
0x9: {  	[smem:$0x3FAF] =	sst s1  }
0xa: {  	[smem:$0x3FB0] =	sst s2  }
0xb: {  	[smem:$0x3FB1] =	sst s3  }
0xc: {  	[smem:$0x3FB2] =	sst s4  }
0xd: {  	[smem:$0x3FB3] =	sst s5  }
0xe: {  	[smem:$0x3FB4] =	sst s6  }
0xf: {  	[smem:$0x3FB5] =	sst s7  }
0x10: {  	[smem:$0x3FB6] =	sst s8  }
0x11: {  	[smem:$0x3FB7] =	sst s9;
	s0 =	simm.s32 @!p0 $0x0  }
0x12: {  	s1 =	sld [smem:$0x3F9D];
	s0 =	simm.s32 @p0 $0x1  }
0x13: {  	[smem:$0x3FB8] =	sst s0;
	s0 =	simm.s32 @!p1 $0x0  }
0x14: {  	s2 =	sld [smem:$0x3F9C];
	s0 =	simm.s32 @p1 $0x1  }
0x15: {  	[smem:$0x3FB9] =	sst s0;
	s0 =	simm.s32 @!p2 $0x0  }
0x16: {  	s3 =	sld [smem:$0x3FDB];
	s0 =	simm.s32 @p2 $0x1  }
0x17: {  	s4 =	simm.s32 $0x1BF5;
	[smem:$0x3FBB] =	sst s0  }
0x18: {  	s0 =	sld [smem:$0x3F9E];
	_ =	swait.ge [sflag:s4], $0x0  }
0x19: {  	s7 =	sld [smem:$0x3F9F]  }
0x1a: {  	s8 =	sadd.s32 $0xFFFFE003, lr  }
0x1b: {  	s9 =	sadd.s32 $0xFFFFFEF7, lr;
	s5 =	simm.s32 $0xFFFFFFFF;
	p2 =	slt.u32 s8, $0xFFFFF086  }
0x1c: {  	p1 =	slt.u32 s9, $0xF7A;
	s5 =	simm.s32 @!p2 $0x0  }
0x1d: {  	s5 =	simm.s32 @p1 $0x1;
	p0 =	seq.s32 s7, s2  }
0x1e: {  	s7 =	smul.u32 @!p0 $0xF7A, s2;
	p2 =	seq.s32 @!p0 s5, $0x0  }
0x1f: {  	s9 =	smul.u32 $0xF7A, s1;
	s8 =	simm.s32 @!p0 $0x1BF5;
	p2 =	por !p2, p0  }
0x20: {  	[sflag:s8] =	ssyncset.s32 @!p0 $0xFFFFF086;
	s6 =	sadd.s32 @!p0 s3, s7;
	s7 =	simm.s32 @!p0 $0x108  }
0x21: {  	s3 =	sadd.s32 s3, s9;
	s6 =	sadd.s32 @!p0 $0x88, s6;
	s7 =	simm.s32 @p2 $0x1082  }
0x22: {  	[simem:s7], [sflag:s8] =	dma.local @!p0 [hbm:s6], $0xF7A  }
0x23: {  	s9 =	sor.u32 $0xD0000000, s2;
	s6 =	simm.s32 $0x108;
	_ =	swait.ge @!p0 [sflag:s8], $0x0  }
0x24: {  	s3 =	sadd.s32 $0x88, s3;
	s6 =	simm.s32 @!p1 $0x1082;
	[sflag:s4] =	ssyncset.s32 $0xFFFFF086  }
0x25: {  	[simem:s6], [sflag:s4] =	dma.local [hbm:s3], $0xF7A  }
0x26: {  	[smem:$0x3F9F] =	sst s1;
	(tag) =	ssettag s2;
	_ =	strace s9  }
0x27: {  	s1 =	sld [smem:$0x3FAF]  }
0x28: {  	s2 =	sld [smem:$0x3FB0]  }
0x29: {  	s4 =	sld [smem:$0x3FB2]  }
0x2a: {  	p0 =	seq.s32 s5, $0x0;
	s5 =	sld [smem:$0x3FB3]  }
0x2b: {  	s6 =	sld [smem:$0x3FB4]  }
0x2c: {  	s7 =	sld [smem:$0x3FB5]  }
0x2d: {  	s3 =	simm.s32 $0x108;
	s8 =	sld [smem:$0x3FB6]  }
0x2e: {  	s3 =	simm.s32 @!p0 $0x1082;
	s9 =	sld [smem:$0x3FB7]  }
0x2f: {  	lr =	sadd.s32 s0, s3;
	s0 =	sld [smem:$0x3FAE]  }
0x30: {  	s3 =	sld [smem:$0x3FB1]  }
0x31: {  	[smem:$0x3FBA] =	sst s10  }
0x32: {  	s10 =	sld [smem:$0x3FB8];
	_ =	sdelay $0x3  }
0x33: {  	p0 =	seq.s32 s10, $0x1;
	s10 =	sld [smem:$0x3FBA];
	_ =	sdelay $0x3  }
0x34: {  	[smem:$0x3FBA] =	sst s10  }
0x35: {  	s10 =	sld [smem:$0x3FB9];
	_ =	sdelay $0x3  }
0x36: {  	p1 =	seq.s32 s10, $0x1;
	s10 =	sld [smem:$0x3FBA];
	_ =	sdelay $0x3  }
0x37: {  	[smem:$0x3FBA] =	sst s10  }
0x38: {  	s10 =	sld [smem:$0x3FBB]  }
0x39: {  	_ = 	snop;
	(pc) =	sbr.ind lr, $3  }
0x3a: {  	_ = 	snop  }
0x3b: {  	_ = 	snop  }
0x3c: {  	p2 =	seq.s32 s10, $0x1;
	s10 =	sld [smem:$0x3FBA]  }
0x3d: {  	_ =	shalt  }
0x3e: {  	_ =	shalt  }
0x3f: {  	_ =	shalt  }
0x40: {  	_ =	shalt  }
0x41: {  	_ =	shalt  }
0x42: {  	_ =	shalt  }
0x43: {  	_ =	shalt  }
0x44: {  	_ =	shalt  }
0x45: {  	_ =	shalt  }
0x46: {  	_ =	shalt  }
0x47: {  	_ =	shalt  }
0x48: {  	_ =	shalt  }
0x49: {  	_ =	shalt  }
0x4a: {  	_ =	shalt  }
0x4b: {  	_ =	shalt  }
0x4c: {  	_ =	shalt  }
0x4d: {  	_ =	shalt  }
0x4e: {  	_ =	shalt  }
0x4f: {  	_ =	shalt  }
0x50: {  	_ =	shalt  }
0x51: {  	_ =	shalt  }
0x52: {  	_ =	shalt  }
0x53: {  	_ =	shalt  }
0x54: {  	_ =	shalt  }
0x55: {  	_ =	shalt  }
0x56: {  	_ =	shalt  }
0x57: {  	_ =	shalt  }
0x58: {  	_ =	shalt  }
0x59: {  	_ =	shalt  }
0x5a: {  	_ =	shalt  }
0x5b: {  	_ =	shalt  }
0x5c: {  	_ =	shalt  }
0x5d: {  	_ =	shalt  }
0x5e: {  	_ =	shalt  }
0x5f: {  	_ =	shalt  }
0x60: {  	_ =	shalt  }
0x61: {  	_ =	shalt  }
0x62: {  	_ =	shalt  }
0x63: {  	_ =	shalt  }
0x64: {  	_ =	shalt  }
0x65: {  	_ =	shalt  }
0x66: {  	_ =	shalt  }
0x67: {  	_ =	shalt  }
0x68: {  	_ =	shalt  }
0x69: {  	_ =	shalt  }
0x6a: {  	_ =	shalt  }
0x6b: {  	_ =	shalt  }
0x6c: {  	_ =	shalt  }
0x6d: {  	_ =	shalt  }
0x6e: {  	_ =	shalt  }
0x6f: {  	_ =	shalt  }
0x70: {  	_ =	shalt  }
0x71: {  	_ =	shalt  }
0x72: {  	_ =	shalt  }
0x73: {  	_ =	shalt  }
0x74: {  	_ =	shalt  }
0x75: {  	_ =	shalt  }
0x76: {  	_ =	shalt  }
0x77: {  	_ =	shalt  }
0x78: {  	_ =	shalt  }
0x79: {  	_ =	shalt  }
0x7a: {  	_ =	shalt  }
0x7b: {  	_ =	shalt  }
0x7c: {  	_ =	shalt  }
0x7d: {  	_ =	shalt  }
0x7e: {  	_ =	shalt  }
0x7f: {  	_ =	shalt  }
0x80: {  	_ =	shalt  }
0x81: {  	_ =	shalt  }
0x82: {  	_ =	shalt  }
0x83: {  	_ =	shalt  }
0x84: {  	_ =	shalt  }
0x85: {  	_ =	shalt  }
0x86: {  	_ =	shalt  }
0x87: {  	_ =	shalt  }
.Lfunc_end0:
.L_simem_size_0:
called_computation.4_lowered:
.L_overlay_start_0:
0x88: {  	s2 =	sld [smem:$0x3FD9]  }
0x89: {  	s3 =	sld [smem:$0x3FFE];
	_ =	sdelay $0x1  }
0x8a: {  	s1 =	srdreg.scid  }
0x8b: {  	s0 =	sand.u32 $0x1, s1  }
0x8c: {  	s17 =	sshll.u32 s0, $0xA;
	s2 =	sadd.s32 s3, s2  }
0x8d: {  	s2 =	sadd.s32 s2, s17  }
0x8e: {  	[smem:$0x3FC6] =	sst s2  }
0x8f: {  	_ = 	snop  }
0x90: {  	(tm) =	ssettm $0x1  }
0x91: {  	s18 =	sld [smem:$0x3FFB];
	_ =	sdelay $0x3  }
0x92: {  	_ =	strace s18  }
0x93: {  	s2 =	sld [smem:$0x3FFC];
	_ =	sdelay $0x3  }
0x94: {  	_ =	strace s2  }
0x95: {  	s2 =	sld [smem:$0x3FFD];
	_ =	sdelay $0x3  }
0x96: {  	_ =	strace s2  }
0x97: {  	_ =	strace $0x8FFFFFFF  }
0x98: {  	s19 =	sld [smem:$0x3FDB];
	_ =	sdelay $0x1  }
0x99: {  	s20 =	simm.s32 $_scs_section_size  }
0x9a: {  	s4 =	simm.s32 $_size__tile_overlayer_lowered;
	s5 =	simm.s32 $_tile_overlayer_lowered  }
0x9b: {  	s6 =	simm.s32 $0x1BFF;
	s21 =	sshll.u32 s5, $0x1;
	s3 =	sadd.s32 s20, s19  }
0x9c: {  	s22 =	simm.s32 $0x0;
	s4 =	sshll.u32 s4, $0x1;
	s5 =	sadd.s32 s21, s3  }
0x9d: {  	[timem:s22], [sflag:s6] =	dma.local [hbm:s5], s4  }
0x9e: {  	_ =	swait.ge [sflag:s6], s4  }
0x9f: {  	s4 =	ssub.s32 $0x0, s4;
	[sflag:s6] =	ssyncset.done $0x0  }
0xa0: {  	[sflag:s6] =	ssyncadd.s32 s4;
	_ =	sdelay $0x1  }
0xa1: {  	s23 =	simm.s32 $0x1B8B  }
0xa2: {  	_ =	swait.ge [sflag:s23], $0x1  }
0xa3: {  	[sflag:s23] =	ssyncset.done $0x0  }
0xa4: {  	[sflag:s23] =	ssyncadd.s32 $0xFFFFFFFF  }
0xa5: {  	s4 =	sld [smem:$0x0]  }
0xa6: {  	s5 =	sand.u32 $0xFFFFFFFE, s1  }
0xa7: {  	p0 =	sne.s32 s1, s5  }
0xa8: {  	s5 =	sshll.u32 @p0 s5, $0xE  }
0xa9: {  	s5 =	sadd.s32 @p0 $0x11B8D, s5;
	s6 =	sshll.u32 @p0 s4, $0x11  }
0xaa: {  	s5 =	sor.u32 @p0 s6, s5  }
0xab: {  	[sflag:s5] =	ssyncadd.remote.s32 @p0 $0x1;
	_ =	sdelay $0x1  }
0xac: {  	s5 =	simm.s32 @p0 $0x1B8D  }
0xad: {  	_ =	swait.eq @p0 [sflag:s5], $0x1  }
0xae: {  	[sflag:s5] =	ssyncadd.s32 @p0 $0xFFFFFFFF  }
0xaf: {  	s6 =	sshll.u32 @!p0 s1, $0xE  }
0xb0: {  	s6 =	sor.u32 @!p0 $0x4000, s6;
	s5 =	simm.s32 @!p0 $0x1B8D  }
0xb1: {  	s4 =	sshll.u32 @!p0 s4, $0x11;
	s6 =	sadd.s32 @!p0 $0x11B8D, s6;
	_ =	swait.eq @!p0 [sflag:s5], $0x1  }
0xb2: {  	s4 =	sor.u32 @!p0 s4, s6;
	[sflag:s5] =	ssyncadd.s32 @!p0 $0xFFFFFFFF  }
0xb3: {  	s25 =	simm.s32 $0x1B8E;
	s24 =	sld [smem:$0x3FFE];
	[sflag:s4] =	ssyncadd.remote.s32 @!p0 $0x1  }
0xb4: {  	s26 =	simm.s32 $execute0_lowered;
	[smem:$0x3FD2] =	sst s25  }
0xb5: {  	s5 =	sshll.u32 s26, $0x1;
	_ =	strace $0x8000005E;
	[dreg:$0x1] =	wrdreg $0xFFFFFFFF  }
0xb6: {  	s28 =	simm.s32 $_size_execute0_lowered;
	s3 =	sadd.s32 s3, s5;
	[dreg:$0x0] =	wrdreg $0x0  }
0xb7: {  	s5 =	sshll.u32 s28, $0x1;
	[dreg:$0x2] =	wrdreg s3  }
0xb8: {  	[dreg:$0x3] =	wrdreg s5  }
0xb9: {  	[dreg:$0x4] =	wrdreg $0xC0  }
0xba: {  	_ =	task [dreg:s22], $0x5FFFF  }
0xbb: {  	[dreg:$0x1] =	wrdreg $0xFFFFFFFF  }
0xbc: {  	[dreg:$0x0] =	wrdreg $0x60  }
0xbd: {  	[dreg:$0x2] =	wrdreg s24  }
0xbe: {  	[dreg:$0x3] =	wrdreg $0xD  }
0xbf: {  	_ =	task.clear_ibuf [dreg:s22], $0x4FFFF;
	_ =	strace $0x9000005E  }
0xc0: {  	s29 =	simm.s32 $0xD;
	_ =	strace $0x80000060  }
0xc1: {  	_ =	swait.ge [sflag:s29], $0x1  }
0xc2: {  	[sflag:s29] =	ssyncadd.s32 $0xFFFFFFFF  }
0xc3: {  	_ =	strace $0x90000060  }
0xc4: {  	_ =	sfence  }
0xc5: {  	s30 =	sld [smem:$0x0];
	_ =	sdelay $0x2  }
0xc6: {  	s31 =	sshll.u32 s1, $0xD;
	s1 =	sshrl.u32 s1, $0x2  }
0xc7: {  	s4 =	sand.u32 $0x4000, s31;
	s1 =	sadd.s32 s1, s30  }
0xc8: {  	s0 =	sor.u32 s4, s0;
	s1 =	sshll.u32 s1, $0x11  }
0xc9: {  	s0 =	sor.u32 s1, s0  }
0xca: {  	s0 =	sadd.s32 $0x8F2B, s0  }
0xcb: {  	[sflag:s0] =	ssyncadd.remote.s32 $0x1  }
0xcc: {  	_ =	sfence.sel $0xFFFF  }
0xcd: {  	[dreg:$0x0] =	wrdreg $0xFFFFFFFF;
	(pc) =	sbr.abs _section_cstart, $3  }
0xce: {  	[dreg:$0x1] =	wrdreg $0xFFFFFFFF  }
0xcf: {  	_ =	task.clear_ibuf [dreg:s22], $0x2FFFF;
	_ =	strace $0x9FFFFFFF  }
0xd0: {  	(tm) =	ssettm $0x7FFFFFFF  }
0xd1: {  	_ =	shalt  }
tec
execute0_lowered:
.L_overlay_start_1:
0x0: {  	(tag) =	ssettag $0x1  }
0x1: {  	s5 =	rddreg [dreg:$0x0];
	s1 =	stileid.u32  }
0x2: {  	s0 =	rddreg [dreg:$0x1];
	s2 =	srdreg.scid;
	s3 =	sshll.u32 s1, $0x1  }
0x3: {  	s4 =	sshrl.u32 s1, $0x3;
	s6 =	sand.u32 $0x1, s2;
	s2 =	simm.s32 $0x0  }
0x4: {  	s3 =	sand.u32 $0xE, s3;
	s7 =	sshll.u32 s4, $0xB;
	[smem:$0x7FF] =	sst s2  }
0x5: {  	s9 =	smul.u32 $0x61A80, s4;
	s30 =	sshll.u32 s4, $0x10;
	s8 =	sor.u32 s6, s3  }
0x6: {  	s11 =	ssub.s32 $0x2, s6;
	s28 =	sadd.s32 s7, s5;
	s29 =	sshll.u32 s8, $0x7  }
0x7: {  	_ =	strace $0x8000005F;
	s10 =	sadd.s32 s30, s5;
	s3 =	sadd.s32 s29, s28  }
0x8: {  	s6 =	simm.s32 $0x400;
	s4 =	sadd.s32 $0x20200, s3;
	s3 =	simm.s32 $0x2  }
0x9: {  	[tilespmem:s2], [sflag:$0x2] =	stream.linear.gather [hbm4b:s4+s2], $0x400, $0x38;
	[tilespmem:$0x8400] =	vst v63  }
0xa: {  	s31 =	sshrl.u32 s11, $0x1;
	s9 =	sadd.s32 s9, s5;
	_ =	swait.ge [sflag:s3], $0x400  }
0xb: {  	s5 =	sadd.s32 $0x4BA600, s9;
	s9 =	ssub.s32 s11, s31;
	[sflag:s3] =	ssyncset.done $0x0  }
0xc: {  	s7 =	simm.s32 $0x1;
	s9 =	smax.u32 s9, $0x1;
	[sflag:s3] =	ssyncadd.s32 $0xFFFFFC00  }
0xd: {  	[tilespmem:s6], [sflag:$0x1] =	stream.indirect.gather [hbm4b:s5+s6], $0x20, s2, s6, $0xb8;
	[tilespmem:$0x8400] =	vst v63  }
0xe: {  	s8 =	sshll.u32 s8, $0xC;
	p0 =	sne.s32 s9, $0x1;
	_ =	swait.ge [sflag:s7], $0x8000  }
.Ltmp0:
0xf: {  	s8 =	sadd.s32 s8, s10;
	[sflag:s7] =	ssyncset.done $0x0;
	(pc) =	sbr.rel @!p0 .LBB2_2-.Ltmp0, $4  }
0x10: {  	s8 =	sadd.s32 $0xA50000, s8;
	[sflag:s7] =	ssyncadd.s32 $0xFFFF8000  }
0x11: {  	[hbm4b:s8+s2] =	stream.linear.scatter [tilespmem:s6], [sflag:$0x2], $0x8000, $0x38;
	[tilespmem:$0x8400] =	vst v63  }
0x12: {  	_ =	swait.ge [sflag:s3], $0x8000  }
0x13: {  	s9 =	sadd.s32 $0xFFFFFFFF, s9;
	[sflag:s3] =	ssyncset.done $0x0  }
.LBB2_1:
0x14: {  	p0 =	sne.s32 s9, $0x1;
	s9 =	sadd.s32 $0xFFFFFFFF, s9;
	[sflag:s3] =	ssyncadd.s32 $0xFFFF8000  }
0x15: {  	[tilespmem:s2], [sflag:$0x2] =	stream.linear.gather [hbm4b:s4+s2], $0x400, $0x38;
	[tilespmem:$0x8400] =	vst v63  }
0x16: {  	_ =	swait.ge [sflag:s3], $0x400  }
0x17: {  	[sflag:s3] =	ssyncset.done $0x0  }
0x18: {  	[sflag:s3] =	ssyncadd.s32 $0xFFFFFC00  }
0x19: {  	[tilespmem:s6], [sflag:$0x1] =	stream.indirect.gather [hbm4b:s5+s6], $0x20, s2, s6, $0xb8;
	[tilespmem:$0x8400] =	vst v63  }
0x1a: {  	_ =	swait.ge [sflag:s7], $0x8000  }
.Ltmp1:
0x1b: {  	[sflag:s7] =	ssyncset.done $0x0;
	(pc) =	sbr.rel @p0 .LBB2_1-.Ltmp1, $4  }
0x1c: {  	[sflag:s7] =	ssyncadd.s32 $0xFFFF8000  }
0x1d: {  	[hbm4b:s8+s2] =	stream.linear.scatter [tilespmem:s6], [sflag:$0x2], $0x8000, $0x38;
	[tilespmem:$0x8400] =	vst v63  }
0x1e: {  	_ =	swait.ge [sflag:s3], $0x8000  }
0x1f: {  	[sflag:s3] =	ssyncset.done $0x0  }
.LBB2_2:
0x20: {  	[sflag:s3] =	ssyncadd.s32 $0xFFFF8000  }
0x21: {  	_ =	sfence.sel $0x180000  }
0x22: {  	[bflag:$0x0] =	sbarrier.arrive $0xFFFF  }
0x23: {  	p0 =	sne.s32 s1, $0x0;
	_ =	strace $0x9000005F  }
0x24: {  	s0 =	sadd.s32 @!p0 $0x100000, s0;
	[bflag:$0x2] =	sbarrier.arrive $0xFFFF  }
0x25: {  	[sflag:s0] =	ssyncadd.tile.s32 @!p0 $0x1;
	_ =	shalt  }
.Lfunc_end2:
_tile_overlayer_lowered:
.L_overlay_start_2:
0x26: {  	(tag) =	ssettag $0x2  }
0x27: {  	s0 =	rddreg [dreg:$0x0];
	s2 =	stileid.u32  }
0x28: {  	s1 =	rddreg [dreg:$0x1];
	p0 =	sne.s32 s2, $0x0  }
0x29: {  	s3 =	rddreg [dreg:$0x2];
	[bflag:$0x3] =	sbarrier.arrive $0xFFFF;
	s2 =	simm.s32 @!p0 $0x1C02  }
0x2a: {  	[timem:s3], [sflag:s2] =	dma.local @!p0 [hbm:s0], s1  }
0x2b: {  	s0 =	simm.s32 @!p0 $0x2  }
0x2c: {  	_ =	swait.ge @!p0 [sflag:s0], s1  }
0x2d: {  	s1 =	ssub.s32 @!p0 $0x0, s1;
	[sflag:s0] =	ssyncset.done @!p0 $0x0  }
0x2e: {  	[sflag:s0] =	ssyncadd.s32 @!p0 s1  }
0x2f: {  	[bflag:$0x3] =	sbarrier.arrive $0xFFFF  }
0x30: {  	_ =	shalt  }

// kernel: kernel.30.cloned.1.call-start
scs
__scs_entry_jumppad:
0x0: {  	(pc) =	sbr.rel $0x88, $3  }
0x1: {  	(tag) =	ssettag $0x0;
	lr =	simm.s32 $0x1  }
0x2: {  	[smem:$0x3F9F] =	sst lr;
	_ =	strace $0xD0000000  }
0x3: {  	_ = 	snop  }
0x4: {  	_ = 	snop  }
0x5: {  	_ = 	snop  }
0x6: {  	_ = 	snop  }
0x7: {  	_ = 	snop  }
__scs_overlays_trampoline_lowered:
0x8: {  	[smem:$0x3FAE] =	sst s0  }
0x9: {  	[smem:$0x3FAF] =	sst s1  }
0xa: {  	[smem:$0x3FB0] =	sst s2  }
0xb: {  	[smem:$0x3FB1] =	sst s3  }
0xc: {  	[smem:$0x3FB2] =	sst s4  }
0xd: {  	[smem:$0x3FB3] =	sst s5  }
0xe: {  	[smem:$0x3FB4] =	sst s6  }
0xf: {  	[smem:$0x3FB5] =	sst s7  }
0x10: {  	[smem:$0x3FB6] =	sst s8  }
0x11: {  	[smem:$0x3FB7] =	sst s9;
	s0 =	simm.s32 @!p0 $0x0  }
0x12: {  	s1 =	sld [smem:$0x3F9D];
	s0 =	simm.s32 @p0 $0x1  }
0x13: {  	[smem:$0x3FB8] =	sst s0;
	s0 =	simm.s32 @!p1 $0x0  }
0x14: {  	s2 =	sld [smem:$0x3F9C];
	s0 =	simm.s32 @p1 $0x1  }
0x15: {  	[smem:$0x3FB9] =	sst s0;
	s0 =	simm.s32 @!p2 $0x0  }
0x16: {  	s3 =	sld [smem:$0x3FDB];
	s0 =	simm.s32 @p2 $0x1  }
0x17: {  	s4 =	simm.s32 $0x1BF5;
	[smem:$0x3FBB] =	sst s0  }
0x18: {  	s0 =	sld [smem:$0x3F9E];
	_ =	swait.ge [sflag:s4], $0x0  }
0x19: {  	s7 =	sld [smem:$0x3F9F]  }
0x1a: {  	s8 =	sadd.s32 $0xFFFFE003, lr  }
0x1b: {  	s9 =	sadd.s32 $0xFFFFFEF7, lr;
	s5 =	simm.s32 $0xFFFFFFFF;
	p2 =	slt.u32 s8, $0xFFFFF086  }
0x1c: {  	p1 =	slt.u32 s9, $0xF7A;
	s5 =	simm.s32 @!p2 $0x0  }
0x1d: {  	s5 =	simm.s32 @p1 $0x1;
	p0 =	seq.s32 s7, s2  }
0x1e: {  	s7 =	smul.u32 @!p0 $0xF7A, s2;
	p2 =	seq.s32 @!p0 s5, $0x0  }
0x1f: {  	s9 =	smul.u32 $0xF7A, s1;
	s8 =	simm.s32 @!p0 $0x1BF5;
	p2 =	por !p2, p0  }
0x20: {  	[sflag:s8] =	ssyncset.s32 @!p0 $0xFFFFF086;
	s6 =	sadd.s32 @!p0 s3, s7;
	s7 =	simm.s32 @!p0 $0x108  }
0x21: {  	s3 =	sadd.s32 s3, s9;
	s6 =	sadd.s32 @!p0 $0x88, s6;
	s7 =	simm.s32 @p2 $0x1082  }
0x22: {  	[simem:s7], [sflag:s8] =	dma.local @!p0 [hbm:s6], $0xF7A  }
0x23: {  	s9 =	sor.u32 $0xD0000000, s2;
	s6 =	simm.s32 $0x108;
	_ =	swait.ge @!p0 [sflag:s8], $0x0  }
0x24: {  	s3 =	sadd.s32 $0x88, s3;
	s6 =	simm.s32 @!p1 $0x1082;
	[sflag:s4] =	ssyncset.s32 $0xFFFFF086  }
0x25: {  	[simem:s6], [sflag:s4] =	dma.local [hbm:s3], $0xF7A  }
0x26: {  	[smem:$0x3F9F] =	sst s1;
	(tag) =	ssettag s2;
	_ =	strace s9  }
0x27: {  	s1 =	sld [smem:$0x3FAF]  }
0x28: {  	s2 =	sld [smem:$0x3FB0]  }
0x29: {  	s4 =	sld [smem:$0x3FB2]  }
0x2a: {  	p0 =	seq.s32 s5, $0x0;
	s5 =	sld [smem:$0x3FB3]  }
0x2b: {  	s6 =	sld [smem:$0x3FB4]  }
0x2c: {  	s7 =	sld [smem:$0x3FB5]  }
0x2d: {  	s3 =	simm.s32 $0x108;
	s8 =	sld [smem:$0x3FB6]  }
0x2e: {  	s3 =	simm.s32 @!p0 $0x1082;
	s9 =	sld [smem:$0x3FB7]  }
0x2f: {  	lr =	sadd.s32 s0, s3;
	s0 =	sld [smem:$0x3FAE]  }
0x30: {  	s3 =	sld [smem:$0x3FB1]  }
0x31: {  	[smem:$0x3FBA] =	sst s10  }
0x32: {  	s10 =	sld [smem:$0x3FB8];
	_ =	sdelay $0x3  }
0x33: {  	p0 =	seq.s32 s10, $0x1;
	s10 =	sld [smem:$0x3FBA];
	_ =	sdelay $0x3  }
0x34: {  	[smem:$0x3FBA] =	sst s10  }
0x35: {  	s10 =	sld [smem:$0x3FB9];
	_ =	sdelay $0x3  }
0x36: {  	p1 =	seq.s32 s10, $0x1;
	s10 =	sld [smem:$0x3FBA];
	_ =	sdelay $0x3  }
0x37: {  	[smem:$0x3FBA] =	sst s10  }
0x38: {  	s10 =	sld [smem:$0x3FBB]  }
0x39: {  	_ = 	snop;
	(pc) =	sbr.ind lr, $3  }
0x3a: {  	_ = 	snop  }
0x3b: {  	_ = 	snop  }
0x3c: {  	p2 =	seq.s32 s10, $0x1;
	s10 =	sld [smem:$0x3FBA]  }
0x3d: {  	_ =	shalt  }
0x3e: {  	_ =	shalt  }
0x3f: {  	_ =	shalt  }
0x40: {  	_ =	shalt  }
0x41: {  	_ =	shalt  }
0x42: {  	_ =	shalt  }
0x43: {  	_ =	shalt  }
0x44: {  	_ =	shalt  }
0x45: {  	_ =	shalt  }
0x46: {  	_ =	shalt  }
0x47: {  	_ =	shalt  }
0x48: {  	_ =	shalt  }
0x49: {  	_ =	shalt  }
0x4a: {  	_ =	shalt  }
0x4b: {  	_ =	shalt  }
0x4c: {  	_ =	shalt  }
0x4d: {  	_ =	shalt  }
0x4e: {  	_ =	shalt  }
0x4f: {  	_ =	shalt  }
0x50: {  	_ =	shalt  }
0x51: {  	_ =	shalt  }
0x52: {  	_ =	shalt  }
0x53: {  	_ =	shalt  }
0x54: {  	_ =	shalt  }
0x55: {  	_ =	shalt  }
0x56: {  	_ =	shalt  }
0x57: {  	_ =	shalt  }
0x58: {  	_ =	shalt  }
0x59: {  	_ =	shalt  }
0x5a: {  	_ =	shalt  }
0x5b: {  	_ =	shalt  }
0x5c: {  	_ =	shalt  }
0x5d: {  	_ =	shalt  }
0x5e: {  	_ =	shalt  }
0x5f: {  	_ =	shalt  }
0x60: {  	_ =	shalt  }
0x61: {  	_ =	shalt  }
0x62: {  	_ =	shalt  }
0x63: {  	_ =	shalt  }
0x64: {  	_ =	shalt  }
0x65: {  	_ =	shalt  }
0x66: {  	_ =	shalt  }
0x67: {  	_ =	shalt  }
0x68: {  	_ =	shalt  }
0x69: {  	_ =	shalt  }
0x6a: {  	_ =	shalt  }
0x6b: {  	_ =	shalt  }
0x6c: {  	_ =	shalt  }
0x6d: {  	_ =	shalt  }
0x6e: {  	_ =	shalt  }
0x6f: {  	_ =	shalt  }
0x70: {  	_ =	shalt  }
0x71: {  	_ =	shalt  }
0x72: {  	_ =	shalt  }
0x73: {  	_ =	shalt  }
0x74: {  	_ =	shalt  }
0x75: {  	_ =	shalt  }
0x76: {  	_ =	shalt  }
0x77: {  	_ =	shalt  }
0x78: {  	_ =	shalt  }
0x79: {  	_ =	shalt  }
0x7a: {  	_ =	shalt  }
0x7b: {  	_ =	shalt  }
0x7c: {  	_ =	shalt  }
0x7d: {  	_ =	shalt  }
0x7e: {  	_ =	shalt  }
0x7f: {  	_ =	shalt  }
0x80: {  	_ =	shalt  }
0x81: {  	_ =	shalt  }
0x82: {  	_ =	shalt  }
0x83: {  	_ =	shalt  }
0x84: {  	_ =	shalt  }
0x85: {  	_ =	shalt  }
0x86: {  	_ =	shalt  }
0x87: {  	_ =	shalt  }
.Lfunc_end0:
.L_simem_size_0:
called_computation.5_lowered:
.L_overlay_start_0:
0x88: {  	s2 =	sld [smem:$0x3FD9]  }
0x89: {  	s3 =	sld [smem:$0x3FFE];
	_ =	sdelay $0x1  }
0x8a: {  	s1 =	srdreg.scid  }
0x8b: {  	s0 =	sand.u32 $0x1, s1  }
0x8c: {  	s17 =	sshll.u32 s0, $0xA;
	s2 =	sadd.s32 s3, s2  }
0x8d: {  	s2 =	sadd.s32 s2, s17  }
0x8e: {  	[smem:$0x3FC6] =	sst s2  }
0x8f: {  	_ = 	snop  }
0x90: {  	(tm) =	ssettm $0x1  }
0x91: {  	s18 =	sld [smem:$0x3FFB];
	_ =	sdelay $0x3  }
0x92: {  	_ =	strace s18  }
0x93: {  	s2 =	sld [smem:$0x3FFC];
	_ =	sdelay $0x3  }
0x94: {  	_ =	strace s2  }
0x95: {  	s2 =	sld [smem:$0x3FFD];
	_ =	sdelay $0x3  }
0x96: {  	_ =	strace s2  }
0x97: {  	_ =	strace $0x8FFFFFFF  }
0x98: {  	s19 =	sld [smem:$0x3FDB];
	_ =	sdelay $0x1  }
0x99: {  	s20 =	simm.s32 $_scs_section_size  }
0x9a: {  	s4 =	simm.s32 $_size__tile_overlayer_lowered;
	s5 =	simm.s32 $_tile_overlayer_lowered  }
0x9b: {  	s6 =	simm.s32 $0x1BFF;
	s21 =	sshll.u32 s5, $0x1;
	s3 =	sadd.s32 s20, s19  }
0x9c: {  	s22 =	simm.s32 $0x0;
	s4 =	sshll.u32 s4, $0x1;
	s5 =	sadd.s32 s21, s3  }
0x9d: {  	[timem:s22], [sflag:s6] =	dma.local [hbm:s5], s4  }
0x9e: {  	_ =	swait.ge [sflag:s6], s4  }
0x9f: {  	s4 =	ssub.s32 $0x0, s4;
	[sflag:s6] =	ssyncset.done $0x0  }
0xa0: {  	[sflag:s6] =	ssyncadd.s32 s4;
	_ =	sdelay $0x1  }
0xa1: {  	s23 =	simm.s32 $0x1B8B  }
0xa2: {  	_ =	swait.ge [sflag:s23], $0x1  }
0xa3: {  	[sflag:s23] =	ssyncset.done $0x0  }
0xa4: {  	[sflag:s23] =	ssyncadd.s32 $0xFFFFFFFF  }
0xa5: {  	s4 =	sld [smem:$0x0]  }
0xa6: {  	s5 =	sand.u32 $0xFFFFFFFE, s1  }
0xa7: {  	p0 =	sne.s32 s1, s5  }
0xa8: {  	s5 =	sshll.u32 @p0 s5, $0xE  }
0xa9: {  	s5 =	sadd.s32 @p0 $0x11B8D, s5;
	s6 =	sshll.u32 @p0 s4, $0x11  }
0xaa: {  	s5 =	sor.u32 @p0 s6, s5  }
0xab: {  	[sflag:s5] =	ssyncadd.remote.s32 @p0 $0x1;
	_ =	sdelay $0x1  }
0xac: {  	s5 =	simm.s32 @p0 $0x1B8D  }
0xad: {  	_ =	swait.eq @p0 [sflag:s5], $0x1  }
0xae: {  	[sflag:s5] =	ssyncadd.s32 @p0 $0xFFFFFFFF  }
0xaf: {  	s6 =	sshll.u32 @!p0 s1, $0xE  }
0xb0: {  	s6 =	sor.u32 @!p0 $0x4000, s6;
	s5 =	simm.s32 @!p0 $0x1B8D  }
0xb1: {  	s4 =	sshll.u32 @!p0 s4, $0x11;
	s6 =	sadd.s32 @!p0 $0x11B8D, s6;
	_ =	swait.eq @!p0 [sflag:s5], $0x1  }
0xb2: {  	s4 =	sor.u32 @!p0 s4, s6;
	[sflag:s5] =	ssyncadd.s32 @!p0 $0xFFFFFFFF  }
0xb3: {  	s25 =	simm.s32 $0x1B8E;
	s24 =	sld [smem:$0x3FFE];
	[sflag:s4] =	ssyncadd.remote.s32 @!p0 $0x1  }
0xb4: {  	s26 =	simm.s32 $execute0_lowered;
	[smem:$0x3FD2] =	sst s25  }
0xb5: {  	s5 =	sshll.u32 s26, $0x1;
	_ =	strace $0x8000005B;
	[dreg:$0x1] =	wrdreg $0xFFFFFFFF  }
0xb6: {  	s28 =	simm.s32 $_size_execute0_lowered;
	s3 =	sadd.s32 s3, s5;
	[dreg:$0x0] =	wrdreg $0x0  }
0xb7: {  	s5 =	sshll.u32 s28, $0x1;
	[dreg:$0x2] =	wrdreg s3  }
0xb8: {  	[dreg:$0x3] =	wrdreg s5  }
0xb9: {  	[dreg:$0x4] =	wrdreg $0xC0  }
0xba: {  	_ =	task [dreg:s22], $0x5FFFF  }
0xbb: {  	[dreg:$0x1] =	wrdreg $0xFFFFFFFF  }
0xbc: {  	[dreg:$0x0] =	wrdreg $0x60  }
0xbd: {  	[dreg:$0x2] =	wrdreg s24  }
0xbe: {  	[dreg:$0x3] =	wrdreg $0xE  }
0xbf: {  	_ =	task.clear_ibuf [dreg:s22], $0x4FFFF;
	_ =	strace $0x9000005B  }
0xc0: {  	s29 =	simm.s32 $0xE;
	_ =	strace $0x8000005D  }
0xc1: {  	_ =	swait.ge [sflag:s29], $0x1  }
0xc2: {  	[sflag:s29] =	ssyncadd.s32 $0xFFFFFFFF  }
0xc3: {  	_ =	strace $0x9000005D  }
0xc4: {  	_ =	sfence  }
0xc5: {  	s30 =	sld [smem:$0x0];
	_ =	sdelay $0x2  }
0xc6: {  	s31 =	sshll.u32 s1, $0xD;
	s1 =	sshrl.u32 s1, $0x2  }
0xc7: {  	s4 =	sand.u32 $0x4000, s31;
	s1 =	sadd.s32 s1, s30  }
0xc8: {  	s0 =	sor.u32 s4, s0;
	s1 =	sshll.u32 s1, $0x11  }
0xc9: {  	s0 =	sor.u32 s1, s0  }
0xca: {  	s0 =	sadd.s32 $0x8F2B, s0  }
0xcb: {  	[sflag:s0] =	ssyncadd.remote.s32 $0x1  }
0xcc: {  	_ =	sfence.sel $0xFFFF  }
0xcd: {  	[dreg:$0x0] =	wrdreg $0xFFFFFFFF;
	(pc) =	sbr.abs _section_cstart, $3  }
0xce: {  	[dreg:$0x1] =	wrdreg $0xFFFFFFFF  }
0xcf: {  	_ =	task.clear_ibuf [dreg:s22], $0x2FFFF;
	_ =	strace $0x9FFFFFFF  }
0xd0: {  	(tm) =	ssettm $0x7FFFFFFF  }
0xd1: {  	_ =	shalt  }
tec
execute0_lowered:
.L_overlay_start_1:
0x0: {  	(tag) =	ssettag $0x1  }
0x1: {  	s5 =	rddreg [dreg:$0x0];
	s1 =	stileid.u32  }
0x2: {  	s0 =	rddreg [dreg:$0x1];
	s2 =	srdreg.scid;
	s3 =	sshll.u32 s1, $0x1  }
0x3: {  	s4 =	sshrl.u32 s1, $0x3;
	s6 =	sand.u32 $0x1, s2;
	s2 =	simm.s32 $0x0  }
0x4: {  	s3 =	sand.u32 $0xE, s3;
	s7 =	sshll.u32 s4, $0xB;
	[smem:$0x7FF] =	sst s2  }
0x5: {  	s9 =	smul.u32 $0x61A80, s4;
	s30 =	sshll.u32 s4, $0x10;
	s8 =	sor.u32 s6, s3  }
0x6: {  	s11 =	ssub.s32 $0x2, s6;
	s28 =	sadd.s32 s7, s5;
	s29 =	sshll.u32 s8, $0x7  }
0x7: {  	_ =	strace $0x8000005C;
	s10 =	sadd.s32 s30, s5;
	s3 =	sadd.s32 s29, s28  }
0x8: {  	s6 =	simm.s32 $0x400;
	s4 =	sadd.s32 $0x1F200, s3;
	s3 =	simm.s32 $0x2  }
0x9: {  	[tilespmem:s2], [sflag:$0x2] =	stream.linear.gather [hbm4b:s4+s2], $0x400, $0x38;
	[tilespmem:$0x8400] =	vst v63  }
0xa: {  	s31 =	sshrl.u32 s11, $0x1;
	s9 =	sadd.s32 s9, s5;
	_ =	swait.ge [sflag:s3], $0x400  }
0xb: {  	s5 =	sadd.s32 $0x3F7000, s9;
	s9 =	ssub.s32 s11, s31;
	[sflag:s3] =	ssyncset.done $0x0  }
0xc: {  	s7 =	simm.s32 $0x1;
	s9 =	smax.u32 s9, $0x1;
	[sflag:s3] =	ssyncadd.s32 $0xFFFFFC00  }
0xd: {  	[tilespmem:s6], [sflag:$0x1] =	stream.indirect.gather [hbm4b:s5+s6], $0x20, s2, s6, $0xb8;
	[tilespmem:$0x8400] =	vst v63  }
0xe: {  	s8 =	sshll.u32 s8, $0xC;
	p0 =	sne.s32 s9, $0x1;
	_ =	swait.ge [sflag:s7], $0x8000  }
.Ltmp0:
0xf: {  	s8 =	sadd.s32 s8, s10;
	[sflag:s7] =	ssyncset.done $0x0;
	(pc) =	sbr.rel @!p0 .LBB2_2-.Ltmp0, $4  }
0x10: {  	s8 =	sadd.s32 $0xA30000, s8;
	[sflag:s7] =	ssyncadd.s32 $0xFFFF8000  }
0x11: {  	[hbm4b:s8+s2] =	stream.linear.scatter [tilespmem:s6], [sflag:$0x2], $0x8000, $0x38;
	[tilespmem:$0x8400] =	vst v63  }
0x12: {  	_ =	swait.ge [sflag:s3], $0x8000  }
0x13: {  	s9 =	sadd.s32 $0xFFFFFFFF, s9;
	[sflag:s3] =	ssyncset.done $0x0  }
.LBB2_1:
0x14: {  	p0 =	sne.s32 s9, $0x1;
	s9 =	sadd.s32 $0xFFFFFFFF, s9;
	[sflag:s3] =	ssyncadd.s32 $0xFFFF8000  }
0x15: {  	[tilespmem:s2], [sflag:$0x2] =	stream.linear.gather [hbm4b:s4+s2], $0x400, $0x38;
	[tilespmem:$0x8400] =	vst v63  }
0x16: {  	_ =	swait.ge [sflag:s3], $0x400  }
0x17: {  	[sflag:s3] =	ssyncset.done $0x0  }
0x18: {  	[sflag:s3] =	ssyncadd.s32 $0xFFFFFC00  }
0x19: {  	[tilespmem:s6], [sflag:$0x1] =	stream.indirect.gather [hbm4b:s5+s6], $0x20, s2, s6, $0xb8;
	[tilespmem:$0x8400] =	vst v63  }
0x1a: {  	_ =	swait.ge [sflag:s7], $0x8000  }
.Ltmp1:
0x1b: {  	[sflag:s7] =	ssyncset.done $0x0;
	(pc) =	sbr.rel @p0 .LBB2_1-.Ltmp1, $4  }
0x1c: {  	[sflag:s7] =	ssyncadd.s32 $0xFFFF8000  }
0x1d: {  	[hbm4b:s8+s2] =	stream.linear.scatter [tilespmem:s6], [sflag:$0x2], $0x8000, $0x38;
	[tilespmem:$0x8400] =	vst v63  }
0x1e: {  	_ =	swait.ge [sflag:s3], $0x8000  }
0x1f: {  	[sflag:s3] =	ssyncset.done $0x0  }
.LBB2_2:
0x20: {  	[sflag:s3] =	ssyncadd.s32 $0xFFFF8000  }
0x21: {  	_ =	sfence.sel $0x180000  }
0x22: {  	[bflag:$0x0] =	sbarrier.arrive $0xFFFF  }
0x23: {  	p0 =	sne.s32 s1, $0x0;
	_ =	strace $0x9000005C  }
0x24: {  	s0 =	sadd.s32 @!p0 $0x100000, s0;
	[bflag:$0x2] =	sbarrier.arrive $0xFFFF  }
0x25: {  	[sflag:s0] =	ssyncadd.tile.s32 @!p0 $0x1;
	_ =	shalt  }
.Lfunc_end2:
_tile_overlayer_lowered:
.L_overlay_start_2:
0x26: {  	(tag) =	ssettag $0x2  }
0x27: {  	s0 =	rddreg [dreg:$0x0];
	s2 =	stileid.u32  }
0x28: {  	s1 =	rddreg [dreg:$0x1];
	p0 =	sne.s32 s2, $0x0  }
0x29: {  	s3 =	rddreg [dreg:$0x2];
	[bflag:$0x3] =	sbarrier.arrive $0xFFFF;
	s2 =	simm.s32 @!p0 $0x1C02  }
0x2a: {  	[timem:s3], [sflag:s2] =	dma.local @!p0 [hbm:s0], s1  }
0x2b: {  	s0 =	simm.s32 @!p0 $0x2  }
0x2c: {  	_ =	swait.ge @!p0 [sflag:s0], s1  }
0x2d: {  	s1 =	ssub.s32 @!p0 $0x0, s1;
	[sflag:s0] =	ssyncset.done @!p0 $0x0  }
0x2e: {  	[sflag:s0] =	ssyncadd.s32 @!p0 s1  }
0x2f: {  	[bflag:$0x3] =	sbarrier.arrive $0xFFFF  }
0x30: {  	_ =	shalt  }

// kernel: kernel.33.cloned.1.call-start
scs
__scs_entry_jumppad:
0x0: {  	(pc) =	sbr.rel $0x88, $3  }
0x1: {  	(tag) =	ssettag $0x0;
	lr =	simm.s32 $0x1  }
0x2: {  	[smem:$0x3F9F] =	sst lr;
	_ =	strace $0xD0000000  }
0x3: {  	_ = 	snop  }
0x4: {  	_ = 	snop  }
0x5: {  	_ = 	snop  }
0x6: {  	_ = 	snop  }
0x7: {  	_ = 	snop  }
__scs_overlays_trampoline_lowered:
0x8: {  	[smem:$0x3FAE] =	sst s0  }
0x9: {  	[smem:$0x3FAF] =	sst s1  }
0xa: {  	[smem:$0x3FB0] =	sst s2  }
0xb: {  	[smem:$0x3FB1] =	sst s3  }
0xc: {  	[smem:$0x3FB2] =	sst s4  }
0xd: {  	[smem:$0x3FB3] =	sst s5  }
0xe: {  	[smem:$0x3FB4] =	sst s6  }
0xf: {  	[smem:$0x3FB5] =	sst s7  }
0x10: {  	[smem:$0x3FB6] =	sst s8  }
0x11: {  	[smem:$0x3FB7] =	sst s9;
	s0 =	simm.s32 @!p0 $0x0  }
0x12: {  	s1 =	sld [smem:$0x3F9D];
	s0 =	simm.s32 @p0 $0x1  }
0x13: {  	[smem:$0x3FB8] =	sst s0;
	s0 =	simm.s32 @!p1 $0x0  }
0x14: {  	s2 =	sld [smem:$0x3F9C];
	s0 =	simm.s32 @p1 $0x1  }
0x15: {  	[smem:$0x3FB9] =	sst s0;
	s0 =	simm.s32 @!p2 $0x0  }
0x16: {  	s3 =	sld [smem:$0x3FDB];
	s0 =	simm.s32 @p2 $0x1  }
0x17: {  	s4 =	simm.s32 $0x1BF5;
	[smem:$0x3FBB] =	sst s0  }
0x18: {  	s0 =	sld [smem:$0x3F9E];
	_ =	swait.ge [sflag:s4], $0x0  }
0x19: {  	s7 =	sld [smem:$0x3F9F]  }
0x1a: {  	s8 =	sadd.s32 $0xFFFFE003, lr  }
0x1b: {  	s9 =	sadd.s32 $0xFFFFFEF7, lr;
	s5 =	simm.s32 $0xFFFFFFFF;
	p2 =	slt.u32 s8, $0xFFFFF086  }
0x1c: {  	p1 =	slt.u32 s9, $0xF7A;
	s5 =	simm.s32 @!p2 $0x0  }
0x1d: {  	s5 =	simm.s32 @p1 $0x1;
	p0 =	seq.s32 s7, s2  }
0x1e: {  	s7 =	smul.u32 @!p0 $0xF7A, s2;
	p2 =	seq.s32 @!p0 s5, $0x0  }
0x1f: {  	s9 =	smul.u32 $0xF7A, s1;
	s8 =	simm.s32 @!p0 $0x1BF5;
	p2 =	por !p2, p0  }
0x20: {  	[sflag:s8] =	ssyncset.s32 @!p0 $0xFFFFF086;
	s6 =	sadd.s32 @!p0 s3, s7;
	s7 =	simm.s32 @!p0 $0x108  }
0x21: {  	s3 =	sadd.s32 s3, s9;
	s6 =	sadd.s32 @!p0 $0x88, s6;
	s7 =	simm.s32 @p2 $0x1082  }
0x22: {  	[simem:s7], [sflag:s8] =	dma.local @!p0 [hbm:s6], $0xF7A  }
0x23: {  	s9 =	sor.u32 $0xD0000000, s2;
	s6 =	simm.s32 $0x108;
	_ =	swait.ge @!p0 [sflag:s8], $0x0  }
0x24: {  	s3 =	sadd.s32 $0x88, s3;
	s6 =	simm.s32 @!p1 $0x1082;
	[sflag:s4] =	ssyncset.s32 $0xFFFFF086  }
0x25: {  	[simem:s6], [sflag:s4] =	dma.local [hbm:s3], $0xF7A  }
0x26: {  	[smem:$0x3F9F] =	sst s1;
	(tag) =	ssettag s2;
	_ =	strace s9  }
0x27: {  	s1 =	sld [smem:$0x3FAF]  }
0x28: {  	s2 =	sld [smem:$0x3FB0]  }
0x29: {  	s4 =	sld [smem:$0x3FB2]  }
0x2a: {  	p0 =	seq.s32 s5, $0x0;
	s5 =	sld [smem:$0x3FB3]  }
0x2b: {  	s6 =	sld [smem:$0x3FB4]  }
0x2c: {  	s7 =	sld [smem:$0x3FB5]  }
0x2d: {  	s3 =	simm.s32 $0x108;
	s8 =	sld [smem:$0x3FB6]  }
0x2e: {  	s3 =	simm.s32 @!p0 $0x1082;
	s9 =	sld [smem:$0x3FB7]  }
0x2f: {  	lr =	sadd.s32 s0, s3;
	s0 =	sld [smem:$0x3FAE]  }
0x30: {  	s3 =	sld [smem:$0x3FB1]  }
0x31: {  	[smem:$0x3FBA] =	sst s10  }
0x32: {  	s10 =	sld [smem:$0x3FB8];
	_ =	sdelay $0x3  }
0x33: {  	p0 =	seq.s32 s10, $0x1;
	s10 =	sld [smem:$0x3FBA];
	_ =	sdelay $0x3  }
0x34: {  	[smem:$0x3FBA] =	sst s10  }
0x35: {  	s10 =	sld [smem:$0x3FB9];
	_ =	sdelay $0x3  }
0x36: {  	p1 =	seq.s32 s10, $0x1;
	s10 =	sld [smem:$0x3FBA];
	_ =	sdelay $0x3  }
0x37: {  	[smem:$0x3FBA] =	sst s10  }
0x38: {  	s10 =	sld [smem:$0x3FBB]  }
0x39: {  	_ = 	snop;
	(pc) =	sbr.ind lr, $3  }
0x3a: {  	_ = 	snop  }
0x3b: {  	_ = 	snop  }
0x3c: {  	p2 =	seq.s32 s10, $0x1;
	s10 =	sld [smem:$0x3FBA]  }
0x3d: {  	_ =	shalt  }
0x3e: {  	_ =	shalt  }
0x3f: {  	_ =	shalt  }
0x40: {  	_ =	shalt  }
0x41: {  	_ =	shalt  }
0x42: {  	_ =	shalt  }
0x43: {  	_ =	shalt  }
0x44: {  	_ =	shalt  }
0x45: {  	_ =	shalt  }
0x46: {  	_ =	shalt  }
0x47: {  	_ =	shalt  }
0x48: {  	_ =	shalt  }
0x49: {  	_ =	shalt  }
0x4a: {  	_ =	shalt  }
0x4b: {  	_ =	shalt  }
0x4c: {  	_ =	shalt  }
0x4d: {  	_ =	shalt  }
0x4e: {  	_ =	shalt  }
0x4f: {  	_ =	shalt  }
0x50: {  	_ =	shalt  }
0x51: {  	_ =	shalt  }
0x52: {  	_ =	shalt  }
0x53: {  	_ =	shalt  }
0x54: {  	_ =	shalt  }
0x55: {  	_ =	shalt  }
0x56: {  	_ =	shalt  }
0x57: {  	_ =	shalt  }
0x58: {  	_ =	shalt  }
0x59: {  	_ =	shalt  }
0x5a: {  	_ =	shalt  }
0x5b: {  	_ =	shalt  }
0x5c: {  	_ =	shalt  }
0x5d: {  	_ =	shalt  }
0x5e: {  	_ =	shalt  }
0x5f: {  	_ =	shalt  }
0x60: {  	_ =	shalt  }
0x61: {  	_ =	shalt  }
0x62: {  	_ =	shalt  }
0x63: {  	_ =	shalt  }
0x64: {  	_ =	shalt  }
0x65: {  	_ =	shalt  }
0x66: {  	_ =	shalt  }
0x67: {  	_ =	shalt  }
0x68: {  	_ =	shalt  }
0x69: {  	_ =	shalt  }
0x6a: {  	_ =	shalt  }
0x6b: {  	_ =	shalt  }
0x6c: {  	_ =	shalt  }
0x6d: {  	_ =	shalt  }
0x6e: {  	_ =	shalt  }
0x6f: {  	_ =	shalt  }
0x70: {  	_ =	shalt  }
0x71: {  	_ =	shalt  }
0x72: {  	_ =	shalt  }
0x73: {  	_ =	shalt  }
0x74: {  	_ =	shalt  }
0x75: {  	_ =	shalt  }
0x76: {  	_ =	shalt  }
0x77: {  	_ =	shalt  }
0x78: {  	_ =	shalt  }
0x79: {  	_ =	shalt  }
0x7a: {  	_ =	shalt  }
0x7b: {  	_ =	shalt  }
0x7c: {  	_ =	shalt  }
0x7d: {  	_ =	shalt  }
0x7e: {  	_ =	shalt  }
0x7f: {  	_ =	shalt  }
0x80: {  	_ =	shalt  }
0x81: {  	_ =	shalt  }
0x82: {  	_ =	shalt  }
0x83: {  	_ =	shalt  }
0x84: {  	_ =	shalt  }
0x85: {  	_ =	shalt  }
0x86: {  	_ =	shalt  }
0x87: {  	_ =	shalt  }
.Lfunc_end0:
.L_simem_size_0:
called_computation.6_lowered:
.L_overlay_start_0:
0x88: {  	s2 =	sld [smem:$0x3FD9]  }
0x89: {  	s3 =	sld [smem:$0x3FFE];
	_ =	sdelay $0x1  }
0x8a: {  	s1 =	srdreg.scid  }
0x8b: {  	s0 =	sand.u32 $0x1, s1  }
0x8c: {  	s17 =	sshll.u32 s0, $0xA;
	s2 =	sadd.s32 s3, s2  }
0x8d: {  	s2 =	sadd.s32 s2, s17  }
0x8e: {  	[smem:$0x3FC6] =	sst s2  }
0x8f: {  	_ = 	snop  }
0x90: {  	(tm) =	ssettm $0x1  }
0x91: {  	s18 =	sld [smem:$0x3FFB];
	_ =	sdelay $0x3  }
0x92: {  	_ =	strace s18  }
0x93: {  	s2 =	sld [smem:$0x3FFC];
	_ =	sdelay $0x3  }
0x94: {  	_ =	strace s2  }
0x95: {  	s2 =	sld [smem:$0x3FFD];
	_ =	sdelay $0x3  }
0x96: {  	_ =	strace s2  }
0x97: {  	_ =	strace $0x8FFFFFFF  }
0x98: {  	s19 =	sld [smem:$0x3FDB];
	_ =	sdelay $0x1  }
0x99: {  	s20 =	simm.s32 $_scs_section_size  }
0x9a: {  	s4 =	simm.s32 $_size__tile_overlayer_lowered;
	s5 =	simm.s32 $_tile_overlayer_lowered  }
0x9b: {  	s6 =	simm.s32 $0x1BFF;
	s21 =	sshll.u32 s5, $0x1;
	s3 =	sadd.s32 s20, s19  }
0x9c: {  	s22 =	simm.s32 $0x0;
	s4 =	sshll.u32 s4, $0x1;
	s5 =	sadd.s32 s21, s3  }
0x9d: {  	[timem:s22], [sflag:s6] =	dma.local [hbm:s5], s4  }
0x9e: {  	_ =	swait.ge [sflag:s6], s4  }
0x9f: {  	s4 =	ssub.s32 $0x0, s4;
	[sflag:s6] =	ssyncset.done $0x0  }
0xa0: {  	[sflag:s6] =	ssyncadd.s32 s4;
	_ =	sdelay $0x1  }
0xa1: {  	s23 =	simm.s32 $0x1B8B  }
0xa2: {  	_ =	swait.ge [sflag:s23], $0x1  }
0xa3: {  	[sflag:s23] =	ssyncset.done $0x0  }
0xa4: {  	[sflag:s23] =	ssyncadd.s32 $0xFFFFFFFF  }
0xa5: {  	s4 =	sld [smem:$0x0]  }
0xa6: {  	s5 =	sand.u32 $0xFFFFFFFE, s1  }
0xa7: {  	p0 =	sne.s32 s1, s5  }
0xa8: {  	s5 =	sshll.u32 @p0 s5, $0xE  }
0xa9: {  	s5 =	sadd.s32 @p0 $0x11B8D, s5;
	s6 =	sshll.u32 @p0 s4, $0x11  }
0xaa: {  	s5 =	sor.u32 @p0 s6, s5  }
0xab: {  	[sflag:s5] =	ssyncadd.remote.s32 @p0 $0x1;
	_ =	sdelay $0x1  }
0xac: {  	s5 =	simm.s32 @p0 $0x1B8D  }
0xad: {  	_ =	swait.eq @p0 [sflag:s5], $0x1  }
0xae: {  	[sflag:s5] =	ssyncadd.s32 @p0 $0xFFFFFFFF  }
0xaf: {  	s6 =	sshll.u32 @!p0 s1, $0xE  }
0xb0: {  	s6 =	sor.u32 @!p0 $0x4000, s6;
	s5 =	simm.s32 @!p0 $0x1B8D  }
0xb1: {  	s4 =	sshll.u32 @!p0 s4, $0x11;
	s6 =	sadd.s32 @!p0 $0x11B8D, s6;
	_ =	swait.eq @!p0 [sflag:s5], $0x1  }
0xb2: {  	s4 =	sor.u32 @!p0 s4, s6;
	[sflag:s5] =	ssyncadd.s32 @!p0 $0xFFFFFFFF  }
0xb3: {  	s25 =	simm.s32 $0x1B8E;
	s24 =	sld [smem:$0x3FFE];
	[sflag:s4] =	ssyncadd.remote.s32 @!p0 $0x1  }
0xb4: {  	s26 =	simm.s32 $execute0_lowered;
	[smem:$0x3FD2] =	sst s25  }
0xb5: {  	s5 =	sshll.u32 s26, $0x1;
	_ =	strace $0x80000058;
	[dreg:$0x1] =	wrdreg $0xFFFFFFFF  }
0xb6: {  	s28 =	simm.s32 $_size_execute0_lowered;
	s3 =	sadd.s32 s3, s5;
	[dreg:$0x0] =	wrdreg $0x0  }
0xb7: {  	s5 =	sshll.u32 s28, $0x1;
	[dreg:$0x2] =	wrdreg s3  }
0xb8: {  	[dreg:$0x3] =	wrdreg s5  }
0xb9: {  	[dreg:$0x4] =	wrdreg $0xC0  }
0xba: {  	_ =	task [dreg:s22], $0x5FFFF  }
0xbb: {  	[dreg:$0x1] =	wrdreg $0xFFFFFFFF  }
0xbc: {  	[dreg:$0x0] =	wrdreg $0x60  }
0xbd: {  	[dreg:$0x2] =	wrdreg s24  }
0xbe: {  	[dreg:$0x3] =	wrdreg $0xF  }
0xbf: {  	_ =	task.clear_ibuf [dreg:s22], $0x4FFFF;
	_ =	strace $0x90000058  }
0xc0: {  	s29 =	simm.s32 $0xF;
	_ =	strace $0x8000005A  }
0xc1: {  	_ =	swait.ge [sflag:s29], $0x1  }
0xc2: {  	[sflag:s29] =	ssyncadd.s32 $0xFFFFFFFF  }
0xc3: {  	_ =	strace $0x9000005A  }
0xc4: {  	_ =	sfence  }
0xc5: {  	s30 =	sld [smem:$0x0];
	_ =	sdelay $0x2  }
0xc6: {  	s31 =	sshll.u32 s1, $0xD;
	s1 =	sshrl.u32 s1, $0x2  }
0xc7: {  	s4 =	sand.u32 $0x4000, s31;
	s1 =	sadd.s32 s1, s30  }
0xc8: {  	s0 =	sor.u32 s4, s0;
	s1 =	sshll.u32 s1, $0x11  }
0xc9: {  	s0 =	sor.u32 s1, s0  }
0xca: {  	s0 =	sadd.s32 $0x8F2B, s0  }
0xcb: {  	[sflag:s0] =	ssyncadd.remote.s32 $0x1  }
0xcc: {  	_ =	sfence.sel $0xFFFF  }
0xcd: {  	[dreg:$0x0] =	wrdreg $0xFFFFFFFF;
	(pc) =	sbr.abs _section_cstart, $3  }
0xce: {  	[dreg:$0x1] =	wrdreg $0xFFFFFFFF  }
0xcf: {  	_ =	task.clear_ibuf [dreg:s22], $0x2FFFF;
	_ =	strace $0x9FFFFFFF  }
0xd0: {  	(tm) =	ssettm $0x7FFFFFFF  }
0xd1: {  	_ =	shalt  }
tec
execute0_lowered:
.L_overlay_start_1:
0x0: {  	(tag) =	ssettag $0x1  }
0x1: {  	s5 =	rddreg [dreg:$0x0];
	s1 =	stileid.u32  }
0x2: {  	s0 =	rddreg [dreg:$0x1];
	s2 =	srdreg.scid;
	s3 =	sshll.u32 s1, $0x1  }
0x3: {  	s4 =	sshrl.u32 s1, $0x3;
	s6 =	sand.u32 $0x1, s2;
	s2 =	simm.s32 $0x0  }
0x4: {  	s3 =	sand.u32 $0xE, s3;
	s7 =	sshll.u32 s4, $0xB;
	[smem:$0x7FF] =	sst s2  }
0x5: {  	s9 =	smul.u32 $0x61A80, s4;
	s30 =	sshll.u32 s4, $0x10;
	s8 =	sor.u32 s6, s3  }
0x6: {  	s11 =	ssub.s32 $0x2, s6;
	s28 =	sadd.s32 s7, s5;
	s29 =	sshll.u32 s8, $0x7  }
0x7: {  	_ =	strace $0x80000059;
	s10 =	sadd.s32 s30, s5;
	s3 =	sadd.s32 s29, s28  }
0x8: {  	s6 =	simm.s32 $0x400;
	s4 =	sadd.s32 $0x1E200, s3;
	s3 =	simm.s32 $0x2  }
0x9: {  	[tilespmem:s2], [sflag:$0x2] =	stream.linear.gather [hbm4b:s4+s2], $0x400, $0x38;
	[tilespmem:$0x8400] =	vst v63  }
0xa: {  	s31 =	sshrl.u32 s11, $0x1;
	s9 =	sadd.s32 s9, s5;
	_ =	swait.ge [sflag:s3], $0x400  }
0xb: {  	s5 =	sadd.s32 $0x333A00, s9;
	s9 =	ssub.s32 s11, s31;
	[sflag:s3] =	ssyncset.done $0x0  }
0xc: {  	s7 =	simm.s32 $0x1;
	s9 =	smax.u32 s9, $0x1;
	[sflag:s3] =	ssyncadd.s32 $0xFFFFFC00  }
0xd: {  	[tilespmem:s6], [sflag:$0x1] =	stream.indirect.gather [hbm4b:s5+s6], $0x20, s2, s6, $0xb8;
	[tilespmem:$0x8400] =	vst v63  }
0xe: {  	s8 =	sshll.u32 s8, $0xC;
	p0 =	sne.s32 s9, $0x1;
	_ =	swait.ge [sflag:s7], $0x8000  }
.Ltmp0:
0xf: {  	s8 =	sadd.s32 s8, s10;
	[sflag:s7] =	ssyncset.done $0x0;
	(pc) =	sbr.rel @!p0 .LBB2_2-.Ltmp0, $4  }
0x10: {  	s8 =	sadd.s32 $0xA10000, s8;
	[sflag:s7] =	ssyncadd.s32 $0xFFFF8000  }
0x11: {  	[hbm4b:s8+s2] =	stream.linear.scatter [tilespmem:s6], [sflag:$0x2], $0x8000, $0x38;
	[tilespmem:$0x8400] =	vst v63  }
0x12: {  	_ =	swait.ge [sflag:s3], $0x8000  }
0x13: {  	s9 =	sadd.s32 $0xFFFFFFFF, s9;
	[sflag:s3] =	ssyncset.done $0x0  }
.LBB2_1:
0x14: {  	p0 =	sne.s32 s9, $0x1;
	s9 =	sadd.s32 $0xFFFFFFFF, s9;
	[sflag:s3] =	ssyncadd.s32 $0xFFFF8000  }
0x15: {  	[tilespmem:s2], [sflag:$0x2] =	stream.linear.gather [hbm4b:s4+s2], $0x400, $0x38;
	[tilespmem:$0x8400] =	vst v63  }
0x16: {  	_ =	swait.ge [sflag:s3], $0x400  }
0x17: {  	[sflag:s3] =	ssyncset.done $0x0  }
0x18: {  	[sflag:s3] =	ssyncadd.s32 $0xFFFFFC00  }
0x19: {  	[tilespmem:s6], [sflag:$0x1] =	stream.indirect.gather [hbm4b:s5+s6], $0x20, s2, s6, $0xb8;
	[tilespmem:$0x8400] =	vst v63  }
0x1a: {  	_ =	swait.ge [sflag:s7], $0x8000  }
.Ltmp1:
0x1b: {  	[sflag:s7] =	ssyncset.done $0x0;
	(pc) =	sbr.rel @p0 .LBB2_1-.Ltmp1, $4  }
0x1c: {  	[sflag:s7] =	ssyncadd.s32 $0xFFFF8000  }
0x1d: {  	[hbm4b:s8+s2] =	stream.linear.scatter [tilespmem:s6], [sflag:$0x2], $0x8000, $0x38;
	[tilespmem:$0x8400] =	vst v63  }
0x1e: {  	_ =	swait.ge [sflag:s3], $0x8000  }
0x1f: {  	[sflag:s3] =	ssyncset.done $0x0  }
.LBB2_2:
0x20: {  	[sflag:s3] =	ssyncadd.s32 $0xFFFF8000  }
0x21: {  	_ =	sfence.sel $0x180000  }
0x22: {  	[bflag:$0x0] =	sbarrier.arrive $0xFFFF  }
0x23: {  	p0 =	sne.s32 s1, $0x0;
	_ =	strace $0x90000059  }
0x24: {  	s0 =	sadd.s32 @!p0 $0x100000, s0;
	[bflag:$0x2] =	sbarrier.arrive $0xFFFF  }
0x25: {  	[sflag:s0] =	ssyncadd.tile.s32 @!p0 $0x1;
	_ =	shalt  }
.Lfunc_end2:
_tile_overlayer_lowered:
.L_overlay_start_2:
0x26: {  	(tag) =	ssettag $0x2  }
0x27: {  	s0 =	rddreg [dreg:$0x0];
	s2 =	stileid.u32  }
0x28: {  	s1 =	rddreg [dreg:$0x1];
	p0 =	sne.s32 s2, $0x0  }
0x29: {  	s3 =	rddreg [dreg:$0x2];
	[bflag:$0x3] =	sbarrier.arrive $0xFFFF;
	s2 =	simm.s32 @!p0 $0x1C02  }
0x2a: {  	[timem:s3], [sflag:s2] =	dma.local @!p0 [hbm:s0], s1  }
0x2b: {  	s0 =	simm.s32 @!p0 $0x2  }
0x2c: {  	_ =	swait.ge @!p0 [sflag:s0], s1  }
0x2d: {  	s1 =	ssub.s32 @!p0 $0x0, s1;
	[sflag:s0] =	ssyncset.done @!p0 $0x0  }
0x2e: {  	[sflag:s0] =	ssyncadd.s32 @!p0 s1  }
0x2f: {  	[bflag:$0x3] =	sbarrier.arrive $0xFFFF  }
0x30: {  	_ =	shalt  }

// kernel: kernel.36.cloned.1.call-start
scs
__scs_entry_jumppad:
0x0: {  	(pc) =	sbr.rel $0x88, $3  }
0x1: {  	(tag) =	ssettag $0x0;
	lr =	simm.s32 $0x1  }
0x2: {  	[smem:$0x3F9F] =	sst lr;
	_ =	strace $0xD0000000  }
0x3: {  	_ = 	snop  }
0x4: {  	_ = 	snop  }
0x5: {  	_ = 	snop  }
0x6: {  	_ = 	snop  }
0x7: {  	_ = 	snop  }
__scs_overlays_trampoline_lowered:
0x8: {  	[smem:$0x3FAE] =	sst s0  }
0x9: {  	[smem:$0x3FAF] =	sst s1  }
0xa: {  	[smem:$0x3FB0] =	sst s2  }
0xb: {  	[smem:$0x3FB1] =	sst s3  }
0xc: {  	[smem:$0x3FB2] =	sst s4  }
0xd: {  	[smem:$0x3FB3] =	sst s5  }
0xe: {  	[smem:$0x3FB4] =	sst s6  }
0xf: {  	[smem:$0x3FB5] =	sst s7  }
0x10: {  	[smem:$0x3FB6] =	sst s8  }
0x11: {  	[smem:$0x3FB7] =	sst s9;
	s0 =	simm.s32 @!p0 $0x0  }
0x12: {  	s1 =	sld [smem:$0x3F9D];
	s0 =	simm.s32 @p0 $0x1  }
0x13: {  	[smem:$0x3FB8] =	sst s0;
	s0 =	simm.s32 @!p1 $0x0  }
0x14: {  	s2 =	sld [smem:$0x3F9C];
	s0 =	simm.s32 @p1 $0x1  }
0x15: {  	[smem:$0x3FB9] =	sst s0;
	s0 =	simm.s32 @!p2 $0x0  }
0x16: {  	s3 =	sld [smem:$0x3FDB];
	s0 =	simm.s32 @p2 $0x1  }
0x17: {  	s4 =	simm.s32 $0x1BF5;
	[smem:$0x3FBB] =	sst s0  }
0x18: {  	s0 =	sld [smem:$0x3F9E];
	_ =	swait.ge [sflag:s4], $0x0  }
0x19: {  	s7 =	sld [smem:$0x3F9F]  }
0x1a: {  	s8 =	sadd.s32 $0xFFFFE003, lr  }
0x1b: {  	s9 =	sadd.s32 $0xFFFFFEF7, lr;
	s5 =	simm.s32 $0xFFFFFFFF;
	p2 =	slt.u32 s8, $0xFFFFF086  }
0x1c: {  	p1 =	slt.u32 s9, $0xF7A;
	s5 =	simm.s32 @!p2 $0x0  }
0x1d: {  	s5 =	simm.s32 @p1 $0x1;
	p0 =	seq.s32 s7, s2  }
0x1e: {  	s7 =	smul.u32 @!p0 $0xF7A, s2;
	p2 =	seq.s32 @!p0 s5, $0x0  }
0x1f: {  	s9 =	smul.u32 $0xF7A, s1;
	s8 =	simm.s32 @!p0 $0x1BF5;
	p2 =	por !p2, p0  }
0x20: {  	[sflag:s8] =	ssyncset.s32 @!p0 $0xFFFFF086;
	s6 =	sadd.s32 @!p0 s3, s7;
	s7 =	simm.s32 @!p0 $0x108  }
0x21: {  	s3 =	sadd.s32 s3, s9;
	s6 =	sadd.s32 @!p0 $0x88, s6;
	s7 =	simm.s32 @p2 $0x1082  }
0x22: {  	[simem:s7], [sflag:s8] =	dma.local @!p0 [hbm:s6], $0xF7A  }
0x23: {  	s9 =	sor.u32 $0xD0000000, s2;
	s6 =	simm.s32 $0x108;
	_ =	swait.ge @!p0 [sflag:s8], $0x0  }
0x24: {  	s3 =	sadd.s32 $0x88, s3;
	s6 =	simm.s32 @!p1 $0x1082;
	[sflag:s4] =	ssyncset.s32 $0xFFFFF086  }
0x25: {  	[simem:s6], [sflag:s4] =	dma.local [hbm:s3], $0xF7A  }
0x26: {  	[smem:$0x3F9F] =	sst s1;
	(tag) =	ssettag s2;
	_ =	strace s9  }
0x27: {  	s1 =	sld [smem:$0x3FAF]  }
0x28: {  	s2 =	sld [smem:$0x3FB0]  }
0x29: {  	s4 =	sld [smem:$0x3FB2]  }
0x2a: {  	p0 =	seq.s32 s5, $0x0;
	s5 =	sld [smem:$0x3FB3]  }
0x2b: {  	s6 =	sld [smem:$0x3FB4]  }
0x2c: {  	s7 =	sld [smem:$0x3FB5]  }
0x2d: {  	s3 =	simm.s32 $0x108;
	s8 =	sld [smem:$0x3FB6]  }
0x2e: {  	s3 =	simm.s32 @!p0 $0x1082;
	s9 =	sld [smem:$0x3FB7]  }
0x2f: {  	lr =	sadd.s32 s0, s3;
	s0 =	sld [smem:$0x3FAE]  }
0x30: {  	s3 =	sld [smem:$0x3FB1]  }
0x31: {  	[smem:$0x3FBA] =	sst s10  }
0x32: {  	s10 =	sld [smem:$0x3FB8];
	_ =	sdelay $0x3  }
0x33: {  	p0 =	seq.s32 s10, $0x1;
	s10 =	sld [smem:$0x3FBA];
	_ =	sdelay $0x3  }
0x34: {  	[smem:$0x3FBA] =	sst s10  }
0x35: {  	s10 =	sld [smem:$0x3FB9];
	_ =	sdelay $0x3  }
0x36: {  	p1 =	seq.s32 s10, $0x1;
	s10 =	sld [smem:$0x3FBA];
	_ =	sdelay $0x3  }
0x37: {  	[smem:$0x3FBA] =	sst s10  }
0x38: {  	s10 =	sld [smem:$0x3FBB]  }
0x39: {  	_ = 	snop;
	(pc) =	sbr.ind lr, $3  }
0x3a: {  	_ = 	snop  }
0x3b: {  	_ = 	snop  }
0x3c: {  	p2 =	seq.s32 s10, $0x1;
	s10 =	sld [smem:$0x3FBA]  }
0x3d: {  	_ =	shalt  }
0x3e: {  	_ =	shalt  }
0x3f: {  	_ =	shalt  }
0x40: {  	_ =	shalt  }
0x41: {  	_ =	shalt  }
0x42: {  	_ =	shalt  }
0x43: {  	_ =	shalt  }
0x44: {  	_ =	shalt  }
0x45: {  	_ =	shalt  }
0x46: {  	_ =	shalt  }
0x47: {  	_ =	shalt  }
0x48: {  	_ =	shalt  }
0x49: {  	_ =	shalt  }
0x4a: {  	_ =	shalt  }
0x4b: {  	_ =	shalt  }
0x4c: {  	_ =	shalt  }
0x4d: {  	_ =	shalt  }
0x4e: {  	_ =	shalt  }
0x4f: {  	_ =	shalt  }
0x50: {  	_ =	shalt  }
0x51: {  	_ =	shalt  }
0x52: {  	_ =	shalt  }
0x53: {  	_ =	shalt  }
0x54: {  	_ =	shalt  }
0x55: {  	_ =	shalt  }
0x56: {  	_ =	shalt  }
0x57: {  	_ =	shalt  }
0x58: {  	_ =	shalt  }
0x59: {  	_ =	shalt  }
0x5a: {  	_ =	shalt  }
0x5b: {  	_ =	shalt  }
0x5c: {  	_ =	shalt  }
0x5d: {  	_ =	shalt  }
0x5e: {  	_ =	shalt  }
0x5f: {  	_ =	shalt  }
0x60: {  	_ =	shalt  }
0x61: {  	_ =	shalt  }
0x62: {  	_ =	shalt  }
0x63: {  	_ =	shalt  }
0x64: {  	_ =	shalt  }
0x65: {  	_ =	shalt  }
0x66: {  	_ =	shalt  }
0x67: {  	_ =	shalt  }
0x68: {  	_ =	shalt  }
0x69: {  	_ =	shalt  }
0x6a: {  	_ =	shalt  }
0x6b: {  	_ =	shalt  }
0x6c: {  	_ =	shalt  }
0x6d: {  	_ =	shalt  }
0x6e: {  	_ =	shalt  }
0x6f: {  	_ =	shalt  }
0x70: {  	_ =	shalt  }
0x71: {  	_ =	shalt  }
0x72: {  	_ =	shalt  }
0x73: {  	_ =	shalt  }
0x74: {  	_ =	shalt  }
0x75: {  	_ =	shalt  }
0x76: {  	_ =	shalt  }
0x77: {  	_ =	shalt  }
0x78: {  	_ =	shalt  }
0x79: {  	_ =	shalt  }
0x7a: {  	_ =	shalt  }
0x7b: {  	_ =	shalt  }
0x7c: {  	_ =	shalt  }
0x7d: {  	_ =	shalt  }
0x7e: {  	_ =	shalt  }
0x7f: {  	_ =	shalt  }
0x80: {  	_ =	shalt  }
0x81: {  	_ =	shalt  }
0x82: {  	_ =	shalt  }
0x83: {  	_ =	shalt  }
0x84: {  	_ =	shalt  }
0x85: {  	_ =	shalt  }
0x86: {  	_ =	shalt  }
0x87: {  	_ =	shalt  }
.Lfunc_end0:
.L_simem_size_0:
called_computation.7_lowered:
.L_overlay_start_0:
0x88: {  	s2 =	sld [smem:$0x3FD9]  }
0x89: {  	s3 =	sld [smem:$0x3FFE];
	_ =	sdelay $0x1  }
0x8a: {  	s1 =	srdreg.scid  }
0x8b: {  	s0 =	sand.u32 $0x1, s1  }
0x8c: {  	s17 =	sshll.u32 s0, $0xA;
	s2 =	sadd.s32 s3, s2  }
0x8d: {  	s2 =	sadd.s32 s2, s17  }
0x8e: {  	[smem:$0x3FC6] =	sst s2  }
0x8f: {  	_ = 	snop  }
0x90: {  	(tm) =	ssettm $0x1  }
0x91: {  	s18 =	sld [smem:$0x3FFB];
	_ =	sdelay $0x3  }
0x92: {  	_ =	strace s18  }
0x93: {  	s2 =	sld [smem:$0x3FFC];
	_ =	sdelay $0x3  }
0x94: {  	_ =	strace s2  }
0x95: {  	s2 =	sld [smem:$0x3FFD];
	_ =	sdelay $0x3  }
0x96: {  	_ =	strace s2  }
0x97: {  	_ =	strace $0x8FFFFFFF  }
0x98: {  	s19 =	sld [smem:$0x3FDB];
	_ =	sdelay $0x1  }
0x99: {  	s20 =	simm.s32 $_scs_section_size  }
0x9a: {  	s4 =	simm.s32 $_size__tile_overlayer_lowered;
	s5 =	simm.s32 $_tile_overlayer_lowered  }
0x9b: {  	s6 =	simm.s32 $0x1BFF;
	s21 =	sshll.u32 s5, $0x1;
	s3 =	sadd.s32 s20, s19  }
0x9c: {  	s22 =	simm.s32 $0x0;
	s4 =	sshll.u32 s4, $0x1;
	s5 =	sadd.s32 s21, s3  }
0x9d: {  	[timem:s22], [sflag:s6] =	dma.local [hbm:s5], s4  }
0x9e: {  	_ =	swait.ge [sflag:s6], s4  }
0x9f: {  	s4 =	ssub.s32 $0x0, s4;
	[sflag:s6] =	ssyncset.done $0x0  }
0xa0: {  	[sflag:s6] =	ssyncadd.s32 s4;
	_ =	sdelay $0x1  }
0xa1: {  	s23 =	simm.s32 $0x1B8B  }
0xa2: {  	_ =	swait.ge [sflag:s23], $0x1  }
0xa3: {  	[sflag:s23] =	ssyncset.done $0x0  }
0xa4: {  	[sflag:s23] =	ssyncadd.s32 $0xFFFFFFFF  }
0xa5: {  	s4 =	sld [smem:$0x0]  }
0xa6: {  	s5 =	sand.u32 $0xFFFFFFFE, s1  }
0xa7: {  	p0 =	sne.s32 s1, s5  }
0xa8: {  	s5 =	sshll.u32 @p0 s5, $0xE  }
0xa9: {  	s5 =	sadd.s32 @p0 $0x11B8D, s5;
	s6 =	sshll.u32 @p0 s4, $0x11  }
0xaa: {  	s5 =	sor.u32 @p0 s6, s5  }
0xab: {  	[sflag:s5] =	ssyncadd.remote.s32 @p0 $0x1;
	_ =	sdelay $0x1  }
0xac: {  	s5 =	simm.s32 @p0 $0x1B8D  }
0xad: {  	_ =	swait.eq @p0 [sflag:s5], $0x1  }
0xae: {  	[sflag:s5] =	ssyncadd.s32 @p0 $0xFFFFFFFF  }
0xaf: {  	s6 =	sshll.u32 @!p0 s1, $0xE  }
0xb0: {  	s6 =	sor.u32 @!p0 $0x4000, s6;
	s5 =	simm.s32 @!p0 $0x1B8D  }
0xb1: {  	s4 =	sshll.u32 @!p0 s4, $0x11;
	s6 =	sadd.s32 @!p0 $0x11B8D, s6;
	_ =	swait.eq @!p0 [sflag:s5], $0x1  }
0xb2: {  	s4 =	sor.u32 @!p0 s4, s6;
	[sflag:s5] =	ssyncadd.s32 @!p0 $0xFFFFFFFF  }
0xb3: {  	s25 =	simm.s32 $0x1B8E;
	s24 =	sld [smem:$0x3FFE];
	[sflag:s4] =	ssyncadd.remote.s32 @!p0 $0x1  }
0xb4: {  	s26 =	simm.s32 $execute0_lowered;
	[smem:$0x3FD2] =	sst s25  }
0xb5: {  	s5 =	sshll.u32 s26, $0x1;
	_ =	strace $0x80000055;
	[dreg:$0x1] =	wrdreg $0xFFFFFFFF  }
0xb6: {  	s28 =	simm.s32 $_size_execute0_lowered;
	s3 =	sadd.s32 s3, s5;
	[dreg:$0x0] =	wrdreg $0x0  }
0xb7: {  	s5 =	sshll.u32 s28, $0x1;
	[dreg:$0x2] =	wrdreg s3  }
0xb8: {  	[dreg:$0x3] =	wrdreg s5  }
0xb9: {  	[dreg:$0x4] =	wrdreg $0xC0  }
0xba: {  	_ =	task [dreg:s22], $0x5FFFF  }
0xbb: {  	[dreg:$0x1] =	wrdreg $0xFFFFFFFF  }
0xbc: {  	[dreg:$0x0] =	wrdreg $0x60  }
0xbd: {  	[dreg:$0x2] =	wrdreg s24  }
0xbe: {  	[dreg:$0x3] =	wrdreg $0x10  }
0xbf: {  	_ =	task.clear_ibuf [dreg:s22], $0x4FFFF;
	_ =	strace $0x90000055  }
0xc0: {  	s29 =	simm.s32 $0x10;
	_ =	strace $0x80000057  }
0xc1: {  	_ =	swait.ge [sflag:s29], $0x1  }
0xc2: {  	[sflag:s29] =	ssyncadd.s32 $0xFFFFFFFF  }
0xc3: {  	_ =	strace $0x90000057  }
0xc4: {  	_ =	sfence  }
0xc5: {  	s30 =	sld [smem:$0x0];
	_ =	sdelay $0x2  }
0xc6: {  	s31 =	sshll.u32 s1, $0xD;
	s1 =	sshrl.u32 s1, $0x2  }
0xc7: {  	s4 =	sand.u32 $0x4000, s31;
	s1 =	sadd.s32 s1, s30  }
0xc8: {  	s0 =	sor.u32 s4, s0;
	s1 =	sshll.u32 s1, $0x11  }
0xc9: {  	s0 =	sor.u32 s1, s0  }
0xca: {  	s0 =	sadd.s32 $0x8F2B, s0  }
0xcb: {  	[sflag:s0] =	ssyncadd.remote.s32 $0x1  }
0xcc: {  	_ =	sfence.sel $0xFFFF  }
0xcd: {  	[dreg:$0x0] =	wrdreg $0xFFFFFFFF;
	(pc) =	sbr.abs _section_cstart, $3  }
0xce: {  	[dreg:$0x1] =	wrdreg $0xFFFFFFFF  }
0xcf: {  	_ =	task.clear_ibuf [dreg:s22], $0x2FFFF;
	_ =	strace $0x9FFFFFFF  }
0xd0: {  	(tm) =	ssettm $0x7FFFFFFF  }
0xd1: {  	_ =	shalt  }
tec
execute0_lowered:
.L_overlay_start_1:
0x0: {  	(tag) =	ssettag $0x1  }
0x1: {  	s5 =	rddreg [dreg:$0x0];
	s1 =	stileid.u32  }
0x2: {  	s0 =	rddreg [dreg:$0x1];
	s2 =	srdreg.scid;
	s3 =	sshll.u32 s1, $0x1  }
0x3: {  	s4 =	sshrl.u32 s1, $0x3;
	s6 =	sand.u32 $0x1, s2;
	s2 =	simm.s32 $0x0  }
0x4: {  	s3 =	sand.u32 $0xE, s3;
	s7 =	sshll.u32 s4, $0xB;
	[smem:$0x7FF] =	sst s2  }
0x5: {  	s9 =	smul.u32 $0x61A80, s4;
	s30 =	sshll.u32 s4, $0x10;
	s8 =	sor.u32 s6, s3  }
0x6: {  	s11 =	ssub.s32 $0x2, s6;
	s28 =	sadd.s32 s7, s5;
	s29 =	sshll.u32 s8, $0x7  }
0x7: {  	_ =	strace $0x80000056;
	s10 =	sadd.s32 s30, s5;
	s3 =	sadd.s32 s29, s28  }
0x8: {  	s6 =	simm.s32 $0x400;
	s4 =	sadd.s32 $0x1D200, s3;
	s3 =	simm.s32 $0x2  }
0x9: {  	[tilespmem:s2], [sflag:$0x2] =	stream.linear.gather [hbm4b:s4+s2], $0x400, $0x38;
	[tilespmem:$0x8400] =	vst v63  }
0xa: {  	s31 =	sshrl.u32 s11, $0x1;
	s9 =	sadd.s32 s9, s5;
	_ =	swait.ge [sflag:s3], $0x400  }
0xb: {  	s5 =	sadd.s32 $0x270400, s9;
	s9 =	ssub.s32 s11, s31;
	[sflag:s3] =	ssyncset.done $0x0  }
0xc: {  	s7 =	simm.s32 $0x1;
	s9 =	smax.u32 s9, $0x1;
	[sflag:s3] =	ssyncadd.s32 $0xFFFFFC00  }
0xd: {  	[tilespmem:s6], [sflag:$0x1] =	stream.indirect.gather [hbm4b:s5+s6], $0x20, s2, s6, $0xb8;
	[tilespmem:$0x8400] =	vst v63  }
0xe: {  	s8 =	sshll.u32 s8, $0xC;
	p0 =	sne.s32 s9, $0x1;
	_ =	swait.ge [sflag:s7], $0x8000  }
.Ltmp0:
0xf: {  	s8 =	sadd.s32 s8, s10;
	[sflag:s7] =	ssyncset.done $0x0;
	(pc) =	sbr.rel @!p0 .LBB2_2-.Ltmp0, $4  }
0x10: {  	s8 =	sadd.s32 $0x9F0000, s8;
	[sflag:s7] =	ssyncadd.s32 $0xFFFF8000  }
0x11: {  	[hbm4b:s8+s2] =	stream.linear.scatter [tilespmem:s6], [sflag:$0x2], $0x8000, $0x38;
	[tilespmem:$0x8400] =	vst v63  }
0x12: {  	_ =	swait.ge [sflag:s3], $0x8000  }
0x13: {  	s9 =	sadd.s32 $0xFFFFFFFF, s9;
	[sflag:s3] =	ssyncset.done $0x0  }
.LBB2_1:
0x14: {  	p0 =	sne.s32 s9, $0x1;
	s9 =	sadd.s32 $0xFFFFFFFF, s9;
	[sflag:s3] =	ssyncadd.s32 $0xFFFF8000  }
0x15: {  	[tilespmem:s2], [sflag:$0x2] =	stream.linear.gather [hbm4b:s4+s2], $0x400, $0x38;
	[tilespmem:$0x8400] =	vst v63  }
0x16: {  	_ =	swait.ge [sflag:s3], $0x400  }
0x17: {  	[sflag:s3] =	ssyncset.done $0x0  }
0x18: {  	[sflag:s3] =	ssyncadd.s32 $0xFFFFFC00  }
0x19: {  	[tilespmem:s6], [sflag:$0x1] =	stream.indirect.gather [hbm4b:s5+s6], $0x20, s2, s6, $0xb8;
	[tilespmem:$0x8400] =	vst v63  }
0x1a: {  	_ =	swait.ge [sflag:s7], $0x8000  }
.Ltmp1:
0x1b: {  	[sflag:s7] =	ssyncset.done $0x0;
	(pc) =	sbr.rel @p0 .LBB2_1-.Ltmp1, $4  }
0x1c: {  	[sflag:s7] =	ssyncadd.s32 $0xFFFF8000  }
0x1d: {  	[hbm4b:s8+s2] =	stream.linear.scatter [tilespmem:s6], [sflag:$0x2], $0x8000, $0x38;
	[tilespmem:$0x8400] =	vst v63  }
0x1e: {  	_ =	swait.ge [sflag:s3], $0x8000  }
0x1f: {  	[sflag:s3] =	ssyncset.done $0x0  }
.LBB2_2:
0x20: {  	[sflag:s3] =	ssyncadd.s32 $0xFFFF8000  }
0x21: {  	_ =	sfence.sel $0x180000  }
0x22: {  	[bflag:$0x0] =	sbarrier.arrive $0xFFFF  }
0x23: {  	p0 =	sne.s32 s1, $0x0;
	_ =	strace $0x90000056  }
0x24: {  	s0 =	sadd.s32 @!p0 $0x100000, s0;
	[bflag:$0x2] =	sbarrier.arrive $0xFFFF  }
0x25: {  	[sflag:s0] =	ssyncadd.tile.s32 @!p0 $0x1;
	_ =	shalt  }
.Lfunc_end2:
_tile_overlayer_lowered:
.L_overlay_start_2:
0x26: {  	(tag) =	ssettag $0x2  }
0x27: {  	s0 =	rddreg [dreg:$0x0];
	s2 =	stileid.u32  }
0x28: {  	s1 =	rddreg [dreg:$0x1];
	p0 =	sne.s32 s2, $0x0  }
0x29: {  	s3 =	rddreg [dreg:$0x2];
	[bflag:$0x3] =	sbarrier.arrive $0xFFFF;
	s2 =	simm.s32 @!p0 $0x1C02  }
0x2a: {  	[timem:s3], [sflag:s2] =	dma.local @!p0 [hbm:s0], s1  }
0x2b: {  	s0 =	simm.s32 @!p0 $0x2  }
0x2c: {  	_ =	swait.ge @!p0 [sflag:s0], s1  }
0x2d: {  	s1 =	ssub.s32 @!p0 $0x0, s1;
	[sflag:s0] =	ssyncset.done @!p0 $0x0  }
0x2e: {  	[sflag:s0] =	ssyncadd.s32 @!p0 s1  }
0x2f: {  	[bflag:$0x3] =	sbarrier.arrive $0xFFFF  }
0x30: {  	_ =	shalt  }

// kernel: kernel.39.cloned.1.call-start
scs
__scs_entry_jumppad:
0x0: {  	(pc) =	sbr.rel $0x88, $3  }
0x1: {  	(tag) =	ssettag $0x0;
	lr =	simm.s32 $0x1  }
0x2: {  	[smem:$0x3F9F] =	sst lr;
	_ =	strace $0xD0000000  }
0x3: {  	_ = 	snop  }
0x4: {  	_ = 	snop  }
0x5: {  	_ = 	snop  }
0x6: {  	_ = 	snop  }
0x7: {  	_ = 	snop  }
__scs_overlays_trampoline_lowered:
0x8: {  	[smem:$0x3FAE] =	sst s0  }
0x9: {  	[smem:$0x3FAF] =	sst s1  }
0xa: {  	[smem:$0x3FB0] =	sst s2  }
0xb: {  	[smem:$0x3FB1] =	sst s3  }
0xc: {  	[smem:$0x3FB2] =	sst s4  }
0xd: {  	[smem:$0x3FB3] =	sst s5  }
0xe: {  	[smem:$0x3FB4] =	sst s6  }
0xf: {  	[smem:$0x3FB5] =	sst s7  }
0x10: {  	[smem:$0x3FB6] =	sst s8  }
0x11: {  	[smem:$0x3FB7] =	sst s9;
	s0 =	simm.s32 @!p0 $0x0  }
0x12: {  	s1 =	sld [smem:$0x3F9D];
	s0 =	simm.s32 @p0 $0x1  }
0x13: {  	[smem:$0x3FB8] =	sst s0;
	s0 =	simm.s32 @!p1 $0x0  }
0x14: {  	s2 =	sld [smem:$0x3F9C];
	s0 =	simm.s32 @p1 $0x1  }
0x15: {  	[smem:$0x3FB9] =	sst s0;
	s0 =	simm.s32 @!p2 $0x0  }
0x16: {  	s3 =	sld [smem:$0x3FDB];
	s0 =	simm.s32 @p2 $0x1  }
0x17: {  	s4 =	simm.s32 $0x1BF5;
	[smem:$0x3FBB] =	sst s0  }
0x18: {  	s0 =	sld [smem:$0x3F9E];
	_ =	swait.ge [sflag:s4], $0x0  }
0x19: {  	s7 =	sld [smem:$0x3F9F]  }
0x1a: {  	s8 =	sadd.s32 $0xFFFFE003, lr  }
0x1b: {  	s9 =	sadd.s32 $0xFFFFFEF7, lr;
	s5 =	simm.s32 $0xFFFFFFFF;
	p2 =	slt.u32 s8, $0xFFFFF086  }
0x1c: {  	p1 =	slt.u32 s9, $0xF7A;
	s5 =	simm.s32 @!p2 $0x0  }
0x1d: {  	s5 =	simm.s32 @p1 $0x1;
	p0 =	seq.s32 s7, s2  }
0x1e: {  	s7 =	smul.u32 @!p0 $0xF7A, s2;
	p2 =	seq.s32 @!p0 s5, $0x0  }
0x1f: {  	s9 =	smul.u32 $0xF7A, s1;
	s8 =	simm.s32 @!p0 $0x1BF5;
	p2 =	por !p2, p0  }
0x20: {  	[sflag:s8] =	ssyncset.s32 @!p0 $0xFFFFF086;
	s6 =	sadd.s32 @!p0 s3, s7;
	s7 =	simm.s32 @!p0 $0x108  }
0x21: {  	s3 =	sadd.s32 s3, s9;
	s6 =	sadd.s32 @!p0 $0x88, s6;
	s7 =	simm.s32 @p2 $0x1082  }
0x22: {  	[simem:s7], [sflag:s8] =	dma.local @!p0 [hbm:s6], $0xF7A  }
0x23: {  	s9 =	sor.u32 $0xD0000000, s2;
	s6 =	simm.s32 $0x108;
	_ =	swait.ge @!p0 [sflag:s8], $0x0  }
0x24: {  	s3 =	sadd.s32 $0x88, s3;
	s6 =	simm.s32 @!p1 $0x1082;
	[sflag:s4] =	ssyncset.s32 $0xFFFFF086  }
0x25: {  	[simem:s6], [sflag:s4] =	dma.local [hbm:s3], $0xF7A  }
0x26: {  	[smem:$0x3F9F] =	sst s1;
	(tag) =	ssettag s2;
	_ =	strace s9  }
0x27: {  	s1 =	sld [smem:$0x3FAF]  }
0x28: {  	s2 =	sld [smem:$0x3FB0]  }
0x29: {  	s4 =	sld [smem:$0x3FB2]  }
0x2a: {  	p0 =	seq.s32 s5, $0x0;
	s5 =	sld [smem:$0x3FB3]  }
0x2b: {  	s6 =	sld [smem:$0x3FB4]  }
0x2c: {  	s7 =	sld [smem:$0x3FB5]  }
0x2d: {  	s3 =	simm.s32 $0x108;
	s8 =	sld [smem:$0x3FB6]  }
0x2e: {  	s3 =	simm.s32 @!p0 $0x1082;
	s9 =	sld [smem:$0x3FB7]  }
0x2f: {  	lr =	sadd.s32 s0, s3;
	s0 =	sld [smem:$0x3FAE]  }
0x30: {  	s3 =	sld [smem:$0x3FB1]  }
0x31: {  	[smem:$0x3FBA] =	sst s10  }
0x32: {  	s10 =	sld [smem:$0x3FB8];
	_ =	sdelay $0x3  }
0x33: {  	p0 =	seq.s32 s10, $0x1;
	s10 =	sld [smem:$0x3FBA];
	_ =	sdelay $0x3  }
0x34: {  	[smem:$0x3FBA] =	sst s10  }
0x35: {  	s10 =	sld [smem:$0x3FB9];
	_ =	sdelay $0x3  }
0x36: {  	p1 =	seq.s32 s10, $0x1;
	s10 =	sld [smem:$0x3FBA];
	_ =	sdelay $0x3  }
0x37: {  	[smem:$0x3FBA] =	sst s10  }
0x38: {  	s10 =	sld [smem:$0x3FBB]  }
0x39: {  	_ = 	snop;
	(pc) =	sbr.ind lr, $3  }
0x3a: {  	_ = 	snop  }
0x3b: {  	_ = 	snop  }
0x3c: {  	p2 =	seq.s32 s10, $0x1;
	s10 =	sld [smem:$0x3FBA]  }
0x3d: {  	_ =	shalt  }
0x3e: {  	_ =	shalt  }
0x3f: {  	_ =	shalt  }
0x40: {  	_ =	shalt  }
0x41: {  	_ =	shalt  }
0x42: {  	_ =	shalt  }
0x43: {  	_ =	shalt  }
0x44: {  	_ =	shalt  }
0x45: {  	_ =	shalt  }
0x46: {  	_ =	shalt  }
0x47: {  	_ =	shalt  }
0x48: {  	_ =	shalt  }
0x49: {  	_ =	shalt  }
0x4a: {  	_ =	shalt  }
0x4b: {  	_ =	shalt  }
0x4c: {  	_ =	shalt  }
0x4d: {  	_ =	shalt  }
0x4e: {  	_ =	shalt  }
0x4f: {  	_ =	shalt  }
0x50: {  	_ =	shalt  }
0x51: {  	_ =	shalt  }
0x52: {  	_ =	shalt  }
0x53: {  	_ =	shalt  }
0x54: {  	_ =	shalt  }
0x55: {  	_ =	shalt  }
0x56: {  	_ =	shalt  }
0x57: {  	_ =	shalt  }
0x58: {  	_ =	shalt  }
0x59: {  	_ =	shalt  }
0x5a: {  	_ =	shalt  }
0x5b: {  	_ =	shalt  }
0x5c: {  	_ =	shalt  }
0x5d: {  	_ =	shalt  }
0x5e: {  	_ =	shalt  }
0x5f: {  	_ =	shalt  }
0x60: {  	_ =	shalt  }
0x61: {  	_ =	shalt  }
0x62: {  	_ =	shalt  }
0x63: {  	_ =	shalt  }
0x64: {  	_ =	shalt  }
0x65: {  	_ =	shalt  }
0x66: {  	_ =	shalt  }
0x67: {  	_ =	shalt  }
0x68: {  	_ =	shalt  }
0x69: {  	_ =	shalt  }
0x6a: {  	_ =	shalt  }
0x6b: {  	_ =	shalt  }
0x6c: {  	_ =	shalt  }
0x6d: {  	_ =	shalt  }
0x6e: {  	_ =	shalt  }
0x6f: {  	_ =	shalt  }
0x70: {  	_ =	shalt  }
0x71: {  	_ =	shalt  }
0x72: {  	_ =	shalt  }
0x73: {  	_ =	shalt  }
0x74: {  	_ =	shalt  }
0x75: {  	_ =	shalt  }
0x76: {  	_ =	shalt  }
0x77: {  	_ =	shalt  }
0x78: {  	_ =	shalt  }
0x79: {  	_ =	shalt  }
0x7a: {  	_ =	shalt  }
0x7b: {  	_ =	shalt  }
0x7c: {  	_ =	shalt  }
0x7d: {  	_ =	shalt  }
0x7e: {  	_ =	shalt  }
0x7f: {  	_ =	shalt  }
0x80: {  	_ =	shalt  }
0x81: {  	_ =	shalt  }
0x82: {  	_ =	shalt  }
0x83: {  	_ =	shalt  }
0x84: {  	_ =	shalt  }
0x85: {  	_ =	shalt  }
0x86: {  	_ =	shalt  }
0x87: {  	_ =	shalt  }
.Lfunc_end0:
.L_simem_size_0:
called_computation.8_lowered:
.L_overlay_start_0:
0x88: {  	s2 =	sld [smem:$0x3FD9]  }
0x89: {  	s3 =	sld [smem:$0x3FFE];
	_ =	sdelay $0x1  }
0x8a: {  	s1 =	srdreg.scid  }
0x8b: {  	s0 =	sand.u32 $0x1, s1  }
0x8c: {  	s17 =	sshll.u32 s0, $0xA;
	s2 =	sadd.s32 s3, s2  }
0x8d: {  	s2 =	sadd.s32 s2, s17  }
0x8e: {  	[smem:$0x3FC6] =	sst s2  }
0x8f: {  	_ = 	snop  }
0x90: {  	(tm) =	ssettm $0x1  }
0x91: {  	s18 =	sld [smem:$0x3FFB];
	_ =	sdelay $0x3  }
0x92: {  	_ =	strace s18  }
0x93: {  	s2 =	sld [smem:$0x3FFC];
	_ =	sdelay $0x3  }
0x94: {  	_ =	strace s2  }
0x95: {  	s2 =	sld [smem:$0x3FFD];
	_ =	sdelay $0x3  }
0x96: {  	_ =	strace s2  }
0x97: {  	_ =	strace $0x8FFFFFFF  }
0x98: {  	s19 =	sld [smem:$0x3FDB];
	_ =	sdelay $0x1  }
0x99: {  	s20 =	simm.s32 $_scs_section_size  }
0x9a: {  	s4 =	simm.s32 $_size__tile_overlayer_lowered;
	s5 =	simm.s32 $_tile_overlayer_lowered  }
0x9b: {  	s6 =	simm.s32 $0x1BFF;
	s21 =	sshll.u32 s5, $0x1;
	s3 =	sadd.s32 s20, s19  }
0x9c: {  	s22 =	simm.s32 $0x0;
	s4 =	sshll.u32 s4, $0x1;
	s5 =	sadd.s32 s21, s3  }
0x9d: {  	[timem:s22], [sflag:s6] =	dma.local [hbm:s5], s4  }
0x9e: {  	_ =	swait.ge [sflag:s6], s4  }
0x9f: {  	s4 =	ssub.s32 $0x0, s4;
	[sflag:s6] =	ssyncset.done $0x0  }
0xa0: {  	[sflag:s6] =	ssyncadd.s32 s4;
	_ =	sdelay $0x1  }
0xa1: {  	s23 =	simm.s32 $0x1B8B  }
0xa2: {  	_ =	swait.ge [sflag:s23], $0x1  }
0xa3: {  	[sflag:s23] =	ssyncset.done $0x0  }
0xa4: {  	[sflag:s23] =	ssyncadd.s32 $0xFFFFFFFF  }
0xa5: {  	s4 =	sld [smem:$0x0]  }
0xa6: {  	s5 =	sand.u32 $0xFFFFFFFE, s1  }
0xa7: {  	p0 =	sne.s32 s1, s5  }
0xa8: {  	s5 =	sshll.u32 @p0 s5, $0xE  }
0xa9: {  	s5 =	sadd.s32 @p0 $0x11B8D, s5;
	s6 =	sshll.u32 @p0 s4, $0x11  }
0xaa: {  	s5 =	sor.u32 @p0 s6, s5  }
0xab: {  	[sflag:s5] =	ssyncadd.remote.s32 @p0 $0x1;
	_ =	sdelay $0x1  }
0xac: {  	s5 =	simm.s32 @p0 $0x1B8D  }
0xad: {  	_ =	swait.eq @p0 [sflag:s5], $0x1  }
0xae: {  	[sflag:s5] =	ssyncadd.s32 @p0 $0xFFFFFFFF  }
0xaf: {  	s6 =	sshll.u32 @!p0 s1, $0xE  }
0xb0: {  	s6 =	sor.u32 @!p0 $0x4000, s6;
	s5 =	simm.s32 @!p0 $0x1B8D  }
0xb1: {  	s4 =	sshll.u32 @!p0 s4, $0x11;
	s6 =	sadd.s32 @!p0 $0x11B8D, s6;
	_ =	swait.eq @!p0 [sflag:s5], $0x1  }
0xb2: {  	s4 =	sor.u32 @!p0 s4, s6;
	[sflag:s5] =	ssyncadd.s32 @!p0 $0xFFFFFFFF  }
0xb3: {  	s25 =	simm.s32 $0x1B8E;
	s24 =	sld [smem:$0x3FFE];
	[sflag:s4] =	ssyncadd.remote.s32 @!p0 $0x1  }
0xb4: {  	s26 =	simm.s32 $execute0_lowered;
	[smem:$0x3FD2] =	sst s25  }
0xb5: {  	s5 =	sshll.u32 s26, $0x1;
	_ =	strace $0x80000052;
	[dreg:$0x1] =	wrdreg $0xFFFFFFFF  }
0xb6: {  	s28 =	simm.s32 $_size_execute0_lowered;
	s3 =	sadd.s32 s3, s5;
	[dreg:$0x0] =	wrdreg $0x0  }
0xb7: {  	s5 =	sshll.u32 s28, $0x1;
	[dreg:$0x2] =	wrdreg s3  }
0xb8: {  	[dreg:$0x3] =	wrdreg s5  }
0xb9: {  	[dreg:$0x4] =	wrdreg $0xC0  }
0xba: {  	_ =	task [dreg:s22], $0x5FFFF  }
0xbb: {  	[dreg:$0x1] =	wrdreg $0xFFFFFFFF  }
0xbc: {  	[dreg:$0x0] =	wrdreg $0x60  }
0xbd: {  	[dreg:$0x2] =	wrdreg s24  }
0xbe: {  	[dreg:$0x3] =	wrdreg $0x11  }
0xbf: {  	_ =	task.clear_ibuf [dreg:s22], $0x4FFFF;
	_ =	strace $0x90000052  }
0xc0: {  	s29 =	simm.s32 $0x11;
	_ =	strace $0x80000054  }
0xc1: {  	_ =	swait.ge [sflag:s29], $0x1  }
0xc2: {  	[sflag:s29] =	ssyncadd.s32 $0xFFFFFFFF  }
0xc3: {  	_ =	strace $0x90000054  }
0xc4: {  	_ =	sfence  }
0xc5: {  	s30 =	sld [smem:$0x0];
	_ =	sdelay $0x2  }
0xc6: {  	s31 =	sshll.u32 s1, $0xD;
	s1 =	sshrl.u32 s1, $0x2  }
0xc7: {  	s4 =	sand.u32 $0x4000, s31;
	s1 =	sadd.s32 s1, s30  }
0xc8: {  	s0 =	sor.u32 s4, s0;
	s1 =	sshll.u32 s1, $0x11  }
0xc9: {  	s0 =	sor.u32 s1, s0  }
0xca: {  	s0 =	sadd.s32 $0x8F2B, s0  }
0xcb: {  	[sflag:s0] =	ssyncadd.remote.s32 $0x1  }
0xcc: {  	_ =	sfence.sel $0xFFFF  }
0xcd: {  	[dreg:$0x0] =	wrdreg $0xFFFFFFFF;
	(pc) =	sbr.abs _section_cstart, $3  }
0xce: {  	[dreg:$0x1] =	wrdreg $0xFFFFFFFF  }
0xcf: {  	_ =	task.clear_ibuf [dreg:s22], $0x2FFFF;
	_ =	strace $0x9FFFFFFF  }
0xd0: {  	(tm) =	ssettm $0x7FFFFFFF  }
0xd1: {  	_ =	shalt  }
tec
execute0_lowered:
.L_overlay_start_1:
0x0: {  	(tag) =	ssettag $0x1  }
0x1: {  	s5 =	rddreg [dreg:$0x0];
	s1 =	stileid.u32  }
0x2: {  	s0 =	rddreg [dreg:$0x1];
	s2 =	srdreg.scid;
	s3 =	sshll.u32 s1, $0x1  }
0x3: {  	s4 =	sshrl.u32 s1, $0x3;
	s6 =	sand.u32 $0x1, s2;
	s2 =	simm.s32 $0x0  }
0x4: {  	s3 =	sand.u32 $0xE, s3;
	s7 =	sshll.u32 s4, $0xB;
	[smem:$0x7FF] =	sst s2  }
0x5: {  	s9 =	smul.u32 $0x61A80, s4;
	s30 =	sshll.u32 s4, $0x10;
	s8 =	sor.u32 s6, s3  }
0x6: {  	s11 =	ssub.s32 $0x2, s6;
	s28 =	sadd.s32 s7, s5;
	s29 =	sshll.u32 s8, $0x7  }
0x7: {  	_ =	strace $0x80000053;
	s10 =	sadd.s32 s30, s5;
	s3 =	sadd.s32 s29, s28  }
0x8: {  	s6 =	simm.s32 $0x400;
	s4 =	sadd.s32 $0x1C200, s3;
	s3 =	simm.s32 $0x2  }
0x9: {  	[tilespmem:s2], [sflag:$0x2] =	stream.linear.gather [hbm4b:s4+s2], $0x400, $0x38;
	[tilespmem:$0x8400] =	vst v63  }
0xa: {  	s31 =	sshrl.u32 s11, $0x1;
	s9 =	sadd.s32 s9, s5;
	_ =	swait.ge [sflag:s3], $0x400  }
0xb: {  	s5 =	sadd.s32 $0x1ACE00, s9;
	s9 =	ssub.s32 s11, s31;
	[sflag:s3] =	ssyncset.done $0x0  }
0xc: {  	s7 =	simm.s32 $0x1;
	s9 =	smax.u32 s9, $0x1;
	[sflag:s3] =	ssyncadd.s32 $0xFFFFFC00  }
0xd: {  	[tilespmem:s6], [sflag:$0x1] =	stream.indirect.gather [hbm4b:s5+s6], $0x20, s2, s6, $0xb8;
	[tilespmem:$0x8400] =	vst v63  }
0xe: {  	s8 =	sshll.u32 s8, $0xC;
	p0 =	sne.s32 s9, $0x1;
	_ =	swait.ge [sflag:s7], $0x8000  }
.Ltmp0:
0xf: {  	s8 =	sadd.s32 s8, s10;
	[sflag:s7] =	ssyncset.done $0x0;
	(pc) =	sbr.rel @!p0 .LBB2_2-.Ltmp0, $4  }
0x10: {  	s8 =	sadd.s32 $0x9D0000, s8;
	[sflag:s7] =	ssyncadd.s32 $0xFFFF8000  }
0x11: {  	[hbm4b:s8+s2] =	stream.linear.scatter [tilespmem:s6], [sflag:$0x2], $0x8000, $0x38;
	[tilespmem:$0x8400] =	vst v63  }
0x12: {  	_ =	swait.ge [sflag:s3], $0x8000  }
0x13: {  	s9 =	sadd.s32 $0xFFFFFFFF, s9;
	[sflag:s3] =	ssyncset.done $0x0  }
.LBB2_1:
0x14: {  	p0 =	sne.s32 s9, $0x1;
	s9 =	sadd.s32 $0xFFFFFFFF, s9;
	[sflag:s3] =	ssyncadd.s32 $0xFFFF8000  }
0x15: {  	[tilespmem:s2], [sflag:$0x2] =	stream.linear.gather [hbm4b:s4+s2], $0x400, $0x38;
	[tilespmem:$0x8400] =	vst v63  }
0x16: {  	_ =	swait.ge [sflag:s3], $0x400  }
0x17: {  	[sflag:s3] =	ssyncset.done $0x0  }
0x18: {  	[sflag:s3] =	ssyncadd.s32 $0xFFFFFC00  }
0x19: {  	[tilespmem:s6], [sflag:$0x1] =	stream.indirect.gather [hbm4b:s5+s6], $0x20, s2, s6, $0xb8;
	[tilespmem:$0x8400] =	vst v63  }
0x1a: {  	_ =	swait.ge [sflag:s7], $0x8000  }
.Ltmp1:
0x1b: {  	[sflag:s7] =	ssyncset.done $0x0;
	(pc) =	sbr.rel @p0 .LBB2_1-.Ltmp1, $4  }
0x1c: {  	[sflag:s7] =	ssyncadd.s32 $0xFFFF8000  }
0x1d: {  	[hbm4b:s8+s2] =	stream.linear.scatter [tilespmem:s6], [sflag:$0x2], $0x8000, $0x38;
	[tilespmem:$0x8400] =	vst v63  }
0x1e: {  	_ =	swait.ge [sflag:s3], $0x8000  }
0x1f: {  	[sflag:s3] =	ssyncset.done $0x0  }
.LBB2_2:
0x20: {  	[sflag:s3] =	ssyncadd.s32 $0xFFFF8000  }
0x21: {  	_ =	sfence.sel $0x180000  }
0x22: {  	[bflag:$0x0] =	sbarrier.arrive $0xFFFF  }
0x23: {  	p0 =	sne.s32 s1, $0x0;
	_ =	strace $0x90000053  }
0x24: {  	s0 =	sadd.s32 @!p0 $0x100000, s0;
	[bflag:$0x2] =	sbarrier.arrive $0xFFFF  }
0x25: {  	[sflag:s0] =	ssyncadd.tile.s32 @!p0 $0x1;
	_ =	shalt  }
.Lfunc_end2:
_tile_overlayer_lowered:
.L_overlay_start_2:
0x26: {  	(tag) =	ssettag $0x2  }
0x27: {  	s0 =	rddreg [dreg:$0x0];
	s2 =	stileid.u32  }
0x28: {  	s1 =	rddreg [dreg:$0x1];
	p0 =	sne.s32 s2, $0x0  }
0x29: {  	s3 =	rddreg [dreg:$0x2];
	[bflag:$0x3] =	sbarrier.arrive $0xFFFF;
	s2 =	simm.s32 @!p0 $0x1C02  }
0x2a: {  	[timem:s3], [sflag:s2] =	dma.local @!p0 [hbm:s0], s1  }
0x2b: {  	s0 =	simm.s32 @!p0 $0x2  }
0x2c: {  	_ =	swait.ge @!p0 [sflag:s0], s1  }
0x2d: {  	s1 =	ssub.s32 @!p0 $0x0, s1;
	[sflag:s0] =	ssyncset.done @!p0 $0x0  }
0x2e: {  	[sflag:s0] =	ssyncadd.s32 @!p0 s1  }
0x2f: {  	[bflag:$0x3] =	sbarrier.arrive $0xFFFF  }
0x30: {  	_ =	shalt  }

// kernel: kernel.42.cloned.1.call-start
scs
__scs_entry_jumppad:
0x0: {  	(pc) =	sbr.rel $0x88, $3  }
0x1: {  	(tag) =	ssettag $0x0;
	lr =	simm.s32 $0x1  }
0x2: {  	[smem:$0x3F9F] =	sst lr;
	_ =	strace $0xD0000000  }
0x3: {  	_ = 	snop  }
0x4: {  	_ = 	snop  }
0x5: {  	_ = 	snop  }
0x6: {  	_ = 	snop  }
0x7: {  	_ = 	snop  }
__scs_overlays_trampoline_lowered:
0x8: {  	[smem:$0x3FAE] =	sst s0  }
0x9: {  	[smem:$0x3FAF] =	sst s1  }
0xa: {  	[smem:$0x3FB0] =	sst s2  }
0xb: {  	[smem:$0x3FB1] =	sst s3  }
0xc: {  	[smem:$0x3FB2] =	sst s4  }
0xd: {  	[smem:$0x3FB3] =	sst s5  }
0xe: {  	[smem:$0x3FB4] =	sst s6  }
0xf: {  	[smem:$0x3FB5] =	sst s7  }
0x10: {  	[smem:$0x3FB6] =	sst s8  }
0x11: {  	[smem:$0x3FB7] =	sst s9;
	s0 =	simm.s32 @!p0 $0x0  }
0x12: {  	s1 =	sld [smem:$0x3F9D];
	s0 =	simm.s32 @p0 $0x1  }
0x13: {  	[smem:$0x3FB8] =	sst s0;
	s0 =	simm.s32 @!p1 $0x0  }
0x14: {  	s2 =	sld [smem:$0x3F9C];
	s0 =	simm.s32 @p1 $0x1  }
0x15: {  	[smem:$0x3FB9] =	sst s0;
	s0 =	simm.s32 @!p2 $0x0  }
0x16: {  	s3 =	sld [smem:$0x3FDB];
	s0 =	simm.s32 @p2 $0x1  }
0x17: {  	s4 =	simm.s32 $0x1BF5;
	[smem:$0x3FBB] =	sst s0  }
0x18: {  	s0 =	sld [smem:$0x3F9E];
	_ =	swait.ge [sflag:s4], $0x0  }
0x19: {  	s7 =	sld [smem:$0x3F9F]  }
0x1a: {  	s8 =	sadd.s32 $0xFFFFE003, lr  }
0x1b: {  	s9 =	sadd.s32 $0xFFFFFEF7, lr;
	s5 =	simm.s32 $0xFFFFFFFF;
	p2 =	slt.u32 s8, $0xFFFFF086  }
0x1c: {  	p1 =	slt.u32 s9, $0xF7A;
	s5 =	simm.s32 @!p2 $0x0  }
0x1d: {  	s5 =	simm.s32 @p1 $0x1;
	p0 =	seq.s32 s7, s2  }
0x1e: {  	s7 =	smul.u32 @!p0 $0xF7A, s2;
	p2 =	seq.s32 @!p0 s5, $0x0  }
0x1f: {  	s9 =	smul.u32 $0xF7A, s1;
	s8 =	simm.s32 @!p0 $0x1BF5;
	p2 =	por !p2, p0  }
0x20: {  	[sflag:s8] =	ssyncset.s32 @!p0 $0xFFFFF086;
	s6 =	sadd.s32 @!p0 s3, s7;
	s7 =	simm.s32 @!p0 $0x108  }
0x21: {  	s3 =	sadd.s32 s3, s9;
	s6 =	sadd.s32 @!p0 $0x88, s6;
	s7 =	simm.s32 @p2 $0x1082  }
0x22: {  	[simem:s7], [sflag:s8] =	dma.local @!p0 [hbm:s6], $0xF7A  }
0x23: {  	s9 =	sor.u32 $0xD0000000, s2;
	s6 =	simm.s32 $0x108;
	_ =	swait.ge @!p0 [sflag:s8], $0x0  }
0x24: {  	s3 =	sadd.s32 $0x88, s3;
	s6 =	simm.s32 @!p1 $0x1082;
	[sflag:s4] =	ssyncset.s32 $0xFFFFF086  }
0x25: {  	[simem:s6], [sflag:s4] =	dma.local [hbm:s3], $0xF7A  }
0x26: {  	[smem:$0x3F9F] =	sst s1;
	(tag) =	ssettag s2;
	_ =	strace s9  }
0x27: {  	s1 =	sld [smem:$0x3FAF]  }
0x28: {  	s2 =	sld [smem:$0x3FB0]  }
0x29: {  	s4 =	sld [smem:$0x3FB2]  }
0x2a: {  	p0 =	seq.s32 s5, $0x0;
	s5 =	sld [smem:$0x3FB3]  }
0x2b: {  	s6 =	sld [smem:$0x3FB4]  }
0x2c: {  	s7 =	sld [smem:$0x3FB5]  }
0x2d: {  	s3 =	simm.s32 $0x108;
	s8 =	sld [smem:$0x3FB6]  }
0x2e: {  	s3 =	simm.s32 @!p0 $0x1082;
	s9 =	sld [smem:$0x3FB7]  }
0x2f: {  	lr =	sadd.s32 s0, s3;
	s0 =	sld [smem:$0x3FAE]  }
0x30: {  	s3 =	sld [smem:$0x3FB1]  }
0x31: {  	[smem:$0x3FBA] =	sst s10  }
0x32: {  	s10 =	sld [smem:$0x3FB8];
	_ =	sdelay $0x3  }
0x33: {  	p0 =	seq.s32 s10, $0x1;
	s10 =	sld [smem:$0x3FBA];
	_ =	sdelay $0x3  }
0x34: {  	[smem:$0x3FBA] =	sst s10  }
0x35: {  	s10 =	sld [smem:$0x3FB9];
	_ =	sdelay $0x3  }
0x36: {  	p1 =	seq.s32 s10, $0x1;
	s10 =	sld [smem:$0x3FBA];
	_ =	sdelay $0x3  }
0x37: {  	[smem:$0x3FBA] =	sst s10  }
0x38: {  	s10 =	sld [smem:$0x3FBB]  }
0x39: {  	_ = 	snop;
	(pc) =	sbr.ind lr, $3  }
0x3a: {  	_ = 	snop  }
0x3b: {  	_ = 	snop  }
0x3c: {  	p2 =	seq.s32 s10, $0x1;
	s10 =	sld [smem:$0x3FBA]  }
0x3d: {  	_ =	shalt  }
0x3e: {  	_ =	shalt  }
0x3f: {  	_ =	shalt  }
0x40: {  	_ =	shalt  }
0x41: {  	_ =	shalt  }
0x42: {  	_ =	shalt  }
0x43: {  	_ =	shalt  }
0x44: {  	_ =	shalt  }
0x45: {  	_ =	shalt  }
0x46: {  	_ =	shalt  }
0x47: {  	_ =	shalt  }
0x48: {  	_ =	shalt  }
0x49: {  	_ =	shalt  }
0x4a: {  	_ =	shalt  }
0x4b: {  	_ =	shalt  }
0x4c: {  	_ =	shalt  }
0x4d: {  	_ =	shalt  }
0x4e: {  	_ =	shalt  }
0x4f: {  	_ =	shalt  }
0x50: {  	_ =	shalt  }
0x51: {  	_ =	shalt  }
0x52: {  	_ =	shalt  }
0x53: {  	_ =	shalt  }
0x54: {  	_ =	shalt  }
0x55: {  	_ =	shalt  }
0x56: {  	_ =	shalt  }
0x57: {  	_ =	shalt  }
0x58: {  	_ =	shalt  }
0x59: {  	_ =	shalt  }
0x5a: {  	_ =	shalt  }
0x5b: {  	_ =	shalt  }
0x5c: {  	_ =	shalt  }
0x5d: {  	_ =	shalt  }
0x5e: {  	_ =	shalt  }
0x5f: {  	_ =	shalt  }
0x60: {  	_ =	shalt  }
0x61: {  	_ =	shalt  }
0x62: {  	_ =	shalt  }
0x63: {  	_ =	shalt  }
0x64: {  	_ =	shalt  }
0x65: {  	_ =	shalt  }
0x66: {  	_ =	shalt  }
0x67: {  	_ =	shalt  }
0x68: {  	_ =	shalt  }
0x69: {  	_ =	shalt  }
0x6a: {  	_ =	shalt  }
0x6b: {  	_ =	shalt  }
0x6c: {  	_ =	shalt  }
0x6d: {  	_ =	shalt  }
0x6e: {  	_ =	shalt  }
0x6f: {  	_ =	shalt  }
0x70: {  	_ =	shalt  }
0x71: {  	_ =	shalt  }
0x72: {  	_ =	shalt  }
0x73: {  	_ =	shalt  }
0x74: {  	_ =	shalt  }
0x75: {  	_ =	shalt  }
0x76: {  	_ =	shalt  }
0x77: {  	_ =	shalt  }
0x78: {  	_ =	shalt  }
0x79: {  	_ =	shalt  }
0x7a: {  	_ =	shalt  }
0x7b: {  	_ =	shalt  }
0x7c: {  	_ =	shalt  }
0x7d: {  	_ =	shalt  }
0x7e: {  	_ =	shalt  }
0x7f: {  	_ =	shalt  }
0x80: {  	_ =	shalt  }
0x81: {  	_ =	shalt  }
0x82: {  	_ =	shalt  }
0x83: {  	_ =	shalt  }
0x84: {  	_ =	shalt  }
0x85: {  	_ =	shalt  }
0x86: {  	_ =	shalt  }
0x87: {  	_ =	shalt  }
.Lfunc_end0:
.L_simem_size_0:
called_computation.9_lowered:
.L_overlay_start_0:
0x88: {  	s2 =	sld [smem:$0x3FD9]  }
0x89: {  	s3 =	sld [smem:$0x3FFE];
	_ =	sdelay $0x1  }
0x8a: {  	s1 =	srdreg.scid  }
0x8b: {  	s0 =	sand.u32 $0x1, s1  }
0x8c: {  	s17 =	sshll.u32 s0, $0xA;
	s2 =	sadd.s32 s3, s2  }
0x8d: {  	s2 =	sadd.s32 s2, s17  }
0x8e: {  	[smem:$0x3FC6] =	sst s2  }
0x8f: {  	_ = 	snop  }
0x90: {  	(tm) =	ssettm $0x1  }
0x91: {  	s18 =	sld [smem:$0x3FFB];
	_ =	sdelay $0x3  }
0x92: {  	_ =	strace s18  }
0x93: {  	s2 =	sld [smem:$0x3FFC];
	_ =	sdelay $0x3  }
0x94: {  	_ =	strace s2  }
0x95: {  	s2 =	sld [smem:$0x3FFD];
	_ =	sdelay $0x3  }
0x96: {  	_ =	strace s2  }
0x97: {  	_ =	strace $0x8FFFFFFF  }
0x98: {  	s19 =	sld [smem:$0x3FDB];
	_ =	sdelay $0x1  }
0x99: {  	s20 =	simm.s32 $_scs_section_size  }
0x9a: {  	s4 =	simm.s32 $_size__tile_overlayer_lowered;
	s5 =	simm.s32 $_tile_overlayer_lowered  }
0x9b: {  	s6 =	simm.s32 $0x1BFF;
	s21 =	sshll.u32 s5, $0x1;
	s3 =	sadd.s32 s20, s19  }
0x9c: {  	s22 =	simm.s32 $0x0;
	s4 =	sshll.u32 s4, $0x1;
	s5 =	sadd.s32 s21, s3  }
0x9d: {  	[timem:s22], [sflag:s6] =	dma.local [hbm:s5], s4  }
0x9e: {  	_ =	swait.ge [sflag:s6], s4  }
0x9f: {  	s4 =	ssub.s32 $0x0, s4;
	[sflag:s6] =	ssyncset.done $0x0  }
0xa0: {  	[sflag:s6] =	ssyncadd.s32 s4;
	_ =	sdelay $0x1  }
0xa1: {  	s23 =	simm.s32 $0x1B8B  }
0xa2: {  	_ =	swait.ge [sflag:s23], $0x1  }
0xa3: {  	[sflag:s23] =	ssyncset.done $0x0  }
0xa4: {  	[sflag:s23] =	ssyncadd.s32 $0xFFFFFFFF  }
0xa5: {  	s4 =	sld [smem:$0x0]  }
0xa6: {  	s5 =	sand.u32 $0xFFFFFFFE, s1  }
0xa7: {  	p0 =	sne.s32 s1, s5  }
0xa8: {  	s5 =	sshll.u32 @p0 s5, $0xE  }
0xa9: {  	s5 =	sadd.s32 @p0 $0x11B8D, s5;
	s6 =	sshll.u32 @p0 s4, $0x11  }
0xaa: {  	s5 =	sor.u32 @p0 s6, s5  }
0xab: {  	[sflag:s5] =	ssyncadd.remote.s32 @p0 $0x1;
	_ =	sdelay $0x1  }
0xac: {  	s5 =	simm.s32 @p0 $0x1B8D  }
0xad: {  	_ =	swait.eq @p0 [sflag:s5], $0x1  }
0xae: {  	[sflag:s5] =	ssyncadd.s32 @p0 $0xFFFFFFFF  }
0xaf: {  	s6 =	sshll.u32 @!p0 s1, $0xE  }
0xb0: {  	s6 =	sor.u32 @!p0 $0x4000, s6;
	s5 =	simm.s32 @!p0 $0x1B8D  }
0xb1: {  	s4 =	sshll.u32 @!p0 s4, $0x11;
	s6 =	sadd.s32 @!p0 $0x11B8D, s6;
	_ =	swait.eq @!p0 [sflag:s5], $0x1  }
0xb2: {  	s4 =	sor.u32 @!p0 s4, s6;
	[sflag:s5] =	ssyncadd.s32 @!p0 $0xFFFFFFFF  }
0xb3: {  	s25 =	simm.s32 $0x1B8E;
	s24 =	sld [smem:$0x3FFE];
	[sflag:s4] =	ssyncadd.remote.s32 @!p0 $0x1  }
0xb4: {  	s26 =	simm.s32 $execute0_lowered;
	[smem:$0x3FD2] =	sst s25  }
0xb5: {  	s5 =	sshll.u32 s26, $0x1;
	_ =	strace $0x8000004F;
	[dreg:$0x1] =	wrdreg $0xFFFFFFFF  }
0xb6: {  	s28 =	simm.s32 $_size_execute0_lowered;
	s3 =	sadd.s32 s3, s5;
	[dreg:$0x0] =	wrdreg $0x0  }
0xb7: {  	s5 =	sshll.u32 s28, $0x1;
	[dreg:$0x2] =	wrdreg s3  }
0xb8: {  	[dreg:$0x3] =	wrdreg s5  }
0xb9: {  	[dreg:$0x4] =	wrdreg $0xC0  }
0xba: {  	_ =	task [dreg:s22], $0x5FFFF  }
0xbb: {  	[dreg:$0x1] =	wrdreg $0xFFFFFFFF  }
0xbc: {  	[dreg:$0x0] =	wrdreg $0x60  }
0xbd: {  	[dreg:$0x2] =	wrdreg s24  }
0xbe: {  	[dreg:$0x3] =	wrdreg $0x12  }
0xbf: {  	_ =	task.clear_ibuf [dreg:s22], $0x4FFFF;
	_ =	strace $0x9000004F  }
0xc0: {  	s29 =	simm.s32 $0x12;
	_ =	strace $0x80000051  }
0xc1: {  	_ =	swait.ge [sflag:s29], $0x1  }
0xc2: {  	[sflag:s29] =	ssyncadd.s32 $0xFFFFFFFF  }
0xc3: {  	_ =	strace $0x90000051  }
0xc4: {  	_ =	sfence  }
0xc5: {  	s30 =	sld [smem:$0x0];
	_ =	sdelay $0x2  }
0xc6: {  	s31 =	sshll.u32 s1, $0xD;
	s1 =	sshrl.u32 s1, $0x2  }
0xc7: {  	s4 =	sand.u32 $0x4000, s31;
	s1 =	sadd.s32 s1, s30  }
0xc8: {  	s0 =	sor.u32 s4, s0;
	s1 =	sshll.u32 s1, $0x11  }
0xc9: {  	s0 =	sor.u32 s1, s0  }
0xca: {  	s0 =	sadd.s32 $0x8F2B, s0  }
0xcb: {  	[sflag:s0] =	ssyncadd.remote.s32 $0x1  }
0xcc: {  	_ =	sfence.sel $0xFFFF  }
0xcd: {  	[dreg:$0x0] =	wrdreg $0xFFFFFFFF;
	(pc) =	sbr.abs _section_cstart, $3  }
0xce: {  	[dreg:$0x1] =	wrdreg $0xFFFFFFFF  }
0xcf: {  	_ =	task.clear_ibuf [dreg:s22], $0x2FFFF;
	_ =	strace $0x9FFFFFFF  }
0xd0: {  	(tm) =	ssettm $0x7FFFFFFF  }
0xd1: {  	_ =	shalt  }
tec
execute0_lowered:
.L_overlay_start_1:
0x0: {  	(tag) =	ssettag $0x1  }
0x1: {  	s5 =	rddreg [dreg:$0x0];
	s1 =	stileid.u32  }
0x2: {  	s0 =	rddreg [dreg:$0x1];
	s2 =	srdreg.scid;
	s3 =	sshll.u32 s1, $0x1  }
0x3: {  	s4 =	sshrl.u32 s1, $0x3;
	s6 =	sand.u32 $0x1, s2;
	s2 =	simm.s32 $0x0  }
0x4: {  	s3 =	sand.u32 $0xE, s3;
	s7 =	sshll.u32 s4, $0xB;
	[smem:$0x7FF] =	sst s2  }
0x5: {  	s9 =	smul.u32 $0x61A80, s4;
	s30 =	sshll.u32 s4, $0x10;
	s8 =	sor.u32 s6, s3  }
0x6: {  	s11 =	ssub.s32 $0x2, s6;
	s28 =	sadd.s32 s7, s5;
	s29 =	sshll.u32 s8, $0x7  }
0x7: {  	_ =	strace $0x80000050;
	s10 =	sadd.s32 s30, s5;
	s3 =	sadd.s32 s29, s28  }
0x8: {  	s6 =	simm.s32 $0x400;
	s4 =	sadd.s32 $0x1B200, s3;
	s3 =	simm.s32 $0x2  }
0x9: {  	[tilespmem:s2], [sflag:$0x2] =	stream.linear.gather [hbm4b:s4+s2], $0x400, $0x38;
	[tilespmem:$0x8400] =	vst v63  }
0xa: {  	s31 =	sshrl.u32 s11, $0x1;
	s9 =	sadd.s32 s9, s5;
	_ =	swait.ge [sflag:s3], $0x400  }
0xb: {  	s5 =	sadd.s32 $0xE9800, s9;
	s9 =	ssub.s32 s11, s31;
	[sflag:s3] =	ssyncset.done $0x0  }
0xc: {  	s7 =	simm.s32 $0x1;
	s9 =	smax.u32 s9, $0x1;
	[sflag:s3] =	ssyncadd.s32 $0xFFFFFC00  }
0xd: {  	[tilespmem:s6], [sflag:$0x1] =	stream.indirect.gather [hbm4b:s5+s6], $0x20, s2, s6, $0xb8;
	[tilespmem:$0x8400] =	vst v63  }
0xe: {  	s8 =	sshll.u32 s8, $0xC;
	p0 =	sne.s32 s9, $0x1;
	_ =	swait.ge [sflag:s7], $0x8000  }
.Ltmp0:
0xf: {  	s8 =	sadd.s32 s8, s10;
	[sflag:s7] =	ssyncset.done $0x0;
	(pc) =	sbr.rel @!p0 .LBB2_2-.Ltmp0, $4  }
0x10: {  	s8 =	sadd.s32 $0x9B0000, s8;
	[sflag:s7] =	ssyncadd.s32 $0xFFFF8000  }
0x11: {  	[hbm4b:s8+s2] =	stream.linear.scatter [tilespmem:s6], [sflag:$0x2], $0x8000, $0x38;
	[tilespmem:$0x8400] =	vst v63  }
0x12: {  	_ =	swait.ge [sflag:s3], $0x8000  }
0x13: {  	s9 =	sadd.s32 $0xFFFFFFFF, s9;
	[sflag:s3] =	ssyncset.done $0x0  }
.LBB2_1:
0x14: {  	p0 =	sne.s32 s9, $0x1;
	s9 =	sadd.s32 $0xFFFFFFFF, s9;
	[sflag:s3] =	ssyncadd.s32 $0xFFFF8000  }
0x15: {  	[tilespmem:s2], [sflag:$0x2] =	stream.linear.gather [hbm4b:s4+s2], $0x400, $0x38;
	[tilespmem:$0x8400] =	vst v63  }
0x16: {  	_ =	swait.ge [sflag:s3], $0x400  }
0x17: {  	[sflag:s3] =	ssyncset.done $0x0  }
0x18: {  	[sflag:s3] =	ssyncadd.s32 $0xFFFFFC00  }
0x19: {  	[tilespmem:s6], [sflag:$0x1] =	stream.indirect.gather [hbm4b:s5+s6], $0x20, s2, s6, $0xb8;
	[tilespmem:$0x8400] =	vst v63  }
0x1a: {  	_ =	swait.ge [sflag:s7], $0x8000  }
.Ltmp1:
0x1b: {  	[sflag:s7] =	ssyncset.done $0x0;
	(pc) =	sbr.rel @p0 .LBB2_1-.Ltmp1, $4  }
0x1c: {  	[sflag:s7] =	ssyncadd.s32 $0xFFFF8000  }
0x1d: {  	[hbm4b:s8+s2] =	stream.linear.scatter [tilespmem:s6], [sflag:$0x2], $0x8000, $0x38;
	[tilespmem:$0x8400] =	vst v63  }
0x1e: {  	_ =	swait.ge [sflag:s3], $0x8000  }
0x1f: {  	[sflag:s3] =	ssyncset.done $0x0  }
.LBB2_2:
0x20: {  	[sflag:s3] =	ssyncadd.s32 $0xFFFF8000  }
0x21: {  	_ =	sfence.sel $0x180000  }
0x22: {  	[bflag:$0x0] =	sbarrier.arrive $0xFFFF  }
0x23: {  	p0 =	sne.s32 s1, $0x0;
	_ =	strace $0x90000050  }
0x24: {  	s0 =	sadd.s32 @!p0 $0x100000, s0;
	[bflag:$0x2] =	sbarrier.arrive $0xFFFF  }
0x25: {  	[sflag:s0] =	ssyncadd.tile.s32 @!p0 $0x1;
	_ =	shalt  }
.Lfunc_end2:
_tile_overlayer_lowered:
.L_overlay_start_2:
0x26: {  	(tag) =	ssettag $0x2  }
0x27: {  	s0 =	rddreg [dreg:$0x0];
	s2 =	stileid.u32  }
0x28: {  	s1 =	rddreg [dreg:$0x1];
	p0 =	sne.s32 s2, $0x0  }
0x29: {  	s3 =	rddreg [dreg:$0x2];
	[bflag:$0x3] =	sbarrier.arrive $0xFFFF;
	s2 =	simm.s32 @!p0 $0x1C02  }
0x2a: {  	[timem:s3], [sflag:s2] =	dma.local @!p0 [hbm:s0], s1  }
0x2b: {  	s0 =	simm.s32 @!p0 $0x2  }
0x2c: {  	_ =	swait.ge @!p0 [sflag:s0], s1  }
0x2d: {  	s1 =	ssub.s32 @!p0 $0x0, s1;
	[sflag:s0] =	ssyncset.done @!p0 $0x0  }
0x2e: {  	[sflag:s0] =	ssyncadd.s32 @!p0 s1  }
0x2f: {  	[bflag:$0x3] =	sbarrier.arrive $0xFFFF  }
0x30: {  	_ =	shalt  }

// kernel: kernel.45.cloned.1.call-start
scs
__scs_entry_jumppad:
0x0: {  	(pc) =	sbr.rel $0x88, $3  }
0x1: {  	(tag) =	ssettag $0x0;
	lr =	simm.s32 $0x1  }
0x2: {  	[smem:$0x3F9F] =	sst lr;
	_ =	strace $0xD0000000  }
0x3: {  	_ = 	snop  }
0x4: {  	_ = 	snop  }
0x5: {  	_ = 	snop  }
0x6: {  	_ = 	snop  }
0x7: {  	_ = 	snop  }
__scs_overlays_trampoline_lowered:
0x8: {  	[smem:$0x3FAE] =	sst s0  }
0x9: {  	[smem:$0x3FAF] =	sst s1  }
0xa: {  	[smem:$0x3FB0] =	sst s2  }
0xb: {  	[smem:$0x3FB1] =	sst s3  }
0xc: {  	[smem:$0x3FB2] =	sst s4  }
0xd: {  	[smem:$0x3FB3] =	sst s5  }
0xe: {  	[smem:$0x3FB4] =	sst s6  }
0xf: {  	[smem:$0x3FB5] =	sst s7  }
0x10: {  	[smem:$0x3FB6] =	sst s8  }
0x11: {  	[smem:$0x3FB7] =	sst s9;
	s0 =	simm.s32 @!p0 $0x0  }
0x12: {  	s1 =	sld [smem:$0x3F9D];
	s0 =	simm.s32 @p0 $0x1  }
0x13: {  	[smem:$0x3FB8] =	sst s0;
	s0 =	simm.s32 @!p1 $0x0  }
0x14: {  	s2 =	sld [smem:$0x3F9C];
	s0 =	simm.s32 @p1 $0x1  }
0x15: {  	[smem:$0x3FB9] =	sst s0;
	s0 =	simm.s32 @!p2 $0x0  }
0x16: {  	s3 =	sld [smem:$0x3FDB];
	s0 =	simm.s32 @p2 $0x1  }
0x17: {  	s4 =	simm.s32 $0x1BF5;
	[smem:$0x3FBB] =	sst s0  }
0x18: {  	s0 =	sld [smem:$0x3F9E];
	_ =	swait.ge [sflag:s4], $0x0  }
0x19: {  	s7 =	sld [smem:$0x3F9F]  }
0x1a: {  	s8 =	sadd.s32 $0xFFFFE003, lr  }
0x1b: {  	s9 =	sadd.s32 $0xFFFFFEF7, lr;
	s5 =	simm.s32 $0xFFFFFFFF;
	p2 =	slt.u32 s8, $0xFFFFF086  }
0x1c: {  	p1 =	slt.u32 s9, $0xF7A;
	s5 =	simm.s32 @!p2 $0x0  }
0x1d: {  	s5 =	simm.s32 @p1 $0x1;
	p0 =	seq.s32 s7, s2  }
0x1e: {  	s7 =	smul.u32 @!p0 $0xF7A, s2;
	p2 =	seq.s32 @!p0 s5, $0x0  }
0x1f: {  	s9 =	smul.u32 $0xF7A, s1;
	s8 =	simm.s32 @!p0 $0x1BF5;
	p2 =	por !p2, p0  }
0x20: {  	[sflag:s8] =	ssyncset.s32 @!p0 $0xFFFFF086;
	s6 =	sadd.s32 @!p0 s3, s7;
	s7 =	simm.s32 @!p0 $0x108  }
0x21: {  	s3 =	sadd.s32 s3, s9;
	s6 =	sadd.s32 @!p0 $0x88, s6;
	s7 =	simm.s32 @p2 $0x1082  }
0x22: {  	[simem:s7], [sflag:s8] =	dma.local @!p0 [hbm:s6], $0xF7A  }
0x23: {  	s9 =	sor.u32 $0xD0000000, s2;
	s6 =	simm.s32 $0x108;
	_ =	swait.ge @!p0 [sflag:s8], $0x0  }
0x24: {  	s3 =	sadd.s32 $0x88, s3;
	s6 =	simm.s32 @!p1 $0x1082;
	[sflag:s4] =	ssyncset.s32 $0xFFFFF086  }
0x25: {  	[simem:s6], [sflag:s4] =	dma.local [hbm:s3], $0xF7A  }
0x26: {  	[smem:$0x3F9F] =	sst s1;
	(tag) =	ssettag s2;
	_ =	strace s9  }
0x27: {  	s1 =	sld [smem:$0x3FAF]  }
0x28: {  	s2 =	sld [smem:$0x3FB0]  }
0x29: {  	s4 =	sld [smem:$0x3FB2]  }
0x2a: {  	p0 =	seq.s32 s5, $0x0;
	s5 =	sld [smem:$0x3FB3]  }
0x2b: {  	s6 =	sld [smem:$0x3FB4]  }
0x2c: {  	s7 =	sld [smem:$0x3FB5]  }
0x2d: {  	s3 =	simm.s32 $0x108;
	s8 =	sld [smem:$0x3FB6]  }
0x2e: {  	s3 =	simm.s32 @!p0 $0x1082;
	s9 =	sld [smem:$0x3FB7]  }
0x2f: {  	lr =	sadd.s32 s0, s3;
	s0 =	sld [smem:$0x3FAE]  }
0x30: {  	s3 =	sld [smem:$0x3FB1]  }
0x31: {  	[smem:$0x3FBA] =	sst s10  }
0x32: {  	s10 =	sld [smem:$0x3FB8];
	_ =	sdelay $0x3  }
0x33: {  	p0 =	seq.s32 s10, $0x1;
	s10 =	sld [smem:$0x3FBA];
	_ =	sdelay $0x3  }
0x34: {  	[smem:$0x3FBA] =	sst s10  }
0x35: {  	s10 =	sld [smem:$0x3FB9];
	_ =	sdelay $0x3  }
0x36: {  	p1 =	seq.s32 s10, $0x1;
	s10 =	sld [smem:$0x3FBA];
	_ =	sdelay $0x3  }
0x37: {  	[smem:$0x3FBA] =	sst s10  }
0x38: {  	s10 =	sld [smem:$0x3FBB]  }
0x39: {  	_ = 	snop;
	(pc) =	sbr.ind lr, $3  }
0x3a: {  	_ = 	snop  }
0x3b: {  	_ = 	snop  }
0x3c: {  	p2 =	seq.s32 s10, $0x1;
	s10 =	sld [smem:$0x3FBA]  }
0x3d: {  	_ =	shalt  }
0x3e: {  	_ =	shalt  }
0x3f: {  	_ =	shalt  }
0x40: {  	_ =	shalt  }
0x41: {  	_ =	shalt  }
0x42: {  	_ =	shalt  }
0x43: {  	_ =	shalt  }
0x44: {  	_ =	shalt  }
0x45: {  	_ =	shalt  }
0x46: {  	_ =	shalt  }
0x47: {  	_ =	shalt  }
0x48: {  	_ =	shalt  }
0x49: {  	_ =	shalt  }
0x4a: {  	_ =	shalt  }
0x4b: {  	_ =	shalt  }
0x4c: {  	_ =	shalt  }
0x4d: {  	_ =	shalt  }
0x4e: {  	_ =	shalt  }
0x4f: {  	_ =	shalt  }
0x50: {  	_ =	shalt  }
0x51: {  	_ =	shalt  }
0x52: {  	_ =	shalt  }
0x53: {  	_ =	shalt  }
0x54: {  	_ =	shalt  }
0x55: {  	_ =	shalt  }
0x56: {  	_ =	shalt  }
0x57: {  	_ =	shalt  }
0x58: {  	_ =	shalt  }
0x59: {  	_ =	shalt  }
0x5a: {  	_ =	shalt  }
0x5b: {  	_ =	shalt  }
0x5c: {  	_ =	shalt  }
0x5d: {  	_ =	shalt  }
0x5e: {  	_ =	shalt  }
0x5f: {  	_ =	shalt  }
0x60: {  	_ =	shalt  }
0x61: {  	_ =	shalt  }
0x62: {  	_ =	shalt  }
0x63: {  	_ =	shalt  }
0x64: {  	_ =	shalt  }
0x65: {  	_ =	shalt  }
0x66: {  	_ =	shalt  }
0x67: {  	_ =	shalt  }
0x68: {  	_ =	shalt  }
0x69: {  	_ =	shalt  }
0x6a: {  	_ =	shalt  }
0x6b: {  	_ =	shalt  }
0x6c: {  	_ =	shalt  }
0x6d: {  	_ =	shalt  }
0x6e: {  	_ =	shalt  }
0x6f: {  	_ =	shalt  }
0x70: {  	_ =	shalt  }
0x71: {  	_ =	shalt  }
0x72: {  	_ =	shalt  }
0x73: {  	_ =	shalt  }
0x74: {  	_ =	shalt  }
0x75: {  	_ =	shalt  }
0x76: {  	_ =	shalt  }
0x77: {  	_ =	shalt  }
0x78: {  	_ =	shalt  }
0x79: {  	_ =	shalt  }
0x7a: {  	_ =	shalt  }
0x7b: {  	_ =	shalt  }
0x7c: {  	_ =	shalt  }
0x7d: {  	_ =	shalt  }
0x7e: {  	_ =	shalt  }
0x7f: {  	_ =	shalt  }
0x80: {  	_ =	shalt  }
0x81: {  	_ =	shalt  }
0x82: {  	_ =	shalt  }
0x83: {  	_ =	shalt  }
0x84: {  	_ =	shalt  }
0x85: {  	_ =	shalt  }
0x86: {  	_ =	shalt  }
0x87: {  	_ =	shalt  }
.Lfunc_end0:
.L_simem_size_0:
called_computation.10_lowered:
.L_overlay_start_0:
0x88: {  	s2 =	sld [smem:$0x3FD9]  }
0x89: {  	s3 =	sld [smem:$0x3FFE];
	_ =	sdelay $0x1  }
0x8a: {  	s1 =	srdreg.scid  }
0x8b: {  	s0 =	sand.u32 $0x1, s1  }
0x8c: {  	s17 =	sshll.u32 s0, $0xA;
	s2 =	sadd.s32 s3, s2  }
0x8d: {  	s2 =	sadd.s32 s2, s17  }
0x8e: {  	[smem:$0x3FC6] =	sst s2  }
0x8f: {  	_ = 	snop  }
0x90: {  	(tm) =	ssettm $0x1  }
0x91: {  	s18 =	sld [smem:$0x3FFB];
	_ =	sdelay $0x3  }
0x92: {  	_ =	strace s18  }
0x93: {  	s2 =	sld [smem:$0x3FFC];
	_ =	sdelay $0x3  }
0x94: {  	_ =	strace s2  }
0x95: {  	s2 =	sld [smem:$0x3FFD];
	_ =	sdelay $0x3  }
0x96: {  	_ =	strace s2  }
0x97: {  	_ =	strace $0x8FFFFFFF  }
0x98: {  	s19 =	sld [smem:$0x3FDB];
	_ =	sdelay $0x1  }
0x99: {  	s20 =	simm.s32 $_scs_section_size  }
0x9a: {  	s4 =	simm.s32 $_size__tile_overlayer_lowered;
	s5 =	simm.s32 $_tile_overlayer_lowered  }
0x9b: {  	s6 =	simm.s32 $0x1BFF;
	s21 =	sshll.u32 s5, $0x1;
	s3 =	sadd.s32 s20, s19  }
0x9c: {  	s22 =	simm.s32 $0x0;
	s4 =	sshll.u32 s4, $0x1;
	s5 =	sadd.s32 s21, s3  }
0x9d: {  	[timem:s22], [sflag:s6] =	dma.local [hbm:s5], s4  }
0x9e: {  	_ =	swait.ge [sflag:s6], s4  }
0x9f: {  	s4 =	ssub.s32 $0x0, s4;
	[sflag:s6] =	ssyncset.done $0x0  }
0xa0: {  	[sflag:s6] =	ssyncadd.s32 s4;
	_ =	sdelay $0x1  }
0xa1: {  	s23 =	simm.s32 $0x1B8B  }
0xa2: {  	_ =	swait.ge [sflag:s23], $0x1  }
0xa3: {  	[sflag:s23] =	ssyncset.done $0x0  }
0xa4: {  	[sflag:s23] =	ssyncadd.s32 $0xFFFFFFFF  }
0xa5: {  	s4 =	sld [smem:$0x0]  }
0xa6: {  	s5 =	sand.u32 $0xFFFFFFFE, s1  }
0xa7: {  	p0 =	sne.s32 s1, s5  }
0xa8: {  	s5 =	sshll.u32 @p0 s5, $0xE  }
0xa9: {  	s5 =	sadd.s32 @p0 $0x11B8D, s5;
	s6 =	sshll.u32 @p0 s4, $0x11  }
0xaa: {  	s5 =	sor.u32 @p0 s6, s5  }
0xab: {  	[sflag:s5] =	ssyncadd.remote.s32 @p0 $0x1;
	_ =	sdelay $0x1  }
0xac: {  	s5 =	simm.s32 @p0 $0x1B8D  }
0xad: {  	_ =	swait.eq @p0 [sflag:s5], $0x1  }
0xae: {  	[sflag:s5] =	ssyncadd.s32 @p0 $0xFFFFFFFF  }
0xaf: {  	s6 =	sshll.u32 @!p0 s1, $0xE  }
0xb0: {  	s6 =	sor.u32 @!p0 $0x4000, s6;
	s5 =	simm.s32 @!p0 $0x1B8D  }
0xb1: {  	s4 =	sshll.u32 @!p0 s4, $0x11;
	s6 =	sadd.s32 @!p0 $0x11B8D, s6;
	_ =	swait.eq @!p0 [sflag:s5], $0x1  }
0xb2: {  	s4 =	sor.u32 @!p0 s4, s6;
	[sflag:s5] =	ssyncadd.s32 @!p0 $0xFFFFFFFF  }
0xb3: {  	s25 =	simm.s32 $0x1B8E;
	s24 =	sld [smem:$0x3FFE];
	[sflag:s4] =	ssyncadd.remote.s32 @!p0 $0x1  }
0xb4: {  	s26 =	simm.s32 $execute0_lowered;
	[smem:$0x3FD2] =	sst s25  }
0xb5: {  	s5 =	sshll.u32 s26, $0x1;
	_ =	strace $0x8000004C;
	[dreg:$0x1] =	wrdreg $0xFFFFFFFF  }
0xb6: {  	s28 =	simm.s32 $_size_execute0_lowered;
	s3 =	sadd.s32 s3, s5;
	[dreg:$0x0] =	wrdreg $0x0  }
0xb7: {  	s5 =	sshll.u32 s28, $0x1;
	[dreg:$0x2] =	wrdreg s3  }
0xb8: {  	[dreg:$0x3] =	wrdreg s5  }
0xb9: {  	[dreg:$0x4] =	wrdreg $0xC0  }
0xba: {  	_ =	task [dreg:s22], $0x5FFFF  }
0xbb: {  	[dreg:$0x1] =	wrdreg $0xFFFFFFFF  }
0xbc: {  	[dreg:$0x0] =	wrdreg $0x60  }
0xbd: {  	[dreg:$0x2] =	wrdreg s24  }
0xbe: {  	[dreg:$0x3] =	wrdreg $0x13  }
0xbf: {  	_ =	task.clear_ibuf [dreg:s22], $0x4FFFF;
	_ =	strace $0x9000004C  }
0xc0: {  	s29 =	simm.s32 $0x13;
	_ =	strace $0x8000004E  }
0xc1: {  	_ =	swait.ge [sflag:s29], $0x1  }
0xc2: {  	[sflag:s29] =	ssyncadd.s32 $0xFFFFFFFF  }
0xc3: {  	_ =	strace $0x9000004E  }
0xc4: {  	_ =	sfence  }
0xc5: {  	s30 =	sld [smem:$0x0];
	_ =	sdelay $0x2  }
0xc6: {  	s31 =	sshll.u32 s1, $0xD;
	s1 =	sshrl.u32 s1, $0x2  }
0xc7: {  	s4 =	sand.u32 $0x4000, s31;
	s1 =	sadd.s32 s1, s30  }
0xc8: {  	s0 =	sor.u32 s4, s0;
	s1 =	sshll.u32 s1, $0x11  }
0xc9: {  	s0 =	sor.u32 s1, s0  }
0xca: {  	s0 =	sadd.s32 $0x8F2B, s0  }
0xcb: {  	[sflag:s0] =	ssyncadd.remote.s32 $0x1  }
0xcc: {  	_ =	sfence.sel $0xFFFF  }
0xcd: {  	[dreg:$0x0] =	wrdreg $0xFFFFFFFF;
	(pc) =	sbr.abs _section_cstart, $3  }
0xce: {  	[dreg:$0x1] =	wrdreg $0xFFFFFFFF  }
0xcf: {  	_ =	task.clear_ibuf [dreg:s22], $0x2FFFF;
	_ =	strace $0x9FFFFFFF  }
0xd0: {  	(tm) =	ssettm $0x7FFFFFFF  }
0xd1: {  	_ =	shalt  }
tec
execute0_lowered:
.L_overlay_start_1:
0x0: {  	(tag) =	ssettag $0x1  }
0x1: {  	s5 =	rddreg [dreg:$0x0];
	s1 =	stileid.u32  }
0x2: {  	s0 =	rddreg [dreg:$0x1];
	s2 =	srdreg.scid;
	s3 =	sshll.u32 s1, $0x1  }
0x3: {  	s4 =	sshrl.u32 s1, $0x3;
	s6 =	sand.u32 $0x1, s2;
	s2 =	simm.s32 $0x0  }
0x4: {  	s3 =	sand.u32 $0xE, s3;
	s7 =	sshll.u32 s4, $0xB;
	[smem:$0x7FF] =	sst s2  }
0x5: {  	s9 =	smul.u32 $0x61A80, s4;
	s30 =	sshll.u32 s4, $0x10;
	s8 =	sor.u32 s6, s3  }
0x6: {  	s11 =	ssub.s32 $0x2, s6;
	s28 =	sadd.s32 s7, s5;
	s29 =	sshll.u32 s8, $0x7  }
0x7: {  	_ =	strace $0x8000004D;
	s10 =	sadd.s32 s30, s5;
	s3 =	sadd.s32 s29, s28  }
0x8: {  	s6 =	simm.s32 $0x400;
	s4 =	sadd.s32 $0x1A200, s3;
	s3 =	simm.s32 $0x2  }
0x9: {  	[tilespmem:s2], [sflag:$0x2] =	stream.linear.gather [hbm4b:s4+s2], $0x400, $0x38;
	[tilespmem:$0x8400] =	vst v63  }
0xa: {  	s31 =	sshrl.u32 s11, $0x1;
	s9 =	sadd.s32 s9, s5;
	_ =	swait.ge [sflag:s3], $0x400  }
0xb: {  	s5 =	sadd.s32 $0x26200, s9;
	s9 =	ssub.s32 s11, s31;
	[sflag:s3] =	ssyncset.done $0x0  }
0xc: {  	s7 =	simm.s32 $0x1;
	s9 =	smax.u32 s9, $0x1;
	[sflag:s3] =	ssyncadd.s32 $0xFFFFFC00  }
0xd: {  	[tilespmem:s6], [sflag:$0x1] =	stream.indirect.gather [hbm4b:s5+s6], $0x20, s2, s6, $0xb8;
	[tilespmem:$0x8400] =	vst v63  }
0xe: {  	s8 =	sshll.u32 s8, $0xC;
	p0 =	sne.s32 s9, $0x1;
	_ =	swait.ge [sflag:s7], $0x8000  }
.Ltmp0:
0xf: {  	s8 =	sadd.s32 s8, s10;
	[sflag:s7] =	ssyncset.done $0x0;
	(pc) =	sbr.rel @!p0 .LBB2_2-.Ltmp0, $4  }
0x10: {  	s8 =	sadd.s32 $0x990000, s8;
	[sflag:s7] =	ssyncadd.s32 $0xFFFF8000  }
0x11: {  	[hbm4b:s8+s2] =	stream.linear.scatter [tilespmem:s6], [sflag:$0x2], $0x8000, $0x38;
	[tilespmem:$0x8400] =	vst v63  }
0x12: {  	_ =	swait.ge [sflag:s3], $0x8000  }
0x13: {  	s9 =	sadd.s32 $0xFFFFFFFF, s9;
	[sflag:s3] =	ssyncset.done $0x0  }
.LBB2_1:
0x14: {  	p0 =	sne.s32 s9, $0x1;
	s9 =	sadd.s32 $0xFFFFFFFF, s9;
	[sflag:s3] =	ssyncadd.s32 $0xFFFF8000  }
0x15: {  	[tilespmem:s2], [sflag:$0x2] =	stream.linear.gather [hbm4b:s4+s2], $0x400, $0x38;
	[tilespmem:$0x8400] =	vst v63  }
0x16: {  	_ =	swait.ge [sflag:s3], $0x400  }
0x17: {  	[sflag:s3] =	ssyncset.done $0x0  }
0x18: {  	[sflag:s3] =	ssyncadd.s32 $0xFFFFFC00  }
0x19: {  	[tilespmem:s6], [sflag:$0x1] =	stream.indirect.gather [hbm4b:s5+s6], $0x20, s2, s6, $0xb8;
	[tilespmem:$0x8400] =	vst v63  }
0x1a: {  	_ =	swait.ge [sflag:s7], $0x8000  }
.Ltmp1:
0x1b: {  	[sflag:s7] =	ssyncset.done $0x0;
	(pc) =	sbr.rel @p0 .LBB2_1-.Ltmp1, $4  }
0x1c: {  	[sflag:s7] =	ssyncadd.s32 $0xFFFF8000  }
0x1d: {  	[hbm4b:s8+s2] =	stream.linear.scatter [tilespmem:s6], [sflag:$0x2], $0x8000, $0x38;
	[tilespmem:$0x8400] =	vst v63  }
0x1e: {  	_ =	swait.ge [sflag:s3], $0x8000  }
0x1f: {  	[sflag:s3] =	ssyncset.done $0x0  }
.LBB2_2:
0x20: {  	[sflag:s3] =	ssyncadd.s32 $0xFFFF8000  }
0x21: {  	_ =	sfence.sel $0x180000  }
0x22: {  	[bflag:$0x0] =	sbarrier.arrive $0xFFFF  }
0x23: {  	p0 =	sne.s32 s1, $0x0;
	_ =	strace $0x9000004D  }
0x24: {  	s0 =	sadd.s32 @!p0 $0x100000, s0;
	[bflag:$0x2] =	sbarrier.arrive $0xFFFF  }
0x25: {  	[sflag:s0] =	ssyncadd.tile.s32 @!p0 $0x1;
	_ =	shalt  }
.Lfunc_end2:
_tile_overlayer_lowered:
.L_overlay_start_2:
0x26: {  	(tag) =	ssettag $0x2  }
0x27: {  	s0 =	rddreg [dreg:$0x0];
	s2 =	stileid.u32  }
0x28: {  	s1 =	rddreg [dreg:$0x1];
	p0 =	sne.s32 s2, $0x0  }
0x29: {  	s3 =	rddreg [dreg:$0x2];
	[bflag:$0x3] =	sbarrier.arrive $0xFFFF;
	s2 =	simm.s32 @!p0 $0x1C02  }
0x2a: {  	[timem:s3], [sflag:s2] =	dma.local @!p0 [hbm:s0], s1  }
0x2b: {  	s0 =	simm.s32 @!p0 $0x2  }
0x2c: {  	_ =	swait.ge @!p0 [sflag:s0], s1  }
0x2d: {  	s1 =	ssub.s32 @!p0 $0x0, s1;
	[sflag:s0] =	ssyncset.done @!p0 $0x0  }
0x2e: {  	[sflag:s0] =	ssyncadd.s32 @!p0 s1  }
0x2f: {  	[bflag:$0x3] =	sbarrier.arrive $0xFFFF  }
0x30: {  	_ =	shalt  }

// kernel: kernel.48.cloned.1.call-start
scs
__scs_entry_jumppad:
0x0: {  	(pc) =	sbr.rel $0x88, $3  }
0x1: {  	(tag) =	ssettag $0x0;
	lr =	simm.s32 $0x1  }
0x2: {  	[smem:$0x3F9F] =	sst lr;
	_ =	strace $0xD0000000  }
0x3: {  	_ = 	snop  }
0x4: {  	_ = 	snop  }
0x5: {  	_ = 	snop  }
0x6: {  	_ = 	snop  }
0x7: {  	_ = 	snop  }
__scs_overlays_trampoline_lowered:
0x8: {  	[smem:$0x3FAE] =	sst s0  }
0x9: {  	[smem:$0x3FAF] =	sst s1  }
0xa: {  	[smem:$0x3FB0] =	sst s2  }
0xb: {  	[smem:$0x3FB1] =	sst s3  }
0xc: {  	[smem:$0x3FB2] =	sst s4  }
0xd: {  	[smem:$0x3FB3] =	sst s5  }
0xe: {  	[smem:$0x3FB4] =	sst s6  }
0xf: {  	[smem:$0x3FB5] =	sst s7  }
0x10: {  	[smem:$0x3FB6] =	sst s8  }
0x11: {  	[smem:$0x3FB7] =	sst s9;
	s0 =	simm.s32 @!p0 $0x0  }
0x12: {  	s1 =	sld [smem:$0x3F9D];
	s0 =	simm.s32 @p0 $0x1  }
0x13: {  	[smem:$0x3FB8] =	sst s0;
	s0 =	simm.s32 @!p1 $0x0  }
0x14: {  	s2 =	sld [smem:$0x3F9C];
	s0 =	simm.s32 @p1 $0x1  }
0x15: {  	[smem:$0x3FB9] =	sst s0;
	s0 =	simm.s32 @!p2 $0x0  }
0x16: {  	s3 =	sld [smem:$0x3FDB];
	s0 =	simm.s32 @p2 $0x1  }
0x17: {  	s4 =	simm.s32 $0x1BF5;
	[smem:$0x3FBB] =	sst s0  }
0x18: {  	s0 =	sld [smem:$0x3F9E];
	_ =	swait.ge [sflag:s4], $0x0  }
0x19: {  	s7 =	sld [smem:$0x3F9F]  }
0x1a: {  	s8 =	sadd.s32 $0xFFFFE003, lr  }
0x1b: {  	s9 =	sadd.s32 $0xFFFFFEF7, lr;
	s5 =	simm.s32 $0xFFFFFFFF;
	p2 =	slt.u32 s8, $0xFFFFF086  }
0x1c: {  	p1 =	slt.u32 s9, $0xF7A;
	s5 =	simm.s32 @!p2 $0x0  }
0x1d: {  	s5 =	simm.s32 @p1 $0x1;
	p0 =	seq.s32 s7, s2  }
0x1e: {  	s7 =	smul.u32 @!p0 $0xF7A, s2;
	p2 =	seq.s32 @!p0 s5, $0x0  }
0x1f: {  	s9 =	smul.u32 $0xF7A, s1;
	s8 =	simm.s32 @!p0 $0x1BF5;
	p2 =	por !p2, p0  }
0x20: {  	[sflag:s8] =	ssyncset.s32 @!p0 $0xFFFFF086;
	s6 =	sadd.s32 @!p0 s3, s7;
	s7 =	simm.s32 @!p0 $0x108  }
0x21: {  	s3 =	sadd.s32 s3, s9;
	s6 =	sadd.s32 @!p0 $0x88, s6;
	s7 =	simm.s32 @p2 $0x1082  }
0x22: {  	[simem:s7], [sflag:s8] =	dma.local @!p0 [hbm:s6], $0xF7A  }
0x23: {  	s9 =	sor.u32 $0xD0000000, s2;
	s6 =	simm.s32 $0x108;
	_ =	swait.ge @!p0 [sflag:s8], $0x0  }
0x24: {  	s3 =	sadd.s32 $0x88, s3;
	s6 =	simm.s32 @!p1 $0x1082;
	[sflag:s4] =	ssyncset.s32 $0xFFFFF086  }
0x25: {  	[simem:s6], [sflag:s4] =	dma.local [hbm:s3], $0xF7A  }
0x26: {  	[smem:$0x3F9F] =	sst s1;
	(tag) =	ssettag s2;
	_ =	strace s9  }
0x27: {  	s1 =	sld [smem:$0x3FAF]  }
0x28: {  	s2 =	sld [smem:$0x3FB0]  }
0x29: {  	s4 =	sld [smem:$0x3FB2]  }
0x2a: {  	p0 =	seq.s32 s5, $0x0;
	s5 =	sld [smem:$0x3FB3]  }
0x2b: {  	s6 =	sld [smem:$0x3FB4]  }
0x2c: {  	s7 =	sld [smem:$0x3FB5]  }
0x2d: {  	s3 =	simm.s32 $0x108;
	s8 =	sld [smem:$0x3FB6]  }
0x2e: {  	s3 =	simm.s32 @!p0 $0x1082;
	s9 =	sld [smem:$0x3FB7]  }
0x2f: {  	lr =	sadd.s32 s0, s3;
	s0 =	sld [smem:$0x3FAE]  }
0x30: {  	s3 =	sld [smem:$0x3FB1]  }
0x31: {  	[smem:$0x3FBA] =	sst s10  }
0x32: {  	s10 =	sld [smem:$0x3FB8];
	_ =	sdelay $0x3  }
0x33: {  	p0 =	seq.s32 s10, $0x1;
	s10 =	sld [smem:$0x3FBA];
	_ =	sdelay $0x3  }
0x34: {  	[smem:$0x3FBA] =	sst s10  }
0x35: {  	s10 =	sld [smem:$0x3FB9];
	_ =	sdelay $0x3  }
0x36: {  	p1 =	seq.s32 s10, $0x1;
	s10 =	sld [smem:$0x3FBA];
	_ =	sdelay $0x3  }
0x37: {  	[smem:$0x3FBA] =	sst s10  }
0x38: {  	s10 =	sld [smem:$0x3FBB]  }
0x39: {  	_ = 	snop;
	(pc) =	sbr.ind lr, $3  }
0x3a: {  	_ = 	snop  }
0x3b: {  	_ = 	snop  }
0x3c: {  	p2 =	seq.s32 s10, $0x1;
	s10 =	sld [smem:$0x3FBA]  }
0x3d: {  	_ =	shalt  }
0x3e: {  	_ =	shalt  }
0x3f: {  	_ =	shalt  }
0x40: {  	_ =	shalt  }
0x41: {  	_ =	shalt  }
0x42: {  	_ =	shalt  }
0x43: {  	_ =	shalt  }
0x44: {  	_ =	shalt  }
0x45: {  	_ =	shalt  }
0x46: {  	_ =	shalt  }
0x47: {  	_ =	shalt  }
0x48: {  	_ =	shalt  }
0x49: {  	_ =	shalt  }
0x4a: {  	_ =	shalt  }
0x4b: {  	_ =	shalt  }
0x4c: {  	_ =	shalt  }
0x4d: {  	_ =	shalt  }
0x4e: {  	_ =	shalt  }
0x4f: {  	_ =	shalt  }
0x50: {  	_ =	shalt  }
0x51: {  	_ =	shalt  }
0x52: {  	_ =	shalt  }
0x53: {  	_ =	shalt  }
0x54: {  	_ =	shalt  }
0x55: {  	_ =	shalt  }
0x56: {  	_ =	shalt  }
0x57: {  	_ =	shalt  }
0x58: {  	_ =	shalt  }
0x59: {  	_ =	shalt  }
0x5a: {  	_ =	shalt  }
0x5b: {  	_ =	shalt  }
0x5c: {  	_ =	shalt  }
0x5d: {  	_ =	shalt  }
0x5e: {  	_ =	shalt  }
0x5f: {  	_ =	shalt  }
0x60: {  	_ =	shalt  }
0x61: {  	_ =	shalt  }
0x62: {  	_ =	shalt  }
0x63: {  	_ =	shalt  }
0x64: {  	_ =	shalt  }
0x65: {  	_ =	shalt  }
0x66: {  	_ =	shalt  }
0x67: {  	_ =	shalt  }
0x68: {  	_ =	shalt  }
0x69: {  	_ =	shalt  }
0x6a: {  	_ =	shalt  }
0x6b: {  	_ =	shalt  }
0x6c: {  	_ =	shalt  }
0x6d: {  	_ =	shalt  }
0x6e: {  	_ =	shalt  }
0x6f: {  	_ =	shalt  }
0x70: {  	_ =	shalt  }
0x71: {  	_ =	shalt  }
0x72: {  	_ =	shalt  }
0x73: {  	_ =	shalt  }
0x74: {  	_ =	shalt  }
0x75: {  	_ =	shalt  }
0x76: {  	_ =	shalt  }
0x77: {  	_ =	shalt  }
0x78: {  	_ =	shalt  }
0x79: {  	_ =	shalt  }
0x7a: {  	_ =	shalt  }
0x7b: {  	_ =	shalt  }
0x7c: {  	_ =	shalt  }
0x7d: {  	_ =	shalt  }
0x7e: {  	_ =	shalt  }
0x7f: {  	_ =	shalt  }
0x80: {  	_ =	shalt  }
0x81: {  	_ =	shalt  }
0x82: {  	_ =	shalt  }
0x83: {  	_ =	shalt  }
0x84: {  	_ =	shalt  }
0x85: {  	_ =	shalt  }
0x86: {  	_ =	shalt  }
0x87: {  	_ =	shalt  }
.Lfunc_end0:
.L_simem_size_0:
called_computation.11_lowered:
.L_overlay_start_0:
0x88: {  	s2 =	sld [smem:$0x3FD9]  }
0x89: {  	s3 =	sld [smem:$0x3FFE];
	_ =	sdelay $0x1  }
0x8a: {  	s1 =	srdreg.scid  }
0x8b: {  	s0 =	sand.u32 $0x1, s1  }
0x8c: {  	s17 =	sshll.u32 s0, $0xA;
	s2 =	sadd.s32 s3, s2  }
0x8d: {  	s2 =	sadd.s32 s2, s17  }
0x8e: {  	[smem:$0x3FC6] =	sst s2  }
0x8f: {  	_ = 	snop  }
0x90: {  	(tm) =	ssettm $0x1  }
0x91: {  	s18 =	sld [smem:$0x3FFB];
	_ =	sdelay $0x3  }
0x92: {  	_ =	strace s18  }
0x93: {  	s2 =	sld [smem:$0x3FFC];
	_ =	sdelay $0x3  }
0x94: {  	_ =	strace s2  }
0x95: {  	s2 =	sld [smem:$0x3FFD];
	_ =	sdelay $0x3  }
0x96: {  	_ =	strace s2  }
0x97: {  	_ =	strace $0x8FFFFFFF  }
0x98: {  	s19 =	sld [smem:$0x3FDB];
	_ =	sdelay $0x1  }
0x99: {  	s20 =	simm.s32 $_scs_section_size  }
0x9a: {  	s4 =	simm.s32 $_size__tile_overlayer_lowered;
	s5 =	simm.s32 $_tile_overlayer_lowered  }
0x9b: {  	s6 =	simm.s32 $0x1BFF;
	s21 =	sshll.u32 s5, $0x1;
	s3 =	sadd.s32 s20, s19  }
0x9c: {  	s22 =	simm.s32 $0x0;
	s4 =	sshll.u32 s4, $0x1;
	s5 =	sadd.s32 s21, s3  }
0x9d: {  	[timem:s22], [sflag:s6] =	dma.local [hbm:s5], s4  }
0x9e: {  	_ =	swait.ge [sflag:s6], s4  }
0x9f: {  	s4 =	ssub.s32 $0x0, s4;
	[sflag:s6] =	ssyncset.done $0x0  }
0xa0: {  	[sflag:s6] =	ssyncadd.s32 s4;
	_ =	sdelay $0x1  }
0xa1: {  	s23 =	simm.s32 $0x1B8B  }
0xa2: {  	_ =	swait.ge [sflag:s23], $0x1  }
0xa3: {  	[sflag:s23] =	ssyncset.done $0x0  }
0xa4: {  	[sflag:s23] =	ssyncadd.s32 $0xFFFFFFFF  }
0xa5: {  	s4 =	sld [smem:$0x0]  }
0xa6: {  	s5 =	sand.u32 $0xFFFFFFFE, s1  }
0xa7: {  	p0 =	sne.s32 s1, s5  }
0xa8: {  	s5 =	sshll.u32 @p0 s5, $0xE  }
0xa9: {  	s5 =	sadd.s32 @p0 $0x11B8D, s5;
	s6 =	sshll.u32 @p0 s4, $0x11  }
0xaa: {  	s5 =	sor.u32 @p0 s6, s5  }
0xab: {  	[sflag:s5] =	ssyncadd.remote.s32 @p0 $0x1;
	_ =	sdelay $0x1  }
0xac: {  	s5 =	simm.s32 @p0 $0x1B8D  }
0xad: {  	_ =	swait.eq @p0 [sflag:s5], $0x1  }
0xae: {  	[sflag:s5] =	ssyncadd.s32 @p0 $0xFFFFFFFF  }
0xaf: {  	s6 =	sshll.u32 @!p0 s1, $0xE  }
0xb0: {  	s6 =	sor.u32 @!p0 $0x4000, s6;
	s5 =	simm.s32 @!p0 $0x1B8D  }
0xb1: {  	s4 =	sshll.u32 @!p0 s4, $0x11;
	s6 =	sadd.s32 @!p0 $0x11B8D, s6;
	_ =	swait.eq @!p0 [sflag:s5], $0x1  }
0xb2: {  	s4 =	sor.u32 @!p0 s4, s6;
	[sflag:s5] =	ssyncadd.s32 @!p0 $0xFFFFFFFF  }
0xb3: {  	s25 =	simm.s32 $0x1B8E;
	s24 =	sld [smem:$0x3FFE];
	[sflag:s4] =	ssyncadd.remote.s32 @!p0 $0x1  }
0xb4: {  	s26 =	simm.s32 $execute0_lowered;
	[smem:$0x3FD2] =	sst s25  }
0xb5: {  	s5 =	sshll.u32 s26, $0x1;
	_ =	strace $0x80000049;
	[dreg:$0x1] =	wrdreg $0xFFFFFFFF  }
0xb6: {  	s28 =	simm.s32 $_size_execute0_lowered;
	s3 =	sadd.s32 s3, s5;
	[dreg:$0x0] =	wrdreg $0x0  }
0xb7: {  	s5 =	sshll.u32 s28, $0x1;
	[dreg:$0x2] =	wrdreg s3  }
0xb8: {  	[dreg:$0x3] =	wrdreg s5  }
0xb9: {  	[dreg:$0x4] =	wrdreg $0xC0  }
0xba: {  	_ =	task [dreg:s22], $0x5FFFF  }
0xbb: {  	[dreg:$0x1] =	wrdreg $0xFFFFFFFF  }
0xbc: {  	[dreg:$0x0] =	wrdreg $0x60  }
0xbd: {  	[dreg:$0x2] =	wrdreg s24  }
0xbe: {  	[dreg:$0x3] =	wrdreg $0x14  }
0xbf: {  	_ =	task.clear_ibuf [dreg:s22], $0x4FFFF;
	_ =	strace $0x90000049  }
0xc0: {  	s29 =	simm.s32 $0x14;
	_ =	strace $0x8000004B  }
0xc1: {  	_ =	swait.ge [sflag:s29], $0x1  }
0xc2: {  	[sflag:s29] =	ssyncadd.s32 $0xFFFFFFFF  }
0xc3: {  	_ =	strace $0x9000004B  }
0xc4: {  	_ =	sfence  }
0xc5: {  	s30 =	sld [smem:$0x0];
	_ =	sdelay $0x2  }
0xc6: {  	s31 =	sshll.u32 s1, $0xD;
	s1 =	sshrl.u32 s1, $0x2  }
0xc7: {  	s4 =	sand.u32 $0x4000, s31;
	s1 =	sadd.s32 s1, s30  }
0xc8: {  	s0 =	sor.u32 s4, s0;
	s1 =	sshll.u32 s1, $0x11  }
0xc9: {  	s0 =	sor.u32 s1, s0  }
0xca: {  	s0 =	sadd.s32 $0x8F2B, s0  }
0xcb: {  	[sflag:s0] =	ssyncadd.remote.s32 $0x1  }
0xcc: {  	_ =	sfence.sel $0xFFFF  }
0xcd: {  	[dreg:$0x0] =	wrdreg $0xFFFFFFFF;
	(pc) =	sbr.abs _section_cstart, $3  }
0xce: {  	[dreg:$0x1] =	wrdreg $0xFFFFFFFF  }
0xcf: {  	_ =	task.clear_ibuf [dreg:s22], $0x2FFFF;
	_ =	strace $0x9FFFFFFF  }
0xd0: {  	(tm) =	ssettm $0x7FFFFFFF  }
0xd1: {  	_ =	shalt  }
tec
execute0_lowered:
.L_overlay_start_1:
0x0: {  	(tag) =	ssettag $0x1  }
0x1: {  	s5 =	rddreg [dreg:$0x0];
	s1 =	stileid.u32  }
0x2: {  	s0 =	rddreg [dreg:$0x1];
	s2 =	srdreg.scid;
	s3 =	sshll.u32 s1, $0x1  }
0x3: {  	s4 =	sshrl.u32 s1, $0x3;
	s6 =	sand.u32 $0x1, s2;
	s2 =	simm.s32 $0x0  }
0x4: {  	s3 =	sand.u32 $0xE, s3;
	s7 =	sshll.u32 s4, $0xB;
	[smem:$0x7FF] =	sst s2  }
0x5: {  	s9 =	smul.u32 $0x61A80, s4;
	s30 =	sshll.u32 s4, $0x10;
	s8 =	sor.u32 s6, s3  }
0x6: {  	s11 =	ssub.s32 $0x2, s6;
	s28 =	sadd.s32 s7, s5;
	s29 =	sshll.u32 s8, $0x7  }
0x7: {  	_ =	strace $0x8000004A;
	s10 =	sadd.s32 s30, s5;
	s3 =	sadd.s32 s29, s28  }
0x8: {  	s6 =	simm.s32 $0x400;
	s4 =	sadd.s32 $0x19200, s3;
	s3 =	simm.s32 $0x2  }
0x9: {  	[tilespmem:s2], [sflag:$0x2] =	stream.linear.gather [hbm4b:s4+s2], $0x400, $0x38;
	[tilespmem:$0x8400] =	vst v63  }
0xa: {  	s31 =	sshrl.u32 s11, $0x1;
	s9 =	sadd.s32 s9, s5;
	_ =	swait.ge [sflag:s3], $0x400  }
0xb: {  	s5 =	sadd.s32 $0x8ACA00, s9;
	s9 =	ssub.s32 s11, s31;
	[sflag:s3] =	ssyncset.done $0x0  }
0xc: {  	s7 =	simm.s32 $0x1;
	s9 =	smax.u32 s9, $0x1;
	[sflag:s3] =	ssyncadd.s32 $0xFFFFFC00  }
0xd: {  	[tilespmem:s6], [sflag:$0x1] =	stream.indirect.gather [hbm4b:s5+s6], $0x20, s2, s6, $0xb8;
	[tilespmem:$0x8400] =	vst v63  }
0xe: {  	s8 =	sshll.u32 s8, $0xC;
	p0 =	sne.s32 s9, $0x1;
	_ =	swait.ge [sflag:s7], $0x8000  }
.Ltmp0:
0xf: {  	s8 =	sadd.s32 s8, s10;
	[sflag:s7] =	ssyncset.done $0x0;
	(pc) =	sbr.rel @!p0 .LBB2_2-.Ltmp0, $4  }
0x10: {  	s8 =	sadd.s32 $0x970000, s8;
	[sflag:s7] =	ssyncadd.s32 $0xFFFF8000  }
0x11: {  	[hbm4b:s8+s2] =	stream.linear.scatter [tilespmem:s6], [sflag:$0x2], $0x8000, $0x38;
	[tilespmem:$0x8400] =	vst v63  }
0x12: {  	_ =	swait.ge [sflag:s3], $0x8000  }
0x13: {  	s9 =	sadd.s32 $0xFFFFFFFF, s9;
	[sflag:s3] =	ssyncset.done $0x0  }
.LBB2_1:
0x14: {  	p0 =	sne.s32 s9, $0x1;
	s9 =	sadd.s32 $0xFFFFFFFF, s9;
	[sflag:s3] =	ssyncadd.s32 $0xFFFF8000  }
0x15: {  	[tilespmem:s2], [sflag:$0x2] =	stream.linear.gather [hbm4b:s4+s2], $0x400, $0x38;
	[tilespmem:$0x8400] =	vst v63  }
0x16: {  	_ =	swait.ge [sflag:s3], $0x400  }
0x17: {  	[sflag:s3] =	ssyncset.done $0x0  }
0x18: {  	[sflag:s3] =	ssyncadd.s32 $0xFFFFFC00  }
0x19: {  	[tilespmem:s6], [sflag:$0x1] =	stream.indirect.gather [hbm4b:s5+s6], $0x20, s2, s6, $0xb8;
	[tilespmem:$0x8400] =	vst v63  }
0x1a: {  	_ =	swait.ge [sflag:s7], $0x8000  }
.Ltmp1:
0x1b: {  	[sflag:s7] =	ssyncset.done $0x0;
	(pc) =	sbr.rel @p0 .LBB2_1-.Ltmp1, $4  }
0x1c: {  	[sflag:s7] =	ssyncadd.s32 $0xFFFF8000  }
0x1d: {  	[hbm4b:s8+s2] =	stream.linear.scatter [tilespmem:s6], [sflag:$0x2], $0x8000, $0x38;
	[tilespmem:$0x8400] =	vst v63  }
0x1e: {  	_ =	swait.ge [sflag:s3], $0x8000  }
0x1f: {  	[sflag:s3] =	ssyncset.done $0x0  }
.LBB2_2:
0x20: {  	[sflag:s3] =	ssyncadd.s32 $0xFFFF8000  }
0x21: {  	_ =	sfence.sel $0x180000  }
0x22: {  	[bflag:$0x0] =	sbarrier.arrive $0xFFFF  }
0x23: {  	p0 =	sne.s32 s1, $0x0;
	_ =	strace $0x9000004A  }
0x24: {  	s0 =	sadd.s32 @!p0 $0x100000, s0;
	[bflag:$0x2] =	sbarrier.arrive $0xFFFF  }
0x25: {  	[sflag:s0] =	ssyncadd.tile.s32 @!p0 $0x1;
	_ =	shalt  }
.Lfunc_end2:
_tile_overlayer_lowered:
.L_overlay_start_2:
0x26: {  	(tag) =	ssettag $0x2  }
0x27: {  	s0 =	rddreg [dreg:$0x0];
	s2 =	stileid.u32  }
0x28: {  	s1 =	rddreg [dreg:$0x1];
	p0 =	sne.s32 s2, $0x0  }
0x29: {  	s3 =	rddreg [dreg:$0x2];
	[bflag:$0x3] =	sbarrier.arrive $0xFFFF;
	s2 =	simm.s32 @!p0 $0x1C02  }
0x2a: {  	[timem:s3], [sflag:s2] =	dma.local @!p0 [hbm:s0], s1  }
0x2b: {  	s0 =	simm.s32 @!p0 $0x2  }
0x2c: {  	_ =	swait.ge @!p0 [sflag:s0], s1  }
0x2d: {  	s1 =	ssub.s32 @!p0 $0x0, s1;
	[sflag:s0] =	ssyncset.done @!p0 $0x0  }
0x2e: {  	[sflag:s0] =	ssyncadd.s32 @!p0 s1  }
0x2f: {  	[bflag:$0x3] =	sbarrier.arrive $0xFFFF  }
0x30: {  	_ =	shalt  }

// kernel: kernel.51.cloned.1.call-start
scs
__scs_entry_jumppad:
0x0: {  	(pc) =	sbr.rel $0x88, $3  }
0x1: {  	(tag) =	ssettag $0x0;
	lr =	simm.s32 $0x1  }
0x2: {  	[smem:$0x3F9F] =	sst lr;
	_ =	strace $0xD0000000  }
0x3: {  	_ = 	snop  }
0x4: {  	_ = 	snop  }
0x5: {  	_ = 	snop  }
0x6: {  	_ = 	snop  }
0x7: {  	_ = 	snop  }
__scs_overlays_trampoline_lowered:
0x8: {  	[smem:$0x3FAE] =	sst s0  }
0x9: {  	[smem:$0x3FAF] =	sst s1  }
0xa: {  	[smem:$0x3FB0] =	sst s2  }
0xb: {  	[smem:$0x3FB1] =	sst s3  }
0xc: {  	[smem:$0x3FB2] =	sst s4  }
0xd: {  	[smem:$0x3FB3] =	sst s5  }
0xe: {  	[smem:$0x3FB4] =	sst s6  }
0xf: {  	[smem:$0x3FB5] =	sst s7  }
0x10: {  	[smem:$0x3FB6] =	sst s8  }
0x11: {  	[smem:$0x3FB7] =	sst s9;
	s0 =	simm.s32 @!p0 $0x0  }
0x12: {  	s1 =	sld [smem:$0x3F9D];
	s0 =	simm.s32 @p0 $0x1  }
0x13: {  	[smem:$0x3FB8] =	sst s0;
	s0 =	simm.s32 @!p1 $0x0  }
0x14: {  	s2 =	sld [smem:$0x3F9C];
	s0 =	simm.s32 @p1 $0x1  }
0x15: {  	[smem:$0x3FB9] =	sst s0;
	s0 =	simm.s32 @!p2 $0x0  }
0x16: {  	s3 =	sld [smem:$0x3FDB];
	s0 =	simm.s32 @p2 $0x1  }
0x17: {  	s4 =	simm.s32 $0x1BF5;
	[smem:$0x3FBB] =	sst s0  }
0x18: {  	s0 =	sld [smem:$0x3F9E];
	_ =	swait.ge [sflag:s4], $0x0  }
0x19: {  	s7 =	sld [smem:$0x3F9F]  }
0x1a: {  	s8 =	sadd.s32 $0xFFFFE003, lr  }
0x1b: {  	s9 =	sadd.s32 $0xFFFFFEF7, lr;
	s5 =	simm.s32 $0xFFFFFFFF;
	p2 =	slt.u32 s8, $0xFFFFF086  }
0x1c: {  	p1 =	slt.u32 s9, $0xF7A;
	s5 =	simm.s32 @!p2 $0x0  }
0x1d: {  	s5 =	simm.s32 @p1 $0x1;
	p0 =	seq.s32 s7, s2  }
0x1e: {  	s7 =	smul.u32 @!p0 $0xF7A, s2;
	p2 =	seq.s32 @!p0 s5, $0x0  }
0x1f: {  	s9 =	smul.u32 $0xF7A, s1;
	s8 =	simm.s32 @!p0 $0x1BF5;
	p2 =	por !p2, p0  }
0x20: {  	[sflag:s8] =	ssyncset.s32 @!p0 $0xFFFFF086;
	s6 =	sadd.s32 @!p0 s3, s7;
	s7 =	simm.s32 @!p0 $0x108  }
0x21: {  	s3 =	sadd.s32 s3, s9;
	s6 =	sadd.s32 @!p0 $0x88, s6;
	s7 =	simm.s32 @p2 $0x1082  }
0x22: {  	[simem:s7], [sflag:s8] =	dma.local @!p0 [hbm:s6], $0xF7A  }
0x23: {  	s9 =	sor.u32 $0xD0000000, s2;
	s6 =	simm.s32 $0x108;
	_ =	swait.ge @!p0 [sflag:s8], $0x0  }
0x24: {  	s3 =	sadd.s32 $0x88, s3;
	s6 =	simm.s32 @!p1 $0x1082;
	[sflag:s4] =	ssyncset.s32 $0xFFFFF086  }
0x25: {  	[simem:s6], [sflag:s4] =	dma.local [hbm:s3], $0xF7A  }
0x26: {  	[smem:$0x3F9F] =	sst s1;
	(tag) =	ssettag s2;
	_ =	strace s9  }
0x27: {  	s1 =	sld [smem:$0x3FAF]  }
0x28: {  	s2 =	sld [smem:$0x3FB0]  }
0x29: {  	s4 =	sld [smem:$0x3FB2]  }
0x2a: {  	p0 =	seq.s32 s5, $0x0;
	s5 =	sld [smem:$0x3FB3]  }
0x2b: {  	s6 =	sld [smem:$0x3FB4]  }
0x2c: {  	s7 =	sld [smem:$0x3FB5]  }
0x2d: {  	s3 =	simm.s32 $0x108;
	s8 =	sld [smem:$0x3FB6]  }
0x2e: {  	s3 =	simm.s32 @!p0 $0x1082;
	s9 =	sld [smem:$0x3FB7]  }
0x2f: {  	lr =	sadd.s32 s0, s3;
	s0 =	sld [smem:$0x3FAE]  }
0x30: {  	s3 =	sld [smem:$0x3FB1]  }
0x31: {  	[smem:$0x3FBA] =	sst s10  }
0x32: {  	s10 =	sld [smem:$0x3FB8];
	_ =	sdelay $0x3  }
0x33: {  	p0 =	seq.s32 s10, $0x1;
	s10 =	sld [smem:$0x3FBA];
	_ =	sdelay $0x3  }
0x34: {  	[smem:$0x3FBA] =	sst s10  }
0x35: {  	s10 =	sld [smem:$0x3FB9];
	_ =	sdelay $0x3  }
0x36: {  	p1 =	seq.s32 s10, $0x1;
	s10 =	sld [smem:$0x3FBA];
	_ =	sdelay $0x3  }
0x37: {  	[smem:$0x3FBA] =	sst s10  }
0x38: {  	s10 =	sld [smem:$0x3FBB]  }
0x39: {  	_ = 	snop;
	(pc) =	sbr.ind lr, $3  }
0x3a: {  	_ = 	snop  }
0x3b: {  	_ = 	snop  }
0x3c: {  	p2 =	seq.s32 s10, $0x1;
	s10 =	sld [smem:$0x3FBA]  }
0x3d: {  	_ =	shalt  }
0x3e: {  	_ =	shalt  }
0x3f: {  	_ =	shalt  }
0x40: {  	_ =	shalt  }
0x41: {  	_ =	shalt  }
0x42: {  	_ =	shalt  }
0x43: {  	_ =	shalt  }
0x44: {  	_ =	shalt  }
0x45: {  	_ =	shalt  }
0x46: {  	_ =	shalt  }
0x47: {  	_ =	shalt  }
0x48: {  	_ =	shalt  }
0x49: {  	_ =	shalt  }
0x4a: {  	_ =	shalt  }
0x4b: {  	_ =	shalt  }
0x4c: {  	_ =	shalt  }
0x4d: {  	_ =	shalt  }
0x4e: {  	_ =	shalt  }
0x4f: {  	_ =	shalt  }
0x50: {  	_ =	shalt  }
0x51: {  	_ =	shalt  }
0x52: {  	_ =	shalt  }
0x53: {  	_ =	shalt  }
0x54: {  	_ =	shalt  }
0x55: {  	_ =	shalt  }
0x56: {  	_ =	shalt  }
0x57: {  	_ =	shalt  }
0x58: {  	_ =	shalt  }
0x59: {  	_ =	shalt  }
0x5a: {  	_ =	shalt  }
0x5b: {  	_ =	shalt  }
0x5c: {  	_ =	shalt  }
0x5d: {  	_ =	shalt  }
0x5e: {  	_ =	shalt  }
0x5f: {  	_ =	shalt  }
0x60: {  	_ =	shalt  }
0x61: {  	_ =	shalt  }
0x62: {  	_ =	shalt  }
0x63: {  	_ =	shalt  }
0x64: {  	_ =	shalt  }
0x65: {  	_ =	shalt  }
0x66: {  	_ =	shalt  }
0x67: {  	_ =	shalt  }
0x68: {  	_ =	shalt  }
0x69: {  	_ =	shalt  }
0x6a: {  	_ =	shalt  }
0x6b: {  	_ =	shalt  }
0x6c: {  	_ =	shalt  }
0x6d: {  	_ =	shalt  }
0x6e: {  	_ =	shalt  }
0x6f: {  	_ =	shalt  }
0x70: {  	_ =	shalt  }
0x71: {  	_ =	shalt  }
0x72: {  	_ =	shalt  }
0x73: {  	_ =	shalt  }
0x74: {  	_ =	shalt  }
0x75: {  	_ =	shalt  }
0x76: {  	_ =	shalt  }
0x77: {  	_ =	shalt  }
0x78: {  	_ =	shalt  }
0x79: {  	_ =	shalt  }
0x7a: {  	_ =	shalt  }
0x7b: {  	_ =	shalt  }
0x7c: {  	_ =	shalt  }
0x7d: {  	_ =	shalt  }
0x7e: {  	_ =	shalt  }
0x7f: {  	_ =	shalt  }
0x80: {  	_ =	shalt  }
0x81: {  	_ =	shalt  }
0x82: {  	_ =	shalt  }
0x83: {  	_ =	shalt  }
0x84: {  	_ =	shalt  }
0x85: {  	_ =	shalt  }
0x86: {  	_ =	shalt  }
0x87: {  	_ =	shalt  }
.Lfunc_end0:
.L_simem_size_0:
called_computation.12_lowered:
.L_overlay_start_0:
0x88: {  	s2 =	sld [smem:$0x3FD9]  }
0x89: {  	s3 =	sld [smem:$0x3FFE];
	_ =	sdelay $0x1  }
0x8a: {  	s1 =	srdreg.scid  }
0x8b: {  	s0 =	sand.u32 $0x1, s1  }
0x8c: {  	s16 =	sshll.u32 s0, $0xA;
	s2 =	sadd.s32 s3, s2  }
0x8d: {  	s2 =	sadd.s32 s2, s16  }
0x8e: {  	[smem:$0x3FC6] =	sst s2  }
0x8f: {  	_ = 	snop  }
0x90: {  	(tm) =	ssettm $0x1  }
0x91: {  	s17 =	sld [smem:$0x3FFB];
	_ =	sdelay $0x3  }
0x92: {  	_ =	strace s17  }
0x93: {  	s2 =	sld [smem:$0x3FFC];
	_ =	sdelay $0x3  }
0x94: {  	_ =	strace s2  }
0x95: {  	s2 =	sld [smem:$0x3FFD];
	_ =	sdelay $0x3  }
0x96: {  	_ =	strace s2  }
0x97: {  	_ =	strace $0x8FFFFFFF  }
0x98: {  	s18 =	sld [smem:$0x3FDB];
	_ =	sdelay $0x1  }
0x99: {  	s19 =	simm.s32 $_scs_section_size  }
0x9a: {  	s4 =	simm.s32 $_size__tile_overlayer_lowered;
	s5 =	simm.s32 $_tile_overlayer_lowered  }
0x9b: {  	s22 =	simm.s32 $0x1BFF;
	s21 =	sshll.u32 s5, $0x1;
	s2 =	sadd.s32 s19, s18  }
0x9c: {  	s6 =	simm.s32 $0x0;
	s20 =	sshll.u32 s4, $0x1;
	s4 =	sadd.s32 s21, s2  }
0x9d: {  	[timem:s6], [sflag:s22] =	dma.local [hbm:s4], s20  }
0x9e: {  	_ =	swait.ge [sflag:s22], s20  }
0x9f: {  	s3 =	ssub.s32 $0x0, s20;
	[sflag:s22] =	ssyncset.done $0x0  }
0xa0: {  	[sflag:s22] =	ssyncadd.s32 s3;
	_ =	sdelay $0x1  }
0xa1: {  	s23 =	simm.s32 $0x1B8B  }
0xa2: {  	_ =	swait.ge [sflag:s23], $0x1  }
0xa3: {  	[sflag:s23] =	ssyncset.done $0x0  }
0xa4: {  	s25 =	simm.s32 $0x1B8E;
	s24 =	sld [smem:$0x3FFE];
	[sflag:s23] =	ssyncadd.s32 $0xFFFFFFFF  }
0xa5: {  	s26 =	simm.s32 $execute0_lowered;
	[smem:$0x3FD2] =	sst s25  }
0xa6: {  	s4 =	sshll.u32 s26, $0x1;
	_ =	strace $0x80000046;
	[dreg:$0x1] =	wrdreg $0xFFFFFFFF  }
0xa7: {  	s28 =	simm.s32 $_size_execute0_lowered;
	s2 =	sadd.s32 s2, s4;
	[dreg:$0x0] =	wrdreg $0x0  }
0xa8: {  	s4 =	sshll.u32 s28, $0x1;
	[dreg:$0x2] =	wrdreg s2  }
0xa9: {  	[dreg:$0x3] =	wrdreg s4  }
0xaa: {  	[dreg:$0x4] =	wrdreg $0xC0  }
0xab: {  	_ =	task [dreg:s6], $0x5FFFF  }
0xac: {  	[dreg:$0x1] =	wrdreg $0xFFFFFFFF  }
0xad: {  	[dreg:$0x0] =	wrdreg $0x60  }
0xae: {  	[dreg:$0x2] =	wrdreg s24  }
0xaf: {  	[dreg:$0x3] =	wrdreg $0x15  }
0xb0: {  	_ =	task.clear_ibuf [dreg:s6], $0x4FFFF;
	_ =	strace $0x90000046  }
0xb1: {  	s29 =	simm.s32 $0x15;
	_ =	strace $0x80000048  }
0xb2: {  	_ =	swait.ge [sflag:s29], $0x1  }
0xb3: {  	[sflag:s29] =	ssyncadd.s32 $0xFFFFFFFF  }
0xb4: {  	_ =	strace $0x90000048  }
0xb5: {  	_ =	sfence  }
0xb6: {  	s30 =	sld [smem:$0x0];
	_ =	sdelay $0x2  }
0xb7: {  	s31 =	sshll.u32 s1, $0xD;
	s1 =	sshrl.u32 s1, $0x2  }
0xb8: {  	s3 =	sand.u32 $0x4000, s31;
	s1 =	sadd.s32 s1, s30  }
0xb9: {  	s0 =	sor.u32 s3, s0;
	s1 =	sshll.u32 s1, $0x11  }
0xba: {  	s0 =	sor.u32 s1, s0  }
0xbb: {  	s0 =	sadd.s32 $0x8F2B, s0  }
0xbc: {  	[sflag:s0] =	ssyncadd.remote.s32 $0x1  }
0xbd: {  	_ =	sfence.sel $0xFFFF  }
0xbe: {  	[dreg:$0x0] =	wrdreg $0xFFFFFFFF;
	(pc) =	sbr.abs _section_cstart, $3  }
0xbf: {  	[dreg:$0x1] =	wrdreg $0xFFFFFFFF  }
0xc0: {  	_ =	task.clear_ibuf [dreg:s6], $0x2FFFF;
	_ =	strace $0x9FFFFFFF  }
0xc1: {  	(tm) =	ssettm $0x7FFFFFFF  }
tec
execute0_lowered:
.L_overlay_start_1:
0x0: {  	(tag) =	ssettag $0x1  }
0x1: {  	s5 =	rddreg [dreg:$0x0];
	s1 =	stileid.u32  }
0x2: {  	s0 =	rddreg [dreg:$0x1];
	s2 =	srdreg.scid;
	s3 =	sshll.u32 s1, $0x1  }
0x3: {  	s4 =	sshrl.u32 s1, $0x3;
	s6 =	sand.u32 $0x1, s2;
	s2 =	simm.s32 $0x0  }
0x4: {  	s3 =	sand.u32 $0xE, s3;
	s7 =	sshll.u32 s4, $0xB;
	[smem:$0x7FF] =	sst s2  }
0x5: {  	s9 =	smul.u32 $0x61A80, s4;
	s30 =	sshll.u32 s4, $0x10;
	s8 =	sor.u32 s6, s3  }
0x6: {  	s11 =	ssub.s32 $0x2, s6;
	s28 =	sadd.s32 s7, s5;
	s29 =	sshll.u32 s8, $0x7  }
0x7: {  	_ =	strace $0x80000047;
	s10 =	sadd.s32 s30, s5;
	s3 =	sadd.s32 s29, s28  }
0x8: {  	s6 =	simm.s32 $0x400;
	s4 =	sadd.s32 $0x25200, s3;
	s3 =	simm.s32 $0x2  }
0x9: {  	[tilespmem:s2], [sflag:$0x2] =	stream.linear.gather [hbm4b:s4+s2], $0x400, $0x38;
	[tilespmem:$0x8400] =	vst v63  }
0xa: {  	s31 =	sshrl.u32 s11, $0x1;
	s9 =	sadd.s32 s9, s5;
	_ =	swait.ge [sflag:s3], $0x400  }
0xb: {  	s5 =	sadd.s32 $0xB99E00, s9;
	s9 =	ssub.s32 s11, s31;
	[sflag:s3] =	ssyncset.done $0x0  }
0xc: {  	s7 =	simm.s32 $0x1;
	s9 =	smax.u32 s9, $0x1;
	[sflag:s3] =	ssyncadd.s32 $0xFFFFFC00  }
0xd: {  	[tilespmem:s6], [sflag:$0x1] =	stream.indirect.gather [hbm4b:s5+s6], $0x20, s2, s6, $0xb8;
	[tilespmem:$0x8400] =	vst v63  }
0xe: {  	s8 =	sshll.u32 s8, $0xC;
	p0 =	sne.s32 s9, $0x1;
	_ =	swait.ge [sflag:s7], $0x8000  }
.Ltmp0:
0xf: {  	s8 =	sadd.s32 s8, s10;
	[sflag:s7] =	ssyncset.done $0x0;
	(pc) =	sbr.rel @!p0 .LBB2_2-.Ltmp0, $4  }
0x10: {  	s8 =	sadd.s32 $0x88CA00, s8;
	[sflag:s7] =	ssyncadd.s32 $0xFFFF8000  }
0x11: {  	[hbm4b:s8+s2] =	stream.linear.scatter [tilespmem:s6], [sflag:$0x2], $0x8000, $0x38;
	[tilespmem:$0x8400] =	vst v63  }
0x12: {  	_ =	swait.ge [sflag:s3], $0x8000  }
0x13: {  	s9 =	sadd.s32 $0xFFFFFFFF, s9;
	[sflag:s3] =	ssyncset.done $0x0  }
.LBB2_1:
0x14: {  	p0 =	sne.s32 s9, $0x1;
	s9 =	sadd.s32 $0xFFFFFFFF, s9;
	[sflag:s3] =	ssyncadd.s32 $0xFFFF8000  }
0x15: {  	[tilespmem:s2], [sflag:$0x2] =	stream.linear.gather [hbm4b:s4+s2], $0x400, $0x38;
	[tilespmem:$0x8400] =	vst v63  }
0x16: {  	_ =	swait.ge [sflag:s3], $0x400  }
0x17: {  	[sflag:s3] =	ssyncset.done $0x0  }
0x18: {  	[sflag:s3] =	ssyncadd.s32 $0xFFFFFC00  }
0x19: {  	[tilespmem:s6], [sflag:$0x1] =	stream.indirect.gather [hbm4b:s5+s6], $0x20, s2, s6, $0xb8;
	[tilespmem:$0x8400] =	vst v63  }
0x1a: {  	_ =	swait.ge [sflag:s7], $0x8000  }
.Ltmp1:
0x1b: {  	[sflag:s7] =	ssyncset.done $0x0;
	(pc) =	sbr.rel @p0 .LBB2_1-.Ltmp1, $4  }
0x1c: {  	[sflag:s7] =	ssyncadd.s32 $0xFFFF8000  }
0x1d: {  	[hbm4b:s8+s2] =	stream.linear.scatter [tilespmem:s6], [sflag:$0x2], $0x8000, $0x38;
	[tilespmem:$0x8400] =	vst v63  }
0x1e: {  	_ =	swait.ge [sflag:s3], $0x8000  }
0x1f: {  	[sflag:s3] =	ssyncset.done $0x0  }
.LBB2_2:
0x20: {  	[sflag:s3] =	ssyncadd.s32 $0xFFFF8000  }
0x21: {  	_ =	sfence.sel $0x180000  }
0x22: {  	[bflag:$0x0] =	sbarrier.arrive $0xFFFF  }
0x23: {  	p0 =	sne.s32 s1, $0x0;
	_ =	strace $0x90000047  }
0x24: {  	s0 =	sadd.s32 @!p0 $0x100000, s0;
	[bflag:$0x2] =	sbarrier.arrive $0xFFFF  }
0x25: {  	[sflag:s0] =	ssyncadd.tile.s32 @!p0 $0x1;
	_ =	shalt  }
.Lfunc_end2:
_tile_overlayer_lowered:
.L_overlay_start_2:
0x26: {  	(tag) =	ssettag $0x2  }
0x27: {  	s0 =	rddreg [dreg:$0x0];
	s2 =	stileid.u32  }
0x28: {  	s1 =	rddreg [dreg:$0x1];
	p0 =	sne.s32 s2, $0x0  }
0x29: {  	s3 =	rddreg [dreg:$0x2];
	[bflag:$0x3] =	sbarrier.arrive $0xFFFF;
	s2 =	simm.s32 @!p0 $0x1C02  }
0x2a: {  	[timem:s3], [sflag:s2] =	dma.local @!p0 [hbm:s0], s1  }
0x2b: {  	s0 =	simm.s32 @!p0 $0x2  }
0x2c: {  	_ =	swait.ge @!p0 [sflag:s0], s1  }
0x2d: {  	s1 =	ssub.s32 @!p0 $0x0, s1;
	[sflag:s0] =	ssyncset.done @!p0 $0x0  }
0x2e: {  	[sflag:s0] =	ssyncadd.s32 @!p0 s1  }
0x2f: {  	[bflag:$0x3] =	sbarrier.arrive $0xFFFF  }
0x30: {  	_ =	shalt  }

</sc_bundles>
